<compile_context>
chip_gen: v7x
topology: tpu7x:2x2x1
jax: 0.10.2.dev20260603
libtpu: 0.0.44.dev20260713+nightly
codegen_flags: <defaults>
</compile_context>

<pallas_src>
import functools

import jax
import jax.numpy as jnp
from jax import lax
from jax.experimental import pallas as pl
from jax.experimental.pallas import tpu as pltpu
from jax.experimental.pallas import tpu_sc as plsc

_VOCAB = 100000
_DIM = 64
_B = 16384
_L = 50
_NW = 32
_BW = _B // _NW
_BT = _BW // 128
_BSP = 129


def _make_gather():
    mesh = plsc.VectorSubcoreMesh(core_axis_name="c", subcore_axis_name="s")

    @functools.partial(
        pl.kernel,
        mesh=mesh,
        out_type=jax.ShapeDtypeStruct((_L, 8, _B // 128, 8, 128), jnp.float32),
        scratch_types=[
            pltpu.VMEM((_BW,), jnp.int32),
            pltpu.VMEM((_BW,), jnp.int32),
            pltpu.VMEM((_BW, _DIM), jnp.float32),
            pltpu.VMEM((_BW, _DIM), jnp.float32),
            pltpu.VMEM((2, _DIM, _BSP), jnp.float32),
            pltpu.VMEM((2, _DIM, _BSP), jnp.float32),
            pltpu.SemaphoreType.DMA,
            pltpu.SemaphoreType.DMA,
            pltpu.SemaphoreType.DMA,
            pltpu.SemaphoreType.DMA,
            pltpu.SemaphoreType.DMA,
            pltpu.SemaphoreType.DMA,
        ],
        compiler_params=pltpu.CompilerParams(
            use_tc_tiling_on_sc=False, needs_layout_passes=False,
            disable_bounds_checks=True),
    )
    def gather_kernel(table_hbm, idx_hbm, out_hbm,
                      ilist0, ilist1, staged0, staged1, ttile0, ttile1,
                      isem0, isem1, gsem0, gsem1, osem0, osem1):
        ilists = (ilist0, ilist1)
        stageds = (staged0, staged1)
        ttiles = (ttile0, ttile1)
        isems = (isem0, isem1)
        gsems = (gsem0, gsem1)
        osems = (osem0, osem1)
        wid = lax.axis_index("s") * 2 + lax.axis_index("c")
        b0 = wid * _BW
        bt0 = wid * _BT
        lanes = lax.iota(jnp.int32, 16)

        def load_ilist(l, p):
            pltpu.async_copy(idx_hbm.at[l, pl.ds(b0, _BW)], ilists[p], isems[p])

        def transpose_half(l, p, h):
            staged = stageds[p]
            ttile = ttiles[h]

            @plsc.parallel_loop(0, 128, unroll=4)
            def body(bs):
                bsv = jnp.full((16,), 0, jnp.int32) + bs
                for btl2 in range(2):
                    row = 256 * h + btl2 * 128 + bs
                    btv = jnp.full((16,), btl2, jnp.int32)
                    for d0 in range(0, _DIM, 16):
                        v = staged[row, pl.ds(d0, 16)]
                        plsc.store_scatter(ttile, [btv, d0 + lanes, bsv], v)

            for dt in range(8):
                pltpu.async_copy(
                    ttile.at[:, pl.ds(dt * 8, 8), pl.ds(0, 128)],
                    out_hbm.at[l, dt, pl.ds(bt0 + 2 * h, 2)],
                    osems[h])

        def drain_half(l, h):
            for dt in range(8):
                pltpu.make_async_copy(
                    ttiles[h].at[:, pl.ds(dt * 8, 8), pl.ds(0, 128)],
                    out_hbm.at[l, dt, pl.ds(bt0 + 2 * h, 2)],
                    osems[h]).wait()

        load_ilist(0, 0)
        pltpu.make_async_copy(idx_hbm.at[0, pl.ds(b0, _BW)], ilist0, isem0).wait()
        pltpu.async_copy(table_hbm.at[ilist0], staged0, gsem0)
        load_ilist(1, 1)

        def group(g, carry):
            for p in range(2):
                l = g * 2 + p
                pltpu.make_async_copy(table_hbm.at[ilists[p]], stageds[p],
                                      gsems[p]).wait()

                @pl.when(l + 2 < _L)
                def _():
                    load_ilist(l + 2, p)

                @pl.when(l + 1 < _L)
                def _():
                    pltpu.make_async_copy(idx_hbm.at[l + 1, pl.ds(b0, _BW)],
                                          ilists[1 - p], isems[1 - p]).wait()
                    pltpu.async_copy(table_hbm.at[ilists[1 - p]],
                                     stageds[1 - p], gsems[1 - p])

                for h in range(2):
                    @pl.when(l >= 1)
                    def _():
                        drain_half(l - 1, h)
                    transpose_half(l, p, h)
            return carry

        lax.fori_loop(0, _L // 2, group, 0)

        for h in range(2):
            drain_half(_L - 1, h)

    return gather_kernel


_gather = _make_gather()


@jax.jit
def kernel(input, embd_weight):
    idx_lb = input.T.astype(jnp.int32)
    out6 = _gather(embd_weight, idx_lb)
    return jnp.transpose(out6, (2, 4, 0, 1, 3)).reshape(_B, _L, _DIM)

# --- scband reference (transcript-rebuilt; emitter-appended) ---
"""Pipeline reference for scband-img-embedding-31104153157692 (READ-ONLY COPY).

The authoritative reference and input builder live on the scoring server;
editing this copy changes nothing except your own understanding.
"""

import jax, jax.numpy as jnp
import numpy as np

VOCAB = 100000
DIM = 64
B = 16384
L = 50

def setup_inputs(seed: int = 0) -> dict:
    key = jax.random.key(seed)
    k1, k2 = jax.random.split(key)
    input_ids = jax.random.randint(k1, (B, L), 0, VOCAB, dtype=jnp.int64 if jax.config.jax_enable_x64 else jnp.int32)
    embd_weight = jax.random.normal(k2, (VOCAB, DIM), dtype=jnp.float32)
    return {"input": input_ids, "embd_weight": embd_weight}

def reference(input, embd_weight):
    # Faithful translation of: return self.embd_weight[input]
    return jnp.take(embd_weight, input, axis=0)

if __name__ == "__main__":
    import jax
    _d = setup_inputs()
    print(jax.jit(kernel)(*tuple(_d.values())))

</pallas_src>

<mosaic_0001>
#map = affine_map<(d0, d1) -> (0, 0)>
#map1 = affine_map<(d0, d1) -> (0, 0, 0, 0, 0)>
module attributes {stable_mosaic.version = 14 : i64} {
  func.func @gather_kernel(%arg0: i32, %arg1: i32, %arg2: memref<100000x64xf32, #tpu.memory_space<hbm>>, %arg3: memref<50x16384xi32, #tpu.memory_space<hbm>>, %arg4: memref<50x8x128x8x128xf32, #tpu.memory_space<hbm>>, %arg5: memref<512xi32, #tpu.memory_space<vmem>>, %arg6: memref<512xi32, #tpu.memory_space<vmem>>, %arg7: memref<512x64xf32, #tpu.memory_space<vmem>>, %arg8: memref<512x64xf32, #tpu.memory_space<vmem>>, %arg9: memref<2x64x129xf32, #tpu.memory_space<vmem>>, %arg10: memref<2x64x129xf32, #tpu.memory_space<vmem>>, %arg11: memref<!tpu.dma_semaphore, #tpu.memory_space<semaphore_mem>>, %arg12: memref<!tpu.dma_semaphore, #tpu.memory_space<semaphore_mem>>, %arg13: memref<!tpu.dma_semaphore, #tpu.memory_space<semaphore_mem>>, %arg14: memref<!tpu.dma_semaphore, #tpu.memory_space<semaphore_mem>>, %arg15: memref<!tpu.dma_semaphore, #tpu.memory_space<semaphore_mem>>, %arg16: memref<!tpu.dma_semaphore, #tpu.memory_space<semaphore_mem>>) attributes {dimension_semantics = [#tpu.dimension_semantics<core_parallel>, #tpu.dimension_semantics<subcore_parallel>], iteration_bounds = array<i64: 2, 16>, scalar_prefetch = 0 : i64, scratch_operands = 12 : i64, tpu.core_type = #tpu.core_type<sc_vector_subcore>, window_params = [{transform_indices = #map}, {transform_indices = #map}, {transform_indices = #map1}]} {
    %mul3A = arith.constant 2 : i32
    %mul3A_0 = arith.muli %arg1, %mul3A : i32
    %add3A = arith.addi %mul3A_0, %arg0 : i32
    %mul3A_1 = arith.constant 512 : i32
    %mul3A_2 = arith.muli %add3A, %mul3A_1 : i32
    %mul3A_3 = arith.constant 4 : i32
    %mul3A_4 = arith.muli %add3A, %mul3A_3 : i32
    %iota3A = tpu.iota {dimensions = array<i32: 0>} : vector<16xi32>
    %dma_start3A = arith.constant 0 : i32
    %dma_start3A_5 = tpu.memref_slice %arg3[%dma_start3A, %mul3A_2] : memref<50x16384xi32, #tpu.memory_space<hbm>> -> memref<1x512xi32, #tpu.memory_space<hbm>>
    %dma_start3A_6 = tpu.memref_squeeze %dma_start3A_5 : memref<1x512xi32, #tpu.memory_space<hbm>> -> memref<512xi32, #tpu.memory_space<hbm>>
    %dma_start3A_7 = tpu.memref_slice %arg3[%dma_start3A, %mul3A_2] : memref<50x16384xi32, #tpu.memory_space<hbm>> -> memref<1x512xi32, #tpu.memory_space<hbm>>
    %dma_start3A_8 = tpu.memref_squeeze %dma_start3A_7 : memref<1x512xi32, #tpu.memory_space<hbm>> -> memref<512xi32, #tpu.memory_space<hbm>>
    tpu.enqueue_dma source(%dma_start3A_8 : memref<512xi32, #tpu.memory_space<hbm>>) target(%arg5 : memref<512xi32, #tpu.memory_space<vmem>>) target_semaphore(%arg11 : memref<!tpu.dma_semaphore, #tpu.memory_space<semaphore_mem>>)
    %dma_wait3A = arith.constant 0 : i32
    %dma_wait3A_9 = tpu.memref_slice %arg3[%dma_wait3A, %mul3A_2] : memref<50x16384xi32, #tpu.memory_space<hbm>> -> memref<1x512xi32, #tpu.memory_space<hbm>>
    %dma_wait3A_10 = tpu.memref_squeeze %dma_wait3A_9 : memref<1x512xi32, #tpu.memory_space<hbm>> -> memref<512xi32, #tpu.memory_space<hbm>>
    %dma_wait3A_11 = tpu.memref_slice %arg3[%dma_wait3A, %mul3A_2] : memref<50x16384xi32, #tpu.memory_space<hbm>> -> memref<1x512xi32, #tpu.memory_space<hbm>>
    %dma_wait3A_12 = tpu.memref_squeeze %dma_wait3A_11 : memref<1x512xi32, #tpu.memory_space<hbm>> -> memref<512xi32, #tpu.memory_space<hbm>>
    tpu.wait_dma2 semaphore(%arg11 : memref<!tpu.dma_semaphore, #tpu.memory_space<semaphore_mem>>) src(%dma_wait3A_12 : memref<512xi32, #tpu.memory_space<hbm>>) dst(%arg5 : memref<512xi32, #tpu.memory_space<vmem>>)
    %dma_start3A_13 = arith.constant 0 : i32
    %dma_start3A_14 = arith.constant 0 : i32
    %dma_start3A_15 = tpu.memref_slice %arg2[%dma_start3A_13, %dma_start3A_14] : memref<100000x64xf32, #tpu.memory_space<hbm>> -> memref<100000x64xf32, #tpu.memory_space<hbm>>
    tpu.enqueue_indirect_dma source(%dma_start3A_15 : memref<100000x64xf32, #tpu.memory_space<hbm>>) target(%arg7 : memref<512x64xf32, #tpu.memory_space<vmem>>) offsets(%arg5 : memref<512xi32, #tpu.memory_space<vmem>>) semaphore(%arg13 : memref<!tpu.dma_semaphore, #tpu.memory_space<semaphore_mem>>)
    %dma_start3A_16 = arith.constant 1 : i32
    %dma_start3A_17 = tpu.memref_slice %arg3[%dma_start3A_16, %mul3A_2] : memref<50x16384xi32, #tpu.memory_space<hbm>> -> memref<1x512xi32, #tpu.memory_space<hbm>>
    %dma_start3A_18 = tpu.memref_squeeze %dma_start3A_17 : memref<1x512xi32, #tpu.memory_space<hbm>> -> memref<512xi32, #tpu.memory_space<hbm>>
    %dma_start3A_19 = tpu.memref_slice %arg3[%dma_start3A_16, %mul3A_2] : memref<50x16384xi32, #tpu.memory_space<hbm>> -> memref<1x512xi32, #tpu.memory_space<hbm>>
    %dma_start3A_20 = tpu.memref_squeeze %dma_start3A_19 : memref<1x512xi32, #tpu.memory_space<hbm>> -> memref<512xi32, #tpu.memory_space<hbm>>
    tpu.enqueue_dma source(%dma_start3A_20 : memref<512xi32, #tpu.memory_space<hbm>>) target(%arg6 : memref<512xi32, #tpu.memory_space<vmem>>) target_semaphore(%arg12 : memref<!tpu.dma_semaphore, #tpu.memory_space<semaphore_mem>>)
    %scan3A = arith.constant 0 : i32
    %scan3A_21 = arith.constant 0 : i32
    %scan3A_22 = arith.constant 25 : i32
    %scan3A_23 = arith.addi %scan3A_21, %scan3A_22 : i32
    %scan3A_24 = arith.constant 1 : i32
    scf.for %scan3A_346 = %scan3A_21 to %scan3A_23 step %scan3A_24  : i32 {
      %mul3A_347 = arith.constant 2 : i32
      %mul3A_348 = arith.muli %scan3A_346, %mul3A_347 : i32
      %add3A_349 = arith.constant 0 : i32
      %add3A_350 = arith.addi %mul3A_348, %add3A_349 : i32
      %dma_wait3A_351 = arith.constant 0 : i32
      %dma_wait3A_352 = arith.constant 0 : i32
      %dma_wait3A_353 = tpu.memref_slice %arg2[%dma_wait3A_351, %dma_wait3A_352] : memref<100000x64xf32, #tpu.memory_space<hbm>> -> memref<100000x64xf32, #tpu.memory_space<hbm>>
      tpu.wait_indirect_dma semaphore(%arg13 : memref<!tpu.dma_semaphore, #tpu.memory_space<semaphore_mem>>) src(%dma_wait3A_353 : memref<100000x64xf32, #tpu.memory_space<hbm>>) dst(%arg7 : memref<512x64xf32, #tpu.memory_space<vmem>>)
      %add3A_354 = arith.constant 2 : i32
      %add3A_355 = arith.addi %add3A_350, %add3A_354 : i32
      %lt3A = arith.constant 50 : i32
      %lt3A_356 = arith.cmpi slt, %add3A_355, %lt3A : i32
      %convert_element_type3A = arith.extui %lt3A_356 : i1 to i32
      %cond3A = arith.constant 0 : i32
      %cond3A_357 = arith.cmpi ne, %convert_element_type3A, %cond3A : i32
      scf.if %cond3A_357 {
        %add3A_1024 = arith.constant 2 : i32
        %add3A_1025 = arith.addi %add3A_350, %add3A_1024 : i32
        %dma_start3A_1026 = tpu.memref_slice %arg3[%add3A_1025, %mul3A_2] : memref<50x16384xi32, #tpu.memory_space<hbm>> -> memref<1x512xi32, #tpu.memory_space<hbm>>
        %dma_start3A_1027 = tpu.memref_squeeze %dma_start3A_1026 : memref<1x512xi32, #tpu.memory_space<hbm>> -> memref<512xi32, #tpu.memory_space<hbm>>
        %dma_start3A_1028 = tpu.memref_slice %arg3[%add3A_1025, %mul3A_2] : memref<50x16384xi32, #tpu.memory_space<hbm>> -> memref<1x512xi32, #tpu.memory_space<hbm>>
        %dma_start3A_1029 = tpu.memref_squeeze %dma_start3A_1028 : memref<1x512xi32, #tpu.memory_space<hbm>> -> memref<512xi32, #tpu.memory_space<hbm>>
        tpu.enqueue_dma source(%dma_start3A_1029 : memref<512xi32, #tpu.memory_space<hbm>>) target(%arg5 : memref<512xi32, #tpu.memory_space<vmem>>) target_semaphore(%arg11 : memref<!tpu.dma_semaphore, #tpu.memory_space<semaphore_mem>>)
      } else {
      }
      %add3A_358 = arith.constant 1 : i32
      %add3A_359 = arith.addi %add3A_350, %add3A_358 : i32
      %lt3A_360 = arith.constant 50 : i32
      %lt3A_361 = arith.cmpi slt, %add3A_359, %lt3A_360 : i32
      %convert_element_type3A_362 = arith.extui %lt3A_361 : i1 to i32
      %cond3A_363 = arith.constant 0 : i32
      %cond3A_364 = arith.cmpi ne, %convert_element_type3A_362, %cond3A_363 : i32
      scf.if %cond3A_364 {
        %add3A_1024 = arith.constant 1 : i32
        %add3A_1025 = arith.addi %add3A_350, %add3A_1024 : i32
        %dma_wait3A_1026 = tpu.memref_slice %arg3[%add3A_1025, %mul3A_2] : memref<50x16384xi32, #tpu.memory_space<hbm>> -> memref<1x512xi32, #tpu.memory_space<hbm>>
        %dma_wait3A_1027 = tpu.memref_squeeze %dma_wait3A_1026 : memref<1x512xi32, #tpu.memory_space<hbm>> -> memref<512xi32, #tpu.memory_space<hbm>>
        %dma_wait3A_1028 = tpu.memref_slice %arg3[%add3A_1025, %mul3A_2] : memref<50x16384xi32, #tpu.memory_space<hbm>> -> memref<1x512xi32, #tpu.memory_space<hbm>>
        %dma_wait3A_1029 = tpu.memref_squeeze %dma_wait3A_1028 : memref<1x512xi32, #tpu.memory_space<hbm>> -> memref<512xi32, #tpu.memory_space<hbm>>
        tpu.wait_dma2 semaphore(%arg12 : memref<!tpu.dma_semaphore, #tpu.memory_space<semaphore_mem>>) src(%dma_wait3A_1029 : memref<512xi32, #tpu.memory_space<hbm>>) dst(%arg6 : memref<512xi32, #tpu.memory_space<vmem>>)
        %dma_start3A_1030 = arith.constant 0 : i32
        %dma_start3A_1031 = arith.constant 0 : i32
        %dma_start3A_1032 = tpu.memref_slice %arg2[%dma_start3A_1030, %dma_start3A_1031] : memref<100000x64xf32, #tpu.memory_space<hbm>> -> memref<100000x64xf32, #tpu.memory_space<hbm>>
        tpu.enqueue_indirect_dma source(%dma_start3A_1032 : memref<100000x64xf32, #tpu.memory_space<hbm>>) target(%arg8 : memref<512x64xf32, #tpu.memory_space<vmem>>) offsets(%arg6 : memref<512xi32, #tpu.memory_space<vmem>>) semaphore(%arg14 : memref<!tpu.dma_semaphore, #tpu.memory_space<semaphore_mem>>)
      } else {
      }
      %ge3A = arith.constant 1 : i32
      %ge3A_365 = arith.cmpi sge, %add3A_350, %ge3A : i32
      %convert_element_type3A_366 = arith.extui %ge3A_365 : i1 to i32
      %cond3A_367 = arith.constant 0 : i32
      %cond3A_368 = arith.cmpi ne, %convert_element_type3A_366, %cond3A_367 : i32
      scf.if %cond3A_368 {
        %sub3A = arith.constant 1 : i32
        %sub3A_1024 = arith.subi %add3A_350, %sub3A : i32
        %add3A_1025 = arith.constant 0 : i32
        %add3A_1026 = arith.addi %mul3A_4, %add3A_1025 : i32
        %dma_wait3A_1027 = arith.constant 0 : i32
        %dma_wait3A_1028 = arith.constant 0 : i32
        %dma_wait3A_1029 = arith.constant 0 : i32
        %dma_wait3A_1030 = arith.constant 0 : i32
        %dma_wait3A_1031 = tpu.memref_slice %arg9[%dma_wait3A_1028, %dma_wait3A_1029, %dma_wait3A_1030] : memref<2x64x129xf32, #tpu.memory_space<vmem>> -> memref<2x8x128xf32, #tpu.memory_space<vmem>>
        %dma_wait3A_1032 = arith.constant 0 : i32
        %dma_wait3A_1033 = arith.constant 0 : i32
        %dma_wait3A_1034 = tpu.memref_slice %arg4[%sub3A_1024, %dma_wait3A_1027, %add3A_1026, %dma_wait3A_1032, %dma_wait3A_1033] : memref<50x8x128x8x128xf32, #tpu.memory_space<hbm>> -> memref<1x1x2x8x128xf32, #tpu.memory_space<hbm>>
        %dma_wait3A_1035 = tpu.memref_squeeze %dma_wait3A_1034 : memref<1x1x2x8x128xf32, #tpu.memory_space<hbm>> -> memref<2x8x128xf32, #tpu.memory_space<hbm>>
        %dma_wait3A_1036 = arith.constant 0 : i32
        %dma_wait3A_1037 = arith.constant 0 : i32
        %dma_wait3A_1038 = tpu.memref_slice %arg4[%sub3A_1024, %dma_wait3A_1027, %add3A_1026, %dma_wait3A_1036, %dma_wait3A_1037] : memref<50x8x128x8x128xf32, #tpu.memory_space<hbm>> -> memref<1x1x2x8x128xf32, #tpu.memory_space<hbm>>
        %dma_wait3A_1039 = tpu.memref_squeeze %dma_wait3A_1038 : memref<1x1x2x8x128xf32, #tpu.memory_space<hbm>> -> memref<2x8x128xf32, #tpu.memory_space<hbm>>
        %dma_wait3A_1040 = arith.constant 0 : i32
        %dma_wait3A_1041 = arith.constant 0 : i32
        %dma_wait3A_1042 = arith.constant 0 : i32
        %dma_wait3A_1043 = tpu.memref_slice %arg9[%dma_wait3A_1040, %dma_wait3A_1041, %dma_wait3A_1042] : memref<2x64x129xf32, #tpu.memory_space<vmem>> -> memref<2x8x128xf32, #tpu.memory_space<vmem>>
        tpu.wait_dma2 semaphore(%arg15 : memref<!tpu.dma_semaphore, #tpu.memory_space<semaphore_mem>>) src(%dma_wait3A_1043 : memref<2x8x128xf32, #tpu.memory_space<vmem>>) dst(%dma_wait3A_1039 : memref<2x8x128xf32, #tpu.memory_space<hbm>>)
        %add3A_1044 = arith.constant 0 : i32
        %add3A_1045 = arith.addi %mul3A_4, %add3A_1044 : i32
        %dma_wait3A_1046 = arith.constant 1 : i32
        %dma_wait3A_1047 = arith.constant 0 : i32
        %dma_wait3A_1048 = arith.constant 8 : i32
        %dma_wait3A_1049 = arith.constant 0 : i32
        %dma_wait3A_1050 = tpu.memref_slice %arg9[%dma_wait3A_1047, %dma_wait3A_1048, %dma_wait3A_1049] : memref<2x64x129xf32, #tpu.memory_space<vmem>> -> memref<2x8x128xf32, #tpu.memory_space<vmem>>
        %dma_wait3A_1051 = arith.constant 0 : i32
        %dma_wait3A_1052 = arith.constant 0 : i32
        %dma_wait3A_1053 = tpu.memref_slice %arg4[%sub3A_1024, %dma_wait3A_1046, %add3A_1045, %dma_wait3A_1051, %dma_wait3A_1052] : memref<50x8x128x8x128xf32, #tpu.memory_space<hbm>> -> memref<1x1x2x8x128xf32, #tpu.memory_space<hbm>>
        %dma_wait3A_1054 = tpu.memref_squeeze %dma_wait3A_1053 : memref<1x1x2x8x128xf32, #tpu.memory_space<hbm>> -> memref<2x8x128xf32, #tpu.memory_space<hbm>>
        %dma_wait3A_1055 = arith.constant 0 : i32
        %dma_wait3A_1056 = arith.constant 0 : i32
        %dma_wait3A_1057 = tpu.memref_slice %arg4[%sub3A_1024, %dma_wait3A_1046, %add3A_1045, %dma_wait3A_1055, %dma_wait3A_1056] : memref<50x8x128x8x128xf32, #tpu.memory_space<hbm>> -> memref<1x1x2x8x128xf32, #tpu.memory_space<hbm>>
        %dma_wait3A_1058 = tpu.memref_squeeze %dma_wait3A_1057 : memref<1x1x2x8x128xf32, #tpu.memory_space<hbm>> -> memref<2x8x128xf32, #tpu.memory_space<hbm>>
        %dma_wait3A_1059 = arith.constant 0 : i32
        %dma_wait3A_1060 = arith.constant 8 : i32
        %dma_wait3A_1061 = arith.constant 0 : i32
        %dma_wait3A_1062 = tpu.memref_slice %arg9[%dma_wait3A_1059, %dma_wait3A_1060, %dma_wait3A_1061] : memref<2x64x129xf32, #tpu.memory_space<vmem>> -> memref<2x8x128xf32, #tpu.memory_space<vmem>>
        tpu.wait_dma2 semaphore(%arg15 : memref<!tpu.dma_semaphore, #tpu.memory_space<semaphore_mem>>) src(%dma_wait3A_1062 : memref<2x8x128xf32, #tpu.memory_space<vmem>>) dst(%dma_wait3A_1058 : memref<2x8x128xf32, #tpu.memory_space<hbm>>)
        %add3A_1063 = arith.constant 0 : i32
        %add3A_1064 = arith.addi %mul3A_4, %add3A_1063 : i32
        %dma_wait3A_1065 = arith.constant 2 : i32
        %dma_wait3A_1066 = arith.constant 0 : i32
        %dma_wait3A_1067 = arith.constant 16 : i32
        %dma_wait3A_1068 = arith.constant 0 : i32
        %dma_wait3A_1069 = tpu.memref_slice %arg9[%dma_wait3A_1066, %dma_wait3A_1067, %dma_wait3A_1068] : memref<2x64x129xf32, #tpu.memory_space<vmem>> -> memref<2x8x128xf32, #tpu.memory_space<vmem>>
        %dma_wait3A_1070 = arith.constant 0 : i32
        %dma_wait3A_1071 = arith.constant 0 : i32
        %dma_wait3A_1072 = tpu.memref_slice %arg4[%sub3A_1024, %dma_wait3A_1065, %add3A_1064, %dma_wait3A_1070, %dma_wait3A_1071] : memref<50x8x128x8x128xf32, #tpu.memory_space<hbm>> -> memref<1x1x2x8x128xf32, #tpu.memory_space<hbm>>
        %dma_wait3A_1073 = tpu.memref_squeeze %dma_wait3A_1072 : memref<1x1x2x8x128xf32, #tpu.memory_space<hbm>> -> memref<2x8x128xf32, #tpu.memory_space<hbm>>
        %dma_wait3A_1074 = arith.constant 0 : i32
        %dma_wait3A_1075 = arith.constant 0 : i32
        %dma_wait3A_1076 = tpu.memref_slice %arg4[%sub3A_1024, %dma_wait3A_1065, %add3A_1064, %dma_wait3A_1074, %dma_wait3A_1075] : memref<50x8x128x8x128xf32, #tpu.memory_space<hbm>> -> memref<1x1x2x8x128xf32, #tpu.memory_space<hbm>>
        %dma_wait3A_1077 = tpu.memref_squeeze %dma_wait3A_1076 : memref<1x1x2x8x128xf32, #tpu.memory_space<hbm>> -> memref<2x8x128xf32, #tpu.memory_space<hbm>>
        %dma_wait3A_1078 = arith.constant 0 : i32
        %dma_wait3A_1079 = arith.constant 16 : i32
        %dma_wait3A_1080 = arith.constant 0 : i32
        %dma_wait3A_1081 = tpu.memref_slice %arg9[%dma_wait3A_1078, %dma_wait3A_1079, %dma_wait3A_1080] : memref<2x64x129xf32, #tpu.memory_space<vmem>> -> memref<2x8x128xf32, #tpu.memory_space<vmem>>
        tpu.wait_dma2 semaphore(%arg15 : memref<!tpu.dma_semaphore, #tpu.memory_space<semaphore_mem>>) src(%dma_wait3A_1081 : memref<2x8x128xf32, #tpu.memory_space<vmem>>) dst(%dma_wait3A_1077 : memref<2x8x128xf32, #tpu.memory_space<hbm>>)
        %add3A_1082 = arith.constant 0 : i32
        %add3A_1083 = arith.addi %mul3A_4, %add3A_1082 : i32
        %dma_wait3A_1084 = arith.constant 3 : i32
        %dma_wait3A_1085 = arith.constant 0 : i32
        %dma_wait3A_1086 = arith.constant 24 : i32
        %dma_wait3A_1087 = arith.constant 0 : i32
        %dma_wait3A_1088 = tpu.memref_slice %arg9[%dma_wait3A_1085, %dma_wait3A_1086, %dma_wait3A_1087] : memref<2x64x129xf32, #tpu.memory_space<vmem>> -> memref<2x8x128xf32, #tpu.memory_space<vmem>>
        %dma_wait3A_1089 = arith.constant 0 : i32
        %dma_wait3A_1090 = arith.constant 0 : i32
        %dma_wait3A_1091 = tpu.memref_slice %arg4[%sub3A_1024, %dma_wait3A_1084, %add3A_1083, %dma_wait3A_1089, %dma_wait3A_1090] : memref<50x8x128x8x128xf32, #tpu.memory_space<hbm>> -> memref<1x1x2x8x128xf32, #tpu.memory_space<hbm>>
        %dma_wait3A_1092 = tpu.memref_squeeze %dma_wait3A_1091 : memref<1x1x2x8x128xf32, #tpu.memory_space<hbm>> -> memref<2x8x128xf32, #tpu.memory_space<hbm>>
        %dma_wait3A_1093 = arith.constant 0 : i32
        %dma_wait3A_1094 = arith.constant 0 : i32
        %dma_wait3A_1095 = tpu.memref_slice %arg4[%sub3A_1024, %dma_wait3A_1084, %add3A_1083, %dma_wait3A_1093, %dma_wait3A_1094] : memref<50x8x128x8x128xf32, #tpu.memory_space<hbm>> -> memref<1x1x2x8x128xf32, #tpu.memory_space<hbm>>
        %dma_wait3A_1096 = tpu.memref_squeeze %dma_wait3A_1095 : memref<1x1x2x8x128xf32, #tpu.memory_space<hbm>> -> memref<2x8x128xf32, #tpu.memory_space<hbm>>
        %dma_wait3A_1097 = arith.constant 0 : i32
        %dma_wait3A_1098 = arith.constant 24 : i32
        %dma_wait3A_1099 = arith.constant 0 : i32
        %dma_wait3A_1100 = tpu.memref_slice %arg9[%dma_wait3A_1097, %dma_wait3A_1098, %dma_wait3A_1099] : memref<2x64x129xf32, #tpu.memory_space<vmem>> -> memref<2x8x128xf32, #tpu.memory_space<vmem>>
        tpu.wait_dma2 semaphore(%arg15 : memref<!tpu.dma_semaphore, #tpu.memory_space<semaphore_mem>>) src(%dma_wait3A_1100 : memref<2x8x128xf32, #tpu.memory_space<vmem>>) dst(%dma_wait3A_1096 : memref<2x8x128xf32, #tpu.memory_space<hbm>>)
        %add3A_1101 = arith.constant 0 : i32
        %add3A_1102 = arith.addi %mul3A_4, %add3A_1101 : i32
        %dma_wait3A_1103 = arith.constant 4 : i32
        %dma_wait3A_1104 = arith.constant 0 : i32
        %dma_wait3A_1105 = arith.constant 32 : i32
        %dma_wait3A_1106 = arith.constant 0 : i32
        %dma_wait3A_1107 = tpu.memref_slice %arg9[%dma_wait3A_1104, %dma_wait3A_1105, %dma_wait3A_1106] : memref<2x64x129xf32, #tpu.memory_space<vmem>> -> memref<2x8x128xf32, #tpu.memory_space<vmem>>
        %dma_wait3A_1108 = arith.constant 0 : i32
        %dma_wait3A_1109 = arith.constant 0 : i32
        %dma_wait3A_1110 = tpu.memref_slice %arg4[%sub3A_1024, %dma_wait3A_1103, %add3A_1102, %dma_wait3A_1108, %dma_wait3A_1109] : memref<50x8x128x8x128xf32, #tpu.memory_space<hbm>> -> memref<1x1x2x8x128xf32, #tpu.memory_space<hbm>>
        %dma_wait3A_1111 = tpu.memref_squeeze %dma_wait3A_1110 : memref<1x1x2x8x128xf32, #tpu.memory_space<hbm>> -> memref<2x8x128xf32, #tpu.memory_space<hbm>>
        %dma_wait3A_1112 = arith.constant 0 : i32
        %dma_wait3A_1113 = arith.constant 0 : i32
        %dma_wait3A_1114 = tpu.memref_slice %arg4[%sub3A_1024, %dma_wait3A_1103, %add3A_1102, %dma_wait3A_1112, %dma_wait3A_1113] : memref<50x8x128x8x128xf32, #tpu.memory_space<hbm>> -> memref<1x1x2x8x128xf32, #tpu.memory_space<hbm>>
        %dma_wait3A_1115 = tpu.memref_squeeze %dma_wait3A_1114 : memref<1x1x2x8x128xf32, #tpu.memory_space<hbm>> -> memref<2x8x128xf32, #tpu.memory_space<hbm>>
        %dma_wait3A_1116 = arith.constant 0 : i32
        %dma_wait3A_1117 = arith.constant 32 : i32
        %dma_wait3A_1118 = arith.constant 0 : i32
        %dma_wait3A_1119 = tpu.memref_slice %arg9[%dma_wait3A_1116, %dma_wait3A_1117, %dma_wait3A_1118] : memref<2x64x129xf32, #tpu.memory_space<vmem>> -> memref<2x8x128xf32, #tpu.memory_space<vmem>>
        tpu.wait_dma2 semaphore(%arg15 : memref<!tpu.dma_semaphore, #tpu.memory_space<semaphore_mem>>) src(%dma_wait3A_1119 : memref<2x8x128xf32, #tpu.memory_space<vmem>>) dst(%dma_wait3A_1115 : memref<2x8x128xf32, #tpu.memory_space<hbm>>)
        %add3A_1120 = arith.constant 0 : i32
        %add3A_1121 = arith.addi %mul3A_4, %add3A_1120 : i32
        %dma_wait3A_1122 = arith.constant 5 : i32
        %dma_wait3A_1123 = arith.constant 0 : i32
        %dma_wait3A_1124 = arith.constant 40 : i32
        %dma_wait3A_1125 = arith.constant 0 : i32
        %dma_wait3A_1126 = tpu.memref_slice %arg9[%dma_wait3A_1123, %dma_wait3A_1124, %dma_wait3A_1125] : memref<2x64x129xf32, #tpu.memory_space<vmem>> -> memref<2x8x128xf32, #tpu.memory_space<vmem>>
        %dma_wait3A_1127 = arith.constant 0 : i32
        %dma_wait3A_1128 = arith.constant 0 : i32
        %dma_wait3A_1129 = tpu.memref_slice %arg4[%sub3A_1024, %dma_wait3A_1122, %add3A_1121, %dma_wait3A_1127, %dma_wait3A_1128] : memref<50x8x128x8x128xf32, #tpu.memory_space<hbm>> -> memref<1x1x2x8x128xf32, #tpu.memory_space<hbm>>
        %dma_wait3A_1130 = tpu.memref_squeeze %dma_wait3A_1129 : memref<1x1x2x8x128xf32, #tpu.memory_space<hbm>> -> memref<2x8x128xf32, #tpu.memory_space<hbm>>
        %dma_wait3A_1131 = arith.constant 0 : i32
        %dma_wait3A_1132 = arith.constant 0 : i32
        %dma_wait3A_1133 = tpu.memref_slice %arg4[%sub3A_1024, %dma_wait3A_1122, %add3A_1121, %dma_wait3A_1131, %dma_wait3A_1132] : memref<50x8x128x8x128xf32, #tpu.memory_space<hbm>> -> memref<1x1x2x8x128xf32, #tpu.memory_space<hbm>>
        %dma_wait3A_1134 = tpu.memref_squeeze %dma_wait3A_1133 : memref<1x1x2x8x128xf32, #tpu.memory_space<hbm>> -> memref<2x8x128xf32, #tpu.memory_space<hbm>>
        %dma_wait3A_1135 = arith.constant 0 : i32
        %dma_wait3A_1136 = arith.constant 40 : i32
        %dma_wait3A_1137 = arith.constant 0 : i32
        %dma_wait3A_1138 = tpu.memref_slice %arg9[%dma_wait3A_1135, %dma_wait3A_1136, %dma_wait3A_1137] : memref<2x64x129xf32, #tpu.memory_space<vmem>> -> memref<2x8x128xf32, #tpu.memory_space<vmem>>
        tpu.wait_dma2 semaphore(%arg15 : memref<!tpu.dma_semaphore, #tpu.memory_space<semaphore_mem>>) src(%dma_wait3A_1138 : memref<2x8x128xf32, #tpu.memory_space<vmem>>) dst(%dma_wait3A_1134 : memref<2x8x128xf32, #tpu.memory_space<hbm>>)
        %add3A_1139 = arith.constant 0 : i32
        %add3A_1140 = arith.addi %mul3A_4, %add3A_1139 : i32
        %dma_wait3A_1141 = arith.constant 6 : i32
        %dma_wait3A_1142 = arith.constant 0 : i32
        %dma_wait3A_1143 = arith.constant 48 : i32
        %dma_wait3A_1144 = arith.constant 0 : i32
        %dma_wait3A_1145 = tpu.memref_slice %arg9[%dma_wait3A_1142, %dma_wait3A_1143, %dma_wait3A_1144] : memref<2x64x129xf32, #tpu.memory_space<vmem>> -> memref<2x8x128xf32, #tpu.memory_space<vmem>>
        %dma_wait3A_1146 = arith.constant 0 : i32
        %dma_wait3A_1147 = arith.constant 0 : i32
        %dma_wait3A_1148 = tpu.memref_slice %arg4[%sub3A_1024, %dma_wait3A_1141, %add3A_1140, %dma_wait3A_1146, %dma_wait3A_1147] : memref<50x8x128x8x128xf32, #tpu.memory_space<hbm>> -> memref<1x1x2x8x128xf32, #tpu.memory_space<hbm>>
        %dma_wait3A_1149 = tpu.memref_squeeze %dma_wait3A_1148 : memref<1x1x2x8x128xf32, #tpu.memory_space<hbm>> -> memref<2x8x128xf32, #tpu.memory_space<hbm>>
        %dma_wait3A_1150 = arith.constant 0 : i32
        %dma_wait3A_1151 = arith.constant 0 : i32
        %dma_wait3A_1152 = tpu.memref_slice %arg4[%sub3A_1024, %dma_wait3A_1141, %add3A_1140, %dma_wait3A_1150, %dma_wait3A_1151] : memref<50x8x128x8x128xf32, #tpu.memory_space<hbm>> -> memref<1x1x2x8x128xf32, #tpu.memory_space<hbm>>
        %dma_wait3A_1153 = tpu.memref_squeeze %dma_wait3A_1152 : memref<1x1x2x8x128xf32, #tpu.memory_space<hbm>> -> memref<2x8x128xf32, #tpu.memory_space<hbm>>
        %dma_wait3A_1154 = arith.constant 0 : i32
        %dma_wait3A_1155 = arith.constant 48 : i32
        %dma_wait3A_1156 = arith.constant 0 : i32
        %dma_wait3A_1157 = tpu.memref_slice %arg9[%dma_wait3A_1154, %dma_wait3A_1155, %dma_wait3A_1156] : memref<2x64x129xf32, #tpu.memory_space<vmem>> -> memref<2x8x128xf32, #tpu.memory_space<vmem>>
        tpu.wait_dma2 semaphore(%arg15 : memref<!tpu.dma_semaphore, #tpu.memory_space<semaphore_mem>>) src(%dma_wait3A_1157 : memref<2x8x128xf32, #tpu.memory_space<vmem>>) dst(%dma_wait3A_1153 : memref<2x8x128xf32, #tpu.memory_space<hbm>>)
        %add3A_1158 = arith.constant 0 : i32
        %add3A_1159 = arith.addi %mul3A_4, %add3A_1158 : i32
        %dma_wait3A_1160 = arith.constant 7 : i32
        %dma_wait3A_1161 = arith.constant 0 : i32
        %dma_wait3A_1162 = arith.constant 56 : i32
        %dma_wait3A_1163 = arith.constant 0 : i32
        %dma_wait3A_1164 = tpu.memref_slice %arg9[%dma_wait3A_1161, %dma_wait3A_1162, %dma_wait3A_1163] : memref<2x64x129xf32, #tpu.memory_space<vmem>> -> memref<2x8x128xf32, #tpu.memory_space<vmem>>
        %dma_wait3A_1165 = arith.constant 0 : i32
        %dma_wait3A_1166 = arith.constant 0 : i32
        %dma_wait3A_1167 = tpu.memref_slice %arg4[%sub3A_1024, %dma_wait3A_1160, %add3A_1159, %dma_wait3A_1165, %dma_wait3A_1166] : memref<50x8x128x8x128xf32, #tpu.memory_space<hbm>> -> memref<1x1x2x8x128xf32, #tpu.memory_space<hbm>>
        %dma_wait3A_1168 = tpu.memref_squeeze %dma_wait3A_1167 : memref<1x1x2x8x128xf32, #tpu.memory_space<hbm>> -> memref<2x8x128xf32, #tpu.memory_space<hbm>>
        %dma_wait3A_1169 = arith.constant 0 : i32
        %dma_wait3A_1170 = arith.constant 0 : i32
        %dma_wait3A_1171 = tpu.memref_slice %arg4[%sub3A_1024, %dma_wait3A_1160, %add3A_1159, %dma_wait3A_1169, %dma_wait3A_1170] : memref<50x8x128x8x128xf32, #tpu.memory_space<hbm>> -> memref<1x1x2x8x128xf32, #tpu.memory_space<hbm>>
        %dma_wait3A_1172 = tpu.memref_squeeze %dma_wait3A_1171 : memref<1x1x2x8x128xf32, #tpu.memory_space<hbm>> -> memref<2x8x128xf32, #tpu.memory_space<hbm>>
        %dma_wait3A_1173 = arith.constant 0 : i32
        %dma_wait3A_1174 = arith.constant 56 : i32
        %dma_wait3A_1175 = arith.constant 0 : i32
        %dma_wait3A_1176 = tpu.memref_slice %arg9[%dma_wait3A_1173, %dma_wait3A_1174, %dma_wait3A_1175] : memref<2x64x129xf32, #tpu.memory_space<vmem>> -> memref<2x8x128xf32, #tpu.memory_space<vmem>>
        tpu.wait_dma2 semaphore(%arg15 : memref<!tpu.dma_semaphore, #tpu.memory_space<semaphore_mem>>) src(%dma_wait3A_1176 : memref<2x8x128xf32, #tpu.memory_space<vmem>>) dst(%dma_wait3A_1172 : memref<2x8x128xf32, #tpu.memory_space<hbm>>)
      } else {
      }
      %parallel_loop3A = arith.constant 0 : i32
      %parallel_loop3A_369 = arith.constant 128 : i32
      %parallel_loop3A_370 = arith.constant 1 : i32
      scf.for %parallel_loop3A_1024 = %parallel_loop3A to %parallel_loop3A_369 step %parallel_loop3A_370  : i32 {
        %parallel_loop3A_1025 = arith.constant 0 : i32
        %parallel_loop3A_1026 = vector.broadcast %parallel_loop3A_1025 : i32 to vector<16xi32>
        %parallel_loop3A_1027 = vector.broadcast %parallel_loop3A_1024 : i32 to vector<16xi32>
        %parallel_loop3A_1028 = arith.addi %parallel_loop3A_1026, %parallel_loop3A_1027 : vector<16xi32>
        %parallel_loop3A_1029 = arith.constant 0 : i32
        %parallel_loop3A_1030 = arith.addi %parallel_loop3A_1029, %parallel_loop3A_1024 : i32
        %parallel_loop3A_1031 = arith.constant 0 : i32
        %parallel_loop3A_1032 = vector.broadcast %parallel_loop3A_1031 : i32 to vector<16xi32>
        %parallel_loop3A_1033 = arith.index_cast %parallel_loop3A_1030 : i32 to index
        %parallel_loop3A_1034 = arith.constant 0 : index
        %parallel_loop3A_1035 = tpu.vector_load %arg7[%parallel_loop3A_1033, %parallel_loop3A_1034] {strides = array<i32>} : memref<512x64xf32, #tpu.memory_space<vmem>>, vector<16xf32>,
        %parallel_loop3A_1036 = arith.constant 0 : i32
        %parallel_loop3A_1037 = vector.broadcast %parallel_loop3A_1036 : i32 to vector<16xi32>
        %parallel_loop3A_1038 = arith.addi %parallel_loop3A_1037, %iota3A : vector<16xi32>
        tpu.vector_store_idx %arg9[%parallel_loop3A_1032, %parallel_loop3A_1038, %parallel_loop3A_1028], %parallel_loop3A_1035 : memref<2x64x129xf32, #tpu.memory_space<vmem>>[vector<16xi32>, vector<16xi32>, vector<16xi32>], vector<16xf32>,
        %parallel_loop3A_1039 = arith.index_cast %parallel_loop3A_1030 : i32 to index
        %parallel_loop3A_1040 = arith.constant 16 : index
        %parallel_loop3A_1041 = tpu.vector_load %arg7[%parallel_loop3A_1039, %parallel_loop3A_1040] {strides = array<i32>} : memref<512x64xf32, #tpu.memory_space<vmem>>, vector<16xf32>,
        %parallel_loop3A_1042 = arith.constant 16 : i32
        %parallel_loop3A_1043 = vector.broadcast %parallel_loop3A_1042 : i32 to vector<16xi32>
        %parallel_loop3A_1044 = arith.addi %parallel_loop3A_1043, %iota3A : vector<16xi32>
        tpu.vector_store_idx %arg9[%parallel_loop3A_1032, %parallel_loop3A_1044, %parallel_loop3A_1028], %parallel_loop3A_1041 : memref<2x64x129xf32, #tpu.memory_space<vmem>>[vector<16xi32>, vector<16xi32>, vector<16xi32>], vector<16xf32>,
        %parallel_loop3A_1045 = arith.index_cast %parallel_loop3A_1030 : i32 to index
        %parallel_loop3A_1046 = arith.constant 32 : index
        %parallel_loop3A_1047 = tpu.vector_load %arg7[%parallel_loop3A_1045, %parallel_loop3A_1046] {strides = array<i32>} : memref<512x64xf32, #tpu.memory_space<vmem>>, vector<16xf32>,
        %parallel_loop3A_1048 = arith.constant 32 : i32
        %parallel_loop3A_1049 = vector.broadcast %parallel_loop3A_1048 : i32 to vector<16xi32>
        %parallel_loop3A_1050 = arith.addi %parallel_loop3A_1049, %iota3A : vector<16xi32>
        tpu.vector_store_idx %arg9[%parallel_loop3A_1032, %parallel_loop3A_1050, %parallel_loop3A_1028], %parallel_loop3A_1047 : memref<2x64x129xf32, #tpu.memory_space<vmem>>[vector<16xi32>, vector<16xi32>, vector<16xi32>], vector<16xf32>,
        %parallel_loop3A_1051 = arith.index_cast %parallel_loop3A_1030 : i32 to index
        %parallel_loop3A_1052 = arith.constant 48 : index
        %parallel_loop3A_1053 = tpu.vector_load %arg7[%parallel_loop3A_1051, %parallel_loop3A_1052] {strides = array<i32>} : memref<512x64xf32, #tpu.memory_space<vmem>>, vector<16xf32>,
        %parallel_loop3A_1054 = arith.constant 48 : i32
        %parallel_loop3A_1055 = vector.broadcast %parallel_loop3A_1054 : i32 to vector<16xi32>
        %parallel_loop3A_1056 = arith.addi %parallel_loop3A_1055, %iota3A : vector<16xi32>
        tpu.vector_store_idx %arg9[%parallel_loop3A_1032, %parallel_loop3A_1056, %parallel_loop3A_1028], %parallel_loop3A_1053 : memref<2x64x129xf32, #tpu.memory_space<vmem>>[vector<16xi32>, vector<16xi32>, vector<16xi32>], vector<16xf32>,
        %parallel_loop3A_1057 = arith.constant 128 : i32
        %parallel_loop3A_1058 = arith.addi %parallel_loop3A_1057, %parallel_loop3A_1024 : i32
        %parallel_loop3A_1059 = arith.constant 1 : i32
        %parallel_loop3A_1060 = vector.broadcast %parallel_loop3A_1059 : i32 to vector<16xi32>
        %parallel_loop3A_1061 = arith.index_cast %parallel_loop3A_1058 : i32 to index
        %parallel_loop3A_1062 = arith.constant 0 : index
        %parallel_loop3A_1063 = tpu.vector_load %arg7[%parallel_loop3A_1061, %parallel_loop3A_1062] {strides = array<i32>} : memref<512x64xf32, #tpu.memory_space<vmem>>, vector<16xf32>,
        %parallel_loop3A_1064 = arith.constant 0 : i32
        %parallel_loop3A_1065 = vector.broadcast %parallel_loop3A_1064 : i32 to vector<16xi32>
        %parallel_loop3A_1066 = arith.addi %parallel_loop3A_1065, %iota3A : vector<16xi32>
        tpu.vector_store_idx %arg9[%parallel_loop3A_1060, %parallel_loop3A_1066, %parallel_loop3A_1028], %parallel_loop3A_1063 : memref<2x64x129xf32, #tpu.memory_space<vmem>>[vector<16xi32>, vector<16xi32>, vector<16xi32>], vector<16xf32>,
        %parallel_loop3A_1067 = arith.index_cast %parallel_loop3A_1058 : i32 to index
        %parallel_loop3A_1068 = arith.constant 16 : index
        %parallel_loop3A_1069 = tpu.vector_load %arg7[%parallel_loop3A_1067, %parallel_loop3A_1068] {strides = array<i32>} : memref<512x64xf32, #tpu.memory_space<vmem>>, vector<16xf32>,
        %parallel_loop3A_1070 = arith.constant 16 : i32
        %parallel_loop3A_1071 = vector.broadcast %parallel_loop3A_1070 : i32 to vector<16xi32>
        %parallel_loop3A_1072 = arith.addi %parallel_loop3A_1071, %iota3A : vector<16xi32>
        tpu.vector_store_idx %arg9[%parallel_loop3A_1060, %parallel_loop3A_1072, %parallel_loop3A_1028], %parallel_loop3A_1069 : memref<2x64x129xf32, #tpu.memory_space<vmem>>[vector<16xi32>, vector<16xi32>, vector<16xi32>], vector<16xf32>,
        %parallel_loop3A_1073 = arith.index_cast %parallel_loop3A_1058 : i32 to index
        %parallel_loop3A_1074 = arith.constant 32 : index
        %parallel_loop3A_1075 = tpu.vector_load %arg7[%parallel_loop3A_1073, %parallel_loop3A_1074] {strides = array<i32>} : memref<512x64xf32, #tpu.memory_space<vmem>>, vector<16xf32>,
        %parallel_loop3A_1076 = arith.constant 32 : i32
        %parallel_loop3A_1077 = vector.broadcast %parallel_loop3A_1076 : i32 to vector<16xi32>
        %parallel_loop3A_1078 = arith.addi %parallel_loop3A_1077, %iota3A : vector<16xi32>
        tpu.vector_store_idx %arg9[%parallel_loop3A_1060, %parallel_loop3A_1078, %parallel_loop3A_1028], %parallel_loop3A_1075 : memref<2x64x129xf32, #tpu.memory_space<vmem>>[vector<16xi32>, vector<16xi32>, vector<16xi32>], vector<16xf32>,
        %parallel_loop3A_1079 = arith.index_cast %parallel_loop3A_1058 : i32 to index
        %parallel_loop3A_1080 = arith.constant 48 : index
        %parallel_loop3A_1081 = tpu.vector_load %arg7[%parallel_loop3A_1079, %parallel_loop3A_1080] {strides = array<i32>} : memref<512x64xf32, #tpu.memory_space<vmem>>, vector<16xf32>,
        %parallel_loop3A_1082 = arith.constant 48 : i32
        %parallel_loop3A_1083 = vector.broadcast %parallel_loop3A_1082 : i32 to vector<16xi32>
        %parallel_loop3A_1084 = arith.addi %parallel_loop3A_1083, %iota3A : vector<16xi32>
        tpu.vector_store_idx %arg9[%parallel_loop3A_1060, %parallel_loop3A_1084, %parallel_loop3A_1028], %parallel_loop3A_1081 : memref<2x64x129xf32, #tpu.memory_space<vmem>>[vector<16xi32>, vector<16xi32>, vector<16xi32>], vector<16xf32>,
      } {sc.loop_unroll_factor = 4 : i64, sc.parallel_access}
      %add3A_371 = arith.constant 0 : i32
      %add3A_372 = arith.addi %mul3A_4, %add3A_371 : i32
      %dma_start3A_373 = arith.constant 0 : i32
      %dma_start3A_374 = arith.constant 0 : i32
      %dma_start3A_375 = arith.constant 0 : i32
      %dma_start3A_376 = arith.constant 0 : i32
      %dma_start3A_377 = tpu.memref_slice %arg9[%dma_start3A_374, %dma_start3A_375, %dma_start3A_376] : memref<2x64x129xf32, #tpu.memory_space<vmem>> -> memref<2x8x128xf32, #tpu.memory_space<vmem>>
      %dma_start3A_378 = arith.constant 0 : i32
      %dma_start3A_379 = arith.constant 0 : i32
      %dma_start3A_380 = tpu.memref_slice %arg4[%add3A_350, %dma_start3A_373, %add3A_372, %dma_start3A_378, %dma_start3A_379] : memref<50x8x128x8x128xf32, #tpu.memory_space<hbm>> -> memref<1x1x2x8x128xf32, #tpu.memory_space<hbm>>
      %dma_start3A_381 = tpu.memref_squeeze %dma_start3A_380 : memref<1x1x2x8x128xf32, #tpu.memory_space<hbm>> -> memref<2x8x128xf32, #tpu.memory_space<hbm>>
      %dma_start3A_382 = arith.constant 0 : i32
      %dma_start3A_383 = arith.constant 0 : i32
      %dma_start3A_384 = tpu.memref_slice %arg4[%add3A_350, %dma_start3A_373, %add3A_372, %dma_start3A_382, %dma_start3A_383] : memref<50x8x128x8x128xf32, #tpu.memory_space<hbm>> -> memref<1x1x2x8x128xf32, #tpu.memory_space<hbm>>
      %dma_start3A_385 = tpu.memref_squeeze %dma_start3A_384 : memref<1x1x2x8x128xf32, #tpu.memory_space<hbm>> -> memref<2x8x128xf32, #tpu.memory_space<hbm>>
      %dma_start3A_386 = arith.constant 0 : i32
      %dma_start3A_387 = arith.constant 0 : i32
      %dma_start3A_388 = arith.constant 0 : i32
      %dma_start3A_389 = tpu.memref_slice %arg9[%dma_start3A_386, %dma_start3A_387, %dma_start3A_388] : memref<2x64x129xf32, #tpu.memory_space<vmem>> -> memref<2x8x128xf32, #tpu.memory_space<vmem>>
      tpu.enqueue_dma source(%dma_start3A_389 : memref<2x8x128xf32, #tpu.memory_space<vmem>>) target(%dma_start3A_385 : memref<2x8x128xf32, #tpu.memory_space<hbm>>) target_semaphore(%arg15 : memref<!tpu.dma_semaphore, #tpu.memory_space<semaphore_mem>>)
      %add3A_390 = arith.constant 0 : i32
      %add3A_391 = arith.addi %mul3A_4, %add3A_390 : i32
      %dma_start3A_392 = arith.constant 1 : i32
      %dma_start3A_393 = arith.constant 0 : i32
      %dma_start3A_394 = arith.constant 8 : i32
      %dma_start3A_395 = arith.constant 0 : i32
      %dma_start3A_396 = tpu.memref_slice %arg9[%dma_start3A_393, %dma_start3A_394, %dma_start3A_395] : memref<2x64x129xf32, #tpu.memory_space<vmem>> -> memref<2x8x128xf32, #tpu.memory_space<vmem>>
      %dma_start3A_397 = arith.constant 0 : i32
      %dma_start3A_398 = arith.constant 0 : i32
      %dma_start3A_399 = tpu.memref_slice %arg4[%add3A_350, %dma_start3A_392, %add3A_391, %dma_start3A_397, %dma_start3A_398] : memref<50x8x128x8x128xf32, #tpu.memory_space<hbm>> -> memref<1x1x2x8x128xf32, #tpu.memory_space<hbm>>
      %dma_start3A_400 = tpu.memref_squeeze %dma_start3A_399 : memref<1x1x2x8x128xf32, #tpu.memory_space<hbm>> -> memref<2x8x128xf32, #tpu.memory_space<hbm>>
      %dma_start3A_401 = arith.constant 0 : i32
      %dma_start3A_402 = arith.constant 0 : i32
      %dma_start3A_403 = tpu.memref_slice %arg4[%add3A_350, %dma_start3A_392, %add3A_391, %dma_start3A_401, %dma_start3A_402] : memref<50x8x128x8x128xf32, #tpu.memory_space<hbm>> -> memref<1x1x2x8x128xf32, #tpu.memory_space<hbm>>
      %dma_start3A_404 = tpu.memref_squeeze %dma_start3A_403 : memref<1x1x2x8x128xf32, #tpu.memory_space<hbm>> -> memref<2x8x128xf32, #tpu.memory_space<hbm>>
      %dma_start3A_405 = arith.constant 0 : i32
      %dma_start3A_406 = arith.constant 8 : i32
      %dma_start3A_407 = arith.constant 0 : i32
      %dma_start3A_408 = tpu.memref_slice %arg9[%dma_start3A_405, %dma_start3A_406, %dma_start3A_407] : memref<2x64x129xf32, #tpu.memory_space<vmem>> -> memref<2x8x128xf32, #tpu.memory_space<vmem>>
      tpu.enqueue_dma source(%dma_start3A_408 : memref<2x8x128xf32, #tpu.memory_space<vmem>>) target(%dma_start3A_404 : memref<2x8x128xf32, #tpu.memory_space<hbm>>) target_semaphore(%arg15 : memref<!tpu.dma_semaphore, #tpu.memory_space<semaphore_mem>>)
      %add3A_409 = arith.constant 0 : i32
      %add3A_410 = arith.addi %mul3A_4, %add3A_409 : i32
      %dma_start3A_411 = arith.constant 2 : i32
      %dma_start3A_412 = arith.constant 0 : i32
      %dma_start3A_413 = arith.constant 16 : i32
      %dma_start3A_414 = arith.constant 0 : i32
      %dma_start3A_415 = tpu.memref_slice %arg9[%dma_start3A_412, %dma_start3A_413, %dma_start3A_414] : memref<2x64x129xf32, #tpu.memory_space<vmem>> -> memref<2x8x128xf32, #tpu.memory_space<vmem>>
      %dma_start3A_416 = arith.constant 0 : i32
      %dma_start3A_417 = arith.constant 0 : i32
      %dma_start3A_418 = tpu.memref_slice %arg4[%add3A_350, %dma_start3A_411, %add3A_410, %dma_start3A_416, %dma_start3A_417] : memref<50x8x128x8x128xf32, #tpu.memory_space<hbm>> -> memref<1x1x2x8x128xf32, #tpu.memory_space<hbm>>
      %dma_start3A_419 = tpu.memref_squeeze %dma_start3A_418 : memref<1x1x2x8x128xf32, #tpu.memory_space<hbm>> -> memref<2x8x128xf32, #tpu.memory_space<hbm>>
      %dma_start3A_420 = arith.constant 0 : i32
      %dma_start3A_421 = arith.constant 0 : i32
      %dma_start3A_422 = tpu.memref_slice %arg4[%add3A_350, %dma_start3A_411, %add3A_410, %dma_start3A_420, %dma_start3A_421] : memref<50x8x128x8x128xf32, #tpu.memory_space<hbm>> -> memref<1x1x2x8x128xf32, #tpu.memory_space<hbm>>
      %dma_start3A_423 = tpu.memref_squeeze %dma_start3A_422 : memref<1x1x2x8x128xf32, #tpu.memory_space<hbm>> -> memref<2x8x128xf32, #tpu.memory_space<hbm>>
      %dma_start3A_424 = arith.constant 0 : i32
      %dma_start3A_425 = arith.constant 16 : i32
      %dma_start3A_426 = arith.constant 0 : i32
      %dma_start3A_427 = tpu.memref_slice %arg9[%dma_start3A_424, %dma_start3A_425, %dma_start3A_426] : memref<2x64x129xf32, #tpu.memory_space<vmem>> -> memref<2x8x128xf32, #tpu.memory_space<vmem>>
      tpu.enqueue_dma source(%dma_start3A_427 : memref<2x8x128xf32, #tpu.memory_space<vmem>>) target(%dma_start3A_423 : memref<2x8x128xf32, #tpu.memory_space<hbm>>) target_semaphore(%arg15 : memref<!tpu.dma_semaphore, #tpu.memory_space<semaphore_mem>>)
      %add3A_428 = arith.constant 0 : i32
      %add3A_429 = arith.addi %mul3A_4, %add3A_428 : i32
      %dma_start3A_430 = arith.constant 3 : i32
      %dma_start3A_431 = arith.constant 0 : i32
      %dma_start3A_432 = arith.constant 24 : i32
      %dma_start3A_433 = arith.constant 0 : i32
      %dma_start3A_434 = tpu.memref_slice %arg9[%dma_start3A_431, %dma_start3A_432, %dma_start3A_433] : memref<2x64x129xf32, #tpu.memory_space<vmem>> -> memref<2x8x128xf32, #tpu.memory_space<vmem>>
      %dma_start3A_435 = arith.constant 0 : i32
      %dma_start3A_436 = arith.constant 0 : i32
      %dma_start3A_437 = tpu.memref_slice %arg4[%add3A_350, %dma_start3A_430, %add3A_429, %dma_start3A_435, %dma_start3A_436] : memref<50x8x128x8x128xf32, #tpu.memory_space<hbm>> -> memref<1x1x2x8x128xf32, #tpu.memory_space<hbm>>
      %dma_start3A_438 = tpu.memref_squeeze %dma_start3A_437 : memref<1x1x2x8x128xf32, #tpu.memory_space<hbm>> -> memref<2x8x128xf32, #tpu.memory_space<hbm>>
      %dma_start3A_439 = arith.constant 0 : i32
      %dma_start3A_440 = arith.constant 0 : i32
      %dma_start3A_441 = tpu.memref_slice %arg4[%add3A_350, %dma_start3A_430, %add3A_429, %dma_start3A_439, %dma_start3A_440] : memref<50x8x128x8x128xf32, #tpu.memory_space<hbm>> -> memref<1x1x2x8x128xf32, #tpu.memory_space<hbm>>
      %dma_start3A_442 = tpu.memref_squeeze %dma_start3A_441 : memref<1x1x2x8x128xf32, #tpu.memory_space<hbm>> -> memref<2x8x128xf32, #tpu.memory_space<hbm>>
      %dma_start3A_443 = arith.constant 0 : i32
      %dma_start3A_444 = arith.constant 24 : i32
      %dma_start3A_445 = arith.constant 0 : i32
      %dma_start3A_446 = tpu.memref_slice %arg9[%dma_start3A_443, %dma_start3A_444, %dma_start3A_445] : memref<2x64x129xf32, #tpu.memory_space<vmem>> -> memref<2x8x128xf32, #tpu.memory_space<vmem>>
      tpu.enqueue_dma source(%dma_start3A_446 : memref<2x8x128xf32, #tpu.memory_space<vmem>>) target(%dma_start3A_442 : memref<2x8x128xf32, #tpu.memory_space<hbm>>) target_semaphore(%arg15 : memref<!tpu.dma_semaphore, #tpu.memory_space<semaphore_mem>>)
      %add3A_447 = arith.constant 0 : i32
      %add3A_448 = arith.addi %mul3A_4, %add3A_447 : i32
      %dma_start3A_449 = arith.constant 4 : i32
      %dma_start3A_450 = arith.constant 0 : i32
      %dma_start3A_451 = arith.constant 32 : i32
      %dma_start3A_452 = arith.constant 0 : i32
      %dma_start3A_453 = tpu.memref_slice %arg9[%dma_start3A_450, %dma_start3A_451, %dma_start3A_452] : memref<2x64x129xf32, #tpu.memory_space<vmem>> -> memref<2x8x128xf32, #tpu.memory_space<vmem>>
      %dma_start3A_454 = arith.constant 0 : i32
      %dma_start3A_455 = arith.constant 0 : i32
      %dma_start3A_456 = tpu.memref_slice %arg4[%add3A_350, %dma_start3A_449, %add3A_448, %dma_start3A_454, %dma_start3A_455] : memref<50x8x128x8x128xf32, #tpu.memory_space<hbm>> -> memref<1x1x2x8x128xf32, #tpu.memory_space<hbm>>
      %dma_start3A_457 = tpu.memref_squeeze %dma_start3A_456 : memref<1x1x2x8x128xf32, #tpu.memory_space<hbm>> -> memref<2x8x128xf32, #tpu.memory_space<hbm>>
      %dma_start3A_458 = arith.constant 0 : i32
      %dma_start3A_459 = arith.constant 0 : i32
      %dma_start3A_460 = tpu.memref_slice %arg4[%add3A_350, %dma_start3A_449, %add3A_448, %dma_start3A_458, %dma_start3A_459] : memref<50x8x128x8x128xf32, #tpu.memory_space<hbm>> -> memref<1x1x2x8x128xf32, #tpu.memory_space<hbm>>
      %dma_start3A_461 = tpu.memref_squeeze %dma_start3A_460 : memref<1x1x2x8x128xf32, #tpu.memory_space<hbm>> -> memref<2x8x128xf32, #tpu.memory_space<hbm>>
      %dma_start3A_462 = arith.constant 0 : i32
      %dma_start3A_463 = arith.constant 32 : i32
      %dma_start3A_464 = arith.constant 0 : i32
      %dma_start3A_465 = tpu.memref_slice %arg9[%dma_start3A_462, %dma_start3A_463, %dma_start3A_464] : memref<2x64x129xf32, #tpu.memory_space<vmem>> -> memref<2x8x128xf32, #tpu.memory_space<vmem>>
      tpu.enqueue_dma source(%dma_start3A_465 : memref<2x8x128xf32, #tpu.memory_space<vmem>>) target(%dma_start3A_461 : memref<2x8x128xf32, #tpu.memory_space<hbm>>) target_semaphore(%arg15 : memref<!tpu.dma_semaphore, #tpu.memory_space<semaphore_mem>>)
      %add3A_466 = arith.constant 0 : i32
      %add3A_467 = arith.addi %mul3A_4, %add3A_466 : i32
      %dma_start3A_468 = arith.constant 5 : i32
      %dma_start3A_469 = arith.constant 0 : i32
      %dma_start3A_470 = arith.constant 40 : i32
      %dma_start3A_471 = arith.constant 0 : i32
      %dma_start3A_472 = tpu.memref_slice %arg9[%dma_start3A_469, %dma_start3A_470, %dma_start3A_471] : memref<2x64x129xf32, #tpu.memory_space<vmem>> -> memref<2x8x128xf32, #tpu.memory_space<vmem>>
      %dma_start3A_473 = arith.constant 0 : i32
      %dma_start3A_474 = arith.constant 0 : i32
      %dma_start3A_475 = tpu.memref_slice %arg4[%add3A_350, %dma_start3A_468, %add3A_467, %dma_start3A_473, %dma_start3A_474] : memref<50x8x128x8x128xf32, #tpu.memory_space<hbm>> -> memref<1x1x2x8x128xf32, #tpu.memory_space<hbm>>
      %dma_start3A_476 = tpu.memref_squeeze %dma_start3A_475 : memref<1x1x2x8x128xf32, #tpu.memory_space<hbm>> -> memref<2x8x128xf32, #tpu.memory_space<hbm>>
      %dma_start3A_477 = arith.constant 0 : i32
      %dma_start3A_478 = arith.constant 0 : i32
      %dma_start3A_479 = tpu.memref_slice %arg4[%add3A_350, %dma_start3A_468, %add3A_467, %dma_start3A_477, %dma_start3A_478] : memref<50x8x128x8x128xf32, #tpu.memory_space<hbm>> -> memref<1x1x2x8x128xf32, #tpu.memory_space<hbm>>
      %dma_start3A_480 = tpu.memref_squeeze %dma_start3A_479 : memref<1x1x2x8x128xf32, #tpu.memory_space<hbm>> -> memref<2x8x128xf32, #tpu.memory_space<hbm>>
      %dma_start3A_481 = arith.constant 0 : i32
      %dma_start3A_482 = arith.constant 40 : i32
      %dma_start3A_483 = arith.constant 0 : i32
      %dma_start3A_484 = tpu.memref_slice %arg9[%dma_start3A_481, %dma_start3A_482, %dma_start3A_483] : memref<2x64x129xf32, #tpu.memory_space<vmem>> -> memref<2x8x128xf32, #tpu.memory_space<vmem>>
      tpu.enqueue_dma source(%dma_start3A_484 : memref<2x8x128xf32, #tpu.memory_space<vmem>>) target(%dma_start3A_480 : memref<2x8x128xf32, #tpu.memory_space<hbm>>) target_semaphore(%arg15 : memref<!tpu.dma_semaphore, #tpu.memory_space<semaphore_mem>>)
      %add3A_485 = arith.constant 0 : i32
      %add3A_486 = arith.addi %mul3A_4, %add3A_485 : i32
      %dma_start3A_487 = arith.constant 6 : i32
      %dma_start3A_488 = arith.constant 0 : i32
      %dma_start3A_489 = arith.constant 48 : i32
      %dma_start3A_490 = arith.constant 0 : i32
      %dma_start3A_491 = tpu.memref_slice %arg9[%dma_start3A_488, %dma_start3A_489, %dma_start3A_490] : memref<2x64x129xf32, #tpu.memory_space<vmem>> -> memref<2x8x128xf32, #tpu.memory_space<vmem>>
      %dma_start3A_492 = arith.constant 0 : i32
      %dma_start3A_493 = arith.constant 0 : i32
      %dma_start3A_494 = tpu.memref_slice %arg4[%add3A_350, %dma_start3A_487, %add3A_486, %dma_start3A_492, %dma_start3A_493] : memref<50x8x128x8x128xf32, #tpu.memory_space<hbm>> -> memref<1x1x2x8x128xf32, #tpu.memory_space<hbm>>
      %dma_start3A_495 = tpu.memref_squeeze %dma_start3A_494 : memref<1x1x2x8x128xf32, #tpu.memory_space<hbm>> -> memref<2x8x128xf32, #tpu.memory_space<hbm>>
      %dma_start3A_496 = arith.constant 0 : i32
      %dma_start3A_497 = arith.constant 0 : i32
      %dma_start3A_498 = tpu.memref_slice %arg4[%add3A_350, %dma_start3A_487, %add3A_486, %dma_start3A_496, %dma_start3A_497] : memref<50x8x128x8x128xf32, #tpu.memory_space<hbm>> -> memref<1x1x2x8x128xf32, #tpu.memory_space<hbm>>
      %dma_start3A_499 = tpu.memref_squeeze %dma_start3A_498 : memref<1x1x2x8x128xf32, #tpu.memory_space<hbm>> -> memref<2x8x128xf32, #tpu.memory_space<hbm>>
      %dma_start3A_500 = arith.constant 0 : i32
      %dma_start3A_501 = arith.constant 48 : i32
      %dma_start3A_502 = arith.constant 0 : i32
      %dma_start3A_503 = tpu.memref_slice %arg9[%dma_start3A_500, %dma_start3A_501, %dma_start3A_502] : memref<2x64x129xf32, #tpu.memory_space<vmem>> -> memref<2x8x128xf32, #tpu.memory_space<vmem>>
      tpu.enqueue_dma source(%dma_start3A_503 : memref<2x8x128xf32, #tpu.memory_space<vmem>>) target(%dma_start3A_499 : memref<2x8x128xf32, #tpu.memory_space<hbm>>) target_semaphore(%arg15 : memref<!tpu.dma_semaphore, #tpu.memory_space<semaphore_mem>>)
      %add3A_504 = arith.constant 0 : i32
      %add3A_505 = arith.addi %mul3A_4, %add3A_504 : i32
      %dma_start3A_506 = arith.constant 7 : i32
      %dma_start3A_507 = arith.constant 0 : i32
      %dma_start3A_508 = arith.constant 56 : i32
      %dma_start3A_509 = arith.constant 0 : i32
      %dma_start3A_510 = tpu.memref_slice %arg9[%dma_start3A_507, %dma_start3A_508, %dma_start3A_509] : memref<2x64x129xf32, #tpu.memory_space<vmem>> -> memref<2x8x128xf32, #tpu.memory_space<vmem>>
      %dma_start3A_511 = arith.constant 0 : i32
      %dma_start3A_512 = arith.constant 0 : i32
      %dma_start3A_513 = tpu.memref_slice %arg4[%add3A_350, %dma_start3A_506, %add3A_505, %dma_start3A_511, %dma_start3A_512] : memref<50x8x128x8x128xf32, #tpu.memory_space<hbm>> -> memref<1x1x2x8x128xf32, #tpu.memory_space<hbm>>
      %dma_start3A_514 = tpu.memref_squeeze %dma_start3A_513 : memref<1x1x2x8x128xf32, #tpu.memory_space<hbm>> -> memref<2x8x128xf32, #tpu.memory_space<hbm>>
      %dma_start3A_515 = arith.constant 0 : i32
      %dma_start3A_516 = arith.constant 0 : i32
      %dma_start3A_517 = tpu.memref_slice %arg4[%add3A_350, %dma_start3A_506, %add3A_505, %dma_start3A_515, %dma_start3A_516] : memref<50x8x128x8x128xf32, #tpu.memory_space<hbm>> -> memref<1x1x2x8x128xf32, #tpu.memory_space<hbm>>
      %dma_start3A_518 = tpu.memref_squeeze %dma_start3A_517 : memref<1x1x2x8x128xf32, #tpu.memory_space<hbm>> -> memref<2x8x128xf32, #tpu.memory_space<hbm>>
      %dma_start3A_519 = arith.constant 0 : i32
      %dma_start3A_520 = arith.constant 56 : i32
      %dma_start3A_521 = arith.constant 0 : i32
      %dma_start3A_522 = tpu.memref_slice %arg9[%dma_start3A_519, %dma_start3A_520, %dma_start3A_521] : memref<2x64x129xf32, #tpu.memory_space<vmem>> -> memref<2x8x128xf32, #tpu.memory_space<vmem>>
      tpu.enqueue_dma source(%dma_start3A_522 : memref<2x8x128xf32, #tpu.memory_space<vmem>>) target(%dma_start3A_518 : memref<2x8x128xf32, #tpu.memory_space<hbm>>) target_semaphore(%arg15 : memref<!tpu.dma_semaphore, #tpu.memory_space<semaphore_mem>>)
      %ge3A_523 = arith.constant 1 : i32
      %ge3A_524 = arith.cmpi sge, %add3A_350, %ge3A_523 : i32
      %convert_element_type3A_525 = arith.extui %ge3A_524 : i1 to i32
      %cond3A_526 = arith.constant 0 : i32
      %cond3A_527 = arith.cmpi ne, %convert_element_type3A_525, %cond3A_526 : i32
      scf.if %cond3A_527 {
        %sub3A = arith.constant 1 : i32
        %sub3A_1024 = arith.subi %add3A_350, %sub3A : i32
        %add3A_1025 = arith.constant 2 : i32
        %add3A_1026 = arith.addi %mul3A_4, %add3A_1025 : i32
        %dma_wait3A_1027 = arith.constant 0 : i32
        %dma_wait3A_1028 = arith.constant 0 : i32
        %dma_wait3A_1029 = arith.constant 0 : i32
        %dma_wait3A_1030 = arith.constant 0 : i32
        %dma_wait3A_1031 = tpu.memref_slice %arg10[%dma_wait3A_1028, %dma_wait3A_1029, %dma_wait3A_1030] : memref<2x64x129xf32, #tpu.memory_space<vmem>> -> memref<2x8x128xf32, #tpu.memory_space<vmem>>
        %dma_wait3A_1032 = arith.constant 0 : i32
        %dma_wait3A_1033 = arith.constant 0 : i32
        %dma_wait3A_1034 = tpu.memref_slice %arg4[%sub3A_1024, %dma_wait3A_1027, %add3A_1026, %dma_wait3A_1032, %dma_wait3A_1033] : memref<50x8x128x8x128xf32, #tpu.memory_space<hbm>> -> memref<1x1x2x8x128xf32, #tpu.memory_space<hbm>>
        %dma_wait3A_1035 = tpu.memref_squeeze %dma_wait3A_1034 : memref<1x1x2x8x128xf32, #tpu.memory_space<hbm>> -> memref<2x8x128xf32, #tpu.memory_space<hbm>>
        %dma_wait3A_1036 = arith.constant 0 : i32
        %dma_wait3A_1037 = arith.constant 0 : i32
        %dma_wait3A_1038 = tpu.memref_slice %arg4[%sub3A_1024, %dma_wait3A_1027, %add3A_1026, %dma_wait3A_1036, %dma_wait3A_1037] : memref<50x8x128x8x128xf32, #tpu.memory_space<hbm>> -> memref<1x1x2x8x128xf32, #tpu.memory_space<hbm>>
        %dma_wait3A_1039 = tpu.memref_squeeze %dma_wait3A_1038 : memref<1x1x2x8x128xf32, #tpu.memory_space<hbm>> -> memref<2x8x128xf32, #tpu.memory_space<hbm>>
        %dma_wait3A_1040 = arith.constant 0 : i32
        %dma_wait3A_1041 = arith.constant 0 : i32
        %dma_wait3A_1042 = arith.constant 0 : i32
        %dma_wait3A_1043 = tpu.memref_slice %arg10[%dma_wait3A_1040, %dma_wait3A_1041, %dma_wait3A_1042] : memref<2x64x129xf32, #tpu.memory_space<vmem>> -> memref<2x8x128xf32, #tpu.memory_space<vmem>>
        tpu.wait_dma2 semaphore(%arg16 : memref<!tpu.dma_semaphore, #tpu.memory_space<semaphore_mem>>) src(%dma_wait3A_1043 : memref<2x8x128xf32, #tpu.memory_space<vmem>>) dst(%dma_wait3A_1039 : memref<2x8x128xf32, #tpu.memory_space<hbm>>)
        %add3A_1044 = arith.constant 2 : i32
        %add3A_1045 = arith.addi %mul3A_4, %add3A_1044 : i32
        %dma_wait3A_1046 = arith.constant 1 : i32
        %dma_wait3A_1047 = arith.constant 0 : i32
        %dma_wait3A_1048 = arith.constant 8 : i32
        %dma_wait3A_1049 = arith.constant 0 : i32
        %dma_wait3A_1050 = tpu.memref_slice %arg10[%dma_wait3A_1047, %dma_wait3A_1048, %dma_wait3A_1049] : memref<2x64x129xf32, #tpu.memory_space<vmem>> -> memref<2x8x128xf32, #tpu.memory_space<vmem>>
        %dma_wait3A_1051 = arith.constant 0 : i32
        %dma_wait3A_1052 = arith.constant 0 : i32
        %dma_wait3A_1053 = tpu.memref_slice %arg4[%sub3A_1024, %dma_wait3A_1046, %add3A_1045, %dma_wait3A_1051, %dma_wait3A_1052] : memref<50x8x128x8x128xf32, #tpu.memory_space<hbm>> -> memref<1x1x2x8x128xf32, #tpu.memory_space<hbm>>
        %dma_wait3A_1054 = tpu.memref_squeeze %dma_wait3A_1053 : memref<1x1x2x8x128xf32, #tpu.memory_space<hbm>> -> memref<2x8x128xf32, #tpu.memory_space<hbm>>
        %dma_wait3A_1055 = arith.constant 0 : i32
        %dma_wait3A_1056 = arith.constant 0 : i32
        %dma_wait3A_1057 = tpu.memref_slice %arg4[%sub3A_1024, %dma_wait3A_1046, %add3A_1045, %dma_wait3A_1055, %dma_wait3A_1056] : memref<50x8x128x8x128xf32, #tpu.memory_space<hbm>> -> memref<1x1x2x8x128xf32, #tpu.memory_space<hbm>>
        %dma_wait3A_1058 = tpu.memref_squeeze %dma_wait3A_1057 : memref<1x1x2x8x128xf32, #tpu.memory_space<hbm>> -> memref<2x8x128xf32, #tpu.memory_space<hbm>>
        %dma_wait3A_1059 = arith.constant 0 : i32
        %dma_wait3A_1060 = arith.constant 8 : i32
        %dma_wait3A_1061 = arith.constant 0 : i32
        %dma_wait3A_1062 = tpu.memref_slice %arg10[%dma_wait3A_1059, %dma_wait3A_1060, %dma_wait3A_1061] : memref<2x64x129xf32, #tpu.memory_space<vmem>> -> memref<2x8x128xf32, #tpu.memory_space<vmem>>
        tpu.wait_dma2 semaphore(%arg16 : memref<!tpu.dma_semaphore, #tpu.memory_space<semaphore_mem>>) src(%dma_wait3A_1062 : memref<2x8x128xf32, #tpu.memory_space<vmem>>) dst(%dma_wait3A_1058 : memref<2x8x128xf32, #tpu.memory_space<hbm>>)
        %add3A_1063 = arith.constant 2 : i32
        %add3A_1064 = arith.addi %mul3A_4, %add3A_1063 : i32
        %dma_wait3A_1065 = arith.constant 2 : i32
        %dma_wait3A_1066 = arith.constant 0 : i32
        %dma_wait3A_1067 = arith.constant 16 : i32
        %dma_wait3A_1068 = arith.constant 0 : i32
        %dma_wait3A_1069 = tpu.memref_slice %arg10[%dma_wait3A_1066, %dma_wait3A_1067, %dma_wait3A_1068] : memref<2x64x129xf32, #tpu.memory_space<vmem>> -> memref<2x8x128xf32, #tpu.memory_space<vmem>>
        %dma_wait3A_1070 = arith.constant 0 : i32
        %dma_wait3A_1071 = arith.constant 0 : i32
        %dma_wait3A_1072 = tpu.memref_slice %arg4[%sub3A_1024, %dma_wait3A_1065, %add3A_1064, %dma_wait3A_1070, %dma_wait3A_1071] : memref<50x8x128x8x128xf32, #tpu.memory_space<hbm>> -> memref<1x1x2x8x128xf32, #tpu.memory_space<hbm>>
        %dma_wait3A_1073 = tpu.memref_squeeze %dma_wait3A_1072 : memref<1x1x2x8x128xf32, #tpu.memory_space<hbm>> -> memref<2x8x128xf32, #tpu.memory_space<hbm>>
        %dma_wait3A_1074 = arith.constant 0 : i32
        %dma_wait3A_1075 = arith.constant 0 : i32
        %dma_wait3A_1076 = tpu.memref_slice %arg4[%sub3A_1024, %dma_wait3A_1065, %add3A_1064, %dma_wait3A_1074, %dma_wait3A_1075] : memref<50x8x128x8x128xf32, #tpu.memory_space<hbm>> -> memref<1x1x2x8x128xf32, #tpu.memory_space<hbm>>
        %dma_wait3A_1077 = tpu.memref_squeeze %dma_wait3A_1076 : memref<1x1x2x8x128xf32, #tpu.memory_space<hbm>> -> memref<2x8x128xf32, #tpu.memory_space<hbm>>
        %dma_wait3A_1078 = arith.constant 0 : i32
        %dma_wait3A_1079 = arith.constant 16 : i32
        %dma_wait3A_1080 = arith.constant 0 : i32
        %dma_wait3A_1081 = tpu.memref_slice %arg10[%dma_wait3A_1078, %dma_wait3A_1079, %dma_wait3A_1080] : memref<2x64x129xf32, #tpu.memory_space<vmem>> -> memref<2x8x128xf32, #tpu.memory_space<vmem>>
        tpu.wait_dma2 semaphore(%arg16 : memref<!tpu.dma_semaphore, #tpu.memory_space<semaphore_mem>>) src(%dma_wait3A_1081 : memref<2x8x128xf32, #tpu.memory_space<vmem>>) dst(%dma_wait3A_1077 : memref<2x8x128xf32, #tpu.memory_space<hbm>>)
        %add3A_1082 = arith.constant 2 : i32
        %add3A_1083 = arith.addi %mul3A_4, %add3A_1082 : i32
        %dma_wait3A_1084 = arith.constant 3 : i32
        %dma_wait3A_1085 = arith.constant 0 : i32
        %dma_wait3A_1086 = arith.constant 24 : i32
        %dma_wait3A_1087 = arith.constant 0 : i32
        %dma_wait3A_1088 = tpu.memref_slice %arg10[%dma_wait3A_1085, %dma_wait3A_1086, %dma_wait3A_1087] : memref<2x64x129xf32, #tpu.memory_space<vmem>> -> memref<2x8x128xf32, #tpu.memory_space<vmem>>
        %dma_wait3A_1089 = arith.constant 0 : i32
        %dma_wait3A_1090 = arith.constant 0 : i32
        %dma_wait3A_1091 = tpu.memref_slice %arg4[%sub3A_1024, %dma_wait3A_1084, %add3A_1083, %dma_wait3A_1089, %dma_wait3A_1090] : memref<50x8x128x8x128xf32, #tpu.memory_space<hbm>> -> memref<1x1x2x8x128xf32, #tpu.memory_space<hbm>>
        %dma_wait3A_1092 = tpu.memref_squeeze %dma_wait3A_1091 : memref<1x1x2x8x128xf32, #tpu.memory_space<hbm>> -> memref<2x8x128xf32, #tpu.memory_space<hbm>>
        %dma_wait3A_1093 = arith.constant 0 : i32
        %dma_wait3A_1094 = arith.constant 0 : i32
        %dma_wait3A_1095 = tpu.memref_slice %arg4[%sub3A_1024, %dma_wait3A_1084, %add3A_1083, %dma_wait3A_1093, %dma_wait3A_1094] : memref<50x8x128x8x128xf32, #tpu.memory_space<hbm>> -> memref<1x1x2x8x128xf32, #tpu.memory_space<hbm>>
        %dma_wait3A_1096 = tpu.memref_squeeze %dma_wait3A_1095 : memref<1x1x2x8x128xf32, #tpu.memory_space<hbm>> -> memref<2x8x128xf32, #tpu.memory_space<hbm>>
        %dma_wait3A_1097 = arith.constant 0 : i32
        %dma_wait3A_1098 = arith.constant 24 : i32
        %dma_wait3A_1099 = arith.constant 0 : i32
        %dma_wait3A_1100 = tpu.memref_slice %arg10[%dma_wait3A_1097, %dma_wait3A_1098, %dma_wait3A_1099] : memref<2x64x129xf32, #tpu.memory_space<vmem>> -> memref<2x8x128xf32, #tpu.memory_space<vmem>>
        tpu.wait_dma2 semaphore(%arg16 : memref<!tpu.dma_semaphore, #tpu.memory_space<semaphore_mem>>) src(%dma_wait3A_1100 : memref<2x8x128xf32, #tpu.memory_space<vmem>>) dst(%dma_wait3A_1096 : memref<2x8x128xf32, #tpu.memory_space<hbm>>)
        %add3A_1101 = arith.constant 2 : i32
        %add3A_1102 = arith.addi %mul3A_4, %add3A_1101 : i32
        %dma_wait3A_1103 = arith.constant 4 : i32
        %dma_wait3A_1104 = arith.constant 0 : i32
        %dma_wait3A_1105 = arith.constant 32 : i32
        %dma_wait3A_1106 = arith.constant 0 : i32
        %dma_wait3A_1107 = tpu.memref_slice %arg10[%dma_wait3A_1104, %dma_wait3A_1105, %dma_wait3A_1106] : memref<2x64x129xf32, #tpu.memory_space<vmem>> -> memref<2x8x128xf32, #tpu.memory_space<vmem>>
        %dma_wait3A_1108 = arith.constant 0 : i32
        %dma_wait3A_1109 = arith.constant 0 : i32
        %dma_wait3A_1110 = tpu.memref_slice %arg4[%sub3A_1024, %dma_wait3A_1103, %add3A_1102, %dma_wait3A_1108, %dma_wait3A_1109] : memref<50x8x128x8x128xf32, #tpu.memory_space<hbm>> -> memref<1x1x2x8x128xf32, #tpu.memory_space<hbm>>
        %dma_wait3A_1111 = tpu.memref_squeeze %dma_wait3A_1110 : memref<1x1x2x8x128xf32, #tpu.memory_space<hbm>> -> memref<2x8x128xf32, #tpu.memory_space<hbm>>
        %dma_wait3A_1112 = arith.constant 0 : i32
        %dma_wait3A_1113 = arith.constant 0 : i32
        %dma_wait3A_1114 = tpu.memref_slice %arg4[%sub3A_1024, %dma_wait3A_1103, %add3A_1102, %dma_wait3A_1112, %dma_wait3A_1113] : memref<50x8x128x8x128xf32, #tpu.memory_space<hbm>> -> memref<1x1x2x8x128xf32, #tpu.memory_space<hbm>>
        %dma_wait3A_1115 = tpu.memref_squeeze %dma_wait3A_1114 : memref<1x1x2x8x128xf32, #tpu.memory_space<hbm>> -> memref<2x8x128xf32, #tpu.memory_space<hbm>>
        %dma_wait3A_1116 = arith.constant 0 : i32
        %dma_wait3A_1117 = arith.constant 32 : i32
        %dma_wait3A_1118 = arith.constant 0 : i32
        %dma_wait3A_1119 = tpu.memref_slice %arg10[%dma_wait3A_1116, %dma_wait3A_1117, %dma_wait3A_1118] : memref<2x64x129xf32, #tpu.memory_space<vmem>> -> memref<2x8x128xf32, #tpu.memory_space<vmem>>
        tpu.wait_dma2 semaphore(%arg16 : memref<!tpu.dma_semaphore, #tpu.memory_space<semaphore_mem>>) src(%dma_wait3A_1119 : memref<2x8x128xf32, #tpu.memory_space<vmem>>) dst(%dma_wait3A_1115 : memref<2x8x128xf32, #tpu.memory_space<hbm>>)
        %add3A_1120 = arith.constant 2 : i32
        %add3A_1121 = arith.addi %mul3A_4, %add3A_1120 : i32
        %dma_wait3A_1122 = arith.constant 5 : i32
        %dma_wait3A_1123 = arith.constant 0 : i32
        %dma_wait3A_1124 = arith.constant 40 : i32
        %dma_wait3A_1125 = arith.constant 0 : i32
        %dma_wait3A_1126 = tpu.memref_slice %arg10[%dma_wait3A_1123, %dma_wait3A_1124, %dma_wait3A_1125] : memref<2x64x129xf32, #tpu.memory_space<vmem>> -> memref<2x8x128xf32, #tpu.memory_space<vmem>>
        %dma_wait3A_1127 = arith.constant 0 : i32
        %dma_wait3A_1128 = arith.constant 0 : i32
        %dma_wait3A_1129 = tpu.memref_slice %arg4[%sub3A_1024, %dma_wait3A_1122, %add3A_1121, %dma_wait3A_1127, %dma_wait3A_1128] : memref<50x8x128x8x128xf32, #tpu.memory_space<hbm>> -> memref<1x1x2x8x128xf32, #tpu.memory_space<hbm>>
        %dma_wait3A_1130 = tpu.memref_squeeze %dma_wait3A_1129 : memref<1x1x2x8x128xf32, #tpu.memory_space<hbm>> -> memref<2x8x128xf32, #tpu.memory_space<hbm>>
        %dma_wait3A_1131 = arith.constant 0 : i32
        %dma_wait3A_1132 = arith.constant 0 : i32
        %dma_wait3A_1133 = tpu.memref_slice %arg4[%sub3A_1024, %dma_wait3A_1122, %add3A_1121, %dma_wait3A_1131, %dma_wait3A_1132] : memref<50x8x128x8x128xf32, #tpu.memory_space<hbm>> -> memref<1x1x2x8x128xf32, #tpu.memory_space<hbm>>
        %dma_wait3A_1134 = tpu.memref_squeeze %dma_wait3A_1133 : memref<1x1x2x8x128xf32, #tpu.memory_space<hbm>> -> memref<2x8x128xf32, #tpu.memory_space<hbm>>
        %dma_wait3A_1135 = arith.constant 0 : i32
        %dma_wait3A_1136 = arith.constant 40 : i32
        %dma_wait3A_1137 = arith.constant 0 : i32
        %dma_wait3A_1138 = tpu.memref_slice %arg10[%dma_wait3A_1135, %dma_wait3A_1136, %dma_wait3A_1137] : memref<2x64x129xf32, #tpu.memory_space<vmem>> -> memref<2x8x128xf32, #tpu.memory_space<vmem>>
        tpu.wait_dma2 semaphore(%arg16 : memref<!tpu.dma_semaphore, #tpu.memory_space<semaphore_mem>>) src(%dma_wait3A_1138 : memref<2x8x128xf32, #tpu.memory_space<vmem>>) dst(%dma_wait3A_1134 : memref<2x8x128xf32, #tpu.memory_space<hbm>>)
        %add3A_1139 = arith.constant 2 : i32
        %add3A_1140 = arith.addi %mul3A_4, %add3A_1139 : i32
        %dma_wait3A_1141 = arith.constant 6 : i32
        %dma_wait3A_1142 = arith.constant 0 : i32
        %dma_wait3A_1143 = arith.constant 48 : i32
        %dma_wait3A_1144 = arith.constant 0 : i32
        %dma_wait3A_1145 = tpu.memref_slice %arg10[%dma_wait3A_1142, %dma_wait3A_1143, %dma_wait3A_1144] : memref<2x64x129xf32, #tpu.memory_space<vmem>> -> memref<2x8x128xf32, #tpu.memory_space<vmem>>
        %dma_wait3A_1146 = arith.constant 0 : i32
        %dma_wait3A_1147 = arith.constant 0 : i32
        %dma_wait3A_1148 = tpu.memref_slice %arg4[%sub3A_1024, %dma_wait3A_1141, %add3A_1140, %dma_wait3A_1146, %dma_wait3A_1147] : memref<50x8x128x8x128xf32, #tpu.memory_space<hbm>> -> memref<1x1x2x8x128xf32, #tpu.memory_space<hbm>>
        %dma_wait3A_1149 = tpu.memref_squeeze %dma_wait3A_1148 : memref<1x1x2x8x128xf32, #tpu.memory_space<hbm>> -> memref<2x8x128xf32, #tpu.memory_space<hbm>>
        %dma_wait3A_1150 = arith.constant 0 : i32
        %dma_wait3A_1151 = arith.constant 0 : i32
        %dma_wait3A_1152 = tpu.memref_slice %arg4[%sub3A_1024, %dma_wait3A_1141, %add3A_1140, %dma_wait3A_1150, %dma_wait3A_1151] : memref<50x8x128x8x128xf32, #tpu.memory_space<hbm>> -> memref<1x1x2x8x128xf32, #tpu.memory_space<hbm>>
        %dma_wait3A_1153 = tpu.memref_squeeze %dma_wait3A_1152 : memref<1x1x2x8x128xf32, #tpu.memory_space<hbm>> -> memref<2x8x128xf32, #tpu.memory_space<hbm>>
        %dma_wait3A_1154 = arith.constant 0 : i32
        %dma_wait3A_1155 = arith.constant 48 : i32
        %dma_wait3A_1156 = arith.constant 0 : i32
        %dma_wait3A_1157 = tpu.memref_slice %arg10[%dma_wait3A_1154, %dma_wait3A_1155, %dma_wait3A_1156] : memref<2x64x129xf32, #tpu.memory_space<vmem>> -> memref<2x8x128xf32, #tpu.memory_space<vmem>>
        tpu.wait_dma2 semaphore(%arg16 : memref<!tpu.dma_semaphore, #tpu.memory_space<semaphore_mem>>) src(%dma_wait3A_1157 : memref<2x8x128xf32, #tpu.memory_space<vmem>>) dst(%dma_wait3A_1153 : memref<2x8x128xf32, #tpu.memory_space<hbm>>)
        %add3A_1158 = arith.constant 2 : i32
        %add3A_1159 = arith.addi %mul3A_4, %add3A_1158 : i32
        %dma_wait3A_1160 = arith.constant 7 : i32
        %dma_wait3A_1161 = arith.constant 0 : i32
        %dma_wait3A_1162 = arith.constant 56 : i32
        %dma_wait3A_1163 = arith.constant 0 : i32
        %dma_wait3A_1164 = tpu.memref_slice %arg10[%dma_wait3A_1161, %dma_wait3A_1162, %dma_wait3A_1163] : memref<2x64x129xf32, #tpu.memory_space<vmem>> -> memref<2x8x128xf32, #tpu.memory_space<vmem>>
        %dma_wait3A_1165 = arith.constant 0 : i32
        %dma_wait3A_1166 = arith.constant 0 : i32
        %dma_wait3A_1167 = tpu.memref_slice %arg4[%sub3A_1024, %dma_wait3A_1160, %add3A_1159, %dma_wait3A_1165, %dma_wait3A_1166] : memref<50x8x128x8x128xf32, #tpu.memory_space<hbm>> -> memref<1x1x2x8x128xf32, #tpu.memory_space<hbm>>
        %dma_wait3A_1168 = tpu.memref_squeeze %dma_wait3A_1167 : memref<1x1x2x8x128xf32, #tpu.memory_space<hbm>> -> memref<2x8x128xf32, #tpu.memory_space<hbm>>
        %dma_wait3A_1169 = arith.constant 0 : i32
        %dma_wait3A_1170 = arith.constant 0 : i32
        %dma_wait3A_1171 = tpu.memref_slice %arg4[%sub3A_1024, %dma_wait3A_1160, %add3A_1159, %dma_wait3A_1169, %dma_wait3A_1170] : memref<50x8x128x8x128xf32, #tpu.memory_space<hbm>> -> memref<1x1x2x8x128xf32, #tpu.memory_space<hbm>>
        %dma_wait3A_1172 = tpu.memref_squeeze %dma_wait3A_1171 : memref<1x1x2x8x128xf32, #tpu.memory_space<hbm>> -> memref<2x8x128xf32, #tpu.memory_space<hbm>>
        %dma_wait3A_1173 = arith.constant 0 : i32
        %dma_wait3A_1174 = arith.constant 56 : i32
        %dma_wait3A_1175 = arith.constant 0 : i32
        %dma_wait3A_1176 = tpu.memref_slice %arg10[%dma_wait3A_1173, %dma_wait3A_1174, %dma_wait3A_1175] : memref<2x64x129xf32, #tpu.memory_space<vmem>> -> memref<2x8x128xf32, #tpu.memory_space<vmem>>
        tpu.wait_dma2 semaphore(%arg16 : memref<!tpu.dma_semaphore, #tpu.memory_space<semaphore_mem>>) src(%dma_wait3A_1176 : memref<2x8x128xf32, #tpu.memory_space<vmem>>) dst(%dma_wait3A_1172 : memref<2x8x128xf32, #tpu.memory_space<hbm>>)
      } else {
      }
      %parallel_loop3A_528 = arith.constant 0 : i32
      %parallel_loop3A_529 = arith.constant 128 : i32
      %parallel_loop3A_530 = arith.constant 1 : i32
      scf.for %parallel_loop3A_1024 = %parallel_loop3A_528 to %parallel_loop3A_529 step %parallel_loop3A_530  : i32 {
        %parallel_loop3A_1025 = arith.constant 0 : i32
        %parallel_loop3A_1026 = vector.broadcast %parallel_loop3A_1025 : i32 to vector<16xi32>
        %parallel_loop3A_1027 = vector.broadcast %parallel_loop3A_1024 : i32 to vector<16xi32>
        %parallel_loop3A_1028 = arith.addi %parallel_loop3A_1026, %parallel_loop3A_1027 : vector<16xi32>
        %parallel_loop3A_1029 = arith.constant 256 : i32
        %parallel_loop3A_1030 = arith.addi %parallel_loop3A_1029, %parallel_loop3A_1024 : i32
        %parallel_loop3A_1031 = arith.constant 0 : i32
        %parallel_loop3A_1032 = vector.broadcast %parallel_loop3A_1031 : i32 to vector<16xi32>
        %parallel_loop3A_1033 = arith.index_cast %parallel_loop3A_1030 : i32 to index
        %parallel_loop3A_1034 = arith.constant 0 : index
        %parallel_loop3A_1035 = tpu.vector_load %arg7[%parallel_loop3A_1033, %parallel_loop3A_1034] {strides = array<i32>} : memref<512x64xf32, #tpu.memory_space<vmem>>, vector<16xf32>,
        %parallel_loop3A_1036 = arith.constant 0 : i32
        %parallel_loop3A_1037 = vector.broadcast %parallel_loop3A_1036 : i32 to vector<16xi32>
        %parallel_loop3A_1038 = arith.addi %parallel_loop3A_1037, %iota3A : vector<16xi32>
        tpu.vector_store_idx %arg10[%parallel_loop3A_1032, %parallel_loop3A_1038, %parallel_loop3A_1028], %parallel_loop3A_1035 : memref<2x64x129xf32, #tpu.memory_space<vmem>>[vector<16xi32>, vector<16xi32>, vector<16xi32>], vector<16xf32>,
        %parallel_loop3A_1039 = arith.index_cast %parallel_loop3A_1030 : i32 to index
        %parallel_loop3A_1040 = arith.constant 16 : index
        %parallel_loop3A_1041 = tpu.vector_load %arg7[%parallel_loop3A_1039, %parallel_loop3A_1040] {strides = array<i32>} : memref<512x64xf32, #tpu.memory_space<vmem>>, vector<16xf32>,
        %parallel_loop3A_1042 = arith.constant 16 : i32
        %parallel_loop3A_1043 = vector.broadcast %parallel_loop3A_1042 : i32 to vector<16xi32>
        %parallel_loop3A_1044 = arith.addi %parallel_loop3A_1043, %iota3A : vector<16xi32>
        tpu.vector_store_idx %arg10[%parallel_loop3A_1032, %parallel_loop3A_1044, %parallel_loop3A_1028], %parallel_loop3A_1041 : memref<2x64x129xf32, #tpu.memory_space<vmem>>[vector<16xi32>, vector<16xi32>, vector<16xi32>], vector<16xf32>,
        %parallel_loop3A_1045 = arith.index_cast %parallel_loop3A_1030 : i32 to index
        %parallel_loop3A_1046 = arith.constant 32 : index
        %parallel_loop3A_1047 = tpu.vector_load %arg7[%parallel_loop3A_1045, %parallel_loop3A_1046] {strides = array<i32>} : memref<512x64xf32, #tpu.memory_space<vmem>>, vector<16xf32>,
        %parallel_loop3A_1048 = arith.constant 32 : i32
        %parallel_loop3A_1049 = vector.broadcast %parallel_loop3A_1048 : i32 to vector<16xi32>
        %parallel_loop3A_1050 = arith.addi %parallel_loop3A_1049, %iota3A : vector<16xi32>
        tpu.vector_store_idx %arg10[%parallel_loop3A_1032, %parallel_loop3A_1050, %parallel_loop3A_1028], %parallel_loop3A_1047 : memref<2x64x129xf32, #tpu.memory_space<vmem>>[vector<16xi32>, vector<16xi32>, vector<16xi32>], vector<16xf32>,
        %parallel_loop3A_1051 = arith.index_cast %parallel_loop3A_1030 : i32 to index
        %parallel_loop3A_1052 = arith.constant 48 : index
        %parallel_loop3A_1053 = tpu.vector_load %arg7[%parallel_loop3A_1051, %parallel_loop3A_1052] {strides = array<i32>} : memref<512x64xf32, #tpu.memory_space<vmem>>, vector<16xf32>,
        %parallel_loop3A_1054 = arith.constant 48 : i32
        %parallel_loop3A_1055 = vector.broadcast %parallel_loop3A_1054 : i32 to vector<16xi32>
        %parallel_loop3A_1056 = arith.addi %parallel_loop3A_1055, %iota3A : vector<16xi32>
        tpu.vector_store_idx %arg10[%parallel_loop3A_1032, %parallel_loop3A_1056, %parallel_loop3A_1028], %parallel_loop3A_1053 : memref<2x64x129xf32, #tpu.memory_space<vmem>>[vector<16xi32>, vector<16xi32>, vector<16xi32>], vector<16xf32>,
        %parallel_loop3A_1057 = arith.constant 384 : i32
        %parallel_loop3A_1058 = arith.addi %parallel_loop3A_1057, %parallel_loop3A_1024 : i32
        %parallel_loop3A_1059 = arith.constant 1 : i32
        %parallel_loop3A_1060 = vector.broadcast %parallel_loop3A_1059 : i32 to vector<16xi32>
        %parallel_loop3A_1061 = arith.index_cast %parallel_loop3A_1058 : i32 to index
        %parallel_loop3A_1062 = arith.constant 0 : index
        %parallel_loop3A_1063 = tpu.vector_load %arg7[%parallel_loop3A_1061, %parallel_loop3A_1062] {strides = array<i32>} : memref<512x64xf32, #tpu.memory_space<vmem>>, vector<16xf32>,
        %parallel_loop3A_1064 = arith.constant 0 : i32
        %parallel_loop3A_1065 = vector.broadcast %parallel_loop3A_1064 : i32 to vector<16xi32>
        %parallel_loop3A_1066 = arith.addi %parallel_loop3A_1065, %iota3A : vector<16xi32>
        tpu.vector_store_idx %arg10[%parallel_loop3A_1060, %parallel_loop3A_1066, %parallel_loop3A_1028], %parallel_loop3A_1063 : memref<2x64x129xf32, #tpu.memory_space<vmem>>[vector<16xi32>, vector<16xi32>, vector<16xi32>], vector<16xf32>,
        %parallel_loop3A_1067 = arith.index_cast %parallel_loop3A_1058 : i32 to index
        %parallel_loop3A_1068 = arith.constant 16 : index
        %parallel_loop3A_1069 = tpu.vector_load %arg7[%parallel_loop3A_1067, %parallel_loop3A_1068] {strides = array<i32>} : memref<512x64xf32, #tpu.memory_space<vmem>>, vector<16xf32>,
        %parallel_loop3A_1070 = arith.constant 16 : i32
        %parallel_loop3A_1071 = vector.broadcast %parallel_loop3A_1070 : i32 to vector<16xi32>
        %parallel_loop3A_1072 = arith.addi %parallel_loop3A_1071, %iota3A : vector<16xi32>
        tpu.vector_store_idx %arg10[%parallel_loop3A_1060, %parallel_loop3A_1072, %parallel_loop3A_1028], %parallel_loop3A_1069 : memref<2x64x129xf32, #tpu.memory_space<vmem>>[vector<16xi32>, vector<16xi32>, vector<16xi32>], vector<16xf32>,
        %parallel_loop3A_1073 = arith.index_cast %parallel_loop3A_1058 : i32 to index
        %parallel_loop3A_1074 = arith.constant 32 : index
        %parallel_loop3A_1075 = tpu.vector_load %arg7[%parallel_loop3A_1073, %parallel_loop3A_1074] {strides = array<i32>} : memref<512x64xf32, #tpu.memory_space<vmem>>, vector<16xf32>,
        %parallel_loop3A_1076 = arith.constant 32 : i32
        %parallel_loop3A_1077 = vector.broadcast %parallel_loop3A_1076 : i32 to vector<16xi32>
        %parallel_loop3A_1078 = arith.addi %parallel_loop3A_1077, %iota3A : vector<16xi32>
        tpu.vector_store_idx %arg10[%parallel_loop3A_1060, %parallel_loop3A_1078, %parallel_loop3A_1028], %parallel_loop3A_1075 : memref<2x64x129xf32, #tpu.memory_space<vmem>>[vector<16xi32>, vector<16xi32>, vector<16xi32>], vector<16xf32>,
        %parallel_loop3A_1079 = arith.index_cast %parallel_loop3A_1058 : i32 to index
        %parallel_loop3A_1080 = arith.constant 48 : index
        %parallel_loop3A_1081 = tpu.vector_load %arg7[%parallel_loop3A_1079, %parallel_loop3A_1080] {strides = array<i32>} : memref<512x64xf32, #tpu.memory_space<vmem>>, vector<16xf32>,
        %parallel_loop3A_1082 = arith.constant 48 : i32
        %parallel_loop3A_1083 = vector.broadcast %parallel_loop3A_1082 : i32 to vector<16xi32>
        %parallel_loop3A_1084 = arith.addi %parallel_loop3A_1083, %iota3A : vector<16xi32>
        tpu.vector_store_idx %arg10[%parallel_loop3A_1060, %parallel_loop3A_1084, %parallel_loop3A_1028], %parallel_loop3A_1081 : memref<2x64x129xf32, #tpu.memory_space<vmem>>[vector<16xi32>, vector<16xi32>, vector<16xi32>], vector<16xf32>,
      } {sc.loop_unroll_factor = 4 : i64, sc.parallel_access}
      %add3A_531 = arith.constant 2 : i32
      %add3A_532 = arith.addi %mul3A_4, %add3A_531 : i32
      %dma_start3A_533 = arith.constant 0 : i32
      %dma_start3A_534 = arith.constant 0 : i32
      %dma_start3A_535 = arith.constant 0 : i32
      %dma_start3A_536 = arith.constant 0 : i32
      %dma_start3A_537 = tpu.memref_slice %arg10[%dma_start3A_534, %dma_start3A_535, %dma_start3A_536] : memref<2x64x129xf32, #tpu.memory_space<vmem>> -> memref<2x8x128xf32, #tpu.memory_space<vmem>>
      %dma_start3A_538 = arith.constant 0 : i32
      %dma_start3A_539 = arith.constant 0 : i32
      %dma_start3A_540 = tpu.memref_slice %arg4[%add3A_350, %dma_start3A_533, %add3A_532, %dma_start3A_538, %dma_start3A_539] : memref<50x8x128x8x128xf32, #tpu.memory_space<hbm>> -> memref<1x1x2x8x128xf32, #tpu.memory_space<hbm>>
      %dma_start3A_541 = tpu.memref_squeeze %dma_start3A_540 : memref<1x1x2x8x128xf32, #tpu.memory_space<hbm>> -> memref<2x8x128xf32, #tpu.memory_space<hbm>>
      %dma_start3A_542 = arith.constant 0 : i32
      %dma_start3A_543 = arith.constant 0 : i32
      %dma_start3A_544 = tpu.memref_slice %arg4[%add3A_350, %dma_start3A_533, %add3A_532, %dma_start3A_542, %dma_start3A_543] : memref<50x8x128x8x128xf32, #tpu.memory_space<hbm>> -> memref<1x1x2x8x128xf32, #tpu.memory_space<hbm>>
      %dma_start3A_545 = tpu.memref_squeeze %dma_start3A_544 : memref<1x1x2x8x128xf32, #tpu.memory_space<hbm>> -> memref<2x8x128xf32, #tpu.memory_space<hbm>>
      %dma_start3A_546 = arith.constant 0 : i32
      %dma_start3A_547 = arith.constant 0 : i32
      %dma_start3A_548 = arith.constant 0 : i32
      %dma_start3A_549 = tpu.memref_slice %arg10[%dma_start3A_546, %dma_start3A_547, %dma_start3A_548] : memref<2x64x129xf32, #tpu.memory_space<vmem>> -> memref<2x8x128xf32, #tpu.memory_space<vmem>>
      tpu.enqueue_dma source(%dma_start3A_549 : memref<2x8x128xf32, #tpu.memory_space<vmem>>) target(%dma_start3A_545 : memref<2x8x128xf32, #tpu.memory_space<hbm>>) target_semaphore(%arg16 : memref<!tpu.dma_semaphore, #tpu.memory_space<semaphore_mem>>)
      %add3A_550 = arith.constant 2 : i32
      %add3A_551 = arith.addi %mul3A_4, %add3A_550 : i32
      %dma_start3A_552 = arith.constant 1 : i32
      %dma_start3A_553 = arith.constant 0 : i32
      %dma_start3A_554 = arith.constant 8 : i32
      %dma_start3A_555 = arith.constant 0 : i32
      %dma_start3A_556 = tpu.memref_slice %arg10[%dma_start3A_553, %dma_start3A_554, %dma_start3A_555] : memref<2x64x129xf32, #tpu.memory_space<vmem>> -> memref<2x8x128xf32, #tpu.memory_space<vmem>>
      %dma_start3A_557 = arith.constant 0 : i32
      %dma_start3A_558 = arith.constant 0 : i32
      %dma_start3A_559 = tpu.memref_slice %arg4[%add3A_350, %dma_start3A_552, %add3A_551, %dma_start3A_557, %dma_start3A_558] : memref<50x8x128x8x128xf32, #tpu.memory_space<hbm>> -> memref<1x1x2x8x128xf32, #tpu.memory_space<hbm>>
      %dma_start3A_560 = tpu.memref_squeeze %dma_start3A_559 : memref<1x1x2x8x128xf32, #tpu.memory_space<hbm>> -> memref<2x8x128xf32, #tpu.memory_space<hbm>>
      %dma_start3A_561 = arith.constant 0 : i32
      %dma_start3A_562 = arith.constant 0 : i32
      %dma_start3A_563 = tpu.memref_slice %arg4[%add3A_350, %dma_start3A_552, %add3A_551, %dma_start3A_561, %dma_start3A_562] : memref<50x8x128x8x128xf32, #tpu.memory_space<hbm>> -> memref<1x1x2x8x128xf32, #tpu.memory_space<hbm>>
      %dma_start3A_564 = tpu.memref_squeeze %dma_start3A_563 : memref<1x1x2x8x128xf32, #tpu.memory_space<hbm>> -> memref<2x8x128xf32, #tpu.memory_space<hbm>>
      %dma_start3A_565 = arith.constant 0 : i32
      %dma_start3A_566 = arith.constant 8 : i32
      %dma_start3A_567 = arith.constant 0 : i32
      %dma_start3A_568 = tpu.memref_slice %arg10[%dma_start3A_565, %dma_start3A_566, %dma_start3A_567] : memref<2x64x129xf32, #tpu.memory_space<vmem>> -> memref<2x8x128xf32, #tpu.memory_space<vmem>>
      tpu.enqueue_dma source(%dma_start3A_568 : memref<2x8x128xf32, #tpu.memory_space<vmem>>) target(%dma_start3A_564 : memref<2x8x128xf32, #tpu.memory_space<hbm>>) target_semaphore(%arg16 : memref<!tpu.dma_semaphore, #tpu.memory_space<semaphore_mem>>)
      %add3A_569 = arith.constant 2 : i32
      %add3A_570 = arith.addi %mul3A_4, %add3A_569 : i32
      %dma_start3A_571 = arith.constant 2 : i32
      %dma_start3A_572 = arith.constant 0 : i32
      %dma_start3A_573 = arith.constant 16 : i32
      %dma_start3A_574 = arith.constant 0 : i32
      %dma_start3A_575 = tpu.memref_slice %arg10[%dma_start3A_572, %dma_start3A_573, %dma_start3A_574] : memref<2x64x129xf32, #tpu.memory_space<vmem>> -> memref<2x8x128xf32, #tpu.memory_space<vmem>>
      %dma_start3A_576 = arith.constant 0 : i32
      %dma_start3A_577 = arith.constant 0 : i32
      %dma_start3A_578 = tpu.memref_slice %arg4[%add3A_350, %dma_start3A_571, %add3A_570, %dma_start3A_576, %dma_start3A_577] : memref<50x8x128x8x128xf32, #tpu.memory_space<hbm>> -> memref<1x1x2x8x128xf32, #tpu.memory_space<hbm>>
      %dma_start3A_579 = tpu.memref_squeeze %dma_start3A_578 : memref<1x1x2x8x128xf32, #tpu.memory_space<hbm>> -> memref<2x8x128xf32, #tpu.memory_space<hbm>>
      %dma_start3A_580 = arith.constant 0 : i32
      %dma_start3A_581 = arith.constant 0 : i32
      %dma_start3A_582 = tpu.memref_slice %arg4[%add3A_350, %dma_start3A_571, %add3A_570, %dma_start3A_580, %dma_start3A_581] : memref<50x8x128x8x128xf32, #tpu.memory_space<hbm>> -> memref<1x1x2x8x128xf32, #tpu.memory_space<hbm>>
      %dma_start3A_583 = tpu.memref_squeeze %dma_start3A_582 : memref<1x1x2x8x128xf32, #tpu.memory_space<hbm>> -> memref<2x8x128xf32, #tpu.memory_space<hbm>>
      %dma_start3A_584 = arith.constant 0 : i32
      %dma_start3A_585 = arith.constant 16 : i32
      %dma_start3A_586 = arith.constant 0 : i32
      %dma_start3A_587 = tpu.memref_slice %arg10[%dma_start3A_584, %dma_start3A_585, %dma_start3A_586] : memref<2x64x129xf32, #tpu.memory_space<vmem>> -> memref<2x8x128xf32, #tpu.memory_space<vmem>>
      tpu.enqueue_dma source(%dma_start3A_587 : memref<2x8x128xf32, #tpu.memory_space<vmem>>) target(%dma_start3A_583 : memref<2x8x128xf32, #tpu.memory_space<hbm>>) target_semaphore(%arg16 : memref<!tpu.dma_semaphore, #tpu.memory_space<semaphore_mem>>)
      %add3A_588 = arith.constant 2 : i32
      %add3A_589 = arith.addi %mul3A_4, %add3A_588 : i32
      %dma_start3A_590 = arith.constant 3 : i32
      %dma_start3A_591 = arith.constant 0 : i32
      %dma_start3A_592 = arith.constant 24 : i32
      %dma_start3A_593 = arith.constant 0 : i32
      %dma_start3A_594 = tpu.memref_slice %arg10[%dma_start3A_591, %dma_start3A_592, %dma_start3A_593] : memref<2x64x129xf32, #tpu.memory_space<vmem>> -> memref<2x8x128xf32, #tpu.memory_space<vmem>>
      %dma_start3A_595 = arith.constant 0 : i32
      %dma_start3A_596 = arith.constant 0 : i32
      %dma_start3A_597 = tpu.memref_slice %arg4[%add3A_350, %dma_start3A_590, %add3A_589, %dma_start3A_595, %dma_start3A_596] : memref<50x8x128x8x128xf32, #tpu.memory_space<hbm>> -> memref<1x1x2x8x128xf32, #tpu.memory_space<hbm>>
      %dma_start3A_598 = tpu.memref_squeeze %dma_start3A_597 : memref<1x1x2x8x128xf32, #tpu.memory_space<hbm>> -> memref<2x8x128xf32, #tpu.memory_space<hbm>>
      %dma_start3A_599 = arith.constant 0 : i32
      %dma_start3A_600 = arith.constant 0 : i32
      %dma_start3A_601 = tpu.memref_slice %arg4[%add3A_350, %dma_start3A_590, %add3A_589, %dma_start3A_599, %dma_start3A_600] : memref<50x8x128x8x128xf32, #tpu.memory_space<hbm>> -> memref<1x1x2x8x128xf32, #tpu.memory_space<hbm>>
      %dma_start3A_602 = tpu.memref_squeeze %dma_start3A_601 : memref<1x1x2x8x128xf32, #tpu.memory_space<hbm>> -> memref<2x8x128xf32, #tpu.memory_space<hbm>>
      %dma_start3A_603 = arith.constant 0 : i32
      %dma_start3A_604 = arith.constant 24 : i32
      %dma_start3A_605 = arith.constant 0 : i32
      %dma_start3A_606 = tpu.memref_slice %arg10[%dma_start3A_603, %dma_start3A_604, %dma_start3A_605] : memref<2x64x129xf32, #tpu.memory_space<vmem>> -> memref<2x8x128xf32, #tpu.memory_space<vmem>>
      tpu.enqueue_dma source(%dma_start3A_606 : memref<2x8x128xf32, #tpu.memory_space<vmem>>) target(%dma_start3A_602 : memref<2x8x128xf32, #tpu.memory_space<hbm>>) target_semaphore(%arg16 : memref<!tpu.dma_semaphore, #tpu.memory_space<semaphore_mem>>)
      %add3A_607 = arith.constant 2 : i32
      %add3A_608 = arith.addi %mul3A_4, %add3A_607 : i32
      %dma_start3A_609 = arith.constant 4 : i32
      %dma_start3A_610 = arith.constant 0 : i32
      %dma_start3A_611 = arith.constant 32 : i32
      %dma_start3A_612 = arith.constant 0 : i32
      %dma_start3A_613 = tpu.memref_slice %arg10[%dma_start3A_610, %dma_start3A_611, %dma_start3A_612] : memref<2x64x129xf32, #tpu.memory_space<vmem>> -> memref<2x8x128xf32, #tpu.memory_space<vmem>>
      %dma_start3A_614 = arith.constant 0 : i32
      %dma_start3A_615 = arith.constant 0 : i32
      %dma_start3A_616 = tpu.memref_slice %arg4[%add3A_350, %dma_start3A_609, %add3A_608, %dma_start3A_614, %dma_start3A_615] : memref<50x8x128x8x128xf32, #tpu.memory_space<hbm>> -> memref<1x1x2x8x128xf32, #tpu.memory_space<hbm>>
      %dma_start3A_617 = tpu.memref_squeeze %dma_start3A_616 : memref<1x1x2x8x128xf32, #tpu.memory_space<hbm>> -> memref<2x8x128xf32, #tpu.memory_space<hbm>>
      %dma_start3A_618 = arith.constant 0 : i32
      %dma_start3A_619 = arith.constant 0 : i32
      %dma_start3A_620 = tpu.memref_slice %arg4[%add3A_350, %dma_start3A_609, %add3A_608, %dma_start3A_618, %dma_start3A_619] : memref<50x8x128x8x128xf32, #tpu.memory_space<hbm>> -> memref<1x1x2x8x128xf32, #tpu.memory_space<hbm>>
      %dma_start3A_621 = tpu.memref_squeeze %dma_start3A_620 : memref<1x1x2x8x128xf32, #tpu.memory_space<hbm>> -> memref<2x8x128xf32, #tpu.memory_space<hbm>>
      %dma_start3A_622 = arith.constant 0 : i32
      %dma_start3A_623 = arith.constant 32 : i32
      %dma_start3A_624 = arith.constant 0 : i32
      %dma_start3A_625 = tpu.memref_slice %arg10[%dma_start3A_622, %dma_start3A_623, %dma_start3A_624] : memref<2x64x129xf32, #tpu.memory_space<vmem>> -> memref<2x8x128xf32, #tpu.memory_space<vmem>>
      tpu.enqueue_dma source(%dma_start3A_625 : memref<2x8x128xf32, #tpu.memory_space<vmem>>) target(%dma_start3A_621 : memref<2x8x128xf32, #tpu.memory_space<hbm>>) target_semaphore(%arg16 : memref<!tpu.dma_semaphore, #tpu.memory_space<semaphore_mem>>)
      %add3A_626 = arith.constant 2 : i32
      %add3A_627 = arith.addi %mul3A_4, %add3A_626 : i32
      %dma_start3A_628 = arith.constant 5 : i32
      %dma_start3A_629 = arith.constant 0 : i32
      %dma_start3A_630 = arith.constant 40 : i32
      %dma_start3A_631 = arith.constant 0 : i32
      %dma_start3A_632 = tpu.memref_slice %arg10[%dma_start3A_629, %dma_start3A_630, %dma_start3A_631] : memref<2x64x129xf32, #tpu.memory_space<vmem>> -> memref<2x8x128xf32, #tpu.memory_space<vmem>>
      %dma_start3A_633 = arith.constant 0 : i32
      %dma_start3A_634 = arith.constant 0 : i32
      %dma_start3A_635 = tpu.memref_slice %arg4[%add3A_350, %dma_start3A_628, %add3A_627, %dma_start3A_633, %dma_start3A_634] : memref<50x8x128x8x128xf32, #tpu.memory_space<hbm>> -> memref<1x1x2x8x128xf32, #tpu.memory_space<hbm>>
      %dma_start3A_636 = tpu.memref_squeeze %dma_start3A_635 : memref<1x1x2x8x128xf32, #tpu.memory_space<hbm>> -> memref<2x8x128xf32, #tpu.memory_space<hbm>>
      %dma_start3A_637 = arith.constant 0 : i32
      %dma_start3A_638 = arith.constant 0 : i32
      %dma_start3A_639 = tpu.memref_slice %arg4[%add3A_350, %dma_start3A_628, %add3A_627, %dma_start3A_637, %dma_start3A_638] : memref<50x8x128x8x128xf32, #tpu.memory_space<hbm>> -> memref<1x1x2x8x128xf32, #tpu.memory_space<hbm>>
      %dma_start3A_640 = tpu.memref_squeeze %dma_start3A_639 : memref<1x1x2x8x128xf32, #tpu.memory_space<hbm>> -> memref<2x8x128xf32, #tpu.memory_space<hbm>>
      %dma_start3A_641 = arith.constant 0 : i32
      %dma_start3A_642 = arith.constant 40 : i32
      %dma_start3A_643 = arith.constant 0 : i32
      %dma_start3A_644 = tpu.memref_slice %arg10[%dma_start3A_641, %dma_start3A_642, %dma_start3A_643] : memref<2x64x129xf32, #tpu.memory_space<vmem>> -> memref<2x8x128xf32, #tpu.memory_space<vmem>>
      tpu.enqueue_dma source(%dma_start3A_644 : memref<2x8x128xf32, #tpu.memory_space<vmem>>) target(%dma_start3A_640 : memref<2x8x128xf32, #tpu.memory_space<hbm>>) target_semaphore(%arg16 : memref<!tpu.dma_semaphore, #tpu.memory_space<semaphore_mem>>)
      %add3A_645 = arith.constant 2 : i32
      %add3A_646 = arith.addi %mul3A_4, %add3A_645 : i32
      %dma_start3A_647 = arith.constant 6 : i32
      %dma_start3A_648 = arith.constant 0 : i32
      %dma_start3A_649 = arith.constant 48 : i32
      %dma_start3A_650 = arith.constant 0 : i32
      %dma_start3A_651 = tpu.memref_slice %arg10[%dma_start3A_648, %dma_start3A_649, %dma_start3A_650] : memref<2x64x129xf32, #tpu.memory_space<vmem>> -> memref<2x8x128xf32, #tpu.memory_space<vmem>>
      %dma_start3A_652 = arith.constant 0 : i32
      %dma_start3A_653 = arith.constant 0 : i32
      %dma_start3A_654 = tpu.memref_slice %arg4[%add3A_350, %dma_start3A_647, %add3A_646, %dma_start3A_652, %dma_start3A_653] : memref<50x8x128x8x128xf32, #tpu.memory_space<hbm>> -> memref<1x1x2x8x128xf32, #tpu.memory_space<hbm>>
      %dma_start3A_655 = tpu.memref_squeeze %dma_start3A_654 : memref<1x1x2x8x128xf32, #tpu.memory_space<hbm>> -> memref<2x8x128xf32, #tpu.memory_space<hbm>>
      %dma_start3A_656 = arith.constant 0 : i32
      %dma_start3A_657 = arith.constant 0 : i32
      %dma_start3A_658 = tpu.memref_slice %arg4[%add3A_350, %dma_start3A_647, %add3A_646, %dma_start3A_656, %dma_start3A_657] : memref<50x8x128x8x128xf32, #tpu.memory_space<hbm>> -> memref<1x1x2x8x128xf32, #tpu.memory_space<hbm>>
      %dma_start3A_659 = tpu.memref_squeeze %dma_start3A_658 : memref<1x1x2x8x128xf32, #tpu.memory_space<hbm>> -> memref<2x8x128xf32, #tpu.memory_space<hbm>>
      %dma_start3A_660 = arith.constant 0 : i32
      %dma_start3A_661 = arith.constant 48 : i32
      %dma_start3A_662 = arith.constant 0 : i32
      %dma_start3A_663 = tpu.memref_slice %arg10[%dma_start3A_660, %dma_start3A_661, %dma_start3A_662] : memref<2x64x129xf32, #tpu.memory_space<vmem>> -> memref<2x8x128xf32, #tpu.memory_space<vmem>>
      tpu.enqueue_dma source(%dma_start3A_663 : memref<2x8x128xf32, #tpu.memory_space<vmem>>) target(%dma_start3A_659 : memref<2x8x128xf32, #tpu.memory_space<hbm>>) target_semaphore(%arg16 : memref<!tpu.dma_semaphore, #tpu.memory_space<semaphore_mem>>)
      %add3A_664 = arith.constant 2 : i32
      %add3A_665 = arith.addi %mul3A_4, %add3A_664 : i32
      %dma_start3A_666 = arith.constant 7 : i32
      %dma_start3A_667 = arith.constant 0 : i32
      %dma_start3A_668 = arith.constant 56 : i32
      %dma_start3A_669 = arith.constant 0 : i32
      %dma_start3A_670 = tpu.memref_slice %arg10[%dma_start3A_667, %dma_start3A_668, %dma_start3A_669] : memref<2x64x129xf32, #tpu.memory_space<vmem>> -> memref<2x8x128xf32, #tpu.memory_space<vmem>>
      %dma_start3A_671 = arith.constant 0 : i32
      %dma_start3A_672 = arith.constant 0 : i32
      %dma_start3A_673 = tpu.memref_slice %arg4[%add3A_350, %dma_start3A_666, %add3A_665, %dma_start3A_671, %dma_start3A_672] : memref<50x8x128x8x128xf32, #tpu.memory_space<hbm>> -> memref<1x1x2x8x128xf32, #tpu.memory_space<hbm>>
      %dma_start3A_674 = tpu.memref_squeeze %dma_start3A_673 : memref<1x1x2x8x128xf32, #tpu.memory_space<hbm>> -> memref<2x8x128xf32, #tpu.memory_space<hbm>>
      %dma_start3A_675 = arith.constant 0 : i32
      %dma_start3A_676 = arith.constant 0 : i32
      %dma_start3A_677 = tpu.memref_slice %arg4[%add3A_350, %dma_start3A_666, %add3A_665, %dma_start3A_675, %dma_start3A_676] : memref<50x8x128x8x128xf32, #tpu.memory_space<hbm>> -> memref<1x1x2x8x128xf32, #tpu.memory_space<hbm>>
      %dma_start3A_678 = tpu.memref_squeeze %dma_start3A_677 : memref<1x1x2x8x128xf32, #tpu.memory_space<hbm>> -> memref<2x8x128xf32, #tpu.memory_space<hbm>>
      %dma_start3A_679 = arith.constant 0 : i32
      %dma_start3A_680 = arith.constant 56 : i32
      %dma_start3A_681 = arith.constant 0 : i32
      %dma_start3A_682 = tpu.memref_slice %arg10[%dma_start3A_679, %dma_start3A_680, %dma_start3A_681] : memref<2x64x129xf32, #tpu.memory_space<vmem>> -> memref<2x8x128xf32, #tpu.memory_space<vmem>>
      tpu.enqueue_dma source(%dma_start3A_682 : memref<2x8x128xf32, #tpu.memory_space<vmem>>) target(%dma_start3A_678 : memref<2x8x128xf32, #tpu.memory_space<hbm>>) target_semaphore(%arg16 : memref<!tpu.dma_semaphore, #tpu.memory_space<semaphore_mem>>)
      %mul3A_683 = arith.constant 2 : i32
      %mul3A_684 = arith.muli %scan3A_346, %mul3A_683 : i32
      %add3A_685 = arith.constant 1 : i32
      %add3A_686 = arith.addi %mul3A_684, %add3A_685 : i32
      %dma_wait3A_687 = arith.constant 0 : i32
      %dma_wait3A_688 = arith.constant 0 : i32
      %dma_wait3A_689 = tpu.memref_slice %arg2[%dma_wait3A_687, %dma_wait3A_688] : memref<100000x64xf32, #tpu.memory_space<hbm>> -> memref<100000x64xf32, #tpu.memory_space<hbm>>
      tpu.wait_indirect_dma semaphore(%arg14 : memref<!tpu.dma_semaphore, #tpu.memory_space<semaphore_mem>>) src(%dma_wait3A_689 : memref<100000x64xf32, #tpu.memory_space<hbm>>) dst(%arg8 : memref<512x64xf32, #tpu.memory_space<vmem>>)
      %add3A_690 = arith.constant 2 : i32
      %add3A_691 = arith.addi %add3A_686, %add3A_690 : i32
      %lt3A_692 = arith.constant 50 : i32
      %lt3A_693 = arith.cmpi slt, %add3A_691, %lt3A_692 : i32
      %convert_element_type3A_694 = arith.extui %lt3A_693 : i1 to i32
      %cond3A_695 = arith.constant 0 : i32
      %cond3A_696 = arith.cmpi ne, %convert_element_type3A_694, %cond3A_695 : i32
      scf.if %cond3A_696 {
        %add3A_1024 = arith.constant 2 : i32
        %add3A_1025 = arith.addi %add3A_686, %add3A_1024 : i32
        %dma_start3A_1026 = tpu.memref_slice %arg3[%add3A_1025, %mul3A_2] : memref<50x16384xi32, #tpu.memory_space<hbm>> -> memref<1x512xi32, #tpu.memory_space<hbm>>
        %dma_start3A_1027 = tpu.memref_squeeze %dma_start3A_1026 : memref<1x512xi32, #tpu.memory_space<hbm>> -> memref<512xi32, #tpu.memory_space<hbm>>
        %dma_start3A_1028 = tpu.memref_slice %arg3[%add3A_1025, %mul3A_2] : memref<50x16384xi32, #tpu.memory_space<hbm>> -> memref<1x512xi32, #tpu.memory_space<hbm>>
        %dma_start3A_1029 = tpu.memref_squeeze %dma_start3A_1028 : memref<1x512xi32, #tpu.memory_space<hbm>> -> memref<512xi32, #tpu.memory_space<hbm>>
        tpu.enqueue_dma source(%dma_start3A_1029 : memref<512xi32, #tpu.memory_space<hbm>>) target(%arg6 : memref<512xi32, #tpu.memory_space<vmem>>) target_semaphore(%arg12 : memref<!tpu.dma_semaphore, #tpu.memory_space<semaphore_mem>>)
      } else {
      }
      %add3A_697 = arith.constant 1 : i32
      %add3A_698 = arith.addi %add3A_686, %add3A_697 : i32
      %lt3A_699 = arith.constant 50 : i32
      %lt3A_700 = arith.cmpi slt, %add3A_698, %lt3A_699 : i32
      %convert_element_type3A_701 = arith.extui %lt3A_700 : i1 to i32
      %cond3A_702 = arith.constant 0 : i32
      %cond3A_703 = arith.cmpi ne, %convert_element_type3A_701, %cond3A_702 : i32
      scf.if %cond3A_703 {
        %add3A_1024 = arith.constant 1 : i32
        %add3A_1025 = arith.addi %add3A_686, %add3A_1024 : i32
        %dma_wait3A_1026 = tpu.memref_slice %arg3[%add3A_1025, %mul3A_2] : memref<50x16384xi32, #tpu.memory_space<hbm>> -> memref<1x512xi32, #tpu.memory_space<hbm>>
        %dma_wait3A_1027 = tpu.memref_squeeze %dma_wait3A_1026 : memref<1x512xi32, #tpu.memory_space<hbm>> -> memref<512xi32, #tpu.memory_space<hbm>>
        %dma_wait3A_1028 = tpu.memref_slice %arg3[%add3A_1025, %mul3A_2] : memref<50x16384xi32, #tpu.memory_space<hbm>> -> memref<1x512xi32, #tpu.memory_space<hbm>>
        %dma_wait3A_1029 = tpu.memref_squeeze %dma_wait3A_1028 : memref<1x512xi32, #tpu.memory_space<hbm>> -> memref<512xi32, #tpu.memory_space<hbm>>
        tpu.wait_dma2 semaphore(%arg11 : memref<!tpu.dma_semaphore, #tpu.memory_space<semaphore_mem>>) src(%dma_wait3A_1029 : memref<512xi32, #tpu.memory_space<hbm>>) dst(%arg5 : memref<512xi32, #tpu.memory_space<vmem>>)
        %dma_start3A_1030 = arith.constant 0 : i32
        %dma_start3A_1031 = arith.constant 0 : i32
        %dma_start3A_1032 = tpu.memref_slice %arg2[%dma_start3A_1030, %dma_start3A_1031] : memref<100000x64xf32, #tpu.memory_space<hbm>> -> memref<100000x64xf32, #tpu.memory_space<hbm>>
        tpu.enqueue_indirect_dma source(%dma_start3A_1032 : memref<100000x64xf32, #tpu.memory_space<hbm>>) target(%arg7 : memref<512x64xf32, #tpu.memory_space<vmem>>) offsets(%arg5 : memref<512xi32, #tpu.memory_space<vmem>>) semaphore(%arg13 : memref<!tpu.dma_semaphore, #tpu.memory_space<semaphore_mem>>)
      } else {
      }
      %ge3A_704 = arith.constant 1 : i32
      %ge3A_705 = arith.cmpi sge, %add3A_686, %ge3A_704 : i32
      %convert_element_type3A_706 = arith.extui %ge3A_705 : i1 to i32
      %cond3A_707 = arith.constant 0 : i32
      %cond3A_708 = arith.cmpi ne, %convert_element_type3A_706, %cond3A_707 : i32
      scf.if %cond3A_708 {
        %sub3A = arith.constant 1 : i32
        %sub3A_1024 = arith.subi %add3A_686, %sub3A : i32
        %add3A_1025 = arith.constant 0 : i32
        %add3A_1026 = arith.addi %mul3A_4, %add3A_1025 : i32
        %dma_wait3A_1027 = arith.constant 0 : i32
        %dma_wait3A_1028 = arith.constant 0 : i32
        %dma_wait3A_1029 = arith.constant 0 : i32
        %dma_wait3A_1030 = arith.constant 0 : i32
        %dma_wait3A_1031 = tpu.memref_slice %arg9[%dma_wait3A_1028, %dma_wait3A_1029, %dma_wait3A_1030] : memref<2x64x129xf32, #tpu.memory_space<vmem>> -> memref<2x8x128xf32, #tpu.memory_space<vmem>>
        %dma_wait3A_1032 = arith.constant 0 : i32
        %dma_wait3A_1033 = arith.constant 0 : i32
        %dma_wait3A_1034 = tpu.memref_slice %arg4[%sub3A_1024, %dma_wait3A_1027, %add3A_1026, %dma_wait3A_1032, %dma_wait3A_1033] : memref<50x8x128x8x128xf32, #tpu.memory_space<hbm>> -> memref<1x1x2x8x128xf32, #tpu.memory_space<hbm>>
        %dma_wait3A_1035 = tpu.memref_squeeze %dma_wait3A_1034 : memref<1x1x2x8x128xf32, #tpu.memory_space<hbm>> -> memref<2x8x128xf32, #tpu.memory_space<hbm>>
        %dma_wait3A_1036 = arith.constant 0 : i32
        %dma_wait3A_1037 = arith.constant 0 : i32
        %dma_wait3A_1038 = tpu.memref_slice %arg4[%sub3A_1024, %dma_wait3A_1027, %add3A_1026, %dma_wait3A_1036, %dma_wait3A_1037] : memref<50x8x128x8x128xf32, #tpu.memory_space<hbm>> -> memref<1x1x2x8x128xf32, #tpu.memory_space<hbm>>
        %dma_wait3A_1039 = tpu.memref_squeeze %dma_wait3A_1038 : memref<1x1x2x8x128xf32, #tpu.memory_space<hbm>> -> memref<2x8x128xf32, #tpu.memory_space<hbm>>
        %dma_wait3A_1040 = arith.constant 0 : i32
        %dma_wait3A_1041 = arith.constant 0 : i32
        %dma_wait3A_1042 = arith.constant 0 : i32
        %dma_wait3A_1043 = tpu.memref_slice %arg9[%dma_wait3A_1040, %dma_wait3A_1041, %dma_wait3A_1042] : memref<2x64x129xf32, #tpu.memory_space<vmem>> -> memref<2x8x128xf32, #tpu.memory_space<vmem>>
        tpu.wait_dma2 semaphore(%arg15 : memref<!tpu.dma_semaphore, #tpu.memory_space<semaphore_mem>>) src(%dma_wait3A_1043 : memref<2x8x128xf32, #tpu.memory_space<vmem>>) dst(%dma_wait3A_1039 : memref<2x8x128xf32, #tpu.memory_space<hbm>>)
        %add3A_1044 = arith.constant 0 : i32
        %add3A_1045 = arith.addi %mul3A_4, %add3A_1044 : i32
        %dma_wait3A_1046 = arith.constant 1 : i32
        %dma_wait3A_1047 = arith.constant 0 : i32
        %dma_wait3A_1048 = arith.constant 8 : i32
        %dma_wait3A_1049 = arith.constant 0 : i32
        %dma_wait3A_1050 = tpu.memref_slice %arg9[%dma_wait3A_1047, %dma_wait3A_1048, %dma_wait3A_1049] : memref<2x64x129xf32, #tpu.memory_space<vmem>> -> memref<2x8x128xf32, #tpu.memory_space<vmem>>
        %dma_wait3A_1051 = arith.constant 0 : i32
        %dma_wait3A_1052 = arith.constant 0 : i32
        %dma_wait3A_1053 = tpu.memref_slice %arg4[%sub3A_1024, %dma_wait3A_1046, %add3A_1045, %dma_wait3A_1051, %dma_wait3A_1052] : memref<50x8x128x8x128xf32, #tpu.memory_space<hbm>> -> memref<1x1x2x8x128xf32, #tpu.memory_space<hbm>>
        %dma_wait3A_1054 = tpu.memref_squeeze %dma_wait3A_1053 : memref<1x1x2x8x128xf32, #tpu.memory_space<hbm>> -> memref<2x8x128xf32, #tpu.memory_space<hbm>>
        %dma_wait3A_1055 = arith.constant 0 : i32
        %dma_wait3A_1056 = arith.constant 0 : i32
        %dma_wait3A_1057 = tpu.memref_slice %arg4[%sub3A_1024, %dma_wait3A_1046, %add3A_1045, %dma_wait3A_1055, %dma_wait3A_1056] : memref<50x8x128x8x128xf32, #tpu.memory_space<hbm>> -> memref<1x1x2x8x128xf32, #tpu.memory_space<hbm>>
        %dma_wait3A_1058 = tpu.memref_squeeze %dma_wait3A_1057 : memref<1x1x2x8x128xf32, #tpu.memory_space<hbm>> -> memref<2x8x128xf32, #tpu.memory_space<hbm>>
        %dma_wait3A_1059 = arith.constant 0 : i32
        %dma_wait3A_1060 = arith.constant 8 : i32
        %dma_wait3A_1061 = arith.constant 0 : i32
        %dma_wait3A_1062 = tpu.memref_slice %arg9[%dma_wait3A_1059, %dma_wait3A_1060, %dma_wait3A_1061] : memref<2x64x129xf32, #tpu.memory_space<vmem>> -> memref<2x8x128xf32, #tpu.memory_space<vmem>>
        tpu.wait_dma2 semaphore(%arg15 : memref<!tpu.dma_semaphore, #tpu.memory_space<semaphore_mem>>) src(%dma_wait3A_1062 : memref<2x8x128xf32, #tpu.memory_space<vmem>>) dst(%dma_wait3A_1058 : memref<2x8x128xf32, #tpu.memory_space<hbm>>)
        %add3A_1063 = arith.constant 0 : i32
        %add3A_1064 = arith.addi %mul3A_4, %add3A_1063 : i32
        %dma_wait3A_1065 = arith.constant 2 : i32
        %dma_wait3A_1066 = arith.constant 0 : i32
        %dma_wait3A_1067 = arith.constant 16 : i32
        %dma_wait3A_1068 = arith.constant 0 : i32
        %dma_wait3A_1069 = tpu.memref_slice %arg9[%dma_wait3A_1066, %dma_wait3A_1067, %dma_wait3A_1068] : memref<2x64x129xf32, #tpu.memory_space<vmem>> -> memref<2x8x128xf32, #tpu.memory_space<vmem>>
        %dma_wait3A_1070 = arith.constant 0 : i32
        %dma_wait3A_1071 = arith.constant 0 : i32
        %dma_wait3A_1072 = tpu.memref_slice %arg4[%sub3A_1024, %dma_wait3A_1065, %add3A_1064, %dma_wait3A_1070, %dma_wait3A_1071] : memref<50x8x128x8x128xf32, #tpu.memory_space<hbm>> -> memref<1x1x2x8x128xf32, #tpu.memory_space<hbm>>
        %dma_wait3A_1073 = tpu.memref_squeeze %dma_wait3A_1072 : memref<1x1x2x8x128xf32, #tpu.memory_space<hbm>> -> memref<2x8x128xf32, #tpu.memory_space<hbm>>
        %dma_wait3A_1074 = arith.constant 0 : i32
        %dma_wait3A_1075 = arith.constant 0 : i32
        %dma_wait3A_1076 = tpu.memref_slice %arg4[%sub3A_1024, %dma_wait3A_1065, %add3A_1064, %dma_wait3A_1074, %dma_wait3A_1075] : memref<50x8x128x8x128xf32, #tpu.memory_space<hbm>> -> memref<1x1x2x8x128xf32, #tpu.memory_space<hbm>>
        %dma_wait3A_1077 = tpu.memref_squeeze %dma_wait3A_1076 : memref<1x1x2x8x128xf32, #tpu.memory_space<hbm>> -> memref<2x8x128xf32, #tpu.memory_space<hbm>>
        %dma_wait3A_1078 = arith.constant 0 : i32
        %dma_wait3A_1079 = arith.constant 16 : i32
        %dma_wait3A_1080 = arith.constant 0 : i32
        %dma_wait3A_1081 = tpu.memref_slice %arg9[%dma_wait3A_1078, %dma_wait3A_1079, %dma_wait3A_1080] : memref<2x64x129xf32, #tpu.memory_space<vmem>> -> memref<2x8x128xf32, #tpu.memory_space<vmem>>
        tpu.wait_dma2 semaphore(%arg15 : memref<!tpu.dma_semaphore, #tpu.memory_space<semaphore_mem>>) src(%dma_wait3A_1081 : memref<2x8x128xf32, #tpu.memory_space<vmem>>) dst(%dma_wait3A_1077 : memref<2x8x128xf32, #tpu.memory_space<hbm>>)
        %add3A_1082 = arith.constant 0 : i32
        %add3A_1083 = arith.addi %mul3A_4, %add3A_1082 : i32
        %dma_wait3A_1084 = arith.constant 3 : i32
        %dma_wait3A_1085 = arith.constant 0 : i32
        %dma_wait3A_1086 = arith.constant 24 : i32
        %dma_wait3A_1087 = arith.constant 0 : i32
        %dma_wait3A_1088 = tpu.memref_slice %arg9[%dma_wait3A_1085, %dma_wait3A_1086, %dma_wait3A_1087] : memref<2x64x129xf32, #tpu.memory_space<vmem>> -> memref<2x8x128xf32, #tpu.memory_space<vmem>>
        %dma_wait3A_1089 = arith.constant 0 : i32
        %dma_wait3A_1090 = arith.constant 0 : i32
        %dma_wait3A_1091 = tpu.memref_slice %arg4[%sub3A_1024, %dma_wait3A_1084, %add3A_1083, %dma_wait3A_1089, %dma_wait3A_1090] : memref<50x8x128x8x128xf32, #tpu.memory_space<hbm>> -> memref<1x1x2x8x128xf32, #tpu.memory_space<hbm>>
        %dma_wait3A_1092 = tpu.memref_squeeze %dma_wait3A_1091 : memref<1x1x2x8x128xf32, #tpu.memory_space<hbm>> -> memref<2x8x128xf32, #tpu.memory_space<hbm>>
        %dma_wait3A_1093 = arith.constant 0 : i32
        %dma_wait3A_1094 = arith.constant 0 : i32
        %dma_wait3A_1095 = tpu.memref_slice %arg4[%sub3A_1024, %dma_wait3A_1084, %add3A_1083, %dma_wait3A_1093, %dma_wait3A_1094] : memref<50x8x128x8x128xf32, #tpu.memory_space<hbm>> -> memref<1x1x2x8x128xf32, #tpu.memory_space<hbm>>
        %dma_wait3A_1096 = tpu.memref_squeeze %dma_wait3A_1095 : memref<1x1x2x8x128xf32, #tpu.memory_space<hbm>> -> memref<2x8x128xf32, #tpu.memory_space<hbm>>
        %dma_wait3A_1097 = arith.constant 0 : i32
        %dma_wait3A_1098 = arith.constant 24 : i32
        %dma_wait3A_1099 = arith.constant 0 : i32
        %dma_wait3A_1100 = tpu.memref_slice %arg9[%dma_wait3A_1097, %dma_wait3A_1098, %dma_wait3A_1099] : memref<2x64x129xf32, #tpu.memory_space<vmem>> -> memref<2x8x128xf32, #tpu.memory_space<vmem>>
        tpu.wait_dma2 semaphore(%arg15 : memref<!tpu.dma_semaphore, #tpu.memory_space<semaphore_mem>>) src(%dma_wait3A_1100 : memref<2x8x128xf32, #tpu.memory_space<vmem>>) dst(%dma_wait3A_1096 : memref<2x8x128xf32, #tpu.memory_space<hbm>>)
        %add3A_1101 = arith.constant 0 : i32
        %add3A_1102 = arith.addi %mul3A_4, %add3A_1101 : i32
        %dma_wait3A_1103 = arith.constant 4 : i32
        %dma_wait3A_1104 = arith.constant 0 : i32
        %dma_wait3A_1105 = arith.constant 32 : i32
        %dma_wait3A_1106 = arith.constant 0 : i32
        %dma_wait3A_1107 = tpu.memref_slice %arg9[%dma_wait3A_1104, %dma_wait3A_1105, %dma_wait3A_1106] : memref<2x64x129xf32, #tpu.memory_space<vmem>> -> memref<2x8x128xf32, #tpu.memory_space<vmem>>
        %dma_wait3A_1108 = arith.constant 0 : i32
        %dma_wait3A_1109 = arith.constant 0 : i32
        %dma_wait3A_1110 = tpu.memref_slice %arg4[%sub3A_1024, %dma_wait3A_1103, %add3A_1102, %dma_wait3A_1108, %dma_wait3A_1109] : memref<50x8x128x8x128xf32, #tpu.memory_space<hbm>> -> memref<1x1x2x8x128xf32, #tpu.memory_space<hbm>>
        %dma_wait3A_1111 = tpu.memref_squeeze %dma_wait3A_1110 : memref<1x1x2x8x128xf32, #tpu.memory_space<hbm>> -> memref<2x8x128xf32, #tpu.memory_space<hbm>>
        %dma_wait3A_1112 = arith.constant 0 : i32
        %dma_wait3A_1113 = arith.constant 0 : i32
        %dma_wait3A_1114 = tpu.memref_slice %arg4[%sub3A_1024, %dma_wait3A_1103, %add3A_1102, %dma_wait3A_1112, %dma_wait3A_1113] : memref<50x8x128x8x128xf32, #tpu.memory_space<hbm>> -> memref<1x1x2x8x128xf32, #tpu.memory_space<hbm>>
        %dma_wait3A_1115 = tpu.memref_squeeze %dma_wait3A_1114 : memref<1x1x2x8x128xf32, #tpu.memory_space<hbm>> -> memref<2x8x128xf32, #tpu.memory_space<hbm>>
        %dma_wait3A_1116 = arith.constant 0 : i32
        %dma_wait3A_1117 = arith.constant 32 : i32
        %dma_wait3A_1118 = arith.constant 0 : i32
        %dma_wait3A_1119 = tpu.memref_slice %arg9[%dma_wait3A_1116, %dma_wait3A_1117, %dma_wait3A_1118] : memref<2x64x129xf32, #tpu.memory_space<vmem>> -> memref<2x8x128xf32, #tpu.memory_space<vmem>>
        tpu.wait_dma2 semaphore(%arg15 : memref<!tpu.dma_semaphore, #tpu.memory_space<semaphore_mem>>) src(%dma_wait3A_1119 : memref<2x8x128xf32, #tpu.memory_space<vmem>>) dst(%dma_wait3A_1115 : memref<2x8x128xf32, #tpu.memory_space<hbm>>)
        %add3A_1120 = arith.constant 0 : i32
        %add3A_1121 = arith.addi %mul3A_4, %add3A_1120 : i32
        %dma_wait3A_1122 = arith.constant 5 : i32
        %dma_wait3A_1123 = arith.constant 0 : i32
        %dma_wait3A_1124 = arith.constant 40 : i32
        %dma_wait3A_1125 = arith.constant 0 : i32
        %dma_wait3A_1126 = tpu.memref_slice %arg9[%dma_wait3A_1123, %dma_wait3A_1124, %dma_wait3A_1125] : memref<2x64x129xf32, #tpu.memory_space<vmem>> -> memref<2x8x128xf32, #tpu.memory_space<vmem>>
        %dma_wait3A_1127 = arith.constant 0 : i32
        %dma_wait3A_1128 = arith.constant 0 : i32
        %dma_wait3A_1129 = tpu.memref_slice %arg4[%sub3A_1024, %dma_wait3A_1122, %add3A_1121, %dma_wait3A_1127, %dma_wait3A_1128] : memref<50x8x128x8x128xf32, #tpu.memory_space<hbm>> -> memref<1x1x2x8x128xf32, #tpu.memory_space<hbm>>
        %dma_wait3A_1130 = tpu.memref_squeeze %dma_wait3A_1129 : memref<1x1x2x8x128xf32, #tpu.memory_space<hbm>> -> memref<2x8x128xf32, #tpu.memory_space<hbm>>
        %dma_wait3A_1131 = arith.constant 0 : i32
        %dma_wait3A_1132 = arith.constant 0 : i32
        %dma_wait3A_1133 = tpu.memref_slice %arg4[%sub3A_1024, %dma_wait3A_1122, %add3A_1121, %dma_wait3A_1131, %dma_wait3A_1132] : memref<50x8x128x8x128xf32, #tpu.memory_space<hbm>> -> memref<1x1x2x8x128xf32, #tpu.memory_space<hbm>>
        %dma_wait3A_1134 = tpu.memref_squeeze %dma_wait3A_1133 : memref<1x1x2x8x128xf32, #tpu.memory_space<hbm>> -> memref<2x8x128xf32, #tpu.memory_space<hbm>>
        %dma_wait3A_1135 = arith.constant 0 : i32
        %dma_wait3A_1136 = arith.constant 40 : i32
        %dma_wait3A_1137 = arith.constant 0 : i32
        %dma_wait3A_1138 = tpu.memref_slice %arg9[%dma_wait3A_1135, %dma_wait3A_1136, %dma_wait3A_1137] : memref<2x64x129xf32, #tpu.memory_space<vmem>> -> memref<2x8x128xf32, #tpu.memory_space<vmem>>
        tpu.wait_dma2 semaphore(%arg15 : memref<!tpu.dma_semaphore, #tpu.memory_space<semaphore_mem>>) src(%dma_wait3A_1138 : memref<2x8x128xf32, #tpu.memory_space<vmem>>) dst(%dma_wait3A_1134 : memref<2x8x128xf32, #tpu.memory_space<hbm>>)
        %add3A_1139 = arith.constant 0 : i32
        %add3A_1140 = arith.addi %mul3A_4, %add3A_1139 : i32
        %dma_wait3A_1141 = arith.constant 6 : i32
        %dma_wait3A_1142 = arith.constant 0 : i32
        %dma_wait3A_1143 = arith.constant 48 : i32
        %dma_wait3A_1144 = arith.constant 0 : i32
        %dma_wait3A_1145 = tpu.memref_slice %arg9[%dma_wait3A_1142, %dma_wait3A_1143, %dma_wait3A_1144] : memref<2x64x129xf32, #tpu.memory_space<vmem>> -> memref<2x8x128xf32, #tpu.memory_space<vmem>>
        %dma_wait3A_1146 = arith.constant 0 : i32
        %dma_wait3A_1147 = arith.constant 0 : i32
        %dma_wait3A_1148 = tpu.memref_slice %arg4[%sub3A_1024, %dma_wait3A_1141, %add3A_1140, %dma_wait3A_1146, %dma_wait3A_1147] : memref<50x8x128x8x128xf32, #tpu.memory_space<hbm>> -> memref<1x1x2x8x128xf32, #tpu.memory_space<hbm>>
        %dma_wait3A_1149 = tpu.memref_squeeze %dma_wait3A_1148 : memref<1x1x2x8x128xf32, #tpu.memory_space<hbm>> -> memref<2x8x128xf32, #tpu.memory_space<hbm>>
        %dma_wait3A_1150 = arith.constant 0 : i32
        %dma_wait3A_1151 = arith.constant 0 : i32
        %dma_wait3A_1152 = tpu.memref_slice %arg4[%sub3A_1024, %dma_wait3A_1141, %add3A_1140, %dma_wait3A_1150, %dma_wait3A_1151] : memref<50x8x128x8x128xf32, #tpu.memory_space<hbm>> -> memref<1x1x2x8x128xf32, #tpu.memory_space<hbm>>
        %dma_wait3A_1153 = tpu.memref_squeeze %dma_wait3A_1152 : memref<1x1x2x8x128xf32, #tpu.memory_space<hbm>> -> memref<2x8x128xf32, #tpu.memory_space<hbm>>
        %dma_wait3A_1154 = arith.constant 0 : i32
        %dma_wait3A_1155 = arith.constant 48 : i32
        %dma_wait3A_1156 = arith.constant 0 : i32
        %dma_wait3A_1157 = tpu.memref_slice %arg9[%dma_wait3A_1154, %dma_wait3A_1155, %dma_wait3A_1156] : memref<2x64x129xf32, #tpu.memory_space<vmem>> -> memref<2x8x128xf32, #tpu.memory_space<vmem>>
        tpu.wait_dma2 semaphore(%arg15 : memref<!tpu.dma_semaphore, #tpu.memory_space<semaphore_mem>>) src(%dma_wait3A_1157 : memref<2x8x128xf32, #tpu.memory_space<vmem>>) dst(%dma_wait3A_1153 : memref<2x8x128xf32, #tpu.memory_space<hbm>>)
        %add3A_1158 = arith.constant 0 : i32
        %add3A_1159 = arith.addi %mul3A_4, %add3A_1158 : i32
        %dma_wait3A_1160 = arith.constant 7 : i32
        %dma_wait3A_1161 = arith.constant 0 : i32
        %dma_wait3A_1162 = arith.constant 56 : i32
        %dma_wait3A_1163 = arith.constant 0 : i32
        %dma_wait3A_1164 = tpu.memref_slice %arg9[%dma_wait3A_1161, %dma_wait3A_1162, %dma_wait3A_1163] : memref<2x64x129xf32, #tpu.memory_space<vmem>> -> memref<2x8x128xf32, #tpu.memory_space<vmem>>
        %dma_wait3A_1165 = arith.constant 0 : i32
        %dma_wait3A_1166 = arith.constant 0 : i32
        %dma_wait3A_1167 = tpu.memref_slice %arg4[%sub3A_1024, %dma_wait3A_1160, %add3A_1159, %dma_wait3A_1165, %dma_wait3A_1166] : memref<50x8x128x8x128xf32, #tpu.memory_space<hbm>> -> memref<1x1x2x8x128xf32, #tpu.memory_space<hbm>>
        %dma_wait3A_1168 = tpu.memref_squeeze %dma_wait3A_1167 : memref<1x1x2x8x128xf32, #tpu.memory_space<hbm>> -> memref<2x8x128xf32, #tpu.memory_space<hbm>>
        %dma_wait3A_1169 = arith.constant 0 : i32
        %dma_wait3A_1170 = arith.constant 0 : i32
        %dma_wait3A_1171 = tpu.memref_slice %arg4[%sub3A_1024, %dma_wait3A_1160, %add3A_1159, %dma_wait3A_1169, %dma_wait3A_1170] : memref<50x8x128x8x128xf32, #tpu.memory_space<hbm>> -> memref<1x1x2x8x128xf32, #tpu.memory_space<hbm>>
        %dma_wait3A_1172 = tpu.memref_squeeze %dma_wait3A_1171 : memref<1x1x2x8x128xf32, #tpu.memory_space<hbm>> -> memref<2x8x128xf32, #tpu.memory_space<hbm>>
        %dma_wait3A_1173 = arith.constant 0 : i32
        %dma_wait3A_1174 = arith.constant 56 : i32
        %dma_wait3A_1175 = arith.constant 0 : i32
        %dma_wait3A_1176 = tpu.memref_slice %arg9[%dma_wait3A_1173, %dma_wait3A_1174, %dma_wait3A_1175] : memref<2x64x129xf32, #tpu.memory_space<vmem>> -> memref<2x8x128xf32, #tpu.memory_space<vmem>>
        tpu.wait_dma2 semaphore(%arg15 : memref<!tpu.dma_semaphore, #tpu.memory_space<semaphore_mem>>) src(%dma_wait3A_1176 : memref<2x8x128xf32, #tpu.memory_space<vmem>>) dst(%dma_wait3A_1172 : memref<2x8x128xf32, #tpu.memory_space<hbm>>)
      } else {
      }
      %parallel_loop3A_709 = arith.constant 0 : i32
      %parallel_loop3A_710 = arith.constant 128 : i32
      %parallel_loop3A_711 = arith.constant 1 : i32
      scf.for %parallel_loop3A_1024 = %parallel_loop3A_709 to %parallel_loop3A_710 step %parallel_loop3A_711  : i32 {
        %parallel_loop3A_1025 = arith.constant 0 : i32
        %parallel_loop3A_1026 = vector.broadcast %parallel_loop3A_1025 : i32 to vector<16xi32>
        %parallel_loop3A_1027 = vector.broadcast %parallel_loop3A_1024 : i32 to vector<16xi32>
        %parallel_loop3A_1028 = arith.addi %parallel_loop3A_1026, %parallel_loop3A_1027 : vector<16xi32>
        %parallel_loop3A_1029 = arith.constant 0 : i32
        %parallel_loop3A_1030 = arith.addi %parallel_loop3A_1029, %parallel_loop3A_1024 : i32
        %parallel_loop3A_1031 = arith.constant 0 : i32
        %parallel_loop3A_1032 = vector.broadcast %parallel_loop3A_1031 : i32 to vector<16xi32>
        %parallel_loop3A_1033 = arith.index_cast %parallel_loop3A_1030 : i32 to index
        %parallel_loop3A_1034 = arith.constant 0 : index
        %parallel_loop3A_1035 = tpu.vector_load %arg8[%parallel_loop3A_1033, %parallel_loop3A_1034] {strides = array<i32>} : memref<512x64xf32, #tpu.memory_space<vmem>>, vector<16xf32>,
        %parallel_loop3A_1036 = arith.constant 0 : i32
        %parallel_loop3A_1037 = vector.broadcast %parallel_loop3A_1036 : i32 to vector<16xi32>
        %parallel_loop3A_1038 = arith.addi %parallel_loop3A_1037, %iota3A : vector<16xi32>
        tpu.vector_store_idx %arg9[%parallel_loop3A_1032, %parallel_loop3A_1038, %parallel_loop3A_1028], %parallel_loop3A_1035 : memref<2x64x129xf32, #tpu.memory_space<vmem>>[vector<16xi32>, vector<16xi32>, vector<16xi32>], vector<16xf32>,
        %parallel_loop3A_1039 = arith.index_cast %parallel_loop3A_1030 : i32 to index
        %parallel_loop3A_1040 = arith.constant 16 : index
        %parallel_loop3A_1041 = tpu.vector_load %arg8[%parallel_loop3A_1039, %parallel_loop3A_1040] {strides = array<i32>} : memref<512x64xf32, #tpu.memory_space<vmem>>, vector<16xf32>,
        %parallel_loop3A_1042 = arith.constant 16 : i32
        %parallel_loop3A_1043 = vector.broadcast %parallel_loop3A_1042 : i32 to vector<16xi32>
        %parallel_loop3A_1044 = arith.addi %parallel_loop3A_1043, %iota3A : vector<16xi32>
        tpu.vector_store_idx %arg9[%parallel_loop3A_1032, %parallel_loop3A_1044, %parallel_loop3A_1028], %parallel_loop3A_1041 : memref<2x64x129xf32, #tpu.memory_space<vmem>>[vector<16xi32>, vector<16xi32>, vector<16xi32>], vector<16xf32>,
        %parallel_loop3A_1045 = arith.index_cast %parallel_loop3A_1030 : i32 to index
        %parallel_loop3A_1046 = arith.constant 32 : index
        %parallel_loop3A_1047 = tpu.vector_load %arg8[%parallel_loop3A_1045, %parallel_loop3A_1046] {strides = array<i32>} : memref<512x64xf32, #tpu.memory_space<vmem>>, vector<16xf32>,
        %parallel_loop3A_1048 = arith.constant 32 : i32
        %parallel_loop3A_1049 = vector.broadcast %parallel_loop3A_1048 : i32 to vector<16xi32>
        %parallel_loop3A_1050 = arith.addi %parallel_loop3A_1049, %iota3A : vector<16xi32>
        tpu.vector_store_idx %arg9[%parallel_loop3A_1032, %parallel_loop3A_1050, %parallel_loop3A_1028], %parallel_loop3A_1047 : memref<2x64x129xf32, #tpu.memory_space<vmem>>[vector<16xi32>, vector<16xi32>, vector<16xi32>], vector<16xf32>,
        %parallel_loop3A_1051 = arith.index_cast %parallel_loop3A_1030 : i32 to index
        %parallel_loop3A_1052 = arith.constant 48 : index
        %parallel_loop3A_1053 = tpu.vector_load %arg8[%parallel_loop3A_1051, %parallel_loop3A_1052] {strides = array<i32>} : memref<512x64xf32, #tpu.memory_space<vmem>>, vector<16xf32>,
        %parallel_loop3A_1054 = arith.constant 48 : i32
        %parallel_loop3A_1055 = vector.broadcast %parallel_loop3A_1054 : i32 to vector<16xi32>
        %parallel_loop3A_1056 = arith.addi %parallel_loop3A_1055, %iota3A : vector<16xi32>
        tpu.vector_store_idx %arg9[%parallel_loop3A_1032, %parallel_loop3A_1056, %parallel_loop3A_1028], %parallel_loop3A_1053 : memref<2x64x129xf32, #tpu.memory_space<vmem>>[vector<16xi32>, vector<16xi32>, vector<16xi32>], vector<16xf32>,
        %parallel_loop3A_1057 = arith.constant 128 : i32
        %parallel_loop3A_1058 = arith.addi %parallel_loop3A_1057, %parallel_loop3A_1024 : i32
        %parallel_loop3A_1059 = arith.constant 1 : i32
        %parallel_loop3A_1060 = vector.broadcast %parallel_loop3A_1059 : i32 to vector<16xi32>
        %parallel_loop3A_1061 = arith.index_cast %parallel_loop3A_1058 : i32 to index
        %parallel_loop3A_1062 = arith.constant 0 : index
        %parallel_loop3A_1063 = tpu.vector_load %arg8[%parallel_loop3A_1061, %parallel_loop3A_1062] {strides = array<i32>} : memref<512x64xf32, #tpu.memory_space<vmem>>, vector<16xf32>,
        %parallel_loop3A_1064 = arith.constant 0 : i32
        %parallel_loop3A_1065 = vector.broadcast %parallel_loop3A_1064 : i32 to vector<16xi32>
        %parallel_loop3A_1066 = arith.addi %parallel_loop3A_1065, %iota3A : vector<16xi32>
        tpu.vector_store_idx %arg9[%parallel_loop3A_1060, %parallel_loop3A_1066, %parallel_loop3A_1028], %parallel_loop3A_1063 : memref<2x64x129xf32, #tpu.memory_space<vmem>>[vector<16xi32>, vector<16xi32>, vector<16xi32>], vector<16xf32>,
        %parallel_loop3A_1067 = arith.index_cast %parallel_loop3A_1058 : i32 to index
        %parallel_loop3A_1068 = arith.constant 16 : index
        %parallel_loop3A_1069 = tpu.vector_load %arg8[%parallel_loop3A_1067, %parallel_loop3A_1068] {strides = array<i32>} : memref<512x64xf32, #tpu.memory_space<vmem>>, vector<16xf32>,
        %parallel_loop3A_1070 = arith.constant 16 : i32
        %parallel_loop3A_1071 = vector.broadcast %parallel_loop3A_1070 : i32 to vector<16xi32>
        %parallel_loop3A_1072 = arith.addi %parallel_loop3A_1071, %iota3A : vector<16xi32>
        tpu.vector_store_idx %arg9[%parallel_loop3A_1060, %parallel_loop3A_1072, %parallel_loop3A_1028], %parallel_loop3A_1069 : memref<2x64x129xf32, #tpu.memory_space<vmem>>[vector<16xi32>, vector<16xi32>, vector<16xi32>], vector<16xf32>,
        %parallel_loop3A_1073 = arith.index_cast %parallel_loop3A_1058 : i32 to index
        %parallel_loop3A_1074 = arith.constant 32 : index
        %parallel_loop3A_1075 = tpu.vector_load %arg8[%parallel_loop3A_1073, %parallel_loop3A_1074] {strides = array<i32>} : memref<512x64xf32, #tpu.memory_space<vmem>>, vector<16xf32>,
        %parallel_loop3A_1076 = arith.constant 32 : i32
        %parallel_loop3A_1077 = vector.broadcast %parallel_loop3A_1076 : i32 to vector<16xi32>
        %parallel_loop3A_1078 = arith.addi %parallel_loop3A_1077, %iota3A : vector<16xi32>
        tpu.vector_store_idx %arg9[%parallel_loop3A_1060, %parallel_loop3A_1078, %parallel_loop3A_1028], %parallel_loop3A_1075 : memref<2x64x129xf32, #tpu.memory_space<vmem>>[vector<16xi32>, vector<16xi32>, vector<16xi32>], vector<16xf32>,
        %parallel_loop3A_1079 = arith.index_cast %parallel_loop3A_1058 : i32 to index
        %parallel_loop3A_1080 = arith.constant 48 : index
        %parallel_loop3A_1081 = tpu.vector_load %arg8[%parallel_loop3A_1079, %parallel_loop3A_1080] {strides = array<i32>} : memref<512x64xf32, #tpu.memory_space<vmem>>, vector<16xf32>,
        %parallel_loop3A_1082 = arith.constant 48 : i32
        %parallel_loop3A_1083 = vector.broadcast %parallel_loop3A_1082 : i32 to vector<16xi32>
        %parallel_loop3A_1084 = arith.addi %parallel_loop3A_1083, %iota3A : vector<16xi32>
        tpu.vector_store_idx %arg9[%parallel_loop3A_1060, %parallel_loop3A_1084, %parallel_loop3A_1028], %parallel_loop3A_1081 : memref<2x64x129xf32, #tpu.memory_space<vmem>>[vector<16xi32>, vector<16xi32>, vector<16xi32>], vector<16xf32>,
      } {sc.loop_unroll_factor = 4 : i64, sc.parallel_access}
      %add3A_712 = arith.constant 0 : i32
      %add3A_713 = arith.addi %mul3A_4, %add3A_712 : i32
      %dma_start3A_714 = arith.constant 0 : i32
      %dma_start3A_715 = arith.constant 0 : i32
      %dma_start3A_716 = arith.constant 0 : i32
      %dma_start3A_717 = arith.constant 0 : i32
      %dma_start3A_718 = tpu.memref_slice %arg9[%dma_start3A_715, %dma_start3A_716, %dma_start3A_717] : memref<2x64x129xf32, #tpu.memory_space<vmem>> -> memref<2x8x128xf32, #tpu.memory_space<vmem>>
      %dma_start3A_719 = arith.constant 0 : i32
      %dma_start3A_720 = arith.constant 0 : i32
      %dma_start3A_721 = tpu.memref_slice %arg4[%add3A_686, %dma_start3A_714, %add3A_713, %dma_start3A_719, %dma_start3A_720] : memref<50x8x128x8x128xf32, #tpu.memory_space<hbm>> -> memref<1x1x2x8x128xf32, #tpu.memory_space<hbm>>
      %dma_start3A_722 = tpu.memref_squeeze %dma_start3A_721 : memref<1x1x2x8x128xf32, #tpu.memory_space<hbm>> -> memref<2x8x128xf32, #tpu.memory_space<hbm>>
      %dma_start3A_723 = arith.constant 0 : i32
      %dma_start3A_724 = arith.constant 0 : i32
      %dma_start3A_725 = tpu.memref_slice %arg4[%add3A_686, %dma_start3A_714, %add3A_713, %dma_start3A_723, %dma_start3A_724] : memref<50x8x128x8x128xf32, #tpu.memory_space<hbm>> -> memref<1x1x2x8x128xf32, #tpu.memory_space<hbm>>
      %dma_start3A_726 = tpu.memref_squeeze %dma_start3A_725 : memref<1x1x2x8x128xf32, #tpu.memory_space<hbm>> -> memref<2x8x128xf32, #tpu.memory_space<hbm>>
      %dma_start3A_727 = arith.constant 0 : i32
      %dma_start3A_728 = arith.constant 0 : i32
      %dma_start3A_729 = arith.constant 0 : i32
      %dma_start3A_730 = tpu.memref_slice %arg9[%dma_start3A_727, %dma_start3A_728, %dma_start3A_729] : memref<2x64x129xf32, #tpu.memory_space<vmem>> -> memref<2x8x128xf32, #tpu.memory_space<vmem>>
      tpu.enqueue_dma source(%dma_start3A_730 : memref<2x8x128xf32, #tpu.memory_space<vmem>>) target(%dma_start3A_726 : memref<2x8x128xf32, #tpu.memory_space<hbm>>) target_semaphore(%arg15 : memref<!tpu.dma_semaphore, #tpu.memory_space<semaphore_mem>>)
      %add3A_731 = arith.constant 0 : i32
      %add3A_732 = arith.addi %mul3A_4, %add3A_731 : i32
      %dma_start3A_733 = arith.constant 1 : i32
      %dma_start3A_734 = arith.constant 0 : i32
      %dma_start3A_735 = arith.constant 8 : i32
      %dma_start3A_736 = arith.constant 0 : i32
      %dma_start3A_737 = tpu.memref_slice %arg9[%dma_start3A_734, %dma_start3A_735, %dma_start3A_736] : memref<2x64x129xf32, #tpu.memory_space<vmem>> -> memref<2x8x128xf32, #tpu.memory_space<vmem>>
      %dma_start3A_738 = arith.constant 0 : i32
      %dma_start3A_739 = arith.constant 0 : i32
      %dma_start3A_740 = tpu.memref_slice %arg4[%add3A_686, %dma_start3A_733, %add3A_732, %dma_start3A_738, %dma_start3A_739] : memref<50x8x128x8x128xf32, #tpu.memory_space<hbm>> -> memref<1x1x2x8x128xf32, #tpu.memory_space<hbm>>
      %dma_start3A_741 = tpu.memref_squeeze %dma_start3A_740 : memref<1x1x2x8x128xf32, #tpu.memory_space<hbm>> -> memref<2x8x128xf32, #tpu.memory_space<hbm>>
      %dma_start3A_742 = arith.constant 0 : i32
      %dma_start3A_743 = arith.constant 0 : i32
      %dma_start3A_744 = tpu.memref_slice %arg4[%add3A_686, %dma_start3A_733, %add3A_732, %dma_start3A_742, %dma_start3A_743] : memref<50x8x128x8x128xf32, #tpu.memory_space<hbm>> -> memref<1x1x2x8x128xf32, #tpu.memory_space<hbm>>
      %dma_start3A_745 = tpu.memref_squeeze %dma_start3A_744 : memref<1x1x2x8x128xf32, #tpu.memory_space<hbm>> -> memref<2x8x128xf32, #tpu.memory_space<hbm>>
      %dma_start3A_746 = arith.constant 0 : i32
      %dma_start3A_747 = arith.constant 8 : i32
      %dma_start3A_748 = arith.constant 0 : i32
      %dma_start3A_749 = tpu.memref_slice %arg9[%dma_start3A_746, %dma_start3A_747, %dma_start3A_748] : memref<2x64x129xf32, #tpu.memory_space<vmem>> -> memref<2x8x128xf32, #tpu.memory_space<vmem>>
      tpu.enqueue_dma source(%dma_start3A_749 : memref<2x8x128xf32, #tpu.memory_space<vmem>>) target(%dma_start3A_745 : memref<2x8x128xf32, #tpu.memory_space<hbm>>) target_semaphore(%arg15 : memref<!tpu.dma_semaphore, #tpu.memory_space<semaphore_mem>>)
      %add3A_750 = arith.constant 0 : i32
      %add3A_751 = arith.addi %mul3A_4, %add3A_750 : i32
      %dma_start3A_752 = arith.constant 2 : i32
      %dma_start3A_753 = arith.constant 0 : i32
      %dma_start3A_754 = arith.constant 16 : i32
      %dma_start3A_755 = arith.constant 0 : i32
      %dma_start3A_756 = tpu.memref_slice %arg9[%dma_start3A_753, %dma_start3A_754, %dma_start3A_755] : memref<2x64x129xf32, #tpu.memory_space<vmem>> -> memref<2x8x128xf32, #tpu.memory_space<vmem>>
      %dma_start3A_757 = arith.constant 0 : i32
      %dma_start3A_758 = arith.constant 0 : i32
      %dma_start3A_759 = tpu.memref_slice %arg4[%add3A_686, %dma_start3A_752, %add3A_751, %dma_start3A_757, %dma_start3A_758] : memref<50x8x128x8x128xf32, #tpu.memory_space<hbm>> -> memref<1x1x2x8x128xf32, #tpu.memory_space<hbm>>
      %dma_start3A_760 = tpu.memref_squeeze %dma_start3A_759 : memref<1x1x2x8x128xf32, #tpu.memory_space<hbm>> -> memref<2x8x128xf32, #tpu.memory_space<hbm>>
      %dma_start3A_761 = arith.constant 0 : i32
      %dma_start3A_762 = arith.constant 0 : i32
      %dma_start3A_763 = tpu.memref_slice %arg4[%add3A_686, %dma_start3A_752, %add3A_751, %dma_start3A_761, %dma_start3A_762] : memref<50x8x128x8x128xf32, #tpu.memory_space<hbm>> -> memref<1x1x2x8x128xf32, #tpu.memory_space<hbm>>
      %dma_start3A_764 = tpu.memref_squeeze %dma_start3A_763 : memref<1x1x2x8x128xf32, #tpu.memory_space<hbm>> -> memref<2x8x128xf32, #tpu.memory_space<hbm>>
      %dma_start3A_765 = arith.constant 0 : i32
      %dma_start3A_766 = arith.constant 16 : i32
      %dma_start3A_767 = arith.constant 0 : i32
      %dma_start3A_768 = tpu.memref_slice %arg9[%dma_start3A_765, %dma_start3A_766, %dma_start3A_767] : memref<2x64x129xf32, #tpu.memory_space<vmem>> -> memref<2x8x128xf32, #tpu.memory_space<vmem>>
      tpu.enqueue_dma source(%dma_start3A_768 : memref<2x8x128xf32, #tpu.memory_space<vmem>>) target(%dma_start3A_764 : memref<2x8x128xf32, #tpu.memory_space<hbm>>) target_semaphore(%arg15 : memref<!tpu.dma_semaphore, #tpu.memory_space<semaphore_mem>>)
      %add3A_769 = arith.constant 0 : i32
      %add3A_770 = arith.addi %mul3A_4, %add3A_769 : i32
      %dma_start3A_771 = arith.constant 3 : i32
      %dma_start3A_772 = arith.constant 0 : i32
      %dma_start3A_773 = arith.constant 24 : i32
      %dma_start3A_774 = arith.constant 0 : i32
      %dma_start3A_775 = tpu.memref_slice %arg9[%dma_start3A_772, %dma_start3A_773, %dma_start3A_774] : memref<2x64x129xf32, #tpu.memory_space<vmem>> -> memref<2x8x128xf32, #tpu.memory_space<vmem>>
      %dma_start3A_776 = arith.constant 0 : i32
      %dma_start3A_777 = arith.constant 0 : i32
      %dma_start3A_778 = tpu.memref_slice %arg4[%add3A_686, %dma_start3A_771, %add3A_770, %dma_start3A_776, %dma_start3A_777] : memref<50x8x128x8x128xf32, #tpu.memory_space<hbm>> -> memref<1x1x2x8x128xf32, #tpu.memory_space<hbm>>
      %dma_start3A_779 = tpu.memref_squeeze %dma_start3A_778 : memref<1x1x2x8x128xf32, #tpu.memory_space<hbm>> -> memref<2x8x128xf32, #tpu.memory_space<hbm>>
      %dma_start3A_780 = arith.constant 0 : i32
      %dma_start3A_781 = arith.constant 0 : i32
      %dma_start3A_782 = tpu.memref_slice %arg4[%add3A_686, %dma_start3A_771, %add3A_770, %dma_start3A_780, %dma_start3A_781] : memref<50x8x128x8x128xf32, #tpu.memory_space<hbm>> -> memref<1x1x2x8x128xf32, #tpu.memory_space<hbm>>
      %dma_start3A_783 = tpu.memref_squeeze %dma_start3A_782 : memref<1x1x2x8x128xf32, #tpu.memory_space<hbm>> -> memref<2x8x128xf32, #tpu.memory_space<hbm>>
      %dma_start3A_784 = arith.constant 0 : i32
      %dma_start3A_785 = arith.constant 24 : i32
      %dma_start3A_786 = arith.constant 0 : i32
      %dma_start3A_787 = tpu.memref_slice %arg9[%dma_start3A_784, %dma_start3A_785, %dma_start3A_786] : memref<2x64x129xf32, #tpu.memory_space<vmem>> -> memref<2x8x128xf32, #tpu.memory_space<vmem>>
      tpu.enqueue_dma source(%dma_start3A_787 : memref<2x8x128xf32, #tpu.memory_space<vmem>>) target(%dma_start3A_783 : memref<2x8x128xf32, #tpu.memory_space<hbm>>) target_semaphore(%arg15 : memref<!tpu.dma_semaphore, #tpu.memory_space<semaphore_mem>>)
      %add3A_788 = arith.constant 0 : i32
      %add3A_789 = arith.addi %mul3A_4, %add3A_788 : i32
      %dma_start3A_790 = arith.constant 4 : i32
      %dma_start3A_791 = arith.constant 0 : i32
      %dma_start3A_792 = arith.constant 32 : i32
      %dma_start3A_793 = arith.constant 0 : i32
      %dma_start3A_794 = tpu.memref_slice %arg9[%dma_start3A_791, %dma_start3A_792, %dma_start3A_793] : memref<2x64x129xf32, #tpu.memory_space<vmem>> -> memref<2x8x128xf32, #tpu.memory_space<vmem>>
      %dma_start3A_795 = arith.constant 0 : i32
      %dma_start3A_796 = arith.constant 0 : i32
      %dma_start3A_797 = tpu.memref_slice %arg4[%add3A_686, %dma_start3A_790, %add3A_789, %dma_start3A_795, %dma_start3A_796] : memref<50x8x128x8x128xf32, #tpu.memory_space<hbm>> -> memref<1x1x2x8x128xf32, #tpu.memory_space<hbm>>
      %dma_start3A_798 = tpu.memref_squeeze %dma_start3A_797 : memref<1x1x2x8x128xf32, #tpu.memory_space<hbm>> -> memref<2x8x128xf32, #tpu.memory_space<hbm>>
      %dma_start3A_799 = arith.constant 0 : i32
      %dma_start3A_800 = arith.constant 0 : i32
      %dma_start3A_801 = tpu.memref_slice %arg4[%add3A_686, %dma_start3A_790, %add3A_789, %dma_start3A_799, %dma_start3A_800] : memref<50x8x128x8x128xf32, #tpu.memory_space<hbm>> -> memref<1x1x2x8x128xf32, #tpu.memory_space<hbm>>
      %dma_start3A_802 = tpu.memref_squeeze %dma_start3A_801 : memref<1x1x2x8x128xf32, #tpu.memory_space<hbm>> -> memref<2x8x128xf32, #tpu.memory_space<hbm>>
      %dma_start3A_803 = arith.constant 0 : i32
      %dma_start3A_804 = arith.constant 32 : i32
      %dma_start3A_805 = arith.constant 0 : i32
      %dma_start3A_806 = tpu.memref_slice %arg9[%dma_start3A_803, %dma_start3A_804, %dma_start3A_805] : memref<2x64x129xf32, #tpu.memory_space<vmem>> -> memref<2x8x128xf32, #tpu.memory_space<vmem>>
      tpu.enqueue_dma source(%dma_start3A_806 : memref<2x8x128xf32, #tpu.memory_space<vmem>>) target(%dma_start3A_802 : memref<2x8x128xf32, #tpu.memory_space<hbm>>) target_semaphore(%arg15 : memref<!tpu.dma_semaphore, #tpu.memory_space<semaphore_mem>>)
      %add3A_807 = arith.constant 0 : i32
      %add3A_808 = arith.addi %mul3A_4, %add3A_807 : i32
      %dma_start3A_809 = arith.constant 5 : i32
      %dma_start3A_810 = arith.constant 0 : i32
      %dma_start3A_811 = arith.constant 40 : i32
      %dma_start3A_812 = arith.constant 0 : i32
      %dma_start3A_813 = tpu.memref_slice %arg9[%dma_start3A_810, %dma_start3A_811, %dma_start3A_812] : memref<2x64x129xf32, #tpu.memory_space<vmem>> -> memref<2x8x128xf32, #tpu.memory_space<vmem>>
      %dma_start3A_814 = arith.constant 0 : i32
      %dma_start3A_815 = arith.constant 0 : i32
      %dma_start3A_816 = tpu.memref_slice %arg4[%add3A_686, %dma_start3A_809, %add3A_808, %dma_start3A_814, %dma_start3A_815] : memref<50x8x128x8x128xf32, #tpu.memory_space<hbm>> -> memref<1x1x2x8x128xf32, #tpu.memory_space<hbm>>
      %dma_start3A_817 = tpu.memref_squeeze %dma_start3A_816 : memref<1x1x2x8x128xf32, #tpu.memory_space<hbm>> -> memref<2x8x128xf32, #tpu.memory_space<hbm>>
      %dma_start3A_818 = arith.constant 0 : i32
      %dma_start3A_819 = arith.constant 0 : i32
      %dma_start3A_820 = tpu.memref_slice %arg4[%add3A_686, %dma_start3A_809, %add3A_808, %dma_start3A_818, %dma_start3A_819] : memref<50x8x128x8x128xf32, #tpu.memory_space<hbm>> -> memref<1x1x2x8x128xf32, #tpu.memory_space<hbm>>
      %dma_start3A_821 = tpu.memref_squeeze %dma_start3A_820 : memref<1x1x2x8x128xf32, #tpu.memory_space<hbm>> -> memref<2x8x128xf32, #tpu.memory_space<hbm>>
      %dma_start3A_822 = arith.constant 0 : i32
      %dma_start3A_823 = arith.constant 40 : i32
      %dma_start3A_824 = arith.constant 0 : i32
      %dma_start3A_825 = tpu.memref_slice %arg9[%dma_start3A_822, %dma_start3A_823, %dma_start3A_824] : memref<2x64x129xf32, #tpu.memory_space<vmem>> -> memref<2x8x128xf32, #tpu.memory_space<vmem>>
      tpu.enqueue_dma source(%dma_start3A_825 : memref<2x8x128xf32, #tpu.memory_space<vmem>>) target(%dma_start3A_821 : memref<2x8x128xf32, #tpu.memory_space<hbm>>) target_semaphore(%arg15 : memref<!tpu.dma_semaphore, #tpu.memory_space<semaphore_mem>>)
      %add3A_826 = arith.constant 0 : i32
      %add3A_827 = arith.addi %mul3A_4, %add3A_826 : i32
      %dma_start3A_828 = arith.constant 6 : i32
      %dma_start3A_829 = arith.constant 0 : i32
      %dma_start3A_830 = arith.constant 48 : i32
      %dma_start3A_831 = arith.constant 0 : i32
      %dma_start3A_832 = tpu.memref_slice %arg9[%dma_start3A_829, %dma_start3A_830, %dma_start3A_831] : memref<2x64x129xf32, #tpu.memory_space<vmem>> -> memref<2x8x128xf32, #tpu.memory_space<vmem>>
      %dma_start3A_833 = arith.constant 0 : i32
      %dma_start3A_834 = arith.constant 0 : i32
      %dma_start3A_835 = tpu.memref_slice %arg4[%add3A_686, %dma_start3A_828, %add3A_827, %dma_start3A_833, %dma_start3A_834] : memref<50x8x128x8x128xf32, #tpu.memory_space<hbm>> -> memref<1x1x2x8x128xf32, #tpu.memory_space<hbm>>
      %dma_start3A_836 = tpu.memref_squeeze %dma_start3A_835 : memref<1x1x2x8x128xf32, #tpu.memory_space<hbm>> -> memref<2x8x128xf32, #tpu.memory_space<hbm>>
      %dma_start3A_837 = arith.constant 0 : i32
      %dma_start3A_838 = arith.constant 0 : i32
      %dma_start3A_839 = tpu.memref_slice %arg4[%add3A_686, %dma_start3A_828, %add3A_827, %dma_start3A_837, %dma_start3A_838] : memref<50x8x128x8x128xf32, #tpu.memory_space<hbm>> -> memref<1x1x2x8x128xf32, #tpu.memory_space<hbm>>
      %dma_start3A_840 = tpu.memref_squeeze %dma_start3A_839 : memref<1x1x2x8x128xf32, #tpu.memory_space<hbm>> -> memref<2x8x128xf32, #tpu.memory_space<hbm>>
      %dma_start3A_841 = arith.constant 0 : i32
      %dma_start3A_842 = arith.constant 48 : i32
      %dma_start3A_843 = arith.constant 0 : i32
      %dma_start3A_844 = tpu.memref_slice %arg9[%dma_start3A_841, %dma_start3A_842, %dma_start3A_843] : memref<2x64x129xf32, #tpu.memory_space<vmem>> -> memref<2x8x128xf32, #tpu.memory_space<vmem>>
      tpu.enqueue_dma source(%dma_start3A_844 : memref<2x8x128xf32, #tpu.memory_space<vmem>>) target(%dma_start3A_840 : memref<2x8x128xf32, #tpu.memory_space<hbm>>) target_semaphore(%arg15 : memref<!tpu.dma_semaphore, #tpu.memory_space<semaphore_mem>>)
      %add3A_845 = arith.constant 0 : i32
      %add3A_846 = arith.addi %mul3A_4, %add3A_845 : i32
      %dma_start3A_847 = arith.constant 7 : i32
      %dma_start3A_848 = arith.constant 0 : i32
      %dma_start3A_849 = arith.constant 56 : i32
      %dma_start3A_850 = arith.constant 0 : i32
      %dma_start3A_851 = tpu.memref_slice %arg9[%dma_start3A_848, %dma_start3A_849, %dma_start3A_850] : memref<2x64x129xf32, #tpu.memory_space<vmem>> -> memref<2x8x128xf32, #tpu.memory_space<vmem>>
      %dma_start3A_852 = arith.constant 0 : i32
      %dma_start3A_853 = arith.constant 0 : i32
      %dma_start3A_854 = tpu.memref_slice %arg4[%add3A_686, %dma_start3A_847, %add3A_846, %dma_start3A_852, %dma_start3A_853] : memref<50x8x128x8x128xf32, #tpu.memory_space<hbm>> -> memref<1x1x2x8x128xf32, #tpu.memory_space<hbm>>
      %dma_start3A_855 = tpu.memref_squeeze %dma_start3A_854 : memref<1x1x2x8x128xf32, #tpu.memory_space<hbm>> -> memref<2x8x128xf32, #tpu.memory_space<hbm>>
      %dma_start3A_856 = arith.constant 0 : i32
      %dma_start3A_857 = arith.constant 0 : i32
      %dma_start3A_858 = tpu.memref_slice %arg4[%add3A_686, %dma_start3A_847, %add3A_846, %dma_start3A_856, %dma_start3A_857] : memref<50x8x128x8x128xf32, #tpu.memory_space<hbm>> -> memref<1x1x2x8x128xf32, #tpu.memory_space<hbm>>
      %dma_start3A_859 = tpu.memref_squeeze %dma_start3A_858 : memref<1x1x2x8x128xf32, #tpu.memory_space<hbm>> -> memref<2x8x128xf32, #tpu.memory_space<hbm>>
      %dma_start3A_860 = arith.constant 0 : i32
      %dma_start3A_861 = arith.constant 56 : i32
      %dma_start3A_862 = arith.constant 0 : i32
      %dma_start3A_863 = tpu.memref_slice %arg9[%dma_start3A_860, %dma_start3A_861, %dma_start3A_862] : memref<2x64x129xf32, #tpu.memory_space<vmem>> -> memref<2x8x128xf32, #tpu.memory_space<vmem>>
      tpu.enqueue_dma source(%dma_start3A_863 : memref<2x8x128xf32, #tpu.memory_space<vmem>>) target(%dma_start3A_859 : memref<2x8x128xf32, #tpu.memory_space<hbm>>) target_semaphore(%arg15 : memref<!tpu.dma_semaphore, #tpu.memory_space<semaphore_mem>>)
      %ge3A_864 = arith.constant 1 : i32
      %ge3A_865 = arith.cmpi sge, %add3A_686, %ge3A_864 : i32
      %convert_element_type3A_866 = arith.extui %ge3A_865 : i1 to i32
      %cond3A_867 = arith.constant 0 : i32
      %cond3A_868 = arith.cmpi ne, %convert_element_type3A_866, %cond3A_867 : i32
      scf.if %cond3A_868 {
        %sub3A = arith.constant 1 : i32
        %sub3A_1024 = arith.subi %add3A_686, %sub3A : i32
        %add3A_1025 = arith.constant 2 : i32
        %add3A_1026 = arith.addi %mul3A_4, %add3A_1025 : i32
        %dma_wait3A_1027 = arith.constant 0 : i32
        %dma_wait3A_1028 = arith.constant 0 : i32
        %dma_wait3A_1029 = arith.constant 0 : i32
        %dma_wait3A_1030 = arith.constant 0 : i32
        %dma_wait3A_1031 = tpu.memref_slice %arg10[%dma_wait3A_1028, %dma_wait3A_1029, %dma_wait3A_1030] : memref<2x64x129xf32, #tpu.memory_space<vmem>> -> memref<2x8x128xf32, #tpu.memory_space<vmem>>
        %dma_wait3A_1032 = arith.constant 0 : i32
        %dma_wait3A_1033 = arith.constant 0 : i32
        %dma_wait3A_1034 = tpu.memref_slice %arg4[%sub3A_1024, %dma_wait3A_1027, %add3A_1026, %dma_wait3A_1032, %dma_wait3A_1033] : memref<50x8x128x8x128xf32, #tpu.memory_space<hbm>> -> memref<1x1x2x8x128xf32, #tpu.memory_space<hbm>>
        %dma_wait3A_1035 = tpu.memref_squeeze %dma_wait3A_1034 : memref<1x1x2x8x128xf32, #tpu.memory_space<hbm>> -> memref<2x8x128xf32, #tpu.memory_space<hbm>>
        %dma_wait3A_1036 = arith.constant 0 : i32
        %dma_wait3A_1037 = arith.constant 0 : i32
        %dma_wait3A_1038 = tpu.memref_slice %arg4[%sub3A_1024, %dma_wait3A_1027, %add3A_1026, %dma_wait3A_1036, %dma_wait3A_1037] : memref<50x8x128x8x128xf32, #tpu.memory_space<hbm>> -> memref<1x1x2x8x128xf32, #tpu.memory_space<hbm>>
        %dma_wait3A_1039 = tpu.memref_squeeze %dma_wait3A_1038 : memref<1x1x2x8x128xf32, #tpu.memory_space<hbm>> -> memref<2x8x128xf32, #tpu.memory_space<hbm>>
        %dma_wait3A_1040 = arith.constant 0 : i32
        %dma_wait3A_1041 = arith.constant 0 : i32
        %dma_wait3A_1042 = arith.constant 0 : i32
        %dma_wait3A_1043 = tpu.memref_slice %arg10[%dma_wait3A_1040, %dma_wait3A_1041, %dma_wait3A_1042] : memref<2x64x129xf32, #tpu.memory_space<vmem>> -> memref<2x8x128xf32, #tpu.memory_space<vmem>>
        tpu.wait_dma2 semaphore(%arg16 : memref<!tpu.dma_semaphore, #tpu.memory_space<semaphore_mem>>) src(%dma_wait3A_1043 : memref<2x8x128xf32, #tpu.memory_space<vmem>>) dst(%dma_wait3A_1039 : memref<2x8x128xf32, #tpu.memory_space<hbm>>)
        %add3A_1044 = arith.constant 2 : i32
        %add3A_1045 = arith.addi %mul3A_4, %add3A_1044 : i32
        %dma_wait3A_1046 = arith.constant 1 : i32
        %dma_wait3A_1047 = arith.constant 0 : i32
        %dma_wait3A_1048 = arith.constant 8 : i32
        %dma_wait3A_1049 = arith.constant 0 : i32
        %dma_wait3A_1050 = tpu.memref_slice %arg10[%dma_wait3A_1047, %dma_wait3A_1048, %dma_wait3A_1049] : memref<2x64x129xf32, #tpu.memory_space<vmem>> -> memref<2x8x128xf32, #tpu.memory_space<vmem>>
        %dma_wait3A_1051 = arith.constant 0 : i32
        %dma_wait3A_1052 = arith.constant 0 : i32
        %dma_wait3A_1053 = tpu.memref_slice %arg4[%sub3A_1024, %dma_wait3A_1046, %add3A_1045, %dma_wait3A_1051, %dma_wait3A_1052] : memref<50x8x128x8x128xf32, #tpu.memory_space<hbm>> -> memref<1x1x2x8x128xf32, #tpu.memory_space<hbm>>
        %dma_wait3A_1054 = tpu.memref_squeeze %dma_wait3A_1053 : memref<1x1x2x8x128xf32, #tpu.memory_space<hbm>> -> memref<2x8x128xf32, #tpu.memory_space<hbm>>
        %dma_wait3A_1055 = arith.constant 0 : i32
        %dma_wait3A_1056 = arith.constant 0 : i32
        %dma_wait3A_1057 = tpu.memref_slice %arg4[%sub3A_1024, %dma_wait3A_1046, %add3A_1045, %dma_wait3A_1055, %dma_wait3A_1056] : memref<50x8x128x8x128xf32, #tpu.memory_space<hbm>> -> memref<1x1x2x8x128xf32, #tpu.memory_space<hbm>>
        %dma_wait3A_1058 = tpu.memref_squeeze %dma_wait3A_1057 : memref<1x1x2x8x128xf32, #tpu.memory_space<hbm>> -> memref<2x8x128xf32, #tpu.memory_space<hbm>>
        %dma_wait3A_1059 = arith.constant 0 : i32
        %dma_wait3A_1060 = arith.constant 8 : i32
        %dma_wait3A_1061 = arith.constant 0 : i32
        %dma_wait3A_1062 = tpu.memref_slice %arg10[%dma_wait3A_1059, %dma_wait3A_1060, %dma_wait3A_1061] : memref<2x64x129xf32, #tpu.memory_space<vmem>> -> memref<2x8x128xf32, #tpu.memory_space<vmem>>
        tpu.wait_dma2 semaphore(%arg16 : memref<!tpu.dma_semaphore, #tpu.memory_space<semaphore_mem>>) src(%dma_wait3A_1062 : memref<2x8x128xf32, #tpu.memory_space<vmem>>) dst(%dma_wait3A_1058 : memref<2x8x128xf32, #tpu.memory_space<hbm>>)
        %add3A_1063 = arith.constant 2 : i32
        %add3A_1064 = arith.addi %mul3A_4, %add3A_1063 : i32
        %dma_wait3A_1065 = arith.constant 2 : i32
        %dma_wait3A_1066 = arith.constant 0 : i32
        %dma_wait3A_1067 = arith.constant 16 : i32
        %dma_wait3A_1068 = arith.constant 0 : i32
        %dma_wait3A_1069 = tpu.memref_slice %arg10[%dma_wait3A_1066, %dma_wait3A_1067, %dma_wait3A_1068] : memref<2x64x129xf32, #tpu.memory_space<vmem>> -> memref<2x8x128xf32, #tpu.memory_space<vmem>>
        %dma_wait3A_1070 = arith.constant 0 : i32
        %dma_wait3A_1071 = arith.constant 0 : i32
        %dma_wait3A_1072 = tpu.memref_slice %arg4[%sub3A_1024, %dma_wait3A_1065, %add3A_1064, %dma_wait3A_1070, %dma_wait3A_1071] : memref<50x8x128x8x128xf32, #tpu.memory_space<hbm>> -> memref<1x1x2x8x128xf32, #tpu.memory_space<hbm>>
        %dma_wait3A_1073 = tpu.memref_squeeze %dma_wait3A_1072 : memref<1x1x2x8x128xf32, #tpu.memory_space<hbm>> -> memref<2x8x128xf32, #tpu.memory_space<hbm>>
        %dma_wait3A_1074 = arith.constant 0 : i32
        %dma_wait3A_1075 = arith.constant 0 : i32
        %dma_wait3A_1076 = tpu.memref_slice %arg4[%sub3A_1024, %dma_wait3A_1065, %add3A_1064, %dma_wait3A_1074, %dma_wait3A_1075] : memref<50x8x128x8x128xf32, #tpu.memory_space<hbm>> -> memref<1x1x2x8x128xf32, #tpu.memory_space<hbm>>
        %dma_wait3A_1077 = tpu.memref_squeeze %dma_wait3A_1076 : memref<1x1x2x8x128xf32, #tpu.memory_space<hbm>> -> memref<2x8x128xf32, #tpu.memory_space<hbm>>
        %dma_wait3A_1078 = arith.constant 0 : i32
        %dma_wait3A_1079 = arith.constant 16 : i32
        %dma_wait3A_1080 = arith.constant 0 : i32
        %dma_wait3A_1081 = tpu.memref_slice %arg10[%dma_wait3A_1078, %dma_wait3A_1079, %dma_wait3A_1080] : memref<2x64x129xf32, #tpu.memory_space<vmem>> -> memref<2x8x128xf32, #tpu.memory_space<vmem>>
        tpu.wait_dma2 semaphore(%arg16 : memref<!tpu.dma_semaphore, #tpu.memory_space<semaphore_mem>>) src(%dma_wait3A_1081 : memref<2x8x128xf32, #tpu.memory_space<vmem>>) dst(%dma_wait3A_1077 : memref<2x8x128xf32, #tpu.memory_space<hbm>>)
        %add3A_1082 = arith.constant 2 : i32
        %add3A_1083 = arith.addi %mul3A_4, %add3A_1082 : i32
        %dma_wait3A_1084 = arith.constant 3 : i32
        %dma_wait3A_1085 = arith.constant 0 : i32
        %dma_wait3A_1086 = arith.constant 24 : i32
        %dma_wait3A_1087 = arith.constant 0 : i32
        %dma_wait3A_1088 = tpu.memref_slice %arg10[%dma_wait3A_1085, %dma_wait3A_1086, %dma_wait3A_1087] : memref<2x64x129xf32, #tpu.memory_space<vmem>> -> memref<2x8x128xf32, #tpu.memory_space<vmem>>
        %dma_wait3A_1089 = arith.constant 0 : i32
        %dma_wait3A_1090 = arith.constant 0 : i32
        %dma_wait3A_1091 = tpu.memref_slice %arg4[%sub3A_1024, %dma_wait3A_1084, %add3A_1083, %dma_wait3A_1089, %dma_wait3A_1090] : memref<50x8x128x8x128xf32, #tpu.memory_space<hbm>> -> memref<1x1x2x8x128xf32, #tpu.memory_space<hbm>>
        %dma_wait3A_1092 = tpu.memref_squeeze %dma_wait3A_1091 : memref<1x1x2x8x128xf32, #tpu.memory_space<hbm>> -> memref<2x8x128xf32, #tpu.memory_space<hbm>>
        %dma_wait3A_1093 = arith.constant 0 : i32
        %dma_wait3A_1094 = arith.constant 0 : i32
        %dma_wait3A_1095 = tpu.memref_slice %arg4[%sub3A_1024, %dma_wait3A_1084, %add3A_1083, %dma_wait3A_1093, %dma_wait3A_1094] : memref<50x8x128x8x128xf32, #tpu.memory_space<hbm>> -> memref<1x1x2x8x128xf32, #tpu.memory_space<hbm>>
        %dma_wait3A_1096 = tpu.memref_squeeze %dma_wait3A_1095 : memref<1x1x2x8x128xf32, #tpu.memory_space<hbm>> -> memref<2x8x128xf32, #tpu.memory_space<hbm>>
        %dma_wait3A_1097 = arith.constant 0 : i32
        %dma_wait3A_1098 = arith.constant 24 : i32
        %dma_wait3A_1099 = arith.constant 0 : i32
        %dma_wait3A_1100 = tpu.memref_slice %arg10[%dma_wait3A_1097, %dma_wait3A_1098, %dma_wait3A_1099] : memref<2x64x129xf32, #tpu.memory_space<vmem>> -> memref<2x8x128xf32, #tpu.memory_space<vmem>>
        tpu.wait_dma2 semaphore(%arg16 : memref<!tpu.dma_semaphore, #tpu.memory_space<semaphore_mem>>) src(%dma_wait3A_1100 : memref<2x8x128xf32, #tpu.memory_space<vmem>>) dst(%dma_wait3A_1096 : memref<2x8x128xf32, #tpu.memory_space<hbm>>)
        %add3A_1101 = arith.constant 2 : i32
        %add3A_1102 = arith.addi %mul3A_4, %add3A_1101 : i32
        %dma_wait3A_1103 = arith.constant 4 : i32
        %dma_wait3A_1104 = arith.constant 0 : i32
        %dma_wait3A_1105 = arith.constant 32 : i32
        %dma_wait3A_1106 = arith.constant 0 : i32
        %dma_wait3A_1107 = tpu.memref_slice %arg10[%dma_wait3A_1104, %dma_wait3A_1105, %dma_wait3A_1106] : memref<2x64x129xf32, #tpu.memory_space<vmem>> -> memref<2x8x128xf32, #tpu.memory_space<vmem>>
        %dma_wait3A_1108 = arith.constant 0 : i32
        %dma_wait3A_1109 = arith.constant 0 : i32
        %dma_wait3A_1110 = tpu.memref_slice %arg4[%sub3A_1024, %dma_wait3A_1103, %add3A_1102, %dma_wait3A_1108, %dma_wait3A_1109] : memref<50x8x128x8x128xf32, #tpu.memory_space<hbm>> -> memref<1x1x2x8x128xf32, #tpu.memory_space<hbm>>
        %dma_wait3A_1111 = tpu.memref_squeeze %dma_wait3A_1110 : memref<1x1x2x8x128xf32, #tpu.memory_space<hbm>> -> memref<2x8x128xf32, #tpu.memory_space<hbm>>
        %dma_wait3A_1112 = arith.constant 0 : i32
        %dma_wait3A_1113 = arith.constant 0 : i32
        %dma_wait3A_1114 = tpu.memref_slice %arg4[%sub3A_1024, %dma_wait3A_1103, %add3A_1102, %dma_wait3A_1112, %dma_wait3A_1113] : memref<50x8x128x8x128xf32, #tpu.memory_space<hbm>> -> memref<1x1x2x8x128xf32, #tpu.memory_space<hbm>>
        %dma_wait3A_1115 = tpu.memref_squeeze %dma_wait3A_1114 : memref<1x1x2x8x128xf32, #tpu.memory_space<hbm>> -> memref<2x8x128xf32, #tpu.memory_space<hbm>>
        %dma_wait3A_1116 = arith.constant 0 : i32
        %dma_wait3A_1117 = arith.constant 32 : i32
        %dma_wait3A_1118 = arith.constant 0 : i32
        %dma_wait3A_1119 = tpu.memref_slice %arg10[%dma_wait3A_1116, %dma_wait3A_1117, %dma_wait3A_1118] : memref<2x64x129xf32, #tpu.memory_space<vmem>> -> memref<2x8x128xf32, #tpu.memory_space<vmem>>
        tpu.wait_dma2 semaphore(%arg16 : memref<!tpu.dma_semaphore, #tpu.memory_space<semaphore_mem>>) src(%dma_wait3A_1119 : memref<2x8x128xf32, #tpu.memory_space<vmem>>) dst(%dma_wait3A_1115 : memref<2x8x128xf32, #tpu.memory_space<hbm>>)
        %add3A_1120 = arith.constant 2 : i32
        %add3A_1121 = arith.addi %mul3A_4, %add3A_1120 : i32
        %dma_wait3A_1122 = arith.constant 5 : i32
        %dma_wait3A_1123 = arith.constant 0 : i32
        %dma_wait3A_1124 = arith.constant 40 : i32
        %dma_wait3A_1125 = arith.constant 0 : i32
        %dma_wait3A_1126 = tpu.memref_slice %arg10[%dma_wait3A_1123, %dma_wait3A_1124, %dma_wait3A_1125] : memref<2x64x129xf32, #tpu.memory_space<vmem>> -> memref<2x8x128xf32, #tpu.memory_space<vmem>>
        %dma_wait3A_1127 = arith.constant 0 : i32
        %dma_wait3A_1128 = arith.constant 0 : i32
        %dma_wait3A_1129 = tpu.memref_slice %arg4[%sub3A_1024, %dma_wait3A_1122, %add3A_1121, %dma_wait3A_1127, %dma_wait3A_1128] : memref<50x8x128x8x128xf32, #tpu.memory_space<hbm>> -> memref<1x1x2x8x128xf32, #tpu.memory_space<hbm>>
        %dma_wait3A_1130 = tpu.memref_squeeze %dma_wait3A_1129 : memref<1x1x2x8x128xf32, #tpu.memory_space<hbm>> -> memref<2x8x128xf32, #tpu.memory_space<hbm>>
        %dma_wait3A_1131 = arith.constant 0 : i32
        %dma_wait3A_1132 = arith.constant 0 : i32
        %dma_wait3A_1133 = tpu.memref_slice %arg4[%sub3A_1024, %dma_wait3A_1122, %add3A_1121, %dma_wait3A_1131, %dma_wait3A_1132] : memref<50x8x128x8x128xf32, #tpu.memory_space<hbm>> -> memref<1x1x2x8x128xf32, #tpu.memory_space<hbm>>
        %dma_wait3A_1134 = tpu.memref_squeeze %dma_wait3A_1133 : memref<1x1x2x8x128xf32, #tpu.memory_space<hbm>> -> memref<2x8x128xf32, #tpu.memory_space<hbm>>
        %dma_wait3A_1135 = arith.constant 0 : i32
        %dma_wait3A_1136 = arith.constant 40 : i32
        %dma_wait3A_1137 = arith.constant 0 : i32
        %dma_wait3A_1138 = tpu.memref_slice %arg10[%dma_wait3A_1135, %dma_wait3A_1136, %dma_wait3A_1137] : memref<2x64x129xf32, #tpu.memory_space<vmem>> -> memref<2x8x128xf32, #tpu.memory_space<vmem>>
        tpu.wait_dma2 semaphore(%arg16 : memref<!tpu.dma_semaphore, #tpu.memory_space<semaphore_mem>>) src(%dma_wait3A_1138 : memref<2x8x128xf32, #tpu.memory_space<vmem>>) dst(%dma_wait3A_1134 : memref<2x8x128xf32, #tpu.memory_space<hbm>>)
        %add3A_1139 = arith.constant 2 : i32
        %add3A_1140 = arith.addi %mul3A_4, %add3A_1139 : i32
        %dma_wait3A_1141 = arith.constant 6 : i32
        %dma_wait3A_1142 = arith.constant 0 : i32
        %dma_wait3A_1143 = arith.constant 48 : i32
        %dma_wait3A_1144 = arith.constant 0 : i32
        %dma_wait3A_1145 = tpu.memref_slice %arg10[%dma_wait3A_1142, %dma_wait3A_1143, %dma_wait3A_1144] : memref<2x64x129xf32, #tpu.memory_space<vmem>> -> memref<2x8x128xf32, #tpu.memory_space<vmem>>
        %dma_wait3A_1146 = arith.constant 0 : i32
        %dma_wait3A_1147 = arith.constant 0 : i32
        %dma_wait3A_1148 = tpu.memref_slice %arg4[%sub3A_1024, %dma_wait3A_1141, %add3A_1140, %dma_wait3A_1146, %dma_wait3A_1147] : memref<50x8x128x8x128xf32, #tpu.memory_space<hbm>> -> memref<1x1x2x8x128xf32, #tpu.memory_space<hbm>>
        %dma_wait3A_1149 = tpu.memref_squeeze %dma_wait3A_1148 : memref<1x1x2x8x128xf32, #tpu.memory_space<hbm>> -> memref<2x8x128xf32, #tpu.memory_space<hbm>>
        %dma_wait3A_1150 = arith.constant 0 : i32
        %dma_wait3A_1151 = arith.constant 0 : i32
        %dma_wait3A_1152 = tpu.memref_slice %arg4[%sub3A_1024, %dma_wait3A_1141, %add3A_1140, %dma_wait3A_1150, %dma_wait3A_1151] : memref<50x8x128x8x128xf32, #tpu.memory_space<hbm>> -> memref<1x1x2x8x128xf32, #tpu.memory_space<hbm>>
        %dma_wait3A_1153 = tpu.memref_squeeze %dma_wait3A_1152 : memref<1x1x2x8x128xf32, #tpu.memory_space<hbm>> -> memref<2x8x128xf32, #tpu.memory_space<hbm>>
        %dma_wait3A_1154 = arith.constant 0 : i32
        %dma_wait3A_1155 = arith.constant 48 : i32
        %dma_wait3A_1156 = arith.constant 0 : i32
        %dma_wait3A_1157 = tpu.memref_slice %arg10[%dma_wait3A_1154, %dma_wait3A_1155, %dma_wait3A_1156] : memref<2x64x129xf32, #tpu.memory_space<vmem>> -> memref<2x8x128xf32, #tpu.memory_space<vmem>>
        tpu.wait_dma2 semaphore(%arg16 : memref<!tpu.dma_semaphore, #tpu.memory_space<semaphore_mem>>) src(%dma_wait3A_1157 : memref<2x8x128xf32, #tpu.memory_space<vmem>>) dst(%dma_wait3A_1153 : memref<2x8x128xf32, #tpu.memory_space<hbm>>)
        %add3A_1158 = arith.constant 2 : i32
        %add3A_1159 = arith.addi %mul3A_4, %add3A_1158 : i32
        %dma_wait3A_1160 = arith.constant 7 : i32
        %dma_wait3A_1161 = arith.constant 0 : i32
        %dma_wait3A_1162 = arith.constant 56 : i32
        %dma_wait3A_1163 = arith.constant 0 : i32
        %dma_wait3A_1164 = tpu.memref_slice %arg10[%dma_wait3A_1161, %dma_wait3A_1162, %dma_wait3A_1163] : memref<2x64x129xf32, #tpu.memory_space<vmem>> -> memref<2x8x128xf32, #tpu.memory_space<vmem>>
        %dma_wait3A_1165 = arith.constant 0 : i32
        %dma_wait3A_1166 = arith.constant 0 : i32
        %dma_wait3A_1167 = tpu.memref_slice %arg4[%sub3A_1024, %dma_wait3A_1160, %add3A_1159, %dma_wait3A_1165, %dma_wait3A_1166] : memref<50x8x128x8x128xf32, #tpu.memory_space<hbm>> -> memref<1x1x2x8x128xf32, #tpu.memory_space<hbm>>
        %dma_wait3A_1168 = tpu.memref_squeeze %dma_wait3A_1167 : memref<1x1x2x8x128xf32, #tpu.memory_space<hbm>> -> memref<2x8x128xf32, #tpu.memory_space<hbm>>
        %dma_wait3A_1169 = arith.constant 0 : i32
        %dma_wait3A_1170 = arith.constant 0 : i32
        %dma_wait3A_1171 = tpu.memref_slice %arg4[%sub3A_1024, %dma_wait3A_1160, %add3A_1159, %dma_wait3A_1169, %dma_wait3A_1170] : memref<50x8x128x8x128xf32, #tpu.memory_space<hbm>> -> memref<1x1x2x8x128xf32, #tpu.memory_space<hbm>>
        %dma_wait3A_1172 = tpu.memref_squeeze %dma_wait3A_1171 : memref<1x1x2x8x128xf32, #tpu.memory_space<hbm>> -> memref<2x8x128xf32, #tpu.memory_space<hbm>>
        %dma_wait3A_1173 = arith.constant 0 : i32
        %dma_wait3A_1174 = arith.constant 56 : i32
        %dma_wait3A_1175 = arith.constant 0 : i32
        %dma_wait3A_1176 = tpu.memref_slice %arg10[%dma_wait3A_1173, %dma_wait3A_1174, %dma_wait3A_1175] : memref<2x64x129xf32, #tpu.memory_space<vmem>> -> memref<2x8x128xf32, #tpu.memory_space<vmem>>
        tpu.wait_dma2 semaphore(%arg16 : memref<!tpu.dma_semaphore, #tpu.memory_space<semaphore_mem>>) src(%dma_wait3A_1176 : memref<2x8x128xf32, #tpu.memory_space<vmem>>) dst(%dma_wait3A_1172 : memref<2x8x128xf32, #tpu.memory_space<hbm>>)
      } else {
      }
      %parallel_loop3A_869 = arith.constant 0 : i32
      %parallel_loop3A_870 = arith.constant 128 : i32
      %parallel_loop3A_871 = arith.constant 1 : i32
      scf.for %parallel_loop3A_1024 = %parallel_loop3A_869 to %parallel_loop3A_870 step %parallel_loop3A_871  : i32 {
        %parallel_loop3A_1025 = arith.constant 0 : i32
        %parallel_loop3A_1026 = vector.broadcast %parallel_loop3A_1025 : i32 to vector<16xi32>
        %parallel_loop3A_1027 = vector.broadcast %parallel_loop3A_1024 : i32 to vector<16xi32>
        %parallel_loop3A_1028 = arith.addi %parallel_loop3A_1026, %parallel_loop3A_1027 : vector<16xi32>
        %parallel_loop3A_1029 = arith.constant 256 : i32
        %parallel_loop3A_1030 = arith.addi %parallel_loop3A_1029, %parallel_loop3A_1024 : i32
        %parallel_loop3A_1031 = arith.constant 0 : i32
        %parallel_loop3A_1032 = vector.broadcast %parallel_loop3A_1031 : i32 to vector<16xi32>
        %parallel_loop3A_1033 = arith.index_cast %parallel_loop3A_1030 : i32 to index
        %parallel_loop3A_1034 = arith.constant 0 : index
        %parallel_loop3A_1035 = tpu.vector_load %arg8[%parallel_loop3A_1033, %parallel_loop3A_1034] {strides = array<i32>} : memref<512x64xf32, #tpu.memory_space<vmem>>, vector<16xf32>,
        %parallel_loop3A_1036 = arith.constant 0 : i32
        %parallel_loop3A_1037 = vector.broadcast %parallel_loop3A_1036 : i32 to vector<16xi32>
        %parallel_loop3A_1038 = arith.addi %parallel_loop3A_1037, %iota3A : vector<16xi32>
        tpu.vector_store_idx %arg10[%parallel_loop3A_1032, %parallel_loop3A_1038, %parallel_loop3A_1028], %parallel_loop3A_1035 : memref<2x64x129xf32, #tpu.memory_space<vmem>>[vector<16xi32>, vector<16xi32>, vector<16xi32>], vector<16xf32>,
        %parallel_loop3A_1039 = arith.index_cast %parallel_loop3A_1030 : i32 to index
        %parallel_loop3A_1040 = arith.constant 16 : index
        %parallel_loop3A_1041 = tpu.vector_load %arg8[%parallel_loop3A_1039, %parallel_loop3A_1040] {strides = array<i32>} : memref<512x64xf32, #tpu.memory_space<vmem>>, vector<16xf32>,
        %parallel_loop3A_1042 = arith.constant 16 : i32
        %parallel_loop3A_1043 = vector.broadcast %parallel_loop3A_1042 : i32 to vector<16xi32>
        %parallel_loop3A_1044 = arith.addi %parallel_loop3A_1043, %iota3A : vector<16xi32>
        tpu.vector_store_idx %arg10[%parallel_loop3A_1032, %parallel_loop3A_1044, %parallel_loop3A_1028], %parallel_loop3A_1041 : memref<2x64x129xf32, #tpu.memory_space<vmem>>[vector<16xi32>, vector<16xi32>, vector<16xi32>], vector<16xf32>,
        %parallel_loop3A_1045 = arith.index_cast %parallel_loop3A_1030 : i32 to index
        %parallel_loop3A_1046 = arith.constant 32 : index
        %parallel_loop3A_1047 = tpu.vector_load %arg8[%parallel_loop3A_1045, %parallel_loop3A_1046] {strides = array<i32>} : memref<512x64xf32, #tpu.memory_space<vmem>>, vector<16xf32>,
        %parallel_loop3A_1048 = arith.constant 32 : i32
        %parallel_loop3A_1049 = vector.broadcast %parallel_loop3A_1048 : i32 to vector<16xi32>
        %parallel_loop3A_1050 = arith.addi %parallel_loop3A_1049, %iota3A : vector<16xi32>
        tpu.vector_store_idx %arg10[%parallel_loop3A_1032, %parallel_loop3A_1050, %parallel_loop3A_1028], %parallel_loop3A_1047 : memref<2x64x129xf32, #tpu.memory_space<vmem>>[vector<16xi32>, vector<16xi32>, vector<16xi32>], vector<16xf32>,
        %parallel_loop3A_1051 = arith.index_cast %parallel_loop3A_1030 : i32 to index
        %parallel_loop3A_1052 = arith.constant 48 : index
        %parallel_loop3A_1053 = tpu.vector_load %arg8[%parallel_loop3A_1051, %parallel_loop3A_1052] {strides = array<i32>} : memref<512x64xf32, #tpu.memory_space<vmem>>, vector<16xf32>,
        %parallel_loop3A_1054 = arith.constant 48 : i32
        %parallel_loop3A_1055 = vector.broadcast %parallel_loop3A_1054 : i32 to vector<16xi32>
        %parallel_loop3A_1056 = arith.addi %parallel_loop3A_1055, %iota3A : vector<16xi32>
        tpu.vector_store_idx %arg10[%parallel_loop3A_1032, %parallel_loop3A_1056, %parallel_loop3A_1028], %parallel_loop3A_1053 : memref<2x64x129xf32, #tpu.memory_space<vmem>>[vector<16xi32>, vector<16xi32>, vector<16xi32>], vector<16xf32>,
        %parallel_loop3A_1057 = arith.constant 384 : i32
        %parallel_loop3A_1058 = arith.addi %parallel_loop3A_1057, %parallel_loop3A_1024 : i32
        %parallel_loop3A_1059 = arith.constant 1 : i32
        %parallel_loop3A_1060 = vector.broadcast %parallel_loop3A_1059 : i32 to vector<16xi32>
        %parallel_loop3A_1061 = arith.index_cast %parallel_loop3A_1058 : i32 to index
        %parallel_loop3A_1062 = arith.constant 0 : index
        %parallel_loop3A_1063 = tpu.vector_load %arg8[%parallel_loop3A_1061, %parallel_loop3A_1062] {strides = array<i32>} : memref<512x64xf32, #tpu.memory_space<vmem>>, vector<16xf32>,
        %parallel_loop3A_1064 = arith.constant 0 : i32
        %parallel_loop3A_1065 = vector.broadcast %parallel_loop3A_1064 : i32 to vector<16xi32>
        %parallel_loop3A_1066 = arith.addi %parallel_loop3A_1065, %iota3A : vector<16xi32>
        tpu.vector_store_idx %arg10[%parallel_loop3A_1060, %parallel_loop3A_1066, %parallel_loop3A_1028], %parallel_loop3A_1063 : memref<2x64x129xf32, #tpu.memory_space<vmem>>[vector<16xi32>, vector<16xi32>, vector<16xi32>], vector<16xf32>,
        %parallel_loop3A_1067 = arith.index_cast %parallel_loop3A_1058 : i32 to index
        %parallel_loop3A_1068 = arith.constant 16 : index
        %parallel_loop3A_1069 = tpu.vector_load %arg8[%parallel_loop3A_1067, %parallel_loop3A_1068] {strides = array<i32>} : memref<512x64xf32, #tpu.memory_space<vmem>>, vector<16xf32>,
        %parallel_loop3A_1070 = arith.constant 16 : i32
        %parallel_loop3A_1071 = vector.broadcast %parallel_loop3A_1070 : i32 to vector<16xi32>
        %parallel_loop3A_1072 = arith.addi %parallel_loop3A_1071, %iota3A : vector<16xi32>
        tpu.vector_store_idx %arg10[%parallel_loop3A_1060, %parallel_loop3A_1072, %parallel_loop3A_1028], %parallel_loop3A_1069 : memref<2x64x129xf32, #tpu.memory_space<vmem>>[vector<16xi32>, vector<16xi32>, vector<16xi32>], vector<16xf32>,
        %parallel_loop3A_1073 = arith.index_cast %parallel_loop3A_1058 : i32 to index
        %parallel_loop3A_1074 = arith.constant 32 : index
        %parallel_loop3A_1075 = tpu.vector_load %arg8[%parallel_loop3A_1073, %parallel_loop3A_1074] {strides = array<i32>} : memref<512x64xf32, #tpu.memory_space<vmem>>, vector<16xf32>,
        %parallel_loop3A_1076 = arith.constant 32 : i32
        %parallel_loop3A_1077 = vector.broadcast %parallel_loop3A_1076 : i32 to vector<16xi32>
        %parallel_loop3A_1078 = arith.addi %parallel_loop3A_1077, %iota3A : vector<16xi32>
        tpu.vector_store_idx %arg10[%parallel_loop3A_1060, %parallel_loop3A_1078, %parallel_loop3A_1028], %parallel_loop3A_1075 : memref<2x64x129xf32, #tpu.memory_space<vmem>>[vector<16xi32>, vector<16xi32>, vector<16xi32>], vector<16xf32>,
        %parallel_loop3A_1079 = arith.index_cast %parallel_loop3A_1058 : i32 to index
        %parallel_loop3A_1080 = arith.constant 48 : index
        %parallel_loop3A_1081 = tpu.vector_load %arg8[%parallel_loop3A_1079, %parallel_loop3A_1080] {strides = array<i32>} : memref<512x64xf32, #tpu.memory_space<vmem>>, vector<16xf32>,
        %parallel_loop3A_1082 = arith.constant 48 : i32
        %parallel_loop3A_1083 = vector.broadcast %parallel_loop3A_1082 : i32 to vector<16xi32>
        %parallel_loop3A_1084 = arith.addi %parallel_loop3A_1083, %iota3A : vector<16xi32>
        tpu.vector_store_idx %arg10[%parallel_loop3A_1060, %parallel_loop3A_1084, %parallel_loop3A_1028], %parallel_loop3A_1081 : memref<2x64x129xf32, #tpu.memory_space<vmem>>[vector<16xi32>, vector<16xi32>, vector<16xi32>], vector<16xf32>,
      } {sc.loop_unroll_factor = 4 : i64, sc.parallel_access}
      %add3A_872 = arith.constant 2 : i32
      %add3A_873 = arith.addi %mul3A_4, %add3A_872 : i32
      %dma_start3A_874 = arith.constant 0 : i32
      %dma_start3A_875 = arith.constant 0 : i32
      %dma_start3A_876 = arith.constant 0 : i32
      %dma_start3A_877 = arith.constant 0 : i32
      %dma_start3A_878 = tpu.memref_slice %arg10[%dma_start3A_875, %dma_start3A_876, %dma_start3A_877] : memref<2x64x129xf32, #tpu.memory_space<vmem>> -> memref<2x8x128xf32, #tpu.memory_space<vmem>>
      %dma_start3A_879 = arith.constant 0 : i32
      %dma_start3A_880 = arith.constant 0 : i32
      %dma_start3A_881 = tpu.memref_slice %arg4[%add3A_686, %dma_start3A_874, %add3A_873, %dma_start3A_879, %dma_start3A_880] : memref<50x8x128x8x128xf32, #tpu.memory_space<hbm>> -> memref<1x1x2x8x128xf32, #tpu.memory_space<hbm>>
      %dma_start3A_882 = tpu.memref_squeeze %dma_start3A_881 : memref<1x1x2x8x128xf32, #tpu.memory_space<hbm>> -> memref<2x8x128xf32, #tpu.memory_space<hbm>>
      %dma_start3A_883 = arith.constant 0 : i32
      %dma_start3A_884 = arith.constant 0 : i32
      %dma_start3A_885 = tpu.memref_slice %arg4[%add3A_686, %dma_start3A_874, %add3A_873, %dma_start3A_883, %dma_start3A_884] : memref<50x8x128x8x128xf32, #tpu.memory_space<hbm>> -> memref<1x1x2x8x128xf32, #tpu.memory_space<hbm>>
      %dma_start3A_886 = tpu.memref_squeeze %dma_start3A_885 : memref<1x1x2x8x128xf32, #tpu.memory_space<hbm>> -> memref<2x8x128xf32, #tpu.memory_space<hbm>>
      %dma_start3A_887 = arith.constant 0 : i32
      %dma_start3A_888 = arith.constant 0 : i32
      %dma_start3A_889 = arith.constant 0 : i32
      %dma_start3A_890 = tpu.memref_slice %arg10[%dma_start3A_887, %dma_start3A_888, %dma_start3A_889] : memref<2x64x129xf32, #tpu.memory_space<vmem>> -> memref<2x8x128xf32, #tpu.memory_space<vmem>>
      tpu.enqueue_dma source(%dma_start3A_890 : memref<2x8x128xf32, #tpu.memory_space<vmem>>) target(%dma_start3A_886 : memref<2x8x128xf32, #tpu.memory_space<hbm>>) target_semaphore(%arg16 : memref<!tpu.dma_semaphore, #tpu.memory_space<semaphore_mem>>)
      %add3A_891 = arith.constant 2 : i32
      %add3A_892 = arith.addi %mul3A_4, %add3A_891 : i32
      %dma_start3A_893 = arith.constant 1 : i32
      %dma_start3A_894 = arith.constant 0 : i32
      %dma_start3A_895 = arith.constant 8 : i32
      %dma_start3A_896 = arith.constant 0 : i32
      %dma_start3A_897 = tpu.memref_slice %arg10[%dma_start3A_894, %dma_start3A_895, %dma_start3A_896] : memref<2x64x129xf32, #tpu.memory_space<vmem>> -> memref<2x8x128xf32, #tpu.memory_space<vmem>>
      %dma_start3A_898 = arith.constant 0 : i32
      %dma_start3A_899 = arith.constant 0 : i32
      %dma_start3A_900 = tpu.memref_slice %arg4[%add3A_686, %dma_start3A_893, %add3A_892, %dma_start3A_898, %dma_start3A_899] : memref<50x8x128x8x128xf32, #tpu.memory_space<hbm>> -> memref<1x1x2x8x128xf32, #tpu.memory_space<hbm>>
      %dma_start3A_901 = tpu.memref_squeeze %dma_start3A_900 : memref<1x1x2x8x128xf32, #tpu.memory_space<hbm>> -> memref<2x8x128xf32, #tpu.memory_space<hbm>>
      %dma_start3A_902 = arith.constant 0 : i32
      %dma_start3A_903 = arith.constant 0 : i32
      %dma_start3A_904 = tpu.memref_slice %arg4[%add3A_686, %dma_start3A_893, %add3A_892, %dma_start3A_902, %dma_start3A_903] : memref<50x8x128x8x128xf32, #tpu.memory_space<hbm>> -> memref<1x1x2x8x128xf32, #tpu.memory_space<hbm>>
      %dma_start3A_905 = tpu.memref_squeeze %dma_start3A_904 : memref<1x1x2x8x128xf32, #tpu.memory_space<hbm>> -> memref<2x8x128xf32, #tpu.memory_space<hbm>>
      %dma_start3A_906 = arith.constant 0 : i32
      %dma_start3A_907 = arith.constant 8 : i32
      %dma_start3A_908 = arith.constant 0 : i32
      %dma_start3A_909 = tpu.memref_slice %arg10[%dma_start3A_906, %dma_start3A_907, %dma_start3A_908] : memref<2x64x129xf32, #tpu.memory_space<vmem>> -> memref<2x8x128xf32, #tpu.memory_space<vmem>>
      tpu.enqueue_dma source(%dma_start3A_909 : memref<2x8x128xf32, #tpu.memory_space<vmem>>) target(%dma_start3A_905 : memref<2x8x128xf32, #tpu.memory_space<hbm>>) target_semaphore(%arg16 : memref<!tpu.dma_semaphore, #tpu.memory_space<semaphore_mem>>)
      %add3A_910 = arith.constant 2 : i32
      %add3A_911 = arith.addi %mul3A_4, %add3A_910 : i32
      %dma_start3A_912 = arith.constant 2 : i32
      %dma_start3A_913 = arith.constant 0 : i32
      %dma_start3A_914 = arith.constant 16 : i32
      %dma_start3A_915 = arith.constant 0 : i32
      %dma_start3A_916 = tpu.memref_slice %arg10[%dma_start3A_913, %dma_start3A_914, %dma_start3A_915] : memref<2x64x129xf32, #tpu.memory_space<vmem>> -> memref<2x8x128xf32, #tpu.memory_space<vmem>>
      %dma_start3A_917 = arith.constant 0 : i32
      %dma_start3A_918 = arith.constant 0 : i32
      %dma_start3A_919 = tpu.memref_slice %arg4[%add3A_686, %dma_start3A_912, %add3A_911, %dma_start3A_917, %dma_start3A_918] : memref<50x8x128x8x128xf32, #tpu.memory_space<hbm>> -> memref<1x1x2x8x128xf32, #tpu.memory_space<hbm>>
      %dma_start3A_920 = tpu.memref_squeeze %dma_start3A_919 : memref<1x1x2x8x128xf32, #tpu.memory_space<hbm>> -> memref<2x8x128xf32, #tpu.memory_space<hbm>>
      %dma_start3A_921 = arith.constant 0 : i32
      %dma_start3A_922 = arith.constant 0 : i32
      %dma_start3A_923 = tpu.memref_slice %arg4[%add3A_686, %dma_start3A_912, %add3A_911, %dma_start3A_921, %dma_start3A_922] : memref<50x8x128x8x128xf32, #tpu.memory_space<hbm>> -> memref<1x1x2x8x128xf32, #tpu.memory_space<hbm>>
      %dma_start3A_924 = tpu.memref_squeeze %dma_start3A_923 : memref<1x1x2x8x128xf32, #tpu.memory_space<hbm>> -> memref<2x8x128xf32, #tpu.memory_space<hbm>>
      %dma_start3A_925 = arith.constant 0 : i32
      %dma_start3A_926 = arith.constant 16 : i32
      %dma_start3A_927 = arith.constant 0 : i32
      %dma_start3A_928 = tpu.memref_slice %arg10[%dma_start3A_925, %dma_start3A_926, %dma_start3A_927] : memref<2x64x129xf32, #tpu.memory_space<vmem>> -> memref<2x8x128xf32, #tpu.memory_space<vmem>>
      tpu.enqueue_dma source(%dma_start3A_928 : memref<2x8x128xf32, #tpu.memory_space<vmem>>) target(%dma_start3A_924 : memref<2x8x128xf32, #tpu.memory_space<hbm>>) target_semaphore(%arg16 : memref<!tpu.dma_semaphore, #tpu.memory_space<semaphore_mem>>)
      %add3A_929 = arith.constant 2 : i32
      %add3A_930 = arith.addi %mul3A_4, %add3A_929 : i32
      %dma_start3A_931 = arith.constant 3 : i32
      %dma_start3A_932 = arith.constant 0 : i32
      %dma_start3A_933 = arith.constant 24 : i32
      %dma_start3A_934 = arith.constant 0 : i32
      %dma_start3A_935 = tpu.memref_slice %arg10[%dma_start3A_932, %dma_start3A_933, %dma_start3A_934] : memref<2x64x129xf32, #tpu.memory_space<vmem>> -> memref<2x8x128xf32, #tpu.memory_space<vmem>>
      %dma_start3A_936 = arith.constant 0 : i32
      %dma_start3A_937 = arith.constant 0 : i32
      %dma_start3A_938 = tpu.memref_slice %arg4[%add3A_686, %dma_start3A_931, %add3A_930, %dma_start3A_936, %dma_start3A_937] : memref<50x8x128x8x128xf32, #tpu.memory_space<hbm>> -> memref<1x1x2x8x128xf32, #tpu.memory_space<hbm>>
      %dma_start3A_939 = tpu.memref_squeeze %dma_start3A_938 : memref<1x1x2x8x128xf32, #tpu.memory_space<hbm>> -> memref<2x8x128xf32, #tpu.memory_space<hbm>>
      %dma_start3A_940 = arith.constant 0 : i32
      %dma_start3A_941 = arith.constant 0 : i32
      %dma_start3A_942 = tpu.memref_slice %arg4[%add3A_686, %dma_start3A_931, %add3A_930, %dma_start3A_940, %dma_start3A_941] : memref<50x8x128x8x128xf32, #tpu.memory_space<hbm>> -> memref<1x1x2x8x128xf32, #tpu.memory_space<hbm>>
      %dma_start3A_943 = tpu.memref_squeeze %dma_start3A_942 : memref<1x1x2x8x128xf32, #tpu.memory_space<hbm>> -> memref<2x8x128xf32, #tpu.memory_space<hbm>>
      %dma_start3A_944 = arith.constant 0 : i32
      %dma_start3A_945 = arith.constant 24 : i32
      %dma_start3A_946 = arith.constant 0 : i32
      %dma_start3A_947 = tpu.memref_slice %arg10[%dma_start3A_944, %dma_start3A_945, %dma_start3A_946] : memref<2x64x129xf32, #tpu.memory_space<vmem>> -> memref<2x8x128xf32, #tpu.memory_space<vmem>>
      tpu.enqueue_dma source(%dma_start3A_947 : memref<2x8x128xf32, #tpu.memory_space<vmem>>) target(%dma_start3A_943 : memref<2x8x128xf32, #tpu.memory_space<hbm>>) target_semaphore(%arg16 : memref<!tpu.dma_semaphore, #tpu.memory_space<semaphore_mem>>)
      %add3A_948 = arith.constant 2 : i32
      %add3A_949 = arith.addi %mul3A_4, %add3A_948 : i32
      %dma_start3A_950 = arith.constant 4 : i32
      %dma_start3A_951 = arith.constant 0 : i32
      %dma_start3A_952 = arith.constant 32 : i32
      %dma_start3A_953 = arith.constant 0 : i32
      %dma_start3A_954 = tpu.memref_slice %arg10[%dma_start3A_951, %dma_start3A_952, %dma_start3A_953] : memref<2x64x129xf32, #tpu.memory_space<vmem>> -> memref<2x8x128xf32, #tpu.memory_space<vmem>>
      %dma_start3A_955 = arith.constant 0 : i32
      %dma_start3A_956 = arith.constant 0 : i32
      %dma_start3A_957 = tpu.memref_slice %arg4[%add3A_686, %dma_start3A_950, %add3A_949, %dma_start3A_955, %dma_start3A_956] : memref<50x8x128x8x128xf32, #tpu.memory_space<hbm>> -> memref<1x1x2x8x128xf32, #tpu.memory_space<hbm>>
      %dma_start3A_958 = tpu.memref_squeeze %dma_start3A_957 : memref<1x1x2x8x128xf32, #tpu.memory_space<hbm>> -> memref<2x8x128xf32, #tpu.memory_space<hbm>>
      %dma_start3A_959 = arith.constant 0 : i32
      %dma_start3A_960 = arith.constant 0 : i32
      %dma_start3A_961 = tpu.memref_slice %arg4[%add3A_686, %dma_start3A_950, %add3A_949, %dma_start3A_959, %dma_start3A_960] : memref<50x8x128x8x128xf32, #tpu.memory_space<hbm>> -> memref<1x1x2x8x128xf32, #tpu.memory_space<hbm>>
      %dma_start3A_962 = tpu.memref_squeeze %dma_start3A_961 : memref<1x1x2x8x128xf32, #tpu.memory_space<hbm>> -> memref<2x8x128xf32, #tpu.memory_space<hbm>>
      %dma_start3A_963 = arith.constant 0 : i32
      %dma_start3A_964 = arith.constant 32 : i32
      %dma_start3A_965 = arith.constant 0 : i32
      %dma_start3A_966 = tpu.memref_slice %arg10[%dma_start3A_963, %dma_start3A_964, %dma_start3A_965] : memref<2x64x129xf32, #tpu.memory_space<vmem>> -> memref<2x8x128xf32, #tpu.memory_space<vmem>>
      tpu.enqueue_dma source(%dma_start3A_966 : memref<2x8x128xf32, #tpu.memory_space<vmem>>) target(%dma_start3A_962 : memref<2x8x128xf32, #tpu.memory_space<hbm>>) target_semaphore(%arg16 : memref<!tpu.dma_semaphore, #tpu.memory_space<semaphore_mem>>)
      %add3A_967 = arith.constant 2 : i32
      %add3A_968 = arith.addi %mul3A_4, %add3A_967 : i32
      %dma_start3A_969 = arith.constant 5 : i32
      %dma_start3A_970 = arith.constant 0 : i32
      %dma_start3A_971 = arith.constant 40 : i32
      %dma_start3A_972 = arith.constant 0 : i32
      %dma_start3A_973 = tpu.memref_slice %arg10[%dma_start3A_970, %dma_start3A_971, %dma_start3A_972] : memref<2x64x129xf32, #tpu.memory_space<vmem>> -> memref<2x8x128xf32, #tpu.memory_space<vmem>>
      %dma_start3A_974 = arith.constant 0 : i32
      %dma_start3A_975 = arith.constant 0 : i32
      %dma_start3A_976 = tpu.memref_slice %arg4[%add3A_686, %dma_start3A_969, %add3A_968, %dma_start3A_974, %dma_start3A_975] : memref<50x8x128x8x128xf32, #tpu.memory_space<hbm>> -> memref<1x1x2x8x128xf32, #tpu.memory_space<hbm>>
      %dma_start3A_977 = tpu.memref_squeeze %dma_start3A_976 : memref<1x1x2x8x128xf32, #tpu.memory_space<hbm>> -> memref<2x8x128xf32, #tpu.memory_space<hbm>>
      %dma_start3A_978 = arith.constant 0 : i32
      %dma_start3A_979 = arith.constant 0 : i32
      %dma_start3A_980 = tpu.memref_slice %arg4[%add3A_686, %dma_start3A_969, %add3A_968, %dma_start3A_978, %dma_start3A_979] : memref<50x8x128x8x128xf32, #tpu.memory_space<hbm>> -> memref<1x1x2x8x128xf32, #tpu.memory_space<hbm>>
      %dma_start3A_981 = tpu.memref_squeeze %dma_start3A_980 : memref<1x1x2x8x128xf32, #tpu.memory_space<hbm>> -> memref<2x8x128xf32, #tpu.memory_space<hbm>>
      %dma_start3A_982 = arith.constant 0 : i32
      %dma_start3A_983 = arith.constant 40 : i32
      %dma_start3A_984 = arith.constant 0 : i32
      %dma_start3A_985 = tpu.memref_slice %arg10[%dma_start3A_982, %dma_start3A_983, %dma_start3A_984] : memref<2x64x129xf32, #tpu.memory_space<vmem>> -> memref<2x8x128xf32, #tpu.memory_space<vmem>>
      tpu.enqueue_dma source(%dma_start3A_985 : memref<2x8x128xf32, #tpu.memory_space<vmem>>) target(%dma_start3A_981 : memref<2x8x128xf32, #tpu.memory_space<hbm>>) target_semaphore(%arg16 : memref<!tpu.dma_semaphore, #tpu.memory_space<semaphore_mem>>)
      %add3A_986 = arith.constant 2 : i32
      %add3A_987 = arith.addi %mul3A_4, %add3A_986 : i32
      %dma_start3A_988 = arith.constant 6 : i32
      %dma_start3A_989 = arith.constant 0 : i32
      %dma_start3A_990 = arith.constant 48 : i32
      %dma_start3A_991 = arith.constant 0 : i32
      %dma_start3A_992 = tpu.memref_slice %arg10[%dma_start3A_989, %dma_start3A_990, %dma_start3A_991] : memref<2x64x129xf32, #tpu.memory_space<vmem>> -> memref<2x8x128xf32, #tpu.memory_space<vmem>>
      %dma_start3A_993 = arith.constant 0 : i32
      %dma_start3A_994 = arith.constant 0 : i32
      %dma_start3A_995 = tpu.memref_slice %arg4[%add3A_686, %dma_start3A_988, %add3A_987, %dma_start3A_993, %dma_start3A_994] : memref<50x8x128x8x128xf32, #tpu.memory_space<hbm>> -> memref<1x1x2x8x128xf32, #tpu.memory_space<hbm>>
      %dma_start3A_996 = tpu.memref_squeeze %dma_start3A_995 : memref<1x1x2x8x128xf32, #tpu.memory_space<hbm>> -> memref<2x8x128xf32, #tpu.memory_space<hbm>>
      %dma_start3A_997 = arith.constant 0 : i32
      %dma_start3A_998 = arith.constant 0 : i32
      %dma_start3A_999 = tpu.memref_slice %arg4[%add3A_686, %dma_start3A_988, %add3A_987, %dma_start3A_997, %dma_start3A_998] : memref<50x8x128x8x128xf32, #tpu.memory_space<hbm>> -> memref<1x1x2x8x128xf32, #tpu.memory_space<hbm>>
      %dma_start3A_1000 = tpu.memref_squeeze %dma_start3A_999 : memref<1x1x2x8x128xf32, #tpu.memory_space<hbm>> -> memref<2x8x128xf32, #tpu.memory_space<hbm>>
      %dma_start3A_1001 = arith.constant 0 : i32
      %dma_start3A_1002 = arith.constant 48 : i32
      %dma_start3A_1003 = arith.constant 0 : i32
      %dma_start3A_1004 = tpu.memref_slice %arg10[%dma_start3A_1001, %dma_start3A_1002, %dma_start3A_1003] : memref<2x64x129xf32, #tpu.memory_space<vmem>> -> memref<2x8x128xf32, #tpu.memory_space<vmem>>
      tpu.enqueue_dma source(%dma_start3A_1004 : memref<2x8x128xf32, #tpu.memory_space<vmem>>) target(%dma_start3A_1000 : memref<2x8x128xf32, #tpu.memory_space<hbm>>) target_semaphore(%arg16 : memref<!tpu.dma_semaphore, #tpu.memory_space<semaphore_mem>>)
      %add3A_1005 = arith.constant 2 : i32
      %add3A_1006 = arith.addi %mul3A_4, %add3A_1005 : i32
      %dma_start3A_1007 = arith.constant 7 : i32
      %dma_start3A_1008 = arith.constant 0 : i32
      %dma_start3A_1009 = arith.constant 56 : i32
      %dma_start3A_1010 = arith.constant 0 : i32
      %dma_start3A_1011 = tpu.memref_slice %arg10[%dma_start3A_1008, %dma_start3A_1009, %dma_start3A_1010] : memref<2x64x129xf32, #tpu.memory_space<vmem>> -> memref<2x8x128xf32, #tpu.memory_space<vmem>>
      %dma_start3A_1012 = arith.constant 0 : i32
      %dma_start3A_1013 = arith.constant 0 : i32
      %dma_start3A_1014 = tpu.memref_slice %arg4[%add3A_686, %dma_start3A_1007, %add3A_1006, %dma_start3A_1012, %dma_start3A_1013] : memref<50x8x128x8x128xf32, #tpu.memory_space<hbm>> -> memref<1x1x2x8x128xf32, #tpu.memory_space<hbm>>
      %dma_start3A_1015 = tpu.memref_squeeze %dma_start3A_1014 : memref<1x1x2x8x128xf32, #tpu.memory_space<hbm>> -> memref<2x8x128xf32, #tpu.memory_space<hbm>>
      %dma_start3A_1016 = arith.constant 0 : i32
      %dma_start3A_1017 = arith.constant 0 : i32
      %dma_start3A_1018 = tpu.memref_slice %arg4[%add3A_686, %dma_start3A_1007, %add3A_1006, %dma_start3A_1016, %dma_start3A_1017] : memref<50x8x128x8x128xf32, #tpu.memory_space<hbm>> -> memref<1x1x2x8x128xf32, #tpu.memory_space<hbm>>
      %dma_start3A_1019 = tpu.memref_squeeze %dma_start3A_1018 : memref<1x1x2x8x128xf32, #tpu.memory_space<hbm>> -> memref<2x8x128xf32, #tpu.memory_space<hbm>>
      %dma_start3A_1020 = arith.constant 0 : i32
      %dma_start3A_1021 = arith.constant 56 : i32
      %dma_start3A_1022 = arith.constant 0 : i32
      %dma_start3A_1023 = tpu.memref_slice %arg10[%dma_start3A_1020, %dma_start3A_1021, %dma_start3A_1022] : memref<2x64x129xf32, #tpu.memory_space<vmem>> -> memref<2x8x128xf32, #tpu.memory_space<vmem>>
      tpu.enqueue_dma source(%dma_start3A_1023 : memref<2x8x128xf32, #tpu.memory_space<vmem>>) target(%dma_start3A_1019 : memref<2x8x128xf32, #tpu.memory_space<hbm>>) target_semaphore(%arg16 : memref<!tpu.dma_semaphore, #tpu.memory_space<semaphore_mem>>)
    }
    %scan3A_25 = arith.constant 25 : i32
    %add3A_26 = arith.constant 0 : i32
    %add3A_27 = arith.addi %mul3A_4, %add3A_26 : i32
    %dma_wait3A_28 = arith.constant 49 : i32
    %dma_wait3A_29 = arith.constant 0 : i32
    %dma_wait3A_30 = arith.constant 0 : i32
    %dma_wait3A_31 = arith.constant 0 : i32
    %dma_wait3A_32 = arith.constant 0 : i32
    %dma_wait3A_33 = tpu.memref_slice %arg9[%dma_wait3A_30, %dma_wait3A_31, %dma_wait3A_32] : memref<2x64x129xf32, #tpu.memory_space<vmem>> -> memref<2x8x128xf32, #tpu.memory_space<vmem>>
    %dma_wait3A_34 = arith.constant 0 : i32
    %dma_wait3A_35 = arith.constant 0 : i32
    %dma_wait3A_36 = tpu.memref_slice %arg4[%dma_wait3A_28, %dma_wait3A_29, %add3A_27, %dma_wait3A_34, %dma_wait3A_35] : memref<50x8x128x8x128xf32, #tpu.memory_space<hbm>> -> memref<1x1x2x8x128xf32, #tpu.memory_space<hbm>>
    %dma_wait3A_37 = tpu.memref_squeeze %dma_wait3A_36 : memref<1x1x2x8x128xf32, #tpu.memory_space<hbm>> -> memref<2x8x128xf32, #tpu.memory_space<hbm>>
    %dma_wait3A_38 = arith.constant 0 : i32
    %dma_wait3A_39 = arith.constant 0 : i32
    %dma_wait3A_40 = tpu.memref_slice %arg4[%dma_wait3A_28, %dma_wait3A_29, %add3A_27, %dma_wait3A_38, %dma_wait3A_39] : memref<50x8x128x8x128xf32, #tpu.memory_space<hbm>> -> memref<1x1x2x8x128xf32, #tpu.memory_space<hbm>>
    %dma_wait3A_41 = tpu.memref_squeeze %dma_wait3A_40 : memref<1x1x2x8x128xf32, #tpu.memory_space<hbm>> -> memref<2x8x128xf32, #tpu.memory_space<hbm>>
    %dma_wait3A_42 = arith.constant 0 : i32
    %dma_wait3A_43 = arith.constant 0 : i32
    %dma_wait3A_44 = arith.constant 0 : i32
    %dma_wait3A_45 = tpu.memref_slice %arg9[%dma_wait3A_42, %dma_wait3A_43, %dma_wait3A_44] : memref<2x64x129xf32, #tpu.memory_space<vmem>> -> memref<2x8x128xf32, #tpu.memory_space<vmem>>
    tpu.wait_dma2 semaphore(%arg15 : memref<!tpu.dma_semaphore, #tpu.memory_space<semaphore_mem>>) src(%dma_wait3A_45 : memref<2x8x128xf32, #tpu.memory_space<vmem>>) dst(%dma_wait3A_41 : memref<2x8x128xf32, #tpu.memory_space<hbm>>)
    %add3A_46 = arith.constant 0 : i32
    %add3A_47 = arith.addi %mul3A_4, %add3A_46 : i32
    %dma_wait3A_48 = arith.constant 49 : i32
    %dma_wait3A_49 = arith.constant 1 : i32
    %dma_wait3A_50 = arith.constant 0 : i32
    %dma_wait3A_51 = arith.constant 8 : i32
    %dma_wait3A_52 = arith.constant 0 : i32
    %dma_wait3A_53 = tpu.memref_slice %arg9[%dma_wait3A_50, %dma_wait3A_51, %dma_wait3A_52] : memref<2x64x129xf32, #tpu.memory_space<vmem>> -> memref<2x8x128xf32, #tpu.memory_space<vmem>>
    %dma_wait3A_54 = arith.constant 0 : i32
    %dma_wait3A_55 = arith.constant 0 : i32
    %dma_wait3A_56 = tpu.memref_slice %arg4[%dma_wait3A_48, %dma_wait3A_49, %add3A_47, %dma_wait3A_54, %dma_wait3A_55] : memref<50x8x128x8x128xf32, #tpu.memory_space<hbm>> -> memref<1x1x2x8x128xf32, #tpu.memory_space<hbm>>
    %dma_wait3A_57 = tpu.memref_squeeze %dma_wait3A_56 : memref<1x1x2x8x128xf32, #tpu.memory_space<hbm>> -> memref<2x8x128xf32, #tpu.memory_space<hbm>>
    %dma_wait3A_58 = arith.constant 0 : i32
    %dma_wait3A_59 = arith.constant 0 : i32
    %dma_wait3A_60 = tpu.memref_slice %arg4[%dma_wait3A_48, %dma_wait3A_49, %add3A_47, %dma_wait3A_58, %dma_wait3A_59] : memref<50x8x128x8x128xf32, #tpu.memory_space<hbm>> -> memref<1x1x2x8x128xf32, #tpu.memory_space<hbm>>
    %dma_wait3A_61 = tpu.memref_squeeze %dma_wait3A_60 : memref<1x1x2x8x128xf32, #tpu.memory_space<hbm>> -> memref<2x8x128xf32, #tpu.memory_space<hbm>>
    %dma_wait3A_62 = arith.constant 0 : i32
    %dma_wait3A_63 = arith.constant 8 : i32
    %dma_wait3A_64 = arith.constant 0 : i32
    %dma_wait3A_65 = tpu.memref_slice %arg9[%dma_wait3A_62, %dma_wait3A_63, %dma_wait3A_64] : memref<2x64x129xf32, #tpu.memory_space<vmem>> -> memref<2x8x128xf32, #tpu.memory_space<vmem>>
    tpu.wait_dma2 semaphore(%arg15 : memref<!tpu.dma_semaphore, #tpu.memory_space<semaphore_mem>>) src(%dma_wait3A_65 : memref<2x8x128xf32, #tpu.memory_space<vmem>>) dst(%dma_wait3A_61 : memref<2x8x128xf32, #tpu.memory_space<hbm>>)
    %add3A_66 = arith.constant 0 : i32
    %add3A_67 = arith.addi %mul3A_4, %add3A_66 : i32
    %dma_wait3A_68 = arith.constant 49 : i32
    %dma_wait3A_69 = arith.constant 2 : i32
    %dma_wait3A_70 = arith.constant 0 : i32
    %dma_wait3A_71 = arith.constant 16 : i32
    %dma_wait3A_72 = arith.constant 0 : i32
    %dma_wait3A_73 = tpu.memref_slice %arg9[%dma_wait3A_70, %dma_wait3A_71, %dma_wait3A_72] : memref<2x64x129xf32, #tpu.memory_space<vmem>> -> memref<2x8x128xf32, #tpu.memory_space<vmem>>
    %dma_wait3A_74 = arith.constant 0 : i32
    %dma_wait3A_75 = arith.constant 0 : i32
    %dma_wait3A_76 = tpu.memref_slice %arg4[%dma_wait3A_68, %dma_wait3A_69, %add3A_67, %dma_wait3A_74, %dma_wait3A_75] : memref<50x8x128x8x128xf32, #tpu.memory_space<hbm>> -> memref<1x1x2x8x128xf32, #tpu.memory_space<hbm>>
    %dma_wait3A_77 = tpu.memref_squeeze %dma_wait3A_76 : memref<1x1x2x8x128xf32, #tpu.memory_space<hbm>> -> memref<2x8x128xf32, #tpu.memory_space<hbm>>
    %dma_wait3A_78 = arith.constant 0 : i32
    %dma_wait3A_79 = arith.constant 0 : i32
    %dma_wait3A_80 = tpu.memref_slice %arg4[%dma_wait3A_68, %dma_wait3A_69, %add3A_67, %dma_wait3A_78, %dma_wait3A_79] : memref<50x8x128x8x128xf32, #tpu.memory_space<hbm>> -> memref<1x1x2x8x128xf32, #tpu.memory_space<hbm>>
    %dma_wait3A_81 = tpu.memref_squeeze %dma_wait3A_80 : memref<1x1x2x8x128xf32, #tpu.memory_space<hbm>> -> memref<2x8x128xf32, #tpu.memory_space<hbm>>
    %dma_wait3A_82 = arith.constant 0 : i32
    %dma_wait3A_83 = arith.constant 16 : i32
    %dma_wait3A_84 = arith.constant 0 : i32
    %dma_wait3A_85 = tpu.memref_slice %arg9[%dma_wait3A_82, %dma_wait3A_83, %dma_wait3A_84] : memref<2x64x129xf32, #tpu.memory_space<vmem>> -> memref<2x8x128xf32, #tpu.memory_space<vmem>>
    tpu.wait_dma2 semaphore(%arg15 : memref<!tpu.dma_semaphore, #tpu.memory_space<semaphore_mem>>) src(%dma_wait3A_85 : memref<2x8x128xf32, #tpu.memory_space<vmem>>) dst(%dma_wait3A_81 : memref<2x8x128xf32, #tpu.memory_space<hbm>>)
    %add3A_86 = arith.constant 0 : i32
    %add3A_87 = arith.addi %mul3A_4, %add3A_86 : i32
    %dma_wait3A_88 = arith.constant 49 : i32
    %dma_wait3A_89 = arith.constant 3 : i32
    %dma_wait3A_90 = arith.constant 0 : i32
    %dma_wait3A_91 = arith.constant 24 : i32
    %dma_wait3A_92 = arith.constant 0 : i32
    %dma_wait3A_93 = tpu.memref_slice %arg9[%dma_wait3A_90, %dma_wait3A_91, %dma_wait3A_92] : memref<2x64x129xf32, #tpu.memory_space<vmem>> -> memref<2x8x128xf32, #tpu.memory_space<vmem>>
    %dma_wait3A_94 = arith.constant 0 : i32
    %dma_wait3A_95 = arith.constant 0 : i32
    %dma_wait3A_96 = tpu.memref_slice %arg4[%dma_wait3A_88, %dma_wait3A_89, %add3A_87, %dma_wait3A_94, %dma_wait3A_95] : memref<50x8x128x8x128xf32, #tpu.memory_space<hbm>> -> memref<1x1x2x8x128xf32, #tpu.memory_space<hbm>>
    %dma_wait3A_97 = tpu.memref_squeeze %dma_wait3A_96 : memref<1x1x2x8x128xf32, #tpu.memory_space<hbm>> -> memref<2x8x128xf32, #tpu.memory_space<hbm>>
    %dma_wait3A_98 = arith.constant 0 : i32
    %dma_wait3A_99 = arith.constant 0 : i32
    %dma_wait3A_100 = tpu.memref_slice %arg4[%dma_wait3A_88, %dma_wait3A_89, %add3A_87, %dma_wait3A_98, %dma_wait3A_99] : memref<50x8x128x8x128xf32, #tpu.memory_space<hbm>> -> memref<1x1x2x8x128xf32, #tpu.memory_space<hbm>>
    %dma_wait3A_101 = tpu.memref_squeeze %dma_wait3A_100 : memref<1x1x2x8x128xf32, #tpu.memory_space<hbm>> -> memref<2x8x128xf32, #tpu.memory_space<hbm>>
    %dma_wait3A_102 = arith.constant 0 : i32
    %dma_wait3A_103 = arith.constant 24 : i32
    %dma_wait3A_104 = arith.constant 0 : i32
    %dma_wait3A_105 = tpu.memref_slice %arg9[%dma_wait3A_102, %dma_wait3A_103, %dma_wait3A_104] : memref<2x64x129xf32, #tpu.memory_space<vmem>> -> memref<2x8x128xf32, #tpu.memory_space<vmem>>
    tpu.wait_dma2 semaphore(%arg15 : memref<!tpu.dma_semaphore, #tpu.memory_space<semaphore_mem>>) src(%dma_wait3A_105 : memref<2x8x128xf32, #tpu.memory_space<vmem>>) dst(%dma_wait3A_101 : memref<2x8x128xf32, #tpu.memory_space<hbm>>)
    %add3A_106 = arith.constant 0 : i32
    %add3A_107 = arith.addi %mul3A_4, %add3A_106 : i32
    %dma_wait3A_108 = arith.constant 49 : i32
    %dma_wait3A_109 = arith.constant 4 : i32
    %dma_wait3A_110 = arith.constant 0 : i32
    %dma_wait3A_111 = arith.constant 32 : i32
    %dma_wait3A_112 = arith.constant 0 : i32
    %dma_wait3A_113 = tpu.memref_slice %arg9[%dma_wait3A_110, %dma_wait3A_111, %dma_wait3A_112] : memref<2x64x129xf32, #tpu.memory_space<vmem>> -> memref<2x8x128xf32, #tpu.memory_space<vmem>>
    %dma_wait3A_114 = arith.constant 0 : i32
    %dma_wait3A_115 = arith.constant 0 : i32
    %dma_wait3A_116 = tpu.memref_slice %arg4[%dma_wait3A_108, %dma_wait3A_109, %add3A_107, %dma_wait3A_114, %dma_wait3A_115] : memref<50x8x128x8x128xf32, #tpu.memory_space<hbm>> -> memref<1x1x2x8x128xf32, #tpu.memory_space<hbm>>
    %dma_wait3A_117 = tpu.memref_squeeze %dma_wait3A_116 : memref<1x1x2x8x128xf32, #tpu.memory_space<hbm>> -> memref<2x8x128xf32, #tpu.memory_space<hbm>>
    %dma_wait3A_118 = arith.constant 0 : i32
    %dma_wait3A_119 = arith.constant 0 : i32
    %dma_wait3A_120 = tpu.memref_slice %arg4[%dma_wait3A_108, %dma_wait3A_109, %add3A_107, %dma_wait3A_118, %dma_wait3A_119] : memref<50x8x128x8x128xf32, #tpu.memory_space<hbm>> -> memref<1x1x2x8x128xf32, #tpu.memory_space<hbm>>
    %dma_wait3A_121 = tpu.memref_squeeze %dma_wait3A_120 : memref<1x1x2x8x128xf32, #tpu.memory_space<hbm>> -> memref<2x8x128xf32, #tpu.memory_space<hbm>>
    %dma_wait3A_122 = arith.constant 0 : i32
    %dma_wait3A_123 = arith.constant 32 : i32
    %dma_wait3A_124 = arith.constant 0 : i32
    %dma_wait3A_125 = tpu.memref_slice %arg9[%dma_wait3A_122, %dma_wait3A_123, %dma_wait3A_124] : memref<2x64x129xf32, #tpu.memory_space<vmem>> -> memref<2x8x128xf32, #tpu.memory_space<vmem>>
    tpu.wait_dma2 semaphore(%arg15 : memref<!tpu.dma_semaphore, #tpu.memory_space<semaphore_mem>>) src(%dma_wait3A_125 : memref<2x8x128xf32, #tpu.memory_space<vmem>>) dst(%dma_wait3A_121 : memref<2x8x128xf32, #tpu.memory_space<hbm>>)
    %add3A_126 = arith.constant 0 : i32
    %add3A_127 = arith.addi %mul3A_4, %add3A_126 : i32
    %dma_wait3A_128 = arith.constant 49 : i32
    %dma_wait3A_129 = arith.constant 5 : i32
    %dma_wait3A_130 = arith.constant 0 : i32
    %dma_wait3A_131 = arith.constant 40 : i32
    %dma_wait3A_132 = arith.constant 0 : i32
    %dma_wait3A_133 = tpu.memref_slice %arg9[%dma_wait3A_130, %dma_wait3A_131, %dma_wait3A_132] : memref<2x64x129xf32, #tpu.memory_space<vmem>> -> memref<2x8x128xf32, #tpu.memory_space<vmem>>
    %dma_wait3A_134 = arith.constant 0 : i32
    %dma_wait3A_135 = arith.constant 0 : i32
    %dma_wait3A_136 = tpu.memref_slice %arg4[%dma_wait3A_128, %dma_wait3A_129, %add3A_127, %dma_wait3A_134, %dma_wait3A_135] : memref<50x8x128x8x128xf32, #tpu.memory_space<hbm>> -> memref<1x1x2x8x128xf32, #tpu.memory_space<hbm>>
    %dma_wait3A_137 = tpu.memref_squeeze %dma_wait3A_136 : memref<1x1x2x8x128xf32, #tpu.memory_space<hbm>> -> memref<2x8x128xf32, #tpu.memory_space<hbm>>
    %dma_wait3A_138 = arith.constant 0 : i32
    %dma_wait3A_139 = arith.constant 0 : i32
    %dma_wait3A_140 = tpu.memref_slice %arg4[%dma_wait3A_128, %dma_wait3A_129, %add3A_127, %dma_wait3A_138, %dma_wait3A_139] : memref<50x8x128x8x128xf32, #tpu.memory_space<hbm>> -> memref<1x1x2x8x128xf32, #tpu.memory_space<hbm>>
    %dma_wait3A_141 = tpu.memref_squeeze %dma_wait3A_140 : memref<1x1x2x8x128xf32, #tpu.memory_space<hbm>> -> memref<2x8x128xf32, #tpu.memory_space<hbm>>
    %dma_wait3A_142 = arith.constant 0 : i32
    %dma_wait3A_143 = arith.constant 40 : i32
    %dma_wait3A_144 = arith.constant 0 : i32
    %dma_wait3A_145 = tpu.memref_slice %arg9[%dma_wait3A_142, %dma_wait3A_143, %dma_wait3A_144] : memref<2x64x129xf32, #tpu.memory_space<vmem>> -> memref<2x8x128xf32, #tpu.memory_space<vmem>>
    tpu.wait_dma2 semaphore(%arg15 : memref<!tpu.dma_semaphore, #tpu.memory_space<semaphore_mem>>) src(%dma_wait3A_145 : memref<2x8x128xf32, #tpu.memory_space<vmem>>) dst(%dma_wait3A_141 : memref<2x8x128xf32, #tpu.memory_space<hbm>>)
    %add3A_146 = arith.constant 0 : i32
    %add3A_147 = arith.addi %mul3A_4, %add3A_146 : i32
    %dma_wait3A_148 = arith.constant 49 : i32
    %dma_wait3A_149 = arith.constant 6 : i32
    %dma_wait3A_150 = arith.constant 0 : i32
    %dma_wait3A_151 = arith.constant 48 : i32
    %dma_wait3A_152 = arith.constant 0 : i32
    %dma_wait3A_153 = tpu.memref_slice %arg9[%dma_wait3A_150, %dma_wait3A_151, %dma_wait3A_152] : memref<2x64x129xf32, #tpu.memory_space<vmem>> -> memref<2x8x128xf32, #tpu.memory_space<vmem>>
    %dma_wait3A_154 = arith.constant 0 : i32
    %dma_wait3A_155 = arith.constant 0 : i32
    %dma_wait3A_156 = tpu.memref_slice %arg4[%dma_wait3A_148, %dma_wait3A_149, %add3A_147, %dma_wait3A_154, %dma_wait3A_155] : memref<50x8x128x8x128xf32, #tpu.memory_space<hbm>> -> memref<1x1x2x8x128xf32, #tpu.memory_space<hbm>>
    %dma_wait3A_157 = tpu.memref_squeeze %dma_wait3A_156 : memref<1x1x2x8x128xf32, #tpu.memory_space<hbm>> -> memref<2x8x128xf32, #tpu.memory_space<hbm>>
    %dma_wait3A_158 = arith.constant 0 : i32
    %dma_wait3A_159 = arith.constant 0 : i32
    %dma_wait3A_160 = tpu.memref_slice %arg4[%dma_wait3A_148, %dma_wait3A_149, %add3A_147, %dma_wait3A_158, %dma_wait3A_159] : memref<50x8x128x8x128xf32, #tpu.memory_space<hbm>> -> memref<1x1x2x8x128xf32, #tpu.memory_space<hbm>>
    %dma_wait3A_161 = tpu.memref_squeeze %dma_wait3A_160 : memref<1x1x2x8x128xf32, #tpu.memory_space<hbm>> -> memref<2x8x128xf32, #tpu.memory_space<hbm>>
    %dma_wait3A_162 = arith.constant 0 : i32
    %dma_wait3A_163 = arith.constant 48 : i32
    %dma_wait3A_164 = arith.constant 0 : i32
    %dma_wait3A_165 = tpu.memref_slice %arg9[%dma_wait3A_162, %dma_wait3A_163, %dma_wait3A_164] : memref<2x64x129xf32, #tpu.memory_space<vmem>> -> memref<2x8x128xf32, #tpu.memory_space<vmem>>
    tpu.wait_dma2 semaphore(%arg15 : memref<!tpu.dma_semaphore, #tpu.memory_space<semaphore_mem>>) src(%dma_wait3A_165 : memref<2x8x128xf32, #tpu.memory_space<vmem>>) dst(%dma_wait3A_161 : memref<2x8x128xf32, #tpu.memory_space<hbm>>)
    %add3A_166 = arith.constant 0 : i32
    %add3A_167 = arith.addi %mul3A_4, %add3A_166 : i32
    %dma_wait3A_168 = arith.constant 49 : i32
    %dma_wait3A_169 = arith.constant 7 : i32
    %dma_wait3A_170 = arith.constant 0 : i32
    %dma_wait3A_171 = arith.constant 56 : i32
    %dma_wait3A_172 = arith.constant 0 : i32
    %dma_wait3A_173 = tpu.memref_slice %arg9[%dma_wait3A_170, %dma_wait3A_171, %dma_wait3A_172] : memref<2x64x129xf32, #tpu.memory_space<vmem>> -> memref<2x8x128xf32, #tpu.memory_space<vmem>>
    %dma_wait3A_174 = arith.constant 0 : i32
    %dma_wait3A_175 = arith.constant 0 : i32
    %dma_wait3A_176 = tpu.memref_slice %arg4[%dma_wait3A_168, %dma_wait3A_169, %add3A_167, %dma_wait3A_174, %dma_wait3A_175] : memref<50x8x128x8x128xf32, #tpu.memory_space<hbm>> -> memref<1x1x2x8x128xf32, #tpu.memory_space<hbm>>
    %dma_wait3A_177 = tpu.memref_squeeze %dma_wait3A_176 : memref<1x1x2x8x128xf32, #tpu.memory_space<hbm>> -> memref<2x8x128xf32, #tpu.memory_space<hbm>>
    %dma_wait3A_178 = arith.constant 0 : i32
    %dma_wait3A_179 = arith.constant 0 : i32
    %dma_wait3A_180 = tpu.memref_slice %arg4[%dma_wait3A_168, %dma_wait3A_169, %add3A_167, %dma_wait3A_178, %dma_wait3A_179] : memref<50x8x128x8x128xf32, #tpu.memory_space<hbm>> -> memref<1x1x2x8x128xf32, #tpu.memory_space<hbm>>
    %dma_wait3A_181 = tpu.memref_squeeze %dma_wait3A_180 : memref<1x1x2x8x128xf32, #tpu.memory_space<hbm>> -> memref<2x8x128xf32, #tpu.memory_space<hbm>>
    %dma_wait3A_182 = arith.constant 0 : i32
    %dma_wait3A_183 = arith.constant 56 : i32
    %dma_wait3A_184 = arith.constant 0 : i32
    %dma_wait3A_185 = tpu.memref_slice %arg9[%dma_wait3A_182, %dma_wait3A_183, %dma_wait3A_184] : memref<2x64x129xf32, #tpu.memory_space<vmem>> -> memref<2x8x128xf32, #tpu.memory_space<vmem>>
    tpu.wait_dma2 semaphore(%arg15 : memref<!tpu.dma_semaphore, #tpu.memory_space<semaphore_mem>>) src(%dma_wait3A_185 : memref<2x8x128xf32, #tpu.memory_space<vmem>>) dst(%dma_wait3A_181 : memref<2x8x128xf32, #tpu.memory_space<hbm>>)
    %add3A_186 = arith.constant 2 : i32
    %add3A_187 = arith.addi %mul3A_4, %add3A_186 : i32
    %dma_wait3A_188 = arith.constant 49 : i32
    %dma_wait3A_189 = arith.constant 0 : i32
    %dma_wait3A_190 = arith.constant 0 : i32
    %dma_wait3A_191 = arith.constant 0 : i32
    %dma_wait3A_192 = arith.constant 0 : i32
    %dma_wait3A_193 = tpu.memref_slice %arg10[%dma_wait3A_190, %dma_wait3A_191, %dma_wait3A_192] : memref<2x64x129xf32, #tpu.memory_space<vmem>> -> memref<2x8x128xf32, #tpu.memory_space<vmem>>
    %dma_wait3A_194 = arith.constant 0 : i32
    %dma_wait3A_195 = arith.constant 0 : i32
    %dma_wait3A_196 = tpu.memref_slice %arg4[%dma_wait3A_188, %dma_wait3A_189, %add3A_187, %dma_wait3A_194, %dma_wait3A_195] : memref<50x8x128x8x128xf32, #tpu.memory_space<hbm>> -> memref<1x1x2x8x128xf32, #tpu.memory_space<hbm>>
    %dma_wait3A_197 = tpu.memref_squeeze %dma_wait3A_196 : memref<1x1x2x8x128xf32, #tpu.memory_space<hbm>> -> memref<2x8x128xf32, #tpu.memory_space<hbm>>
    %dma_wait3A_198 = arith.constant 0 : i32
    %dma_wait3A_199 = arith.constant 0 : i32
    %dma_wait3A_200 = tpu.memref_slice %arg4[%dma_wait3A_188, %dma_wait3A_189, %add3A_187, %dma_wait3A_198, %dma_wait3A_199] : memref<50x8x128x8x128xf32, #tpu.memory_space<hbm>> -> memref<1x1x2x8x128xf32, #tpu.memory_space<hbm>>
    %dma_wait3A_201 = tpu.memref_squeeze %dma_wait3A_200 : memref<1x1x2x8x128xf32, #tpu.memory_space<hbm>> -> memref<2x8x128xf32, #tpu.memory_space<hbm>>
    %dma_wait3A_202 = arith.constant 0 : i32
    %dma_wait3A_203 = arith.constant 0 : i32
    %dma_wait3A_204 = arith.constant 0 : i32
    %dma_wait3A_205 = tpu.memref_slice %arg10[%dma_wait3A_202, %dma_wait3A_203, %dma_wait3A_204] : memref<2x64x129xf32, #tpu.memory_space<vmem>> -> memref<2x8x128xf32, #tpu.memory_space<vmem>>
    tpu.wait_dma2 semaphore(%arg16 : memref<!tpu.dma_semaphore, #tpu.memory_space<semaphore_mem>>) src(%dma_wait3A_205 : memref<2x8x128xf32, #tpu.memory_space<vmem>>) dst(%dma_wait3A_201 : memref<2x8x128xf32, #tpu.memory_space<hbm>>)
    %add3A_206 = arith.constant 2 : i32
    %add3A_207 = arith.addi %mul3A_4, %add3A_206 : i32
    %dma_wait3A_208 = arith.constant 49 : i32
    %dma_wait3A_209 = arith.constant 1 : i32
    %dma_wait3A_210 = arith.constant 0 : i32
    %dma_wait3A_211 = arith.constant 8 : i32
    %dma_wait3A_212 = arith.constant 0 : i32
    %dma_wait3A_213 = tpu.memref_slice %arg10[%dma_wait3A_210, %dma_wait3A_211, %dma_wait3A_212] : memref<2x64x129xf32, #tpu.memory_space<vmem>> -> memref<2x8x128xf32, #tpu.memory_space<vmem>>
    %dma_wait3A_214 = arith.constant 0 : i32
    %dma_wait3A_215 = arith.constant 0 : i32
    %dma_wait3A_216 = tpu.memref_slice %arg4[%dma_wait3A_208, %dma_wait3A_209, %add3A_207, %dma_wait3A_214, %dma_wait3A_215] : memref<50x8x128x8x128xf32, #tpu.memory_space<hbm>> -> memref<1x1x2x8x128xf32, #tpu.memory_space<hbm>>
    %dma_wait3A_217 = tpu.memref_squeeze %dma_wait3A_216 : memref<1x1x2x8x128xf32, #tpu.memory_space<hbm>> -> memref<2x8x128xf32, #tpu.memory_space<hbm>>
    %dma_wait3A_218 = arith.constant 0 : i32
    %dma_wait3A_219 = arith.constant 0 : i32
    %dma_wait3A_220 = tpu.memref_slice %arg4[%dma_wait3A_208, %dma_wait3A_209, %add3A_207, %dma_wait3A_218, %dma_wait3A_219] : memref<50x8x128x8x128xf32, #tpu.memory_space<hbm>> -> memref<1x1x2x8x128xf32, #tpu.memory_space<hbm>>
    %dma_wait3A_221 = tpu.memref_squeeze %dma_wait3A_220 : memref<1x1x2x8x128xf32, #tpu.memory_space<hbm>> -> memref<2x8x128xf32, #tpu.memory_space<hbm>>
    %dma_wait3A_222 = arith.constant 0 : i32
    %dma_wait3A_223 = arith.constant 8 : i32
    %dma_wait3A_224 = arith.constant 0 : i32
    %dma_wait3A_225 = tpu.memref_slice %arg10[%dma_wait3A_222, %dma_wait3A_223, %dma_wait3A_224] : memref<2x64x129xf32, #tpu.memory_space<vmem>> -> memref<2x8x128xf32, #tpu.memory_space<vmem>>
    tpu.wait_dma2 semaphore(%arg16 : memref<!tpu.dma_semaphore, #tpu.memory_space<semaphore_mem>>) src(%dma_wait3A_225 : memref<2x8x128xf32, #tpu.memory_space<vmem>>) dst(%dma_wait3A_221 : memref<2x8x128xf32, #tpu.memory_space<hbm>>)
    %add3A_226 = arith.constant 2 : i32
    %add3A_227 = arith.addi %mul3A_4, %add3A_226 : i32
    %dma_wait3A_228 = arith.constant 49 : i32
    %dma_wait3A_229 = arith.constant 2 : i32
    %dma_wait3A_230 = arith.constant 0 : i32
    %dma_wait3A_231 = arith.constant 16 : i32
    %dma_wait3A_232 = arith.constant 0 : i32
    %dma_wait3A_233 = tpu.memref_slice %arg10[%dma_wait3A_230, %dma_wait3A_231, %dma_wait3A_232] : memref<2x64x129xf32, #tpu.memory_space<vmem>> -> memref<2x8x128xf32, #tpu.memory_space<vmem>>
    %dma_wait3A_234 = arith.constant 0 : i32
    %dma_wait3A_235 = arith.constant 0 : i32
    %dma_wait3A_236 = tpu.memref_slice %arg4[%dma_wait3A_228, %dma_wait3A_229, %add3A_227, %dma_wait3A_234, %dma_wait3A_235] : memref<50x8x128x8x128xf32, #tpu.memory_space<hbm>> -> memref<1x1x2x8x128xf32, #tpu.memory_space<hbm>>
    %dma_wait3A_237 = tpu.memref_squeeze %dma_wait3A_236 : memref<1x1x2x8x128xf32, #tpu.memory_space<hbm>> -> memref<2x8x128xf32, #tpu.memory_space<hbm>>
    %dma_wait3A_238 = arith.constant 0 : i32
    %dma_wait3A_239 = arith.constant 0 : i32
    %dma_wait3A_240 = tpu.memref_slice %arg4[%dma_wait3A_228, %dma_wait3A_229, %add3A_227, %dma_wait3A_238, %dma_wait3A_239] : memref<50x8x128x8x128xf32, #tpu.memory_space<hbm>> -> memref<1x1x2x8x128xf32, #tpu.memory_space<hbm>>
    %dma_wait3A_241 = tpu.memref_squeeze %dma_wait3A_240 : memref<1x1x2x8x128xf32, #tpu.memory_space<hbm>> -> memref<2x8x128xf32, #tpu.memory_space<hbm>>
    %dma_wait3A_242 = arith.constant 0 : i32
    %dma_wait3A_243 = arith.constant 16 : i32
    %dma_wait3A_244 = arith.constant 0 : i32
    %dma_wait3A_245 = tpu.memref_slice %arg10[%dma_wait3A_242, %dma_wait3A_243, %dma_wait3A_244] : memref<2x64x129xf32, #tpu.memory_space<vmem>> -> memref<2x8x128xf32, #tpu.memory_space<vmem>>
    tpu.wait_dma2 semaphore(%arg16 : memref<!tpu.dma_semaphore, #tpu.memory_space<semaphore_mem>>) src(%dma_wait3A_245 : memref<2x8x128xf32, #tpu.memory_space<vmem>>) dst(%dma_wait3A_241 : memref<2x8x128xf32, #tpu.memory_space<hbm>>)
    %add3A_246 = arith.constant 2 : i32
    %add3A_247 = arith.addi %mul3A_4, %add3A_246 : i32
    %dma_wait3A_248 = arith.constant 49 : i32
    %dma_wait3A_249 = arith.constant 3 : i32
    %dma_wait3A_250 = arith.constant 0 : i32
    %dma_wait3A_251 = arith.constant 24 : i32
    %dma_wait3A_252 = arith.constant 0 : i32
    %dma_wait3A_253 = tpu.memref_slice %arg10[%dma_wait3A_250, %dma_wait3A_251, %dma_wait3A_252] : memref<2x64x129xf32, #tpu.memory_space<vmem>> -> memref<2x8x128xf32, #tpu.memory_space<vmem>>
    %dma_wait3A_254 = arith.constant 0 : i32
    %dma_wait3A_255 = arith.constant 0 : i32
    %dma_wait3A_256 = tpu.memref_slice %arg4[%dma_wait3A_248, %dma_wait3A_249, %add3A_247, %dma_wait3A_254, %dma_wait3A_255] : memref<50x8x128x8x128xf32, #tpu.memory_space<hbm>> -> memref<1x1x2x8x128xf32, #tpu.memory_space<hbm>>
    %dma_wait3A_257 = tpu.memref_squeeze %dma_wait3A_256 : memref<1x1x2x8x128xf32, #tpu.memory_space<hbm>> -> memref<2x8x128xf32, #tpu.memory_space<hbm>>
    %dma_wait3A_258 = arith.constant 0 : i32
    %dma_wait3A_259 = arith.constant 0 : i32
    %dma_wait3A_260 = tpu.memref_slice %arg4[%dma_wait3A_248, %dma_wait3A_249, %add3A_247, %dma_wait3A_258, %dma_wait3A_259] : memref<50x8x128x8x128xf32, #tpu.memory_space<hbm>> -> memref<1x1x2x8x128xf32, #tpu.memory_space<hbm>>
    %dma_wait3A_261 = tpu.memref_squeeze %dma_wait3A_260 : memref<1x1x2x8x128xf32, #tpu.memory_space<hbm>> -> memref<2x8x128xf32, #tpu.memory_space<hbm>>
    %dma_wait3A_262 = arith.constant 0 : i32
    %dma_wait3A_263 = arith.constant 24 : i32
    %dma_wait3A_264 = arith.constant 0 : i32
    %dma_wait3A_265 = tpu.memref_slice %arg10[%dma_wait3A_262, %dma_wait3A_263, %dma_wait3A_264] : memref<2x64x129xf32, #tpu.memory_space<vmem>> -> memref<2x8x128xf32, #tpu.memory_space<vmem>>
    tpu.wait_dma2 semaphore(%arg16 : memref<!tpu.dma_semaphore, #tpu.memory_space<semaphore_mem>>) src(%dma_wait3A_265 : memref<2x8x128xf32, #tpu.memory_space<vmem>>) dst(%dma_wait3A_261 : memref<2x8x128xf32, #tpu.memory_space<hbm>>)
    %add3A_266 = arith.constant 2 : i32
    %add3A_267 = arith.addi %mul3A_4, %add3A_266 : i32
    %dma_wait3A_268 = arith.constant 49 : i32
    %dma_wait3A_269 = arith.constant 4 : i32
    %dma_wait3A_270 = arith.constant 0 : i32
    %dma_wait3A_271 = arith.constant 32 : i32
    %dma_wait3A_272 = arith.constant 0 : i32
    %dma_wait3A_273 = tpu.memref_slice %arg10[%dma_wait3A_270, %dma_wait3A_271, %dma_wait3A_272] : memref<2x64x129xf32, #tpu.memory_space<vmem>> -> memref<2x8x128xf32, #tpu.memory_space<vmem>>
    %dma_wait3A_274 = arith.constant 0 : i32
    %dma_wait3A_275 = arith.constant 0 : i32
    %dma_wait3A_276 = tpu.memref_slice %arg4[%dma_wait3A_268, %dma_wait3A_269, %add3A_267, %dma_wait3A_274, %dma_wait3A_275] : memref<50x8x128x8x128xf32, #tpu.memory_space<hbm>> -> memref<1x1x2x8x128xf32, #tpu.memory_space<hbm>>
    %dma_wait3A_277 = tpu.memref_squeeze %dma_wait3A_276 : memref<1x1x2x8x128xf32, #tpu.memory_space<hbm>> -> memref<2x8x128xf32, #tpu.memory_space<hbm>>
    %dma_wait3A_278 = arith.constant 0 : i32
    %dma_wait3A_279 = arith.constant 0 : i32
    %dma_wait3A_280 = tpu.memref_slice %arg4[%dma_wait3A_268, %dma_wait3A_269, %add3A_267, %dma_wait3A_278, %dma_wait3A_279] : memref<50x8x128x8x128xf32, #tpu.memory_space<hbm>> -> memref<1x1x2x8x128xf32, #tpu.memory_space<hbm>>
    %dma_wait3A_281 = tpu.memref_squeeze %dma_wait3A_280 : memref<1x1x2x8x128xf32, #tpu.memory_space<hbm>> -> memref<2x8x128xf32, #tpu.memory_space<hbm>>
    %dma_wait3A_282 = arith.constant 0 : i32
    %dma_wait3A_283 = arith.constant 32 : i32
    %dma_wait3A_284 = arith.constant 0 : i32
    %dma_wait3A_285 = tpu.memref_slice %arg10[%dma_wait3A_282, %dma_wait3A_283, %dma_wait3A_284] : memref<2x64x129xf32, #tpu.memory_space<vmem>> -> memref<2x8x128xf32, #tpu.memory_space<vmem>>
    tpu.wait_dma2 semaphore(%arg16 : memref<!tpu.dma_semaphore, #tpu.memory_space<semaphore_mem>>) src(%dma_wait3A_285 : memref<2x8x128xf32, #tpu.memory_space<vmem>>) dst(%dma_wait3A_281 : memref<2x8x128xf32, #tpu.memory_space<hbm>>)
    %add3A_286 = arith.constant 2 : i32
    %add3A_287 = arith.addi %mul3A_4, %add3A_286 : i32
    %dma_wait3A_288 = arith.constant 49 : i32
    %dma_wait3A_289 = arith.constant 5 : i32
    %dma_wait3A_290 = arith.constant 0 : i32
    %dma_wait3A_291 = arith.constant 40 : i32
    %dma_wait3A_292 = arith.constant 0 : i32
    %dma_wait3A_293 = tpu.memref_slice %arg10[%dma_wait3A_290, %dma_wait3A_291, %dma_wait3A_292] : memref<2x64x129xf32, #tpu.memory_space<vmem>> -> memref<2x8x128xf32, #tpu.memory_space<vmem>>
    %dma_wait3A_294 = arith.constant 0 : i32
    %dma_wait3A_295 = arith.constant 0 : i32
    %dma_wait3A_296 = tpu.memref_slice %arg4[%dma_wait3A_288, %dma_wait3A_289, %add3A_287, %dma_wait3A_294, %dma_wait3A_295] : memref<50x8x128x8x128xf32, #tpu.memory_space<hbm>> -> memref<1x1x2x8x128xf32, #tpu.memory_space<hbm>>
    %dma_wait3A_297 = tpu.memref_squeeze %dma_wait3A_296 : memref<1x1x2x8x128xf32, #tpu.memory_space<hbm>> -> memref<2x8x128xf32, #tpu.memory_space<hbm>>
    %dma_wait3A_298 = arith.constant 0 : i32
    %dma_wait3A_299 = arith.constant 0 : i32
    %dma_wait3A_300 = tpu.memref_slice %arg4[%dma_wait3A_288, %dma_wait3A_289, %add3A_287, %dma_wait3A_298, %dma_wait3A_299] : memref<50x8x128x8x128xf32, #tpu.memory_space<hbm>> -> memref<1x1x2x8x128xf32, #tpu.memory_space<hbm>>
    %dma_wait3A_301 = tpu.memref_squeeze %dma_wait3A_300 : memref<1x1x2x8x128xf32, #tpu.memory_space<hbm>> -> memref<2x8x128xf32, #tpu.memory_space<hbm>>
    %dma_wait3A_302 = arith.constant 0 : i32
    %dma_wait3A_303 = arith.constant 40 : i32
    %dma_wait3A_304 = arith.constant 0 : i32
    %dma_wait3A_305 = tpu.memref_slice %arg10[%dma_wait3A_302, %dma_wait3A_303, %dma_wait3A_304] : memref<2x64x129xf32, #tpu.memory_space<vmem>> -> memref<2x8x128xf32, #tpu.memory_space<vmem>>
    tpu.wait_dma2 semaphore(%arg16 : memref<!tpu.dma_semaphore, #tpu.memory_space<semaphore_mem>>) src(%dma_wait3A_305 : memref<2x8x128xf32, #tpu.memory_space<vmem>>) dst(%dma_wait3A_301 : memref<2x8x128xf32, #tpu.memory_space<hbm>>)
    %add3A_306 = arith.constant 2 : i32
    %add3A_307 = arith.addi %mul3A_4, %add3A_306 : i32
    %dma_wait3A_308 = arith.constant 49 : i32
    %dma_wait3A_309 = arith.constant 6 : i32
    %dma_wait3A_310 = arith.constant 0 : i32
    %dma_wait3A_311 = arith.constant 48 : i32
    %dma_wait3A_312 = arith.constant 0 : i32
    %dma_wait3A_313 = tpu.memref_slice %arg10[%dma_wait3A_310, %dma_wait3A_311, %dma_wait3A_312] : memref<2x64x129xf32, #tpu.memory_space<vmem>> -> memref<2x8x128xf32, #tpu.memory_space<vmem>>
    %dma_wait3A_314 = arith.constant 0 : i32
    %dma_wait3A_315 = arith.constant 0 : i32
    %dma_wait3A_316 = tpu.memref_slice %arg4[%dma_wait3A_308, %dma_wait3A_309, %add3A_307, %dma_wait3A_314, %dma_wait3A_315] : memref<50x8x128x8x128xf32, #tpu.memory_space<hbm>> -> memref<1x1x2x8x128xf32, #tpu.memory_space<hbm>>
    %dma_wait3A_317 = tpu.memref_squeeze %dma_wait3A_316 : memref<1x1x2x8x128xf32, #tpu.memory_space<hbm>> -> memref<2x8x128xf32, #tpu.memory_space<hbm>>
    %dma_wait3A_318 = arith.constant 0 : i32
    %dma_wait3A_319 = arith.constant 0 : i32
    %dma_wait3A_320 = tpu.memref_slice %arg4[%dma_wait3A_308, %dma_wait3A_309, %add3A_307, %dma_wait3A_318, %dma_wait3A_319] : memref<50x8x128x8x128xf32, #tpu.memory_space<hbm>> -> memref<1x1x2x8x128xf32, #tpu.memory_space<hbm>>
    %dma_wait3A_321 = tpu.memref_squeeze %dma_wait3A_320 : memref<1x1x2x8x128xf32, #tpu.memory_space<hbm>> -> memref<2x8x128xf32, #tpu.memory_space<hbm>>
    %dma_wait3A_322 = arith.constant 0 : i32
    %dma_wait3A_323 = arith.constant 48 : i32
    %dma_wait3A_324 = arith.constant 0 : i32
    %dma_wait3A_325 = tpu.memref_slice %arg10[%dma_wait3A_322, %dma_wait3A_323, %dma_wait3A_324] : memref<2x64x129xf32, #tpu.memory_space<vmem>> -> memref<2x8x128xf32, #tpu.memory_space<vmem>>
    tpu.wait_dma2 semaphore(%arg16 : memref<!tpu.dma_semaphore, #tpu.memory_space<semaphore_mem>>) src(%dma_wait3A_325 : memref<2x8x128xf32, #tpu.memory_space<vmem>>) dst(%dma_wait3A_321 : memref<2x8x128xf32, #tpu.memory_space<hbm>>)
    %add3A_326 = arith.constant 2 : i32
    %add3A_327 = arith.addi %mul3A_4, %add3A_326 : i32
    %dma_wait3A_328 = arith.constant 49 : i32
    %dma_wait3A_329 = arith.constant 7 : i32
    %dma_wait3A_330 = arith.constant 0 : i32
    %dma_wait3A_331 = arith.constant 56 : i32
    %dma_wait3A_332 = arith.constant 0 : i32
    %dma_wait3A_333 = tpu.memref_slice %arg10[%dma_wait3A_330, %dma_wait3A_331, %dma_wait3A_332] : memref<2x64x129xf32, #tpu.memory_space<vmem>> -> memref<2x8x128xf32, #tpu.memory_space<vmem>>
    %dma_wait3A_334 = arith.constant 0 : i32
    %dma_wait3A_335 = arith.constant 0 : i32
    %dma_wait3A_336 = tpu.memref_slice %arg4[%dma_wait3A_328, %dma_wait3A_329, %add3A_327, %dma_wait3A_334, %dma_wait3A_335] : memref<50x8x128x8x128xf32, #tpu.memory_space<hbm>> -> memref<1x1x2x8x128xf32, #tpu.memory_space<hbm>>
    %dma_wait3A_337 = tpu.memref_squeeze %dma_wait3A_336 : memref<1x1x2x8x128xf32, #tpu.memory_space<hbm>> -> memref<2x8x128xf32, #tpu.memory_space<hbm>>
    %dma_wait3A_338 = arith.constant 0 : i32
    %dma_wait3A_339 = arith.constant 0 : i32
    %dma_wait3A_340 = tpu.memref_slice %arg4[%dma_wait3A_328, %dma_wait3A_329, %add3A_327, %dma_wait3A_338, %dma_wait3A_339] : memref<50x8x128x8x128xf32, #tpu.memory_space<hbm>> -> memref<1x1x2x8x128xf32, #tpu.memory_space<hbm>>
    %dma_wait3A_341 = tpu.memref_squeeze %dma_wait3A_340 : memref<1x1x2x8x128xf32, #tpu.memory_space<hbm>> -> memref<2x8x128xf32, #tpu.memory_space<hbm>>
    %dma_wait3A_342 = arith.constant 0 : i32
    %dma_wait3A_343 = arith.constant 56 : i32
    %dma_wait3A_344 = arith.constant 0 : i32
    %dma_wait3A_345 = tpu.memref_slice %arg10[%dma_wait3A_342, %dma_wait3A_343, %dma_wait3A_344] : memref<2x64x129xf32, #tpu.memory_space<vmem>> -> memref<2x8x128xf32, #tpu.memory_space<vmem>>
    tpu.wait_dma2 semaphore(%arg16 : memref<!tpu.dma_semaphore, #tpu.memory_space<semaphore_mem>>) src(%dma_wait3A_345 : memref<2x8x128xf32, #tpu.memory_space<vmem>>) dst(%dma_wait3A_341 : memref<2x8x128xf32, #tpu.memory_space<hbm>>)
    return
  }
}

</mosaic_0001>

<sc_bundles>
// kernel: kernel.3.cloned.1.call-start
scs
__scs_entry_jumppad:
0x0: {  	(pc) =	sbr.rel $0x88, $3  }
0x1: {  	(tag) =	ssettag $0x0;
	lr =	simm.s32 $0x1  }
0x2: {  	[smem:$0x3F9F] =	sst lr;
	_ =	strace $0xD0000000  }
0x3: {  	_ = 	snop  }
0x4: {  	_ = 	snop  }
0x5: {  	_ = 	snop  }
0x6: {  	_ = 	snop  }
0x7: {  	_ = 	snop  }
__scs_overlays_trampoline_lowered:
0x8: {  	[smem:$0x3FAE] =	sst s0  }
0x9: {  	[smem:$0x3FAF] =	sst s1  }
0xa: {  	[smem:$0x3FB0] =	sst s2  }
0xb: {  	[smem:$0x3FB1] =	sst s3  }
0xc: {  	[smem:$0x3FB2] =	sst s4  }
0xd: {  	[smem:$0x3FB3] =	sst s5  }
0xe: {  	[smem:$0x3FB4] =	sst s6  }
0xf: {  	[smem:$0x3FB5] =	sst s7  }
0x10: {  	[smem:$0x3FB6] =	sst s8  }
0x11: {  	[smem:$0x3FB7] =	sst s9;
	s0 =	simm.s32 @!p0 $0x0  }
0x12: {  	s1 =	sld [smem:$0x3F9D];
	s0 =	simm.s32 @p0 $0x1  }
0x13: {  	[smem:$0x3FB8] =	sst s0;
	s0 =	simm.s32 @!p1 $0x0  }
0x14: {  	s2 =	sld [smem:$0x3F9C];
	s0 =	simm.s32 @p1 $0x1  }
0x15: {  	[smem:$0x3FB9] =	sst s0;
	s0 =	simm.s32 @!p2 $0x0  }
0x16: {  	s3 =	sld [smem:$0x3FDB];
	s0 =	simm.s32 @p2 $0x1  }
0x17: {  	s4 =	simm.s32 $0x1BF5;
	[smem:$0x3FBB] =	sst s0  }
0x18: {  	s0 =	sld [smem:$0x3F9E];
	_ =	swait.ge [sflag:s4], $0x0  }
0x19: {  	s7 =	sld [smem:$0x3F9F]  }
0x1a: {  	s8 =	sadd.s32 $0xFFFFE003, lr  }
0x1b: {  	s9 =	sadd.s32 $0xFFFFFEF7, lr;
	s5 =	simm.s32 $0xFFFFFFFF;
	p2 =	slt.u32 s8, $0xFFFFF086  }
0x1c: {  	p1 =	slt.u32 s9, $0xF7A;
	s5 =	simm.s32 @!p2 $0x0  }
0x1d: {  	s5 =	simm.s32 @p1 $0x1;
	p0 =	seq.s32 s7, s2  }
0x1e: {  	s7 =	smul.u32 @!p0 $0xF7A, s2;
	p2 =	seq.s32 @!p0 s5, $0x0  }
0x1f: {  	s9 =	smul.u32 $0xF7A, s1;
	s8 =	simm.s32 @!p0 $0x1BF5;
	p2 =	por !p2, p0  }
0x20: {  	[sflag:s8] =	ssyncset.s32 @!p0 $0xFFFFF086;
	s6 =	sadd.s32 @!p0 s3, s7;
	s7 =	simm.s32 @!p0 $0x108  }
0x21: {  	s3 =	sadd.s32 s3, s9;
	s6 =	sadd.s32 @!p0 $0x88, s6;
	s7 =	simm.s32 @p2 $0x1082  }
0x22: {  	[simem:s7], [sflag:s8] =	dma.local @!p0 [hbm:s6], $0xF7A  }
0x23: {  	s9 =	sor.u32 $0xD0000000, s2;
	s6 =	simm.s32 $0x108;
	_ =	swait.ge @!p0 [sflag:s8], $0x0  }
0x24: {  	s3 =	sadd.s32 $0x88, s3;
	s6 =	simm.s32 @!p1 $0x1082;
	[sflag:s4] =	ssyncset.s32 $0xFFFFF086  }
0x25: {  	[simem:s6], [sflag:s4] =	dma.local [hbm:s3], $0xF7A  }
0x26: {  	[smem:$0x3F9F] =	sst s1;
	(tag) =	ssettag s2;
	_ =	strace s9  }
0x27: {  	s1 =	sld [smem:$0x3FAF]  }
0x28: {  	s2 =	sld [smem:$0x3FB0]  }
0x29: {  	s4 =	sld [smem:$0x3FB2]  }
0x2a: {  	p0 =	seq.s32 s5, $0x0;
	s5 =	sld [smem:$0x3FB3]  }
0x2b: {  	s6 =	sld [smem:$0x3FB4]  }
0x2c: {  	s7 =	sld [smem:$0x3FB5]  }
0x2d: {  	s3 =	simm.s32 $0x108;
	s8 =	sld [smem:$0x3FB6]  }
0x2e: {  	s3 =	simm.s32 @!p0 $0x1082;
	s9 =	sld [smem:$0x3FB7]  }
0x2f: {  	lr =	sadd.s32 s0, s3;
	s0 =	sld [smem:$0x3FAE]  }
0x30: {  	s3 =	sld [smem:$0x3FB1]  }
0x31: {  	[smem:$0x3FBA] =	sst s10  }
0x32: {  	s10 =	sld [smem:$0x3FB8];
	_ =	sdelay $0x3  }
0x33: {  	p0 =	seq.s32 s10, $0x1;
	s10 =	sld [smem:$0x3FBA];
	_ =	sdelay $0x3  }
0x34: {  	[smem:$0x3FBA] =	sst s10  }
0x35: {  	s10 =	sld [smem:$0x3FB9];
	_ =	sdelay $0x3  }
0x36: {  	p1 =	seq.s32 s10, $0x1;
	s10 =	sld [smem:$0x3FBA];
	_ =	sdelay $0x3  }
0x37: {  	[smem:$0x3FBA] =	sst s10  }
0x38: {  	s10 =	sld [smem:$0x3FBB]  }
0x39: {  	_ = 	snop;
	(pc) =	sbr.ind lr, $3  }
0x3a: {  	_ = 	snop  }
0x3b: {  	_ = 	snop  }
0x3c: {  	p2 =	seq.s32 s10, $0x1;
	s10 =	sld [smem:$0x3FBA]  }
0x3d: {  	_ =	shalt  }
0x3e: {  	_ =	shalt  }
0x3f: {  	_ =	shalt  }
0x40: {  	_ =	shalt  }
0x41: {  	_ =	shalt  }
0x42: {  	_ =	shalt  }
0x43: {  	_ =	shalt  }
0x44: {  	_ =	shalt  }
0x45: {  	_ =	shalt  }
0x46: {  	_ =	shalt  }
0x47: {  	_ =	shalt  }
0x48: {  	_ =	shalt  }
0x49: {  	_ =	shalt  }
0x4a: {  	_ =	shalt  }
0x4b: {  	_ =	shalt  }
0x4c: {  	_ =	shalt  }
0x4d: {  	_ =	shalt  }
0x4e: {  	_ =	shalt  }
0x4f: {  	_ =	shalt  }
0x50: {  	_ =	shalt  }
0x51: {  	_ =	shalt  }
0x52: {  	_ =	shalt  }
0x53: {  	_ =	shalt  }
0x54: {  	_ =	shalt  }
0x55: {  	_ =	shalt  }
0x56: {  	_ =	shalt  }
0x57: {  	_ =	shalt  }
0x58: {  	_ =	shalt  }
0x59: {  	_ =	shalt  }
0x5a: {  	_ =	shalt  }
0x5b: {  	_ =	shalt  }
0x5c: {  	_ =	shalt  }
0x5d: {  	_ =	shalt  }
0x5e: {  	_ =	shalt  }
0x5f: {  	_ =	shalt  }
0x60: {  	_ =	shalt  }
0x61: {  	_ =	shalt  }
0x62: {  	_ =	shalt  }
0x63: {  	_ =	shalt  }
0x64: {  	_ =	shalt  }
0x65: {  	_ =	shalt  }
0x66: {  	_ =	shalt  }
0x67: {  	_ =	shalt  }
0x68: {  	_ =	shalt  }
0x69: {  	_ =	shalt  }
0x6a: {  	_ =	shalt  }
0x6b: {  	_ =	shalt  }
0x6c: {  	_ =	shalt  }
0x6d: {  	_ =	shalt  }
0x6e: {  	_ =	shalt  }
0x6f: {  	_ =	shalt  }
0x70: {  	_ =	shalt  }
0x71: {  	_ =	shalt  }
0x72: {  	_ =	shalt  }
0x73: {  	_ =	shalt  }
0x74: {  	_ =	shalt  }
0x75: {  	_ =	shalt  }
0x76: {  	_ =	shalt  }
0x77: {  	_ =	shalt  }
0x78: {  	_ =	shalt  }
0x79: {  	_ =	shalt  }
0x7a: {  	_ =	shalt  }
0x7b: {  	_ =	shalt  }
0x7c: {  	_ =	shalt  }
0x7d: {  	_ =	shalt  }
0x7e: {  	_ =	shalt  }
0x7f: {  	_ =	shalt  }
0x80: {  	_ =	shalt  }
0x81: {  	_ =	shalt  }
0x82: {  	_ =	shalt  }
0x83: {  	_ =	shalt  }
0x84: {  	_ =	shalt  }
0x85: {  	_ =	shalt  }
0x86: {  	_ =	shalt  }
0x87: {  	_ =	shalt  }
.Lfunc_end0:
.L_simem_size_0:
called_computation_lowered:
.L_overlay_start_0:
0x88: {  	s2 =	sld [smem:$0x3FD9]  }
0x89: {  	s3 =	sld [smem:$0x3FFE];
	_ =	sdelay $0x1  }
0x8a: {  	s1 =	srdreg.scid  }
0x8b: {  	s0 =	sand.u32 $0x1, s1  }
0x8c: {  	s17 =	sshll.u32 s0, $0xA;
	s2 =	sadd.s32 s3, s2  }
0x8d: {  	s2 =	sadd.s32 s2, s17  }
0x8e: {  	[smem:$0x3FC6] =	sst s2  }
0x8f: {  	_ = 	snop  }
0x90: {  	s2 =	sld [smem:$0x3FD0];
	(tm) =	ssettm $0x1  }
0x91: {  	s18 =	sld [smem:$0x3FFB];
	_ =	sdelay $0x3  }
0x92: {  	_ =	strace s18  }
0x93: {  	s3 =	sld [smem:$0x3FFC];
	_ =	sdelay $0x3  }
0x94: {  	_ =	strace s3  }
0x95: {  	s3 =	sld [smem:$0x3FFD];
	_ =	sdelay $0x3  }
0x96: {  	_ =	strace s3  }
0x97: {  	_ =	strace $0x8FFFFFFF  }
0x98: {  	s19 =	sld [smem:$0x3FDB];
	_ =	sdelay $0x1  }
0x99: {  	s4 =	simm.s32 $_scs_section_size  }
0x9a: {  	s5 =	simm.s32 $_size__tile_overlayer_lowered;
	s6 =	simm.s32 $_tile_overlayer_lowered  }
0x9b: {  	s22 =	simm.s32 $0x1BFF;
	s21 =	sshll.u32 s6, $0x1;
	s3 =	sadd.s32 s4, s19  }
0x9c: {  	s7 =	simm.s32 $0x0;
	s20 =	sshll.u32 s5, $0x1;
	s5 =	sadd.s32 s21, s3  }
0x9d: {  	[timem:s7], [sflag:s22] =	dma.local [hbm:s5], s20  }
0x9e: {  	_ =	swait.ge [sflag:s22], s20  }
0x9f: {  	s4 =	ssub.s32 $0x0, s20;
	[sflag:s22] =	ssyncset.done $0x0  }
0xa0: {  	[sflag:s22] =	ssyncadd.s32 s4;
	_ =	sdelay $0x1  }
0xa1: {  	s23 =	simm.s32 $0x1B8B  }
0xa2: {  	_ =	swait.ge [sflag:s23], $0x1  }
0xa3: {  	[sflag:s23] =	ssyncset.done $0x0  }
0xa4: {  	s25 =	simm.s32 $0x1B8E;
	s24 =	sld [smem:$0x3FFE];
	[sflag:s23] =	ssyncadd.s32 $0xFFFFFFFF  }
0xa5: {  	s26 =	simm.s32 $execute0_lowered;
	[smem:$0x3FD2] =	sst s25  }
0xa6: {  	s5 =	sshll.u32 s26, $0x1;
	_ =	strace $0x80000046;
	[dreg:$0x1] =	wrdreg $0xFFFFFFFF  }
0xa7: {  	s28 =	simm.s32 $_size_execute0_lowered;
	s3 =	sadd.s32 s3, s5;
	[dreg:$0x0] =	wrdreg $0x0  }
0xa8: {  	s5 =	sshll.u32 s28, $0x1;
	[dreg:$0x2] =	wrdreg s3  }
0xa9: {  	[dreg:$0x3] =	wrdreg s5  }
0xaa: {  	[dreg:$0x4] =	wrdreg $0xC0  }
0xab: {  	_ =	task [dreg:s7], $0x5FFFF  }
0xac: {  	[dreg:$0x1] =	wrdreg $0xFFFFFFFF  }
0xad: {  	[dreg:$0x0] =	wrdreg $0x60  }
0xae: {  	[dreg:$0x2] =	wrdreg s24  }
0xaf: {  	[dreg:$0x3] =	wrdreg s2  }
0xb0: {  	[dreg:$0x4] =	wrdreg $0x9  }
0xb1: {  	_ =	task.clear_ibuf [dreg:s7], $0x5FFFF;
	_ =	strace $0x90000046  }
0xb2: {  	s29 =	simm.s32 $0x9;
	_ =	strace $0x80000048  }
0xb3: {  	_ =	swait.ge [sflag:s29], $0x1  }
0xb4: {  	[sflag:s29] =	ssyncadd.s32 $0xFFFFFFFF  }
0xb5: {  	_ =	strace $0x90000048  }
0xb6: {  	_ =	sfence  }
0xb7: {  	s30 =	sld [smem:$0x0];
	_ =	sdelay $0x2  }
0xb8: {  	s31 =	sshll.u32 s1, $0xD;
	s1 =	sshrl.u32 s1, $0x2  }
0xb9: {  	s3 =	sand.u32 $0x4000, s31;
	s1 =	sadd.s32 s1, s30  }
0xba: {  	s0 =	sor.u32 s3, s0;
	s1 =	sshll.u32 s1, $0x11  }
0xbb: {  	s0 =	sor.u32 s1, s0  }
0xbc: {  	s0 =	sadd.s32 $0x8F2B, s0  }
0xbd: {  	[sflag:s0] =	ssyncadd.remote.s32 $0x1  }
0xbe: {  	_ =	sfence.sel $0xFFFF  }
0xbf: {  	[dreg:$0x0] =	wrdreg $0xFFFFFFFF;
	(pc) =	sbr.abs _section_cstart, $3  }
0xc0: {  	[dreg:$0x1] =	wrdreg $0xFFFFFFFF  }
0xc1: {  	_ =	task.clear_ibuf [dreg:s7], $0x2FFFF;
	_ =	strace $0x9FFFFFFF  }
0xc2: {  	(tm) =	ssettm $0x7FFFFFFF  }
0xc3: {  	_ =	shalt  }
tec
execute0_lowered:
.L_overlay_start_1:
0x0: {  	(tag) =	ssettag $0x1  }
0x1: {  	s0 =	rddreg [dreg:$0x0]  }
0x2: {  	s1 =	rddreg [dreg:$0x1];
	s3 =	simm.s32 $0x0;
	s2 =	srdreg.scid  }
0x3: {  	s4 =	stileid.u32;
	s23 =	simm.s32 $0x3;
	s24 =	simm.s32 $0x2  }
0x4: {  	s20 =	simm.s32 $0x18958;
	s25 =	simm.s32 $0x5;
	s21 =	simm.s32 $0x6  }
0x5: {  	s9 =	simm.s32 $0x0;
	[smem:$0x7FF] =	sst s3;
	s2 =	sand.u32 $0x1, s2  }
0x6: {  	s5 =	sshll.u32 s4, $0x1;
	s4 =	sadd.s32 $0x19400, s0;
	s11 =	sadd.s32 $0x4000, s1  }
0x7: {  	s12 =	sadd.s32 $0x8000, s1;
	s13 =	sadd.s32 $0xC000, s1;
	s14 =	sadd.s32 $0x10000, s1  }
0x8: {  	s15 =	sadd.s32 $0x14000, s1;
	s16 =	sadd.s32 $0x18000, s1;
	s17 =	sadd.s32 $0x1C000, s1  }
0x9: {  	_ =	strace $0x80000047;
	s6 =	ssub.s32 $0x2, s2;
	s2 =	sor.u32 s2, s5  }
0xa: {  	s5 =	sadd.s32 $0x400, s0;
	s26 =	sshrl.u32 s6, $0x1;
	s7 =	sshll.u32 s2, $0x6  }
0xb: {  	v0 =	vlaneseq.u32;
	s28 =	sshll.u32 s2, $0x9;
	s0 =	ssub.s32 s6, s26;
	s8 =	sadd.s32 s5, s7  }
0xc: {  	v0 =	vmul.u32 $0x88, v0;
	s7 =	sshll.u32 s2, $0xC;
	s30 =	sor.u32 $0x8000, s28;
	[dreg:$0x3] =	wrdreg s8  }
0xd: {  	s31 =	sor.u32 $0xC000, s28;
	s26 =	simm.s32 $0x10400;
	[dreg:$0x5] =	wrdreg s30  }
0xe: {  	v1 =	vadd.s32 $0x880, v0;
	s2 =	simm.s32 $0x4;
	s29 =	sadd.s32 $0x800, s8;
	[dreg:$0x6] =	wrdreg s31  }
0xf: {  	v2 =	vadd.s32 $0x1100, v0;
	v3 =	vadd.s32 $0x1980, v0;
	v4 =	vadd.s32 $0x2200, v0;
	s6 =	simm.s32 $0x188D0;
	s0 =	smax.u32 s0, $0x1;
	[dreg:$0x4] =	wrdreg s29  }
0x10: {  	v5 =	vadd.s32 $0x2A80, v0;
	v6 =	vadd.s32 $0x3300, v0;
	v7 =	vadd.s32 $0x3B80, v0;
	s18 =	sor.u32 $0x800, s7;
	s8 =	simm.s32 $0x14800;
	[dreg:$0x7] =	wrdreg s0  }
.LBB2_1:
0x11: {  	[dreg:$0x8] =	wrdreg s9  }
0x12: {  	s0 =	rddreg [dreg:$0x3];
	s28 =	simm.s32 $0x1  }
0x13: {  	[tilespmem:s3], [sflag:$0x1] =	stream.linear.gather [hbm4b:s0+s3], $0x200, $0x38;
	[tilespmem:$0x18C00] =	vst v63  }
0x14: {  	_ =	swait.ge [sflag:s28], $0x200  }
0x15: {  	[sflag:s28] =	ssyncset.done $0x0  }
0x16: {  	s29 =	simm.s32 $0x200;
	s30 =	simm.s32 $0x400;
	[sflag:s28] =	ssyncadd.s32 $0xFFFFFE00  }
0x17: {  	[tilespmem:s30], [sflag:$0x3] =	stream.indirect.gather [hbm4b:s4+s29], $0x40, s3, s29, $0xb8;
	[tilespmem:$0x18C00] =	vst v63  }
0x18: {  	s9 =	simm.s32 $0x0;
	s31 =	rddreg [dreg:$0x4]  }
0x19: {  	[tilespmem:s29], [sflag:$0x2] =	stream.linear.gather [hbm4b:s31+s3], $0x200, $0x38;
	[tilespmem:$0x18C00] =	vst v63  }
.LBB2_2:
0x1a: {  	p0 =	seq.s32 s9, $0x18;
	_ =	swait.ge [sflag:s23], $0x8000  }
0x1b: {  	s28 =	sshll.u32 @!p0 s9, $0xF;
	s0 =	rddreg [dreg:$0x5]  }
0x1c: {  	s0 =	sadd.s32 @!p0 s0, s28  }
0x1d: {  	[sflag:s23] =	ssyncset.done $0x0;
	s0 =	sshrl.u32 @!p0 s0, $0x3  }
0x1e: {  	s10 =	simm.s32 @!p0 $0x0;
	[sflag:s23] =	ssyncadd.s32 $0xFFFF8000;
	s0 =	sadd.s32 @!p0 s5, s0  }
0x1f: {  	[tilespmem:s10], [sflag:$0x1] =	stream.linear.gather @!p0 [hbm4b:s0+s10], $0x200, $0x38;
	[tilespmem:$0x18C00] =	vst v63  }
0x20: {  	_ =	swait.ge [sflag:s24], $0x200  }
0x21: {  	s19 =	simm.s32 $0x8400;
	p1 =	seq.s32 s9, $0x0;
	[sflag:s24] =	ssyncset.done $0x0  }
0x22: {  	s10 =	simm.s32 $0x200;
	s0 =	simm.s32 @!p1 $0x5;
	[sflag:s24] =	ssyncadd.s32 $0xFFFFFE00  }
0x23: {  	[tilespmem:s19], [sflag:$0x4] =	stream.indirect.gather [hbm4b:s4+s10], $0x40, s10, s10, $0xb8;
	[tilespmem:$0x18C00] =	vst v63  }
0x24: {  	_ =	swait.ge @!p1 [sflag:s0], $0x800  }
0x25: {  	[sflag:s0] =	ssyncset.done @!p1 $0x0  }
0x26: {  	[sflag:s0] =	ssyncadd.s32 @!p1 $0xFFFFF800  }
0x27: {  	_ =	swait.ge @!p1 [sflag:s0], $0x800  }
0x28: {  	[sflag:s0] =	ssyncset.done @!p1 $0x0  }
0x29: {  	[sflag:s0] =	ssyncadd.s32 @!p1 $0xFFFFF800  }
0x2a: {  	_ =	swait.ge @!p1 [sflag:s0], $0x800  }
0x2b: {  	[sflag:s0] =	ssyncset.done @!p1 $0x0  }
0x2c: {  	[sflag:s0] =	ssyncadd.s32 @!p1 $0xFFFFF800  }
0x2d: {  	_ =	swait.ge @!p1 [sflag:s0], $0x800  }
0x2e: {  	[sflag:s0] =	ssyncset.done @!p1 $0x0  }
0x2f: {  	[sflag:s0] =	ssyncadd.s32 @!p1 $0xFFFFF800  }
0x30: {  	_ =	swait.ge @!p1 [sflag:s0], $0x800  }
0x31: {  	[sflag:s0] =	ssyncset.done @!p1 $0x0  }
0x32: {  	[sflag:s0] =	ssyncadd.s32 @!p1 $0xFFFFF800  }
0x33: {  	_ =	swait.ge @!p1 [sflag:s0], $0x800  }
0x34: {  	[sflag:s0] =	ssyncset.done @!p1 $0x0  }
0x35: {  	[sflag:s0] =	ssyncadd.s32 @!p1 $0xFFFFF800  }
0x36: {  	_ =	swait.ge @!p1 [sflag:s0], $0x800  }
0x37: {  	[sflag:s0] =	ssyncset.done @!p1 $0x0  }
0x38: {  	[sflag:s0] =	ssyncadd.s32 @!p1 $0xFFFFF800  }
0x39: {  	s22 =	simm.s32 $0x3;
	_ =	swait.ge @!p1 [sflag:s0], $0x800  }
0x3a: {  	v8 =	vmov s22;
	s19 =	simm.s32 $0x0;
	[sflag:s0] =	ssyncset.done @!p1 $0x0  }
0x3b: {  	s31 =	simm.s32 $0x2400;
	v15 =	vand.u32 $0x7F, v8;
	v9 =	vmov s19;
	[sflag:s0] =	ssyncadd.s32 @!p1 $0xFFFFF800  }
0x3c: {  	v12 =	vand.u32 $0x7C, v9;
	v9 =	vadd.s32 v0, v15;
	v8 =	vld [tilespmem:s31+$0xFFFFE0C0]  }
0x3d: {  	s22 =	simm.s32 $0x1;
	v11 =	vadd.s32 v0, v12;
	v10 =	vld [tilespmem:s31+$0xFFFFE000]  }
0x3e: {  	v13 =	vmov s22;
	s10 =	simm.s32 $0x2  }
0x3f: {  	v14 =	vand.u32 $0x7D, v13;
	v13 =	vmov s10  }
0x40: {  	v17 =	vadd.s32 v0, v14;
	v13 =	vand.u32 $0x7E, v13;
	v16 =	vld [tilespmem:s31+$0xFFFFE040]  }
0x41: {  	v19 =	vadd.s32 v0, v13;
	v18 =	vld [tilespmem:s31+$0xFFFFE080];
	[tilespmem:v9+s26+$0x0] =	vst.idx.msk $0xffff, v8  }
0x42: {  	[tilespmem:v11+s26+$0x0] =	vst.idx.msk $0xffff, v10;
	v9 =	vadd.s32 v1, v15;
	v8 =	vld [tilespmem:s31+$0xFFFFE0D0]  }
0x43: {  	v11 =	vadd.s32 v1, v12;
	v10 =	vld [tilespmem:s31+$0xFFFFE010];
	_ =	sdelay $0x1  }
0x44: {  	[tilespmem:v17+s26+$0x0] =	vst.idx.msk $0xffff, v16  }
0x45: {  	v17 =	vadd.s32 v1, v14;
	[tilespmem:v19+s26+$0x0] =	vst.idx.msk $0xffff, v18;
	v16 =	vld [tilespmem:s31+$0xFFFFE050]  }
0x46: {  	v19 =	vadd.s32 v1, v13;
	v18 =	vld [tilespmem:s31+$0xFFFFE090];
	[tilespmem:v9+s26+$0x0] =	vst.idx.msk $0xffff, v8  }
0x47: {  	[tilespmem:v11+s26+$0x0] =	vst.idx.msk $0xffff, v10;
	v9 =	vadd.s32 v2, v15;
	v8 =	vld [tilespmem:s31+$0xFFFFE0E0]  }
0x48: {  	v11 =	vadd.s32 v2, v12;
	v10 =	vld [tilespmem:s31+$0xFFFFE020];
	_ =	sdelay $0x1  }
0x49: {  	[tilespmem:v17+s26+$0x0] =	vst.idx.msk $0xffff, v16  }
0x4a: {  	v17 =	vadd.s32 v2, v14;
	[tilespmem:v19+s26+$0x0] =	vst.idx.msk $0xffff, v18;
	v16 =	vld [tilespmem:s31+$0xFFFFE060]  }
0x4b: {  	v19 =	vadd.s32 v2, v13;
	v18 =	vld [tilespmem:s31+$0xFFFFE0A0];
	[tilespmem:v9+s26+$0x0] =	vst.idx.msk $0xffff, v8  }
0x4c: {  	[tilespmem:v11+s26+$0x0] =	vst.idx.msk $0xffff, v10;
	v9 =	vadd.s32 v3, v15;
	v8 =	vld [tilespmem:s31+$0xFFFFE0F0]  }
0x4d: {  	v11 =	vadd.s32 v3, v12;
	v10 =	vld [tilespmem:s31+$0xFFFFE030];
	_ =	sdelay $0x1  }
0x4e: {  	[tilespmem:v17+s26+$0x0] =	vst.idx.msk $0xffff, v16  }
0x4f: {  	v17 =	vadd.s32 v3, v14;
	[tilespmem:v19+s26+$0x0] =	vst.idx.msk $0xffff, v18;
	v16 =	vld [tilespmem:s31+$0xFFFFE070]  }
0x50: {  	v19 =	vadd.s32 v3, v13;
	v18 =	vld [tilespmem:s31+$0xFFFFE0B0];
	[tilespmem:v9+s26+$0x0] =	vst.idx.msk $0xffff, v8  }
0x51: {  	[tilespmem:v11+s26+$0x0] =	vst.idx.msk $0xffff, v10;
	v9 =	vadd.s32 v4, v15;
	v8 =	vld [tilespmem:s31+$0xC0]  }
0x52: {  	v11 =	vadd.s32 v4, v12;
	v10 =	vld [tilespmem:s31+$0x0];
	_ =	sdelay $0x1  }
0x53: {  	[tilespmem:v17+s26+$0x0] =	vst.idx.msk $0xffff, v16  }
0x54: {  	v17 =	vadd.s32 v4, v14;
	[tilespmem:v19+s26+$0x0] =	vst.idx.msk $0xffff, v18;
	v16 =	vld [tilespmem:s31+$0x40]  }
0x55: {  	s19 =	simm.s32 $0x7;
	v19 =	vadd.s32 v4, v13;
	v18 =	vld [tilespmem:s31+$0x80];
	[tilespmem:v9+s26+$0x0] =	vst.idx.msk $0xffff, v8  }
0x56: {  	s22 =	simm.s32 $0x4;
	v21 =	vadd.s32 v5, v15;
	v8 =	vmov s19;
	[tilespmem:v11+s26+$0x0] =	vst.idx.msk $0xffff, v10;
	v20 =	vld [tilespmem:s31+$0xD0]  }
0x57: {  	s30 =	simm.s32 $0x2500;
	v23 =	vadd.s32 v5, v12;
	v9 =	vmov s22;
	s19 =	simm.s32 $0x5;
	v11 =	vand.u32 $0x7F, v8;
	v22 =	vld [tilespmem:s31+$0x10]  }
0x58: {  	v24 =	vld [tilespmem:s30+$0xFFFFE0C0];
	s22 =	simm.s32 $0x6;
	v8 =	vand.u32 $0x7C, v9;
	v9 =	vmov s19;
	v25 =	vadd.s32 v0, v11  }
0x59: {  	[tilespmem:v17+s26+$0x0] =	vst.idx.msk $0xffff, v16;
	v16 =	vld [tilespmem:s30+$0xFFFFE000];
	v17 =	vadd.s32 v0, v8;
	v10 =	vand.u32 $0x7D, v9;
	v9 =	vmov s22  }
0x5a: {  	[tilespmem:v19+s26+$0x0] =	vst.idx.msk $0xffff, v18;
	v18 =	vld [tilespmem:s30+$0xFFFFE040];
	v19 =	vadd.s32 v0, v10;
	v9 =	vand.u32 $0x7E, v9  }
0x5b: {  	v26 =	vld [tilespmem:s30+$0xFFFFE080];
	v27 =	vadd.s32 v0, v9;
	[tilespmem:v21+s26+$0x0] =	vst.idx.msk $0xffff, v20  }
0x5c: {  	[tilespmem:v23+s26+$0x0] =	vst.idx.msk $0xffff, v22;
	v21 =	vadd.s32 v6, v15;
	v20 =	vld [tilespmem:s31+$0xE0]  }
0x5d: {  	v22 =	vld [tilespmem:s31+$0x50];
	v23 =	vadd.s32 v5, v14;
	[tilespmem:v25+s26+$0x0] =	vst.idx.msk $0xffff, v24  }
0x5e: {  	[tilespmem:v17+s26+$0x0] =	vst.idx.msk $0xffff, v16;
	v17 =	vadd.s32 v1, v11;
	v16 =	vld [tilespmem:s30+$0xFFFFE0D0]  }
0x5f: {  	v55 =	vadd.s32 v1, v8;
	v54 =	vld [tilespmem:s30+$0xFFFFE010];
	[tilespmem:v19+s26+$0x0] =	vst.idx.msk $0xffff, v18  }
0x60: {  	v19 =	vadd.s32 v1, v10;
	v18 =	vld [tilespmem:s30+$0xFFFFE050];
	[tilespmem:v27+s26+$0x0] =	vst.idx.msk $0xffff, v26  }
0x61: {  	v56 =	vadd.s32 v1, v9;
	v26 =	vld [tilespmem:s30+$0xFFFFE090];
	[tilespmem:v21+s26+$0x0] =	vst.idx.msk $0xffff, v20  }
0x62: {  	v15 =	vadd.s32 v7, v15;
	[tilespmem:v23+s26+$0x0] =	vst.idx.msk $0xffff, v22;
	v20 =	vld [tilespmem:s31+$0xF0]  }
0x63: {  	[tilespmem:v17+s26+$0x0] =	vst.idx.msk $0xffff, v16;
	v16 =	vld [tilespmem:s31+$0x90];
	v17 =	vadd.s32 v5, v13  }
0x64: {  	v22 =	vadd.s32 v2, v11;
	[tilespmem:v55+s26+$0x0] =	vst.idx.msk $0xffff, v54;
	v21 =	vld [tilespmem:s30+$0xFFFFE0E0]  }
0x65: {  	v57 =	vadd.s32 v2, v8;
	v23 =	vld [tilespmem:s30+$0xFFFFE020];
	[tilespmem:v19+s26+$0x0] =	vst.idx.msk $0xffff, v18  }
0x66: {  	v19 =	vadd.s32 v2, v10;
	v18 =	vld [tilespmem:s30+$0xFFFFE060];
	[tilespmem:v56+s26+$0x0] =	vst.idx.msk $0xffff, v26  }
0x67: {  	v59 =	vadd.s32 v2, v9;
	v58 =	vld [tilespmem:s30+$0xFFFFE0A0];
	[tilespmem:v15+s26+$0x0] =	vst.idx.msk $0xffff, v20  }
0x68: {  	v15 =	vld [tilespmem:s31+$0x60];
	v20 =	vadd.s32 v6, v14;
	[tilespmem:v17+s26+$0x0] =	vst.idx.msk $0xffff, v16  }
0x69: {  	v17 =	vadd.s32 v6, v13;
	[tilespmem:v22+s26+$0x0] =	vst.idx.msk $0xffff, v21;
	v16 =	vld [tilespmem:s31+$0xA0]  }
0x6a: {  	[tilespmem:v57+s26+$0x0] =	vst.idx.msk $0xffff, v23;
	v22 =	vadd.s32 v3, v11;
	v21 =	vld [tilespmem:s30+$0xFFFFE0F0]  }
0x6b: {  	v60 =	vadd.s32 v3, v8;
	v23 =	vld [tilespmem:s30+$0xFFFFE030];
	[tilespmem:v19+s26+$0x0] =	vst.idx.msk $0xffff, v18  }
0x6c: {  	v19 =	vadd.s32 v3, v10;
	v18 =	vld [tilespmem:s30+$0xFFFFE070];
	[tilespmem:v59+s26+$0x0] =	vst.idx.msk $0xffff, v58  }
0x6d: {  	v61 =	vadd.s32 v3, v9;
	v25 =	vld [tilespmem:s30+$0xFFFFE0B0];
	[tilespmem:v20+s26+$0x0] =	vst.idx.msk $0xffff, v15  }
0x6e: {  	v62 =	vadd.s32 v6, v12;
	v15 =	vld [tilespmem:s31+$0x20];
	[tilespmem:v17+s26+$0x0] =	vst.idx.msk $0xffff, v16  }
0x6f: {  	v14 =	vadd.s32 v7, v14;
	v16 =	vld [tilespmem:s31+$0x70];
	[tilespmem:v22+s26+$0x0] =	vst.idx.msk $0xffff, v21  }
0x70: {  	v63 =	vadd.s32 v4, v11;
	[tilespmem:v60+s26+$0x0] =	vst.idx.msk $0xffff, v23;
	v23 =	vld [tilespmem:s30+$0xC0]  }
0x71: {  	v22 =	vadd.s32 v4, v8;
	v20 =	vld [tilespmem:s30+$0x0];
	[tilespmem:v19+s26+$0x0] =	vst.idx.msk $0xffff, v18  }
0x72: {  	v21 =	vadd.s32 v4, v10;
	v18 =	vld [tilespmem:s30+$0x40];
	[tilespmem:v61+s26+$0x0] =	vst.idx.msk $0xffff, v25  }
0x73: {  	s29 =	sshll.u32 s9, $0x15;
	v19 =	vadd.s32 v4, v9;
	v17 =	vld [tilespmem:s30+$0x80];
	[tilespmem:v62+s26+$0x0] =	vst.idx.msk $0xffff, v15  }
0x74: {  	s10 =	sor.u32 $0x100000, s29;
	s0 =	simm.s32 $0x8;
	v13 =	vadd.s32 v7, v13;
	[tilespmem:v14+s26+$0x0] =	vst.idx.msk $0xffff, v16;
	v14 =	vld [tilespmem:s31+$0xB0]  }
0x75: {  	s19 =	simm.s32 $0xB;
	s22 =	simm.s32 $0xC;
	v15 =	vld [tilespmem:s31+$0x30];
	v16 =	vadd.s32 v7, v12;
	s31 =	simm.s32 $0x2500;
	[tilespmem:v63+s26+$0x0] =	vst.idx.msk $0xffff, v23  }
.LBB2_3:
0x76: {  	p2 =	slt.u32 s22, $0x7C;
	v12 =	vmov s19;
	[tilespmem:v22+s26+$0x0] =	vst.idx.msk $0xffff, v20;
	v20 =	vld [tilespmem:s30+$0xD0];
	v22 =	vadd.s32 v5, v11  }
0x77: {  	v23 =	vmov s0;
	s19 =	sadd.s32 $0x1, s0;
	v26 =	vadd.s32 v5, v8;
	s30 =	sadd.s32 $0x100, s30;
	v24 =	vand.u32 $0x7F, v12;
	v25 =	vld [tilespmem:s31+$0x10];
	[tilespmem:v21+s26+$0x0] =	vst.idx.msk $0xffff, v18  }
0x78: {  	v12 =	vand.u32 $0x7C, v23;
	v18 =	vmov s19;
	s19 =	sadd.s32 $0x2, s0;
	s0 =	smov.u32 s22;
	v21 =	vld [tilespmem:s30+$0xFFFFE0C0];
	v23 =	vadd.s32 v0, v24;
	[tilespmem:v19+s26+$0x0] =	vst.idx.msk $0xffff, v17  }
0x79: {  	v19 =	vadd.s32 v0, v12;
	v18 =	vand.u32 $0x7D, v18;
	v27 =	vmov s19;
	v17 =	vld [tilespmem:s30+$0xFFFFE000];
	[tilespmem:v13+s26+$0x0] =	vst.idx.msk $0xffff, v14  }
0x7a: {  	v14 =	vadd.s32 v0, v18;
	v27 =	vand.u32 $0x7E, v27;
	v13 =	vld [tilespmem:s30+$0xFFFFE040];
	[tilespmem:v16+s26+$0x0] =	vst.idx.msk $0xffff, v15  }
0x7b: {  	v16 =	vadd.s32 v0, v27;
	v15 =	vld [tilespmem:s30+$0xFFFFE080];
	[tilespmem:v22+s26+$0x0] =	vst.idx.msk $0xffff, v20  }
0x7c: {  	v22 =	vadd.s32 v6, v11;
	[tilespmem:v26+s26+$0x0] =	vst.idx.msk $0xffff, v25;
	v20 =	vld [tilespmem:s31+$0xE0]  }
0x7d: {  	[tilespmem:v23+s26+$0x0] =	vst.idx.msk $0xffff, v21;
	v21 =	vld [tilespmem:s31+$0x50];
	v23 =	vadd.s32 v5, v10  }
0x7e: {  	[tilespmem:v19+s26+$0x0] =	vst.idx.msk $0xffff, v17;
	v17 =	vld [tilespmem:s30+$0xFFFFE0D0];
	v19 =	vadd.s32 v1, v24  }
0x7f: {  	v26 =	vadd.s32 v1, v12;
	v25 =	vld [tilespmem:s30+$0xFFFFE010];
	[tilespmem:v14+s26+$0x0] =	vst.idx.msk $0xffff, v13  }
0x80: {  	v14 =	vadd.s32 v1, v18;
	v13 =	vld [tilespmem:s30+$0xFFFFE050];
	[tilespmem:v16+s26+$0x0] =	vst.idx.msk $0xffff, v15  }
0x81: {  	v16 =	vadd.s32 v1, v27;
	v15 =	vld [tilespmem:s30+$0xFFFFE090];
	[tilespmem:v22+s26+$0x0] =	vst.idx.msk $0xffff, v20  }
0x82: {  	[tilespmem:v23+s26+$0x0] =	vst.idx.msk $0xffff, v21;
	v20 =	vld [tilespmem:s31+$0xF0];
	v21 =	vadd.s32 v7, v11;
	v11 =	vmov v24  }
0x83: {  	[tilespmem:v19+s26+$0x0] =	vst.idx.msk $0xffff, v17;
	v17 =	vld [tilespmem:s31+$0x90];
	v19 =	vadd.s32 v5, v9  }
0x84: {  	v23 =	vadd.s32 v2, v11;
	[tilespmem:v26+s26+$0x0] =	vst.idx.msk $0xffff, v25;
	v22 =	vld [tilespmem:s30+$0xFFFFE0E0]  }
0x85: {  	v25 =	vadd.s32 v2, v12;
	v24 =	vld [tilespmem:s30+$0xFFFFE020];
	[tilespmem:v14+s26+$0x0] =	vst.idx.msk $0xffff, v13  }
0x86: {  	v14 =	vadd.s32 v2, v18;
	v13 =	vld [tilespmem:s30+$0xFFFFE060];
	[tilespmem:v16+s26+$0x0] =	vst.idx.msk $0xffff, v15  }
0x87: {  	v16 =	vadd.s32 v2, v27;
	v15 =	vld [tilespmem:s30+$0xFFFFE0A0];
	[tilespmem:v21+s26+$0x0] =	vst.idx.msk $0xffff, v20  }
0x88: {  	v21 =	vadd.s32 v6, v10;
	v20 =	vld [tilespmem:s31+$0x60];
	[tilespmem:v19+s26+$0x0] =	vst.idx.msk $0xffff, v17  }
0x89: {  	v19 =	vadd.s32 v6, v9;
	[tilespmem:v23+s26+$0x0] =	vst.idx.msk $0xffff, v22;
	v17 =	vld [tilespmem:s31+$0xA0]  }
0x8a: {  	v23 =	vadd.s32 v3, v11;
	[tilespmem:v25+s26+$0x0] =	vst.idx.msk $0xffff, v24;
	v22 =	vld [tilespmem:s30+$0xFFFFE0F0]  }
0x8b: {  	v25 =	vadd.s32 v3, v12;
	v24 =	vld [tilespmem:s30+$0xFFFFE030];
	[tilespmem:v14+s26+$0x0] =	vst.idx.msk $0xffff, v13  }
0x8c: {  	v14 =	vadd.s32 v3, v18;
	v13 =	vld [tilespmem:s30+$0xFFFFE070];
	[tilespmem:v16+s26+$0x0] =	vst.idx.msk $0xffff, v15  }
0x8d: {  	v16 =	vadd.s32 v3, v27;
	v15 =	vld [tilespmem:s30+$0xFFFFE0B0];
	[tilespmem:v21+s26+$0x0] =	vst.idx.msk $0xffff, v20  }
0x8e: {  	v28 =	vadd.s32 v6, v8;
	v26 =	vld [tilespmem:s31+$0x20];
	[tilespmem:v19+s26+$0x0] =	vst.idx.msk $0xffff, v17  }
0x8f: {  	v29 =	vadd.s32 v7, v10;
	v10 =	vmov v18;
	[tilespmem:v23+s26+$0x0] =	vst.idx.msk $0xffff, v22;
	v23 =	vld [tilespmem:s31+$0x70]  }
0x90: {  	[tilespmem:v25+s26+$0x0] =	vst.idx.msk $0xffff, v24;
	v24 =	vld [tilespmem:s30+$0xC0];
	v25 =	vadd.s32 v4, v11  }
.Ltmp0:
0x91: {  	v22 =	vadd.s32 v4, v12;
	v20 =	vld [tilespmem:s30+$0x0];
	[tilespmem:v14+s26+$0x0] =	vst.idx.msk $0xffff, v13;
	(pc) =	sbr.rel @p2 .LBB2_3-.Ltmp0, $4  }
0x92: {  	v21 =	vadd.s32 v4, v10;
	v18 =	vld [tilespmem:s30+$0x40];
	[tilespmem:v16+s26+$0x0] =	vst.idx.msk $0xffff, v15  }
0x93: {  	v19 =	vadd.s32 v4, v27;
	v17 =	vld [tilespmem:s30+$0x80];
	[tilespmem:v28+s26+$0x0] =	vst.idx.msk $0xffff, v26  }
0x94: {  	v13 =	vadd.s32 v7, v9;
	v9 =	vmov v27;
	[tilespmem:v29+s26+$0x0] =	vst.idx.msk $0xffff, v23;
	v14 =	vld [tilespmem:s31+$0xB0]  }
0x95: {  	s22 =	sadd.s32 $0x4, s22;
	s19 =	sadd.s32 $0x3, s0;
	v16 =	vadd.s32 v7, v8;
	v8 =	vmov v12;
	[tilespmem:v25+s26+$0x0] =	vst.idx.msk $0xffff, v24;
	v15 =	vld [tilespmem:s31+$0x30];
	s31 =	smov.u32 s30  }
0x96: {  	_ =	sdelay $0x1  }
0x97: {  	v12 =	vmov s19  }
0x98: {  	s19 =	sadd.s32 $0x1, s0;
	s22 =	sadd.s32 $0x100, s30;
	v27 =	vmov s0;
	v12 =	vand.u32 $0x7F, v12  }
0x99: {  	[tilespmem:v22+s26+$0x0] =	vst.idx.msk $0xffff, v20;
	v23 =	vmov s19;
	v24 =	vld [tilespmem:s22+$0xFFFFE0C0];
	v20 =	vand.u32 $0x7C, v27;
	v25 =	vadd.s32 v0, v12  }
0x9a: {  	s19 =	sadd.s32 $0x2, s0;
	[tilespmem:v21+s26+$0x0] =	vst.idx.msk $0xffff, v18;
	v18 =	vld [tilespmem:s22+$0xFFFFE000];
	v23 =	vand.u32 $0x7D, v23;
	v21 =	vadd.s32 v0, v20  }
0x9b: {  	v28 =	vld [tilespmem:s22+$0xFFFFE040];
	v26 =	vmov s19;
	v29 =	vadd.s32 v0, v23  }
0x9c: {  	[tilespmem:v19+s26+$0x0] =	vst.idx.msk $0xffff, v17;
	v26 =	vand.u32 $0x7E, v26  }
0x9d: {  	v22 =	vld [tilespmem:s22+$0xFFFFE080];
	[tilespmem:v13+s26+$0x0] =	vst.idx.msk $0xffff, v14;
	v40 =	vadd.s32 v0, v26  }
0x9e: {  	[tilespmem:v25+s26+$0x0] =	vst.idx.msk $0xffff, v24  }
0x9f: {  	v19 =	vadd.s32 v1, v12;
	[tilespmem:v21+s26+$0x0] =	vst.idx.msk $0xffff, v18;
	v17 =	vld [tilespmem:s22+$0xFFFFE0D0]  }
0xa0: {  	v14 =	vadd.s32 v1, v20;
	[tilespmem:v29+s26+$0x0] =	vst.idx.msk $0xffff, v28;
	v13 =	vld [tilespmem:s22+$0xFFFFE010]  }
0xa1: {  	v42 =	vadd.s32 v1, v23;
	v41 =	vld [tilespmem:s22+$0xFFFFE050]  }
0xa2: {  	v43 =	vadd.s32 v5, v11;
	[tilespmem:v40+s26+$0x0] =	vst.idx.msk $0xffff, v22;
	v22 =	vld [tilespmem:s30+$0xD0]  }
0xa3: {  	[tilespmem:v16+s26+$0x0] =	vst.idx.msk $0xffff, v15;
	v21 =	vadd.s32 v1, v26;
	v18 =	vld [tilespmem:s22+$0xFFFFE090]  }
0xa4: {  	v15 =	vld [tilespmem:s31+$0x10];
	v16 =	vadd.s32 v5, v8;
	[tilespmem:v19+s26+$0x0] =	vst.idx.msk $0xffff, v17  }
0xa5: {  	[tilespmem:v14+s26+$0x0] =	vst.idx.msk $0xffff, v13  }
0xa6: {  	v19 =	vadd.s32 v2, v12;
	v17 =	vld [tilespmem:s22+$0xFFFFE0E0];
	[tilespmem:v42+s26+$0x0] =	vst.idx.msk $0xffff, v41  }
0xa7: {  	v44 =	vadd.s32 v2, v23;
	[tilespmem:v43+s26+$0x0] =	vst.idx.msk $0xffff, v22;
	v24 =	vld [tilespmem:s22+$0xFFFFE060]  }
0xa8: {  	[tilespmem:v21+s26+$0x0] =	vst.idx.msk $0xffff, v18;
	v18 =	vld [tilespmem:s22+$0xFFFFE020];
	v21 =	vadd.s32 v2, v20  }
0xa9: {  	[tilespmem:v16+s26+$0x0] =	vst.idx.msk $0xffff, v15;
	v16 =	vadd.s32 v6, v11;
	v15 =	vld [tilespmem:s31+$0xE0]  }
0xaa: {  	v14 =	vadd.s32 v2, v26;
	v13 =	vld [tilespmem:s22+$0xFFFFE0A0]  }
0xab: {  	v45 =	vadd.s32 v5, v10;
	v22 =	vld [tilespmem:s31+$0x50];
	[tilespmem:v19+s26+$0x0] =	vst.idx.msk $0xffff, v17  }
0xac: {  	v19 =	vadd.s32 v3, v12;
	v17 =	vld [tilespmem:s22+$0xFFFFE0F0];
	[tilespmem:v44+s26+$0x0] =	vst.idx.msk $0xffff, v24  }
0xad: {  	v46 =	vadd.s32 v3, v23;
	[tilespmem:v21+s26+$0x0] =	vst.idx.msk $0xffff, v18;
	v24 =	vld [tilespmem:s22+$0xFFFFE070]  }
0xae: {  	[tilespmem:v16+s26+$0x0] =	vst.idx.msk $0xffff, v15;
	v16 =	vadd.s32 v3, v20;
	v15 =	vld [tilespmem:s22+$0xFFFFE030]  }
0xaf: {  	v11 =	vadd.s32 v7, v11;
	[tilespmem:v14+s26+$0x0] =	vst.idx.msk $0xffff, v13;
	v18 =	vld [tilespmem:s31+$0xF0]  }
0xb0: {  	[tilespmem:v45+s26+$0x0] =	vst.idx.msk $0xffff, v22;
	v14 =	vadd.s32 v3, v26;
	v13 =	vld [tilespmem:s22+$0xFFFFE0B0]  }
0xb1: {  	[tilespmem:v19+s26+$0x0] =	vst.idx.msk $0xffff, v17  }
0xb2: {  	v22 =	vadd.s32 v5, v9;
	v21 =	vld [tilespmem:s31+$0x90];
	[tilespmem:v46+s26+$0x0] =	vst.idx.msk $0xffff, v24  }
0xb3: {  	v19 =	vadd.s32 v4, v12;
	v17 =	vld [tilespmem:s22+$0xC0];
	[tilespmem:v16+s26+$0x0] =	vst.idx.msk $0xffff, v15  }
0xb4: {  	v47 =	vadd.s32 v4, v23;
	[tilespmem:v11+s26+$0x0] =	vst.idx.msk $0xffff, v18;
	v24 =	vld [tilespmem:s22+$0x40]  }
0xb5: {  	v15 =	vadd.s32 v4, v20;
	[tilespmem:v14+s26+$0x0] =	vst.idx.msk $0xffff, v13;
	v11 =	vld [tilespmem:s22+$0x0]  }
0xb6: {  	v14 =	vadd.s32 v4, v26;
	v13 =	vld [tilespmem:s22+$0x80]  }
0xb7: {  	[tilespmem:v22+s26+$0x0] =	vst.idx.msk $0xffff, v21;
	v16 =	vld [tilespmem:s31+$0x60];
	v18 =	vadd.s32 v6, v10  }
0xb8: {  	[tilespmem:v19+s26+$0x0] =	vst.idx.msk $0xffff, v17  }
0xb9: {  	v22 =	vadd.s32 v6, v9;
	v21 =	vld [tilespmem:s31+$0xA0];
	[tilespmem:v47+s26+$0x0] =	vst.idx.msk $0xffff, v24  }
0xba: {  	v19 =	vadd.s32 v5, v12;
	v17 =	vld [tilespmem:s22+$0xD0];
	[tilespmem:v15+s26+$0x0] =	vst.idx.msk $0xffff, v11  }
0xbb: {  	[tilespmem:v14+s26+$0x0] =	vst.idx.msk $0xffff, v13;
	v13 =	vld [tilespmem:s22+$0x50];
	v14 =	vadd.s32 v5, v23  }
0xbc: {  	[tilespmem:v18+s26+$0x0] =	vst.idx.msk $0xffff, v16;
	v18 =	vadd.s32 v5, v20;
	v16 =	vld [tilespmem:s22+$0x10]  }
0xbd: {  	v15 =	vadd.s32 v5, v26;
	v11 =	vld [tilespmem:s22+$0x90]  }
0xbe: {  	v49 =	vadd.s32 v6, v8;
	v48 =	vld [tilespmem:s31+$0x20];
	[tilespmem:v22+s26+$0x0] =	vst.idx.msk $0xffff, v21  }
0xbf: {  	v10 =	vadd.s32 v7, v10;
	v21 =	vld [tilespmem:s31+$0x70];
	[tilespmem:v19+s26+$0x0] =	vst.idx.msk $0xffff, v17  }
0xc0: {  	v19 =	vadd.s32 v6, v12;
	v17 =	vld [tilespmem:s22+$0xE0];
	[tilespmem:v14+s26+$0x0] =	vst.idx.msk $0xffff, v13  }
0xc1: {  	v14 =	vadd.s32 v6, v23;
	[tilespmem:v18+s26+$0x0] =	vst.idx.msk $0xffff, v16;
	v13 =	vld [tilespmem:s22+$0x60]  }
0xc2: {  	v18 =	vadd.s32 v6, v20;
	[tilespmem:v15+s26+$0x0] =	vst.idx.msk $0xffff, v11;
	v16 =	vld [tilespmem:s22+$0x20]  }
0xc3: {  	[tilespmem:v49+s26+$0x0] =	vst.idx.msk $0xffff, v48;
	v15 =	vadd.s32 v6, v26;
	v11 =	vld [tilespmem:s22+$0xA0]  }
0xc4: {  	v9 =	vadd.s32 v7, v9;
	[tilespmem:v10+s26+$0x0] =	vst.idx.msk $0xffff, v21;
	v10 =	vld [tilespmem:s31+$0xB0]  }
0xc5: {  	[tilespmem:v19+s26+$0x0] =	vst.idx.msk $0xffff, v17  }
0xc6: {  	v8 =	vadd.s32 v7, v8;
	v21 =	vld [tilespmem:s31+$0x30];
	[tilespmem:v14+s26+$0x0] =	vst.idx.msk $0xffff, v13  }
0xc7: {  	v12 =	vadd.s32 v7, v12;
	v17 =	vld [tilespmem:s22+$0xF0];
	[tilespmem:v18+s26+$0x0] =	vst.idx.msk $0xffff, v16  }
0xc8: {  	v13 =	vadd.s32 v7, v23;
	[tilespmem:v15+s26+$0x0] =	vst.idx.msk $0xffff, v11;
	v11 =	vld [tilespmem:s22+$0x70]  }
0xc9: {  	[tilespmem:v9+s26+$0x0] =	vst.idx.msk $0xffff, v10;
	v10 =	vadd.s32 v7, v20;
	v9 =	vld [tilespmem:s22+$0x30]  }
0xca: {  	v15 =	vadd.s32 v7, v26;
	v14 =	vld [tilespmem:s22+$0xB0]  }
0xcb: {  	[tilespmem:v8+s26+$0x0] =	vst.idx.msk $0xffff, v21  }
0xcc: {  	[tilespmem:v12+s26+$0x0] =	vst.idx.msk $0xffff, v17  }
0xcd: {  	s19 =	sor.u32 s7, s29;
	[tilespmem:v13+s26+$0x0] =	vst.idx.msk $0xffff, v11  }
0xce: {  	s30 =	sshrl.u32 s19, $0x3;
	[tilespmem:v10+s26+$0x0] =	vst.idx.msk $0xffff, v9  }
0xcf: {  	s0 =	sadd.s32 s1, s30;
	[tilespmem:v15+s26+$0x0] =	vst.idx.msk $0xffff, v14  }
0xd0: {  	[hbm4b:s0+s3] =	stream.linear.scatter [tilespmem:s26], [sflag:$0x5], $0x80, $0x38;
	[tilespmem:$0x18C00] =	vst v63  }
0xd1: {  	s19 =	sadd.s32 $0x10, s0;
	s22 =	simm.s32 $0x10488  }
0xd2: {  	[hbm4b:s19+s3] =	stream.linear.scatter [tilespmem:s22], [sflag:$0x5], $0x80, $0x38;
	[tilespmem:$0x18C00] =	vst v63  }
0xd3: {  	s19 =	sadd.s32 $0x20, s0;
	s22 =	simm.s32 $0x10510  }
0xd4: {  	[hbm4b:s19+s3] =	stream.linear.scatter [tilespmem:s22], [sflag:$0x5], $0x80, $0x38;
	[tilespmem:$0x18C00] =	vst v63  }
0xd5: {  	s19 =	sadd.s32 $0x30, s0;
	s22 =	simm.s32 $0x10598  }
0xd6: {  	[hbm4b:s19+s3] =	stream.linear.scatter [tilespmem:s22], [sflag:$0x5], $0x80, $0x38;
	[tilespmem:$0x18C00] =	vst v63  }
0xd7: {  	s19 =	sadd.s32 $0x40, s0;
	s22 =	simm.s32 $0x10620  }
0xd8: {  	[hbm4b:s19+s3] =	stream.linear.scatter [tilespmem:s22], [sflag:$0x5], $0x80, $0x38;
	[tilespmem:$0x18C00] =	vst v63  }
0xd9: {  	s19 =	sadd.s32 $0x50, s0;
	s22 =	simm.s32 $0x106A8  }
0xda: {  	[hbm4b:s19+s3] =	stream.linear.scatter [tilespmem:s22], [sflag:$0x5], $0x80, $0x38;
	[tilespmem:$0x18C00] =	vst v63  }
0xdb: {  	s19 =	sadd.s32 $0x60, s0;
	s22 =	simm.s32 $0x10730  }
0xdc: {  	[hbm4b:s19+s3] =	stream.linear.scatter [tilespmem:s22], [sflag:$0x5], $0x80, $0x38;
	[tilespmem:$0x18C00] =	vst v63  }
0xdd: {  	s19 =	sadd.s32 $0x70, s0;
	s22 =	simm.s32 $0x107B8  }
0xde: {  	[hbm4b:s19+s3] =	stream.linear.scatter [tilespmem:s22], [sflag:$0x5], $0x80, $0x38;
	[tilespmem:$0x18C00] =	vst v63  }
0xdf: {  	s19 =	sadd.s32 $0x80, s0;
	s22 =	simm.s32 $0x12600  }
0xe0: {  	[hbm4b:s19+s3] =	stream.linear.scatter [tilespmem:s22], [sflag:$0x5], $0x80, $0x38;
	[tilespmem:$0x18C00] =	vst v63  }
0xe1: {  	s19 =	sadd.s32 $0x90, s0;
	s22 =	simm.s32 $0x12688  }
0xe2: {  	[hbm4b:s19+s3] =	stream.linear.scatter [tilespmem:s22], [sflag:$0x5], $0x80, $0x38;
	[tilespmem:$0x18C00] =	vst v63  }
0xe3: {  	s19 =	sadd.s32 $0xA0, s0;
	s22 =	simm.s32 $0x12710  }
0xe4: {  	[hbm4b:s19+s3] =	stream.linear.scatter [tilespmem:s22], [sflag:$0x5], $0x80, $0x38;
	[tilespmem:$0x18C00] =	vst v63  }
0xe5: {  	s19 =	sadd.s32 $0xB0, s0;
	s22 =	simm.s32 $0x12798  }
0xe6: {  	[hbm4b:s19+s3] =	stream.linear.scatter [tilespmem:s22], [sflag:$0x5], $0x80, $0x38;
	[tilespmem:$0x18C00] =	vst v63  }
0xe7: {  	s19 =	sadd.s32 $0xC0, s0;
	s22 =	simm.s32 $0x12820  }
0xe8: {  	[hbm4b:s19+s3] =	stream.linear.scatter [tilespmem:s22], [sflag:$0x5], $0x80, $0x38;
	[tilespmem:$0x18C00] =	vst v63  }
0xe9: {  	s19 =	sadd.s32 $0xD0, s0;
	s22 =	simm.s32 $0x128A8  }
0xea: {  	[hbm4b:s19+s3] =	stream.linear.scatter [tilespmem:s22], [sflag:$0x5], $0x80, $0x38;
	[tilespmem:$0x18C00] =	vst v63  }
0xeb: {  	s19 =	sadd.s32 $0xE0, s0;
	s22 =	simm.s32 $0x12930  }
0xec: {  	[hbm4b:s19+s3] =	stream.linear.scatter [tilespmem:s22], [sflag:$0x5], $0x80, $0x38;
	[tilespmem:$0x18C00] =	vst v63  }
0xed: {  	s0 =	sadd.s32 $0xF0, s0;
	s22 =	simm.s32 $0x129B8  }
0xee: {  	[hbm4b:s0+s3] =	stream.linear.scatter [tilespmem:s22], [sflag:$0x5], $0x80, $0x38;
	[tilespmem:$0x18C00] =	vst v63  }
0xef: {  	s0 =	sadd.s32 s30, s11;
	s22 =	simm.s32 $0x10840  }
0xf0: {  	[hbm4b:s0+s3] =	stream.linear.scatter [tilespmem:s22], [sflag:$0x5], $0x80, $0x38;
	[tilespmem:$0x18C00] =	vst v63  }
0xf1: {  	s19 =	sadd.s32 $0x10, s0;
	s22 =	simm.s32 $0x108C8  }
0xf2: {  	[hbm4b:s19+s3] =	stream.linear.scatter [tilespmem:s22], [sflag:$0x5], $0x80, $0x38;
	[tilespmem:$0x18C00] =	vst v63  }
0xf3: {  	s19 =	sadd.s32 $0x20, s0;
	s22 =	simm.s32 $0x10950  }
0xf4: {  	[hbm4b:s19+s3] =	stream.linear.scatter [tilespmem:s22], [sflag:$0x5], $0x80, $0x38;
	[tilespmem:$0x18C00] =	vst v63  }
0xf5: {  	s19 =	sadd.s32 $0x30, s0;
	s22 =	simm.s32 $0x109D8  }
0xf6: {  	[hbm4b:s19+s3] =	stream.linear.scatter [tilespmem:s22], [sflag:$0x5], $0x80, $0x38;
	[tilespmem:$0x18C00] =	vst v63  }
0xf7: {  	s19 =	sadd.s32 $0x40, s0;
	s22 =	simm.s32 $0x10A60  }
0xf8: {  	[hbm4b:s19+s3] =	stream.linear.scatter [tilespmem:s22], [sflag:$0x5], $0x80, $0x38;
	[tilespmem:$0x18C00] =	vst v63  }
0xf9: {  	s19 =	sadd.s32 $0x50, s0;
	s22 =	simm.s32 $0x10AE8  }
0xfa: {  	[hbm4b:s19+s3] =	stream.linear.scatter [tilespmem:s22], [sflag:$0x5], $0x80, $0x38;
	[tilespmem:$0x18C00] =	vst v63  }
0xfb: {  	s19 =	sadd.s32 $0x60, s0;
	s22 =	simm.s32 $0x10B70  }
0xfc: {  	[hbm4b:s19+s3] =	stream.linear.scatter [tilespmem:s22], [sflag:$0x5], $0x80, $0x38;
	[tilespmem:$0x18C00] =	vst v63  }
0xfd: {  	s19 =	sadd.s32 $0x70, s0;
	s22 =	simm.s32 $0x10BF8  }
0xfe: {  	[hbm4b:s19+s3] =	stream.linear.scatter [tilespmem:s22], [sflag:$0x5], $0x80, $0x38;
	[tilespmem:$0x18C00] =	vst v63  }
0xff: {  	s19 =	sadd.s32 $0x80, s0;
	s22 =	simm.s32 $0x12A40  }
0x100: {  	[hbm4b:s19+s3] =	stream.linear.scatter [tilespmem:s22], [sflag:$0x5], $0x80, $0x38;
	[tilespmem:$0x18C00] =	vst v63  }
0x101: {  	s19 =	sadd.s32 $0x90, s0;
	s22 =	simm.s32 $0x12AC8  }
0x102: {  	[hbm4b:s19+s3] =	stream.linear.scatter [tilespmem:s22], [sflag:$0x5], $0x80, $0x38;
	[tilespmem:$0x18C00] =	vst v63  }
0x103: {  	s19 =	sadd.s32 $0xA0, s0;
	s22 =	simm.s32 $0x12B50  }
0x104: {  	[hbm4b:s19+s3] =	stream.linear.scatter [tilespmem:s22], [sflag:$0x5], $0x80, $0x38;
	[tilespmem:$0x18C00] =	vst v63  }
0x105: {  	s19 =	sadd.s32 $0xB0, s0;
	s22 =	simm.s32 $0x12BD8  }
0x106: {  	[hbm4b:s19+s3] =	stream.linear.scatter [tilespmem:s22], [sflag:$0x5], $0x80, $0x38;
	[tilespmem:$0x18C00] =	vst v63  }
0x107: {  	s19 =	sadd.s32 $0xC0, s0;
	s22 =	simm.s32 $0x12C60  }
0x108: {  	[hbm4b:s19+s3] =	stream.linear.scatter [tilespmem:s22], [sflag:$0x5], $0x80, $0x38;
	[tilespmem:$0x18C00] =	vst v63  }
0x109: {  	s19 =	sadd.s32 $0xD0, s0;
	s22 =	simm.s32 $0x12CE8  }
0x10a: {  	[hbm4b:s19+s3] =	stream.linear.scatter [tilespmem:s22], [sflag:$0x5], $0x80, $0x38;
	[tilespmem:$0x18C00] =	vst v63  }
0x10b: {  	s19 =	sadd.s32 $0xE0, s0;
	s22 =	simm.s32 $0x12D70  }
0x10c: {  	[hbm4b:s19+s3] =	stream.linear.scatter [tilespmem:s22], [sflag:$0x5], $0x80, $0x38;
	[tilespmem:$0x18C00] =	vst v63  }
0x10d: {  	s0 =	sadd.s32 $0xF0, s0;
	s22 =	simm.s32 $0x12DF8  }
0x10e: {  	[hbm4b:s0+s3] =	stream.linear.scatter [tilespmem:s22], [sflag:$0x5], $0x80, $0x38;
	[tilespmem:$0x18C00] =	vst v63  }
0x10f: {  	s0 =	sadd.s32 s30, s12;
	s22 =	simm.s32 $0x10C80  }
0x110: {  	[hbm4b:s0+s3] =	stream.linear.scatter [tilespmem:s22], [sflag:$0x5], $0x80, $0x38;
	[tilespmem:$0x18C00] =	vst v63  }
0x111: {  	s19 =	sadd.s32 $0x10, s0;
	s22 =	simm.s32 $0x10D08  }
0x112: {  	[hbm4b:s19+s3] =	stream.linear.scatter [tilespmem:s22], [sflag:$0x5], $0x80, $0x38;
	[tilespmem:$0x18C00] =	vst v63  }
0x113: {  	s19 =	sadd.s32 $0x20, s0;
	s22 =	simm.s32 $0x10D90  }
0x114: {  	[hbm4b:s19+s3] =	stream.linear.scatter [tilespmem:s22], [sflag:$0x5], $0x80, $0x38;
	[tilespmem:$0x18C00] =	vst v63  }
0x115: {  	s19 =	sadd.s32 $0x30, s0;
	s22 =	simm.s32 $0x10E18  }
0x116: {  	[hbm4b:s19+s3] =	stream.linear.scatter [tilespmem:s22], [sflag:$0x5], $0x80, $0x38;
	[tilespmem:$0x18C00] =	vst v63  }
0x117: {  	s19 =	sadd.s32 $0x40, s0;
	s22 =	simm.s32 $0x10EA0  }
0x118: {  	[hbm4b:s19+s3] =	stream.linear.scatter [tilespmem:s22], [sflag:$0x5], $0x80, $0x38;
	[tilespmem:$0x18C00] =	vst v63  }
0x119: {  	s19 =	sadd.s32 $0x50, s0;
	s22 =	simm.s32 $0x10F28  }
0x11a: {  	[hbm4b:s19+s3] =	stream.linear.scatter [tilespmem:s22], [sflag:$0x5], $0x80, $0x38;
	[tilespmem:$0x18C00] =	vst v63  }
0x11b: {  	s19 =	sadd.s32 $0x60, s0;
	s22 =	simm.s32 $0x10FB0  }
0x11c: {  	[hbm4b:s19+s3] =	stream.linear.scatter [tilespmem:s22], [sflag:$0x5], $0x80, $0x38;
	[tilespmem:$0x18C00] =	vst v63  }
0x11d: {  	s19 =	sadd.s32 $0x70, s0;
	s22 =	simm.s32 $0x11038  }
0x11e: {  	[hbm4b:s19+s3] =	stream.linear.scatter [tilespmem:s22], [sflag:$0x5], $0x80, $0x38;
	[tilespmem:$0x18C00] =	vst v63  }
0x11f: {  	s19 =	sadd.s32 $0x80, s0;
	s22 =	simm.s32 $0x12E80  }
0x120: {  	[hbm4b:s19+s3] =	stream.linear.scatter [tilespmem:s22], [sflag:$0x5], $0x80, $0x38;
	[tilespmem:$0x18C00] =	vst v63  }
0x121: {  	s19 =	sadd.s32 $0x90, s0;
	s22 =	simm.s32 $0x12F08  }
0x122: {  	[hbm4b:s19+s3] =	stream.linear.scatter [tilespmem:s22], [sflag:$0x5], $0x80, $0x38;
	[tilespmem:$0x18C00] =	vst v63  }
0x123: {  	s19 =	sadd.s32 $0xA0, s0;
	s22 =	simm.s32 $0x12F90  }
0x124: {  	[hbm4b:s19+s3] =	stream.linear.scatter [tilespmem:s22], [sflag:$0x5], $0x80, $0x38;
	[tilespmem:$0x18C00] =	vst v63  }
0x125: {  	s19 =	sadd.s32 $0xB0, s0;
	s22 =	simm.s32 $0x13018  }
0x126: {  	[hbm4b:s19+s3] =	stream.linear.scatter [tilespmem:s22], [sflag:$0x5], $0x80, $0x38;
	[tilespmem:$0x18C00] =	vst v63  }
0x127: {  	s19 =	sadd.s32 $0xC0, s0;
	s22 =	simm.s32 $0x130A0  }
0x128: {  	[hbm4b:s19+s3] =	stream.linear.scatter [tilespmem:s22], [sflag:$0x5], $0x80, $0x38;
	[tilespmem:$0x18C00] =	vst v63  }
0x129: {  	s19 =	sadd.s32 $0xD0, s0;
	s22 =	simm.s32 $0x13128  }
0x12a: {  	[hbm4b:s19+s3] =	stream.linear.scatter [tilespmem:s22], [sflag:$0x5], $0x80, $0x38;
	[tilespmem:$0x18C00] =	vst v63  }
0x12b: {  	s19 =	sadd.s32 $0xE0, s0;
	s22 =	simm.s32 $0x131B0  }
0x12c: {  	[hbm4b:s19+s3] =	stream.linear.scatter [tilespmem:s22], [sflag:$0x5], $0x80, $0x38;
	[tilespmem:$0x18C00] =	vst v63  }
0x12d: {  	s0 =	sadd.s32 $0xF0, s0;
	s22 =	simm.s32 $0x13238  }
0x12e: {  	[hbm4b:s0+s3] =	stream.linear.scatter [tilespmem:s22], [sflag:$0x5], $0x80, $0x38;
	[tilespmem:$0x18C00] =	vst v63  }
0x12f: {  	s0 =	sadd.s32 s30, s13;
	s22 =	simm.s32 $0x110C0  }
0x130: {  	[hbm4b:s0+s3] =	stream.linear.scatter [tilespmem:s22], [sflag:$0x5], $0x80, $0x38;
	[tilespmem:$0x18C00] =	vst v63  }
0x131: {  	s19 =	sadd.s32 $0x10, s0;
	s22 =	simm.s32 $0x11148  }
0x132: {  	[hbm4b:s19+s3] =	stream.linear.scatter [tilespmem:s22], [sflag:$0x5], $0x80, $0x38;
	[tilespmem:$0x18C00] =	vst v63  }
0x133: {  	s19 =	sadd.s32 $0x20, s0;
	s22 =	simm.s32 $0x111D0  }
0x134: {  	[hbm4b:s19+s3] =	stream.linear.scatter [tilespmem:s22], [sflag:$0x5], $0x80, $0x38;
	[tilespmem:$0x18C00] =	vst v63  }
0x135: {  	s19 =	sadd.s32 $0x30, s0;
	s22 =	simm.s32 $0x11258  }
0x136: {  	[hbm4b:s19+s3] =	stream.linear.scatter [tilespmem:s22], [sflag:$0x5], $0x80, $0x38;
	[tilespmem:$0x18C00] =	vst v63  }
0x137: {  	s19 =	sadd.s32 $0x40, s0;
	s22 =	simm.s32 $0x112E0  }
0x138: {  	[hbm4b:s19+s3] =	stream.linear.scatter [tilespmem:s22], [sflag:$0x5], $0x80, $0x38;
	[tilespmem:$0x18C00] =	vst v63  }
0x139: {  	s19 =	sadd.s32 $0x50, s0;
	s22 =	simm.s32 $0x11368  }
0x13a: {  	[hbm4b:s19+s3] =	stream.linear.scatter [tilespmem:s22], [sflag:$0x5], $0x80, $0x38;
	[tilespmem:$0x18C00] =	vst v63  }
0x13b: {  	s19 =	sadd.s32 $0x60, s0;
	s22 =	simm.s32 $0x113F0  }
0x13c: {  	[hbm4b:s19+s3] =	stream.linear.scatter [tilespmem:s22], [sflag:$0x5], $0x80, $0x38;
	[tilespmem:$0x18C00] =	vst v63  }
0x13d: {  	s19 =	sadd.s32 $0x70, s0;
	s22 =	simm.s32 $0x11478  }
0x13e: {  	[hbm4b:s19+s3] =	stream.linear.scatter [tilespmem:s22], [sflag:$0x5], $0x80, $0x38;
	[tilespmem:$0x18C00] =	vst v63  }
0x13f: {  	s19 =	sadd.s32 $0x80, s0;
	s22 =	simm.s32 $0x132C0  }
0x140: {  	[hbm4b:s19+s3] =	stream.linear.scatter [tilespmem:s22], [sflag:$0x5], $0x80, $0x38;
	[tilespmem:$0x18C00] =	vst v63  }
0x141: {  	s19 =	sadd.s32 $0x90, s0;
	s22 =	simm.s32 $0x13348  }
0x142: {  	[hbm4b:s19+s3] =	stream.linear.scatter [tilespmem:s22], [sflag:$0x5], $0x80, $0x38;
	[tilespmem:$0x18C00] =	vst v63  }
0x143: {  	s19 =	sadd.s32 $0xA0, s0;
	s22 =	simm.s32 $0x133D0  }
0x144: {  	[hbm4b:s19+s3] =	stream.linear.scatter [tilespmem:s22], [sflag:$0x5], $0x80, $0x38;
	[tilespmem:$0x18C00] =	vst v63  }
0x145: {  	s19 =	sadd.s32 $0xB0, s0;
	s22 =	simm.s32 $0x13458  }
0x146: {  	[hbm4b:s19+s3] =	stream.linear.scatter [tilespmem:s22], [sflag:$0x5], $0x80, $0x38;
	[tilespmem:$0x18C00] =	vst v63  }
0x147: {  	s19 =	sadd.s32 $0xC0, s0;
	s22 =	simm.s32 $0x134E0  }
0x148: {  	[hbm4b:s19+s3] =	stream.linear.scatter [tilespmem:s22], [sflag:$0x5], $0x80, $0x38;
	[tilespmem:$0x18C00] =	vst v63  }
0x149: {  	s19 =	sadd.s32 $0xD0, s0;
	s22 =	simm.s32 $0x13568  }
0x14a: {  	[hbm4b:s19+s3] =	stream.linear.scatter [tilespmem:s22], [sflag:$0x5], $0x80, $0x38;
	[tilespmem:$0x18C00] =	vst v63  }
0x14b: {  	s19 =	sadd.s32 $0xE0, s0;
	s22 =	simm.s32 $0x135F0  }
0x14c: {  	[hbm4b:s19+s3] =	stream.linear.scatter [tilespmem:s22], [sflag:$0x5], $0x80, $0x38;
	[tilespmem:$0x18C00] =	vst v63  }
0x14d: {  	s0 =	sadd.s32 $0xF0, s0;
	s22 =	simm.s32 $0x13678  }
0x14e: {  	[hbm4b:s0+s3] =	stream.linear.scatter [tilespmem:s22], [sflag:$0x5], $0x80, $0x38;
	[tilespmem:$0x18C00] =	vst v63  }
0x14f: {  	s0 =	sadd.s32 s30, s14;
	s22 =	simm.s32 $0x11500  }
0x150: {  	[hbm4b:s0+s3] =	stream.linear.scatter [tilespmem:s22], [sflag:$0x5], $0x80, $0x38;
	[tilespmem:$0x18C00] =	vst v63  }
0x151: {  	s19 =	sadd.s32 $0x10, s0;
	s22 =	simm.s32 $0x11588  }
0x152: {  	[hbm4b:s19+s3] =	stream.linear.scatter [tilespmem:s22], [sflag:$0x5], $0x80, $0x38;
	[tilespmem:$0x18C00] =	vst v63  }
0x153: {  	s19 =	sadd.s32 $0x20, s0;
	s22 =	simm.s32 $0x11610  }
0x154: {  	[hbm4b:s19+s3] =	stream.linear.scatter [tilespmem:s22], [sflag:$0x5], $0x80, $0x38;
	[tilespmem:$0x18C00] =	vst v63  }
0x155: {  	s19 =	sadd.s32 $0x30, s0;
	s22 =	simm.s32 $0x11698  }
0x156: {  	[hbm4b:s19+s3] =	stream.linear.scatter [tilespmem:s22], [sflag:$0x5], $0x80, $0x38;
	[tilespmem:$0x18C00] =	vst v63  }
0x157: {  	s19 =	sadd.s32 $0x40, s0;
	s22 =	simm.s32 $0x11720  }
0x158: {  	[hbm4b:s19+s3] =	stream.linear.scatter [tilespmem:s22], [sflag:$0x5], $0x80, $0x38;
	[tilespmem:$0x18C00] =	vst v63  }
0x159: {  	s19 =	sadd.s32 $0x50, s0;
	s22 =	simm.s32 $0x117A8  }
0x15a: {  	[hbm4b:s19+s3] =	stream.linear.scatter [tilespmem:s22], [sflag:$0x5], $0x80, $0x38;
	[tilespmem:$0x18C00] =	vst v63  }
0x15b: {  	s19 =	sadd.s32 $0x60, s0;
	s22 =	simm.s32 $0x11830  }
0x15c: {  	[hbm4b:s19+s3] =	stream.linear.scatter [tilespmem:s22], [sflag:$0x5], $0x80, $0x38;
	[tilespmem:$0x18C00] =	vst v63  }
0x15d: {  	s19 =	sadd.s32 $0x70, s0;
	s22 =	simm.s32 $0x118B8  }
0x15e: {  	[hbm4b:s19+s3] =	stream.linear.scatter [tilespmem:s22], [sflag:$0x5], $0x80, $0x38;
	[tilespmem:$0x18C00] =	vst v63  }
0x15f: {  	s19 =	sadd.s32 $0x80, s0;
	s22 =	simm.s32 $0x13700  }
0x160: {  	[hbm4b:s19+s3] =	stream.linear.scatter [tilespmem:s22], [sflag:$0x5], $0x80, $0x38;
	[tilespmem:$0x18C00] =	vst v63  }
0x161: {  	s19 =	sadd.s32 $0x90, s0;
	s22 =	simm.s32 $0x13788  }
0x162: {  	[hbm4b:s19+s3] =	stream.linear.scatter [tilespmem:s22], [sflag:$0x5], $0x80, $0x38;
	[tilespmem:$0x18C00] =	vst v63  }
0x163: {  	s19 =	sadd.s32 $0xA0, s0;
	s22 =	simm.s32 $0x13810  }
0x164: {  	[hbm4b:s19+s3] =	stream.linear.scatter [tilespmem:s22], [sflag:$0x5], $0x80, $0x38;
	[tilespmem:$0x18C00] =	vst v63  }
0x165: {  	s19 =	sadd.s32 $0xB0, s0;
	s22 =	simm.s32 $0x13898  }
0x166: {  	[hbm4b:s19+s3] =	stream.linear.scatter [tilespmem:s22], [sflag:$0x5], $0x80, $0x38;
	[tilespmem:$0x18C00] =	vst v63  }
0x167: {  	s19 =	sadd.s32 $0xC0, s0;
	s22 =	simm.s32 $0x13920  }
0x168: {  	[hbm4b:s19+s3] =	stream.linear.scatter [tilespmem:s22], [sflag:$0x5], $0x80, $0x38;
	[tilespmem:$0x18C00] =	vst v63  }
0x169: {  	s19 =	sadd.s32 $0xD0, s0;
	s22 =	simm.s32 $0x139A8  }
0x16a: {  	[hbm4b:s19+s3] =	stream.linear.scatter [tilespmem:s22], [sflag:$0x5], $0x80, $0x38;
	[tilespmem:$0x18C00] =	vst v63  }
0x16b: {  	s19 =	sadd.s32 $0xE0, s0;
	s22 =	simm.s32 $0x13A30  }
0x16c: {  	[hbm4b:s19+s3] =	stream.linear.scatter [tilespmem:s22], [sflag:$0x5], $0x80, $0x38;
	[tilespmem:$0x18C00] =	vst v63  }
0x16d: {  	s0 =	sadd.s32 $0xF0, s0;
	s22 =	simm.s32 $0x13AB8  }
0x16e: {  	[hbm4b:s0+s3] =	stream.linear.scatter [tilespmem:s22], [sflag:$0x5], $0x80, $0x38;
	[tilespmem:$0x18C00] =	vst v63  }
0x16f: {  	s0 =	sadd.s32 s30, s15;
	s22 =	simm.s32 $0x11940  }
0x170: {  	[hbm4b:s0+s3] =	stream.linear.scatter [tilespmem:s22], [sflag:$0x5], $0x80, $0x38;
	[tilespmem:$0x18C00] =	vst v63  }
0x171: {  	s19 =	sadd.s32 $0x10, s0;
	s22 =	simm.s32 $0x119C8  }
0x172: {  	[hbm4b:s19+s3] =	stream.linear.scatter [tilespmem:s22], [sflag:$0x5], $0x80, $0x38;
	[tilespmem:$0x18C00] =	vst v63  }
0x173: {  	s19 =	sadd.s32 $0x20, s0;
	s22 =	simm.s32 $0x11A50  }
0x174: {  	[hbm4b:s19+s3] =	stream.linear.scatter [tilespmem:s22], [sflag:$0x5], $0x80, $0x38;
	[tilespmem:$0x18C00] =	vst v63  }
0x175: {  	s19 =	sadd.s32 $0x30, s0;
	s22 =	simm.s32 $0x11AD8  }
0x176: {  	[hbm4b:s19+s3] =	stream.linear.scatter [tilespmem:s22], [sflag:$0x5], $0x80, $0x38;
	[tilespmem:$0x18C00] =	vst v63  }
0x177: {  	s19 =	sadd.s32 $0x40, s0;
	s22 =	simm.s32 $0x11B60  }
0x178: {  	[hbm4b:s19+s3] =	stream.linear.scatter [tilespmem:s22], [sflag:$0x5], $0x80, $0x38;
	[tilespmem:$0x18C00] =	vst v63  }
0x179: {  	s19 =	sadd.s32 $0x50, s0;
	s22 =	simm.s32 $0x11BE8  }
0x17a: {  	[hbm4b:s19+s3] =	stream.linear.scatter [tilespmem:s22], [sflag:$0x5], $0x80, $0x38;
	[tilespmem:$0x18C00] =	vst v63  }
0x17b: {  	s19 =	sadd.s32 $0x60, s0;
	s22 =	simm.s32 $0x11C70  }
0x17c: {  	[hbm4b:s19+s3] =	stream.linear.scatter [tilespmem:s22], [sflag:$0x5], $0x80, $0x38;
	[tilespmem:$0x18C00] =	vst v63  }
0x17d: {  	s19 =	sadd.s32 $0x70, s0;
	s22 =	simm.s32 $0x11CF8  }
0x17e: {  	[hbm4b:s19+s3] =	stream.linear.scatter [tilespmem:s22], [sflag:$0x5], $0x80, $0x38;
	[tilespmem:$0x18C00] =	vst v63  }
0x17f: {  	s19 =	sadd.s32 $0x80, s0;
	s22 =	simm.s32 $0x13B40  }
0x180: {  	[hbm4b:s19+s3] =	stream.linear.scatter [tilespmem:s22], [sflag:$0x5], $0x80, $0x38;
	[tilespmem:$0x18C00] =	vst v63  }
0x181: {  	s19 =	sadd.s32 $0x90, s0;
	s22 =	simm.s32 $0x13BC8  }
0x182: {  	[hbm4b:s19+s3] =	stream.linear.scatter [tilespmem:s22], [sflag:$0x5], $0x80, $0x38;
	[tilespmem:$0x18C00] =	vst v63  }
0x183: {  	s19 =	sadd.s32 $0xA0, s0;
	s22 =	simm.s32 $0x13C50  }
0x184: {  	[hbm4b:s19+s3] =	stream.linear.scatter [tilespmem:s22], [sflag:$0x5], $0x80, $0x38;
	[tilespmem:$0x18C00] =	vst v63  }
0x185: {  	s19 =	sadd.s32 $0xB0, s0;
	s22 =	simm.s32 $0x13CD8  }
0x186: {  	[hbm4b:s19+s3] =	stream.linear.scatter [tilespmem:s22], [sflag:$0x5], $0x80, $0x38;
	[tilespmem:$0x18C00] =	vst v63  }
0x187: {  	s19 =	sadd.s32 $0xC0, s0;
	s22 =	simm.s32 $0x13D60  }
0x188: {  	[hbm4b:s19+s3] =	stream.linear.scatter [tilespmem:s22], [sflag:$0x5], $0x80, $0x38;
	[tilespmem:$0x18C00] =	vst v63  }
0x189: {  	s19 =	sadd.s32 $0xD0, s0;
	s22 =	simm.s32 $0x13DE8  }
0x18a: {  	[hbm4b:s19+s3] =	stream.linear.scatter [tilespmem:s22], [sflag:$0x5], $0x80, $0x38;
	[tilespmem:$0x18C00] =	vst v63  }
0x18b: {  	s19 =	sadd.s32 $0xE0, s0;
	s22 =	simm.s32 $0x13E70  }
0x18c: {  	[hbm4b:s19+s3] =	stream.linear.scatter [tilespmem:s22], [sflag:$0x5], $0x80, $0x38;
	[tilespmem:$0x18C00] =	vst v63  }
0x18d: {  	s0 =	sadd.s32 $0xF0, s0;
	s22 =	simm.s32 $0x13EF8  }
0x18e: {  	[hbm4b:s0+s3] =	stream.linear.scatter [tilespmem:s22], [sflag:$0x5], $0x80, $0x38;
	[tilespmem:$0x18C00] =	vst v63  }
0x18f: {  	s0 =	sadd.s32 s30, s16;
	s22 =	simm.s32 $0x11D80  }
0x190: {  	[hbm4b:s0+s3] =	stream.linear.scatter [tilespmem:s22], [sflag:$0x5], $0x80, $0x38;
	[tilespmem:$0x18C00] =	vst v63  }
0x191: {  	s19 =	sadd.s32 $0x10, s0;
	s22 =	simm.s32 $0x11E08  }
0x192: {  	[hbm4b:s19+s3] =	stream.linear.scatter [tilespmem:s22], [sflag:$0x5], $0x80, $0x38;
	[tilespmem:$0x18C00] =	vst v63  }
0x193: {  	s19 =	sadd.s32 $0x20, s0;
	s22 =	simm.s32 $0x11E90  }
0x194: {  	[hbm4b:s19+s3] =	stream.linear.scatter [tilespmem:s22], [sflag:$0x5], $0x80, $0x38;
	[tilespmem:$0x18C00] =	vst v63  }
0x195: {  	s19 =	sadd.s32 $0x30, s0;
	s22 =	simm.s32 $0x11F18  }
0x196: {  	[hbm4b:s19+s3] =	stream.linear.scatter [tilespmem:s22], [sflag:$0x5], $0x80, $0x38;
	[tilespmem:$0x18C00] =	vst v63  }
0x197: {  	s19 =	sadd.s32 $0x40, s0;
	s22 =	simm.s32 $0x11FA0  }
0x198: {  	[hbm4b:s19+s3] =	stream.linear.scatter [tilespmem:s22], [sflag:$0x5], $0x80, $0x38;
	[tilespmem:$0x18C00] =	vst v63  }
0x199: {  	s19 =	sadd.s32 $0x50, s0;
	s22 =	simm.s32 $0x12028  }
0x19a: {  	[hbm4b:s19+s3] =	stream.linear.scatter [tilespmem:s22], [sflag:$0x5], $0x80, $0x38;
	[tilespmem:$0x18C00] =	vst v63  }
0x19b: {  	s19 =	sadd.s32 $0x60, s0;
	s22 =	simm.s32 $0x120B0  }
0x19c: {  	[hbm4b:s19+s3] =	stream.linear.scatter [tilespmem:s22], [sflag:$0x5], $0x80, $0x38;
	[tilespmem:$0x18C00] =	vst v63  }
0x19d: {  	s19 =	sadd.s32 $0x70, s0;
	s22 =	simm.s32 $0x12138  }
0x19e: {  	[hbm4b:s19+s3] =	stream.linear.scatter [tilespmem:s22], [sflag:$0x5], $0x80, $0x38;
	[tilespmem:$0x18C00] =	vst v63  }
0x19f: {  	s19 =	sadd.s32 $0x80, s0;
	s22 =	simm.s32 $0x13F80  }
0x1a0: {  	[hbm4b:s19+s3] =	stream.linear.scatter [tilespmem:s22], [sflag:$0x5], $0x80, $0x38;
	[tilespmem:$0x18C00] =	vst v63  }
0x1a1: {  	s19 =	sadd.s32 $0x90, s0;
	s22 =	simm.s32 $0x14008  }
0x1a2: {  	[hbm4b:s19+s3] =	stream.linear.scatter [tilespmem:s22], [sflag:$0x5], $0x80, $0x38;
	[tilespmem:$0x18C00] =	vst v63  }
0x1a3: {  	s19 =	sadd.s32 $0xA0, s0;
	s22 =	simm.s32 $0x14090  }
0x1a4: {  	[hbm4b:s19+s3] =	stream.linear.scatter [tilespmem:s22], [sflag:$0x5], $0x80, $0x38;
	[tilespmem:$0x18C00] =	vst v63  }
0x1a5: {  	s19 =	sadd.s32 $0xB0, s0;
	s22 =	simm.s32 $0x14118  }
0x1a6: {  	[hbm4b:s19+s3] =	stream.linear.scatter [tilespmem:s22], [sflag:$0x5], $0x80, $0x38;
	[tilespmem:$0x18C00] =	vst v63  }
0x1a7: {  	s19 =	sadd.s32 $0xC0, s0;
	s22 =	simm.s32 $0x141A0  }
0x1a8: {  	[hbm4b:s19+s3] =	stream.linear.scatter [tilespmem:s22], [sflag:$0x5], $0x80, $0x38;
	[tilespmem:$0x18C00] =	vst v63  }
0x1a9: {  	s19 =	sadd.s32 $0xD0, s0;
	s22 =	simm.s32 $0x14228  }
0x1aa: {  	[hbm4b:s19+s3] =	stream.linear.scatter [tilespmem:s22], [sflag:$0x5], $0x80, $0x38;
	[tilespmem:$0x18C00] =	vst v63  }
0x1ab: {  	s19 =	sadd.s32 $0xE0, s0;
	s22 =	simm.s32 $0x142B0  }
0x1ac: {  	[hbm4b:s19+s3] =	stream.linear.scatter [tilespmem:s22], [sflag:$0x5], $0x80, $0x38;
	[tilespmem:$0x18C00] =	vst v63  }
0x1ad: {  	s0 =	sadd.s32 $0xF0, s0;
	s22 =	simm.s32 $0x14338  }
0x1ae: {  	[hbm4b:s0+s3] =	stream.linear.scatter [tilespmem:s22], [sflag:$0x5], $0x80, $0x38;
	[tilespmem:$0x18C00] =	vst v63  }
0x1af: {  	s0 =	sadd.s32 s30, s17;
	s22 =	simm.s32 $0x121C0  }
0x1b0: {  	[hbm4b:s0+s3] =	stream.linear.scatter [tilespmem:s22], [sflag:$0x5], $0x80, $0x38;
	[tilespmem:$0x18C00] =	vst v63  }
0x1b1: {  	s19 =	sadd.s32 $0x10, s0;
	s22 =	simm.s32 $0x12248  }
0x1b2: {  	[hbm4b:s19+s3] =	stream.linear.scatter [tilespmem:s22], [sflag:$0x5], $0x80, $0x38;
	[tilespmem:$0x18C00] =	vst v63  }
0x1b3: {  	s19 =	sadd.s32 $0x20, s0;
	s22 =	simm.s32 $0x122D0  }
0x1b4: {  	[hbm4b:s19+s3] =	stream.linear.scatter [tilespmem:s22], [sflag:$0x5], $0x80, $0x38;
	[tilespmem:$0x18C00] =	vst v63  }
0x1b5: {  	s19 =	sadd.s32 $0x30, s0;
	s22 =	simm.s32 $0x12358  }
0x1b6: {  	[hbm4b:s19+s3] =	stream.linear.scatter [tilespmem:s22], [sflag:$0x5], $0x80, $0x38;
	[tilespmem:$0x18C00] =	vst v63  }
0x1b7: {  	s19 =	sadd.s32 $0x40, s0;
	s22 =	simm.s32 $0x123E0  }
0x1b8: {  	[hbm4b:s19+s3] =	stream.linear.scatter [tilespmem:s22], [sflag:$0x5], $0x80, $0x38;
	[tilespmem:$0x18C00] =	vst v63  }
0x1b9: {  	s19 =	sadd.s32 $0x50, s0;
	s22 =	simm.s32 $0x12468  }
0x1ba: {  	[hbm4b:s19+s3] =	stream.linear.scatter [tilespmem:s22], [sflag:$0x5], $0x80, $0x38;
	[tilespmem:$0x18C00] =	vst v63  }
0x1bb: {  	s19 =	sadd.s32 $0x60, s0;
	s22 =	simm.s32 $0x124F0  }
0x1bc: {  	[hbm4b:s19+s3] =	stream.linear.scatter [tilespmem:s22], [sflag:$0x5], $0x80, $0x38;
	[tilespmem:$0x18C00] =	vst v63  }
0x1bd: {  	s19 =	sadd.s32 $0x70, s0;
	s22 =	simm.s32 $0x12578  }
0x1be: {  	[hbm4b:s19+s3] =	stream.linear.scatter [tilespmem:s22], [sflag:$0x5], $0x80, $0x38;
	[tilespmem:$0x18C00] =	vst v63  }
0x1bf: {  	s19 =	sadd.s32 $0x80, s0;
	s22 =	simm.s32 $0x143C0  }
0x1c0: {  	[hbm4b:s19+s3] =	stream.linear.scatter [tilespmem:s22], [sflag:$0x5], $0x80, $0x38;
	[tilespmem:$0x18C00] =	vst v63  }
0x1c1: {  	s19 =	sadd.s32 $0x90, s0;
	s22 =	simm.s32 $0x14448  }
0x1c2: {  	[hbm4b:s19+s3] =	stream.linear.scatter [tilespmem:s22], [sflag:$0x5], $0x80, $0x38;
	[tilespmem:$0x18C00] =	vst v63  }
0x1c3: {  	s19 =	sadd.s32 $0xA0, s0;
	s22 =	simm.s32 $0x144D0  }
0x1c4: {  	[hbm4b:s19+s3] =	stream.linear.scatter [tilespmem:s22], [sflag:$0x5], $0x80, $0x38;
	[tilespmem:$0x18C00] =	vst v63  }
0x1c5: {  	s19 =	sadd.s32 $0xB0, s0;
	s22 =	simm.s32 $0x14558  }
0x1c6: {  	[hbm4b:s19+s3] =	stream.linear.scatter [tilespmem:s22], [sflag:$0x5], $0x80, $0x38;
	[tilespmem:$0x18C00] =	vst v63  }
0x1c7: {  	s19 =	sadd.s32 $0xC0, s0;
	s22 =	simm.s32 $0x145E0  }
0x1c8: {  	[hbm4b:s19+s3] =	stream.linear.scatter [tilespmem:s22], [sflag:$0x5], $0x80, $0x38;
	[tilespmem:$0x18C00] =	vst v63  }
0x1c9: {  	s19 =	sadd.s32 $0xD0, s0;
	s22 =	simm.s32 $0x14668  }
0x1ca: {  	[hbm4b:s19+s3] =	stream.linear.scatter [tilespmem:s22], [sflag:$0x5], $0x80, $0x38;
	[tilespmem:$0x18C00] =	vst v63  }
0x1cb: {  	s19 =	sadd.s32 $0xE0, s0;
	s22 =	simm.s32 $0x146F0  }
0x1cc: {  	[hbm4b:s19+s3] =	stream.linear.scatter [tilespmem:s22], [sflag:$0x5], $0x80, $0x38;
	[tilespmem:$0x18C00] =	vst v63  }
0x1cd: {  	s0 =	sadd.s32 $0xF0, s0;
	s22 =	simm.s32 $0x14778  }
0x1ce: {  	[hbm4b:s0+s3] =	stream.linear.scatter [tilespmem:s22], [sflag:$0x5], $0x80, $0x38;
	[tilespmem:$0x18C00] =	vst v63  }
0x1cf: {  	s0 =	simm.s32 @!p1 $0x6  }
0x1d0: {  	_ =	swait.ge @!p1 [sflag:s0], $0x800  }
0x1d1: {  	[sflag:s0] =	ssyncset.done @!p1 $0x0  }
0x1d2: {  	[sflag:s0] =	ssyncadd.s32 @!p1 $0xFFFFF800  }
0x1d3: {  	_ =	swait.ge @!p1 [sflag:s0], $0x800  }
0x1d4: {  	[sflag:s0] =	ssyncset.done @!p1 $0x0  }
0x1d5: {  	[sflag:s0] =	ssyncadd.s32 @!p1 $0xFFFFF800  }
0x1d6: {  	_ =	swait.ge @!p1 [sflag:s0], $0x800  }
0x1d7: {  	[sflag:s0] =	ssyncset.done @!p1 $0x0  }
0x1d8: {  	[sflag:s0] =	ssyncadd.s32 @!p1 $0xFFFFF800  }
0x1d9: {  	_ =	swait.ge @!p1 [sflag:s0], $0x800  }
0x1da: {  	[sflag:s0] =	ssyncset.done @!p1 $0x0  }
0x1db: {  	[sflag:s0] =	ssyncadd.s32 @!p1 $0xFFFFF800  }
0x1dc: {  	_ =	swait.ge @!p1 [sflag:s0], $0x800  }
0x1dd: {  	[sflag:s0] =	ssyncset.done @!p1 $0x0  }
0x1de: {  	[sflag:s0] =	ssyncadd.s32 @!p1 $0xFFFFF800  }
0x1df: {  	_ =	swait.ge @!p1 [sflag:s0], $0x800  }
0x1e0: {  	[sflag:s0] =	ssyncset.done @!p1 $0x0  }
0x1e1: {  	[sflag:s0] =	ssyncadd.s32 @!p1 $0xFFFFF800  }
0x1e2: {  	_ =	swait.ge @!p1 [sflag:s0], $0x800  }
0x1e3: {  	[sflag:s0] =	ssyncset.done @!p1 $0x0  }
0x1e4: {  	[sflag:s0] =	ssyncadd.s32 @!p1 $0xFFFFF800  }
0x1e5: {  	s19 =	simm.s32 $0x3;
	_ =	swait.ge @!p1 [sflag:s0], $0x800  }
0x1e6: {  	v8 =	vmov s19;
	s22 =	simm.s32 $0x0;
	[sflag:s0] =	ssyncset.done @!p1 $0x0  }
0x1e7: {  	s31 =	simm.s32 $0x4400;
	v15 =	vand.u32 $0x7F, v8;
	v9 =	vmov s22;
	[sflag:s0] =	ssyncadd.s32 @!p1 $0xFFFFF800  }
0x1e8: {  	v12 =	vand.u32 $0x7C, v9;
	v9 =	vadd.s32 v0, v15;
	v8 =	vld [tilespmem:s31+$0xC0]  }
0x1e9: {  	s19 =	simm.s32 $0x1;
	v11 =	vadd.s32 v0, v12;
	v10 =	vld [tilespmem:s31+$0x0]  }
0x1ea: {  	v13 =	vmov s19;
	s22 =	simm.s32 $0x2  }
0x1eb: {  	v14 =	vand.u32 $0x7D, v13;
	v13 =	vmov s22  }
0x1ec: {  	v17 =	vadd.s32 v0, v14;
	v13 =	vand.u32 $0x7E, v13;
	v16 =	vld [tilespmem:s31+$0x40]  }
0x1ed: {  	v19 =	vadd.s32 v0, v13;
	v18 =	vld [tilespmem:s31+$0x80];
	[tilespmem:v9+s8+$0x0] =	vst.idx.msk $0xffff, v8  }
0x1ee: {  	[tilespmem:v11+s8+$0x0] =	vst.idx.msk $0xffff, v10;
	v9 =	vadd.s32 v1, v15;
	v8 =	vld [tilespmem:s31+$0xD0]  }
0x1ef: {  	v11 =	vadd.s32 v1, v12;
	v10 =	vld [tilespmem:s31+$0x10];
	_ =	sdelay $0x1  }
0x1f0: {  	[tilespmem:v17+s8+$0x0] =	vst.idx.msk $0xffff, v16  }
0x1f1: {  	v17 =	vadd.s32 v1, v14;
	[tilespmem:v19+s8+$0x0] =	vst.idx.msk $0xffff, v18;
	v16 =	vld [tilespmem:s31+$0x50]  }
0x1f2: {  	v19 =	vadd.s32 v1, v13;
	v18 =	vld [tilespmem:s31+$0x90];
	[tilespmem:v9+s8+$0x0] =	vst.idx.msk $0xffff, v8  }
0x1f3: {  	[tilespmem:v11+s8+$0x0] =	vst.idx.msk $0xffff, v10;
	v9 =	vadd.s32 v2, v15;
	v8 =	vld [tilespmem:s31+$0xE0]  }
0x1f4: {  	v11 =	vadd.s32 v2, v12;
	v10 =	vld [tilespmem:s31+$0x20];
	_ =	sdelay $0x1  }
0x1f5: {  	[tilespmem:v17+s8+$0x0] =	vst.idx.msk $0xffff, v16  }
0x1f6: {  	v17 =	vadd.s32 v2, v14;
	[tilespmem:v19+s8+$0x0] =	vst.idx.msk $0xffff, v18;
	v16 =	vld [tilespmem:s31+$0x60]  }
0x1f7: {  	v19 =	vadd.s32 v2, v13;
	v18 =	vld [tilespmem:s31+$0xA0];
	[tilespmem:v9+s8+$0x0] =	vst.idx.msk $0xffff, v8  }
0x1f8: {  	[tilespmem:v11+s8+$0x0] =	vst.idx.msk $0xffff, v10;
	v9 =	vadd.s32 v3, v15;
	v8 =	vld [tilespmem:s31+$0xF0]  }
0x1f9: {  	v11 =	vadd.s32 v3, v12;
	v10 =	vld [tilespmem:s31+$0x30];
	_ =	sdelay $0x1  }
0x1fa: {  	[tilespmem:v17+s8+$0x0] =	vst.idx.msk $0xffff, v16  }
0x1fb: {  	v17 =	vadd.s32 v3, v14;
	[tilespmem:v19+s8+$0x0] =	vst.idx.msk $0xffff, v18;
	v16 =	vld [tilespmem:s31+$0x70]  }
0x1fc: {  	v19 =	vadd.s32 v3, v13;
	v18 =	vld [tilespmem:s31+$0xB0];
	[tilespmem:v9+s8+$0x0] =	vst.idx.msk $0xffff, v8  }
0x1fd: {  	[tilespmem:v11+s8+$0x0] =	vst.idx.msk $0xffff, v10;
	v9 =	vadd.s32 v4, v15;
	v8 =	vld [tilespmem:s31+$0x20C0]  }
0x1fe: {  	v11 =	vadd.s32 v4, v12;
	v10 =	vld [tilespmem:s31+$0x2000];
	_ =	sdelay $0x1  }
0x1ff: {  	[tilespmem:v17+s8+$0x0] =	vst.idx.msk $0xffff, v16  }
0x200: {  	v17 =	vadd.s32 v4, v14;
	[tilespmem:v19+s8+$0x0] =	vst.idx.msk $0xffff, v18;
	v16 =	vld [tilespmem:s31+$0x2040]  }
0x201: {  	s19 =	simm.s32 $0x7;
	v19 =	vadd.s32 v4, v13;
	v18 =	vld [tilespmem:s31+$0x2080];
	[tilespmem:v9+s8+$0x0] =	vst.idx.msk $0xffff, v8  }
0x202: {  	v21 =	vadd.s32 v5, v15;
	s22 =	simm.s32 $0x4;
	v8 =	vmov s19;
	[tilespmem:v11+s8+$0x0] =	vst.idx.msk $0xffff, v10;
	v20 =	vld [tilespmem:s31+$0x20D0]  }
0x203: {  	s30 =	simm.s32 $0x4500;
	v23 =	vadd.s32 v5, v12;
	v9 =	vmov s22;
	s19 =	simm.s32 $0x5;
	v11 =	vand.u32 $0x7F, v8;
	v22 =	vld [tilespmem:s31+$0x2010]  }
0x204: {  	v50 =	vld [tilespmem:s30+$0xC0];
	s22 =	simm.s32 $0x6;
	v8 =	vand.u32 $0x7C, v9;
	v9 =	vmov s19;
	v51 =	vadd.s32 v0, v11  }
0x205: {  	[tilespmem:v17+s8+$0x0] =	vst.idx.msk $0xffff, v16;
	v16 =	vld [tilespmem:s30+$0x0];
	v17 =	vadd.s32 v0, v8;
	v10 =	vand.u32 $0x7D, v9;
	v9 =	vmov s22  }
0x206: {  	[tilespmem:v19+s8+$0x0] =	vst.idx.msk $0xffff, v18;
	v18 =	vld [tilespmem:s30+$0x40];
	v19 =	vadd.s32 v0, v10;
	v9 =	vand.u32 $0x7E, v9  }
0x207: {  	v52 =	vld [tilespmem:s30+$0x80];
	v53 =	vadd.s32 v0, v9;
	[tilespmem:v21+s8+$0x0] =	vst.idx.msk $0xffff, v20  }
0x208: {  	[tilespmem:v23+s8+$0x0] =	vst.idx.msk $0xffff, v22;
	v21 =	vadd.s32 v6, v15;
	v20 =	vld [tilespmem:s31+$0x20E0]  }
0x209: {  	v22 =	vld [tilespmem:s31+$0x2050];
	v23 =	vadd.s32 v5, v14;
	[tilespmem:v51+s8+$0x0] =	vst.idx.msk $0xffff, v50  }
0x20a: {  	[tilespmem:v17+s8+$0x0] =	vst.idx.msk $0xffff, v16;
	v17 =	vadd.s32 v1, v11;
	v16 =	vld [tilespmem:s30+$0xD0]  }
0x20b: {  	v55 =	vadd.s32 v1, v8;
	v54 =	vld [tilespmem:s30+$0x10];
	[tilespmem:v19+s8+$0x0] =	vst.idx.msk $0xffff, v18  }
0x20c: {  	v19 =	vadd.s32 v1, v10;
	v18 =	vld [tilespmem:s30+$0x50];
	[tilespmem:v53+s8+$0x0] =	vst.idx.msk $0xffff, v52  }
0x20d: {  	v56 =	vadd.s32 v1, v9;
	v26 =	vld [tilespmem:s30+$0x90];
	[tilespmem:v21+s8+$0x0] =	vst.idx.msk $0xffff, v20  }
0x20e: {  	v15 =	vadd.s32 v7, v15;
	[tilespmem:v23+s8+$0x0] =	vst.idx.msk $0xffff, v22;
	v20 =	vld [tilespmem:s31+$0x20F0]  }
0x20f: {  	[tilespmem:v17+s8+$0x0] =	vst.idx.msk $0xffff, v16;
	v16 =	vld [tilespmem:s31+$0x2090];
	v17 =	vadd.s32 v5, v13  }
0x210: {  	v22 =	vadd.s32 v2, v11;
	[tilespmem:v55+s8+$0x0] =	vst.idx.msk $0xffff, v54;
	v21 =	vld [tilespmem:s30+$0xE0]  }
0x211: {  	v57 =	vadd.s32 v2, v8;
	v23 =	vld [tilespmem:s30+$0x20];
	[tilespmem:v19+s8+$0x0] =	vst.idx.msk $0xffff, v18  }
0x212: {  	v19 =	vadd.s32 v2, v10;
	v18 =	vld [tilespmem:s30+$0x60];
	[tilespmem:v56+s8+$0x0] =	vst.idx.msk $0xffff, v26  }
0x213: {  	v59 =	vadd.s32 v2, v9;
	v58 =	vld [tilespmem:s30+$0xA0];
	[tilespmem:v15+s8+$0x0] =	vst.idx.msk $0xffff, v20  }
0x214: {  	v15 =	vld [tilespmem:s31+$0x2060];
	v20 =	vadd.s32 v6, v14;
	[tilespmem:v17+s8+$0x0] =	vst.idx.msk $0xffff, v16  }
0x215: {  	v17 =	vadd.s32 v6, v13;
	[tilespmem:v22+s8+$0x0] =	vst.idx.msk $0xffff, v21;
	v16 =	vld [tilespmem:s31+$0x20A0]  }
0x216: {  	[tilespmem:v57+s8+$0x0] =	vst.idx.msk $0xffff, v23;
	v22 =	vadd.s32 v3, v11;
	v21 =	vld [tilespmem:s30+$0xF0]  }
0x217: {  	v60 =	vadd.s32 v3, v8;
	v23 =	vld [tilespmem:s30+$0x30];
	[tilespmem:v19+s8+$0x0] =	vst.idx.msk $0xffff, v18  }
0x218: {  	v19 =	vadd.s32 v3, v10;
	v18 =	vld [tilespmem:s30+$0x70];
	[tilespmem:v59+s8+$0x0] =	vst.idx.msk $0xffff, v58  }
0x219: {  	v61 =	vadd.s32 v3, v9;
	v25 =	vld [tilespmem:s30+$0xB0];
	[tilespmem:v20+s8+$0x0] =	vst.idx.msk $0xffff, v15  }
0x21a: {  	v62 =	vadd.s32 v6, v12;
	v15 =	vld [tilespmem:s31+$0x2020];
	[tilespmem:v17+s8+$0x0] =	vst.idx.msk $0xffff, v16  }
0x21b: {  	v14 =	vadd.s32 v7, v14;
	v16 =	vld [tilespmem:s31+$0x2070];
	[tilespmem:v22+s8+$0x0] =	vst.idx.msk $0xffff, v21  }
0x21c: {  	v63 =	vadd.s32 v4, v11;
	[tilespmem:v60+s8+$0x0] =	vst.idx.msk $0xffff, v23;
	v23 =	vld [tilespmem:s30+$0x20C0]  }
0x21d: {  	v22 =	vadd.s32 v4, v8;
	v20 =	vld [tilespmem:s30+$0x2000];
	[tilespmem:v19+s8+$0x0] =	vst.idx.msk $0xffff, v18  }
0x21e: {  	v21 =	vadd.s32 v4, v10;
	v18 =	vld [tilespmem:s30+$0x2040];
	[tilespmem:v61+s8+$0x0] =	vst.idx.msk $0xffff, v25  }
0x21f: {  	v19 =	vadd.s32 v4, v9;
	v17 =	vld [tilespmem:s30+$0x2080];
	[tilespmem:v62+s8+$0x0] =	vst.idx.msk $0xffff, v15  }
0x220: {  	s0 =	simm.s32 $0x8;
	v13 =	vadd.s32 v7, v13;
	[tilespmem:v14+s8+$0x0] =	vst.idx.msk $0xffff, v16;
	v14 =	vld [tilespmem:s31+$0x20B0]  }
0x221: {  	s19 =	simm.s32 $0xB;
	s22 =	simm.s32 $0xC;
	v15 =	vld [tilespmem:s31+$0x2030];
	v16 =	vadd.s32 v7, v12;
	s31 =	simm.s32 $0x4500;
	[tilespmem:v63+s8+$0x0] =	vst.idx.msk $0xffff, v23  }
.LBB2_5:
0x222: {  	p1 =	slt.u32 s22, $0x7C;
	v12 =	vmov s19;
	[tilespmem:v22+s8+$0x0] =	vst.idx.msk $0xffff, v20;
	v20 =	vld [tilespmem:s30+$0x20D0];
	v22 =	vadd.s32 v5, v11  }
0x223: {  	v23 =	vmov s0;
	s19 =	sadd.s32 $0x1, s0;
	v26 =	vadd.s32 v5, v8;
	s30 =	sadd.s32 $0x100, s30;
	v24 =	vand.u32 $0x7F, v12;
	v25 =	vld [tilespmem:s31+$0x2010];
	[tilespmem:v21+s8+$0x0] =	vst.idx.msk $0xffff, v18  }
0x224: {  	v12 =	vand.u32 $0x7C, v23;
	v18 =	vmov s19;
	s19 =	sadd.s32 $0x2, s0;
	s0 =	smov.u32 s22;
	v21 =	vld [tilespmem:s30+$0xC0];
	v23 =	vadd.s32 v0, v24;
	[tilespmem:v19+s8+$0x0] =	vst.idx.msk $0xffff, v17  }
0x225: {  	v19 =	vadd.s32 v0, v12;
	v18 =	vand.u32 $0x7D, v18;
	v27 =	vmov s19;
	v17 =	vld [tilespmem:s30+$0x0];
	[tilespmem:v13+s8+$0x0] =	vst.idx.msk $0xffff, v14  }
0x226: {  	v14 =	vadd.s32 v0, v18;
	v27 =	vand.u32 $0x7E, v27;
	v13 =	vld [tilespmem:s30+$0x40];
	[tilespmem:v16+s8+$0x0] =	vst.idx.msk $0xffff, v15  }
0x227: {  	v16 =	vadd.s32 v0, v27;
	v15 =	vld [tilespmem:s30+$0x80];
	[tilespmem:v22+s8+$0x0] =	vst.idx.msk $0xffff, v20  }
0x228: {  	v22 =	vadd.s32 v6, v11;
	[tilespmem:v26+s8+$0x0] =	vst.idx.msk $0xffff, v25;
	v20 =	vld [tilespmem:s31+$0x20E0]  }
0x229: {  	[tilespmem:v23+s8+$0x0] =	vst.idx.msk $0xffff, v21;
	v21 =	vld [tilespmem:s31+$0x2050];
	v23 =	vadd.s32 v5, v10  }
0x22a: {  	[tilespmem:v19+s8+$0x0] =	vst.idx.msk $0xffff, v17;
	v17 =	vld [tilespmem:s30+$0xD0];
	v19 =	vadd.s32 v1, v24  }
0x22b: {  	v26 =	vadd.s32 v1, v12;
	v25 =	vld [tilespmem:s30+$0x10];
	[tilespmem:v14+s8+$0x0] =	vst.idx.msk $0xffff, v13  }
0x22c: {  	v14 =	vadd.s32 v1, v18;
	v13 =	vld [tilespmem:s30+$0x50];
	[tilespmem:v16+s8+$0x0] =	vst.idx.msk $0xffff, v15  }
0x22d: {  	v16 =	vadd.s32 v1, v27;
	v15 =	vld [tilespmem:s30+$0x90];
	[tilespmem:v22+s8+$0x0] =	vst.idx.msk $0xffff, v20  }
0x22e: {  	[tilespmem:v23+s8+$0x0] =	vst.idx.msk $0xffff, v21;
	v20 =	vld [tilespmem:s31+$0x20F0];
	v21 =	vadd.s32 v7, v11;
	v11 =	vmov v24  }
0x22f: {  	[tilespmem:v19+s8+$0x0] =	vst.idx.msk $0xffff, v17;
	v17 =	vld [tilespmem:s31+$0x2090];
	v19 =	vadd.s32 v5, v9  }
0x230: {  	v23 =	vadd.s32 v2, v11;
	[tilespmem:v26+s8+$0x0] =	vst.idx.msk $0xffff, v25;
	v22 =	vld [tilespmem:s30+$0xE0]  }
0x231: {  	v25 =	vadd.s32 v2, v12;
	v24 =	vld [tilespmem:s30+$0x20];
	[tilespmem:v14+s8+$0x0] =	vst.idx.msk $0xffff, v13  }
0x232: {  	v14 =	vadd.s32 v2, v18;
	v13 =	vld [tilespmem:s30+$0x60];
	[tilespmem:v16+s8+$0x0] =	vst.idx.msk $0xffff, v15  }
0x233: {  	v16 =	vadd.s32 v2, v27;
	v15 =	vld [tilespmem:s30+$0xA0];
	[tilespmem:v21+s8+$0x0] =	vst.idx.msk $0xffff, v20  }
0x234: {  	v21 =	vadd.s32 v6, v10;
	v20 =	vld [tilespmem:s31+$0x2060];
	[tilespmem:v19+s8+$0x0] =	vst.idx.msk $0xffff, v17  }
0x235: {  	v19 =	vadd.s32 v6, v9;
	[tilespmem:v23+s8+$0x0] =	vst.idx.msk $0xffff, v22;
	v17 =	vld [tilespmem:s31+$0x20A0]  }
0x236: {  	v23 =	vadd.s32 v3, v11;
	[tilespmem:v25+s8+$0x0] =	vst.idx.msk $0xffff, v24;
	v22 =	vld [tilespmem:s30+$0xF0]  }
0x237: {  	v25 =	vadd.s32 v3, v12;
	v24 =	vld [tilespmem:s30+$0x30];
	[tilespmem:v14+s8+$0x0] =	vst.idx.msk $0xffff, v13  }
0x238: {  	v14 =	vadd.s32 v3, v18;
	v13 =	vld [tilespmem:s30+$0x70];
	[tilespmem:v16+s8+$0x0] =	vst.idx.msk $0xffff, v15  }
0x239: {  	v16 =	vadd.s32 v3, v27;
	v15 =	vld [tilespmem:s30+$0xB0];
	[tilespmem:v21+s8+$0x0] =	vst.idx.msk $0xffff, v20  }
0x23a: {  	v28 =	vadd.s32 v6, v8;
	v26 =	vld [tilespmem:s31+$0x2020];
	[tilespmem:v19+s8+$0x0] =	vst.idx.msk $0xffff, v17  }
0x23b: {  	v29 =	vadd.s32 v7, v10;
	v10 =	vmov v18;
	[tilespmem:v23+s8+$0x0] =	vst.idx.msk $0xffff, v22;
	v23 =	vld [tilespmem:s31+$0x2070]  }
0x23c: {  	[tilespmem:v25+s8+$0x0] =	vst.idx.msk $0xffff, v24;
	v24 =	vld [tilespmem:s30+$0x20C0];
	v25 =	vadd.s32 v4, v11  }
.Ltmp1:
0x23d: {  	v22 =	vadd.s32 v4, v12;
	v20 =	vld [tilespmem:s30+$0x2000];
	[tilespmem:v14+s8+$0x0] =	vst.idx.msk $0xffff, v13;
	(pc) =	sbr.rel @p1 .LBB2_5-.Ltmp1, $4  }
0x23e: {  	v21 =	vadd.s32 v4, v10;
	v18 =	vld [tilespmem:s30+$0x2040];
	[tilespmem:v16+s8+$0x0] =	vst.idx.msk $0xffff, v15  }
0x23f: {  	v19 =	vadd.s32 v4, v27;
	v17 =	vld [tilespmem:s30+$0x2080];
	[tilespmem:v28+s8+$0x0] =	vst.idx.msk $0xffff, v26  }
0x240: {  	v13 =	vadd.s32 v7, v9;
	v9 =	vmov v27;
	[tilespmem:v29+s8+$0x0] =	vst.idx.msk $0xffff, v23;
	v14 =	vld [tilespmem:s31+$0x20B0]  }
0x241: {  	s22 =	sadd.s32 $0x4, s22;
	s19 =	sadd.s32 $0x3, s0;
	v16 =	vadd.s32 v7, v8;
	v8 =	vmov v12;
	[tilespmem:v25+s8+$0x0] =	vst.idx.msk $0xffff, v24;
	v15 =	vld [tilespmem:s31+$0x2030];
	s31 =	smov.u32 s30  }
0x242: {  	_ =	sdelay $0x1  }
0x243: {  	v12 =	vmov s19  }
0x244: {  	s19 =	sadd.s32 $0x1, s0;
	s22 =	sadd.s32 $0x100, s30;
	v27 =	vmov s0;
	v12 =	vand.u32 $0x7F, v12  }
0x245: {  	[tilespmem:v22+s8+$0x0] =	vst.idx.msk $0xffff, v20;
	v23 =	vmov s19;
	v25 =	vld [tilespmem:s22+$0xC0];
	v20 =	vand.u32 $0x7C, v27;
	v26 =	vadd.s32 v0, v12  }
0x246: {  	s19 =	sadd.s32 $0x2, s0;
	[tilespmem:v21+s8+$0x0] =	vst.idx.msk $0xffff, v18;
	v18 =	vld [tilespmem:s22+$0x0];
	v23 =	vand.u32 $0x7D, v23;
	v21 =	vadd.s32 v0, v20  }
0x247: {  	v28 =	vld [tilespmem:s22+$0x40];
	v24 =	vmov s19;
	v29 =	vadd.s32 v0, v23  }
0x248: {  	[tilespmem:v19+s8+$0x0] =	vst.idx.msk $0xffff, v17;
	v24 =	vand.u32 $0x7E, v24  }
0x249: {  	v22 =	vld [tilespmem:s22+$0x80];
	[tilespmem:v13+s8+$0x0] =	vst.idx.msk $0xffff, v14;
	v40 =	vadd.s32 v0, v24  }
0x24a: {  	[tilespmem:v26+s8+$0x0] =	vst.idx.msk $0xffff, v25  }
0x24b: {  	v19 =	vadd.s32 v1, v12;
	[tilespmem:v21+s8+$0x0] =	vst.idx.msk $0xffff, v18;
	v17 =	vld [tilespmem:s22+$0xD0]  }
0x24c: {  	v14 =	vadd.s32 v1, v20;
	[tilespmem:v29+s8+$0x0] =	vst.idx.msk $0xffff, v28;
	v13 =	vld [tilespmem:s22+$0x10]  }
0x24d: {  	v42 =	vadd.s32 v1, v23;
	v41 =	vld [tilespmem:s22+$0x50]  }
0x24e: {  	v43 =	vadd.s32 v5, v11;
	[tilespmem:v40+s8+$0x0] =	vst.idx.msk $0xffff, v22;
	v22 =	vld [tilespmem:s30+$0x20D0]  }
0x24f: {  	[tilespmem:v16+s8+$0x0] =	vst.idx.msk $0xffff, v15;
	v21 =	vadd.s32 v1, v24;
	v18 =	vld [tilespmem:s22+$0x90]  }
0x250: {  	v15 =	vld [tilespmem:s31+$0x2010];
	v16 =	vadd.s32 v5, v8;
	[tilespmem:v19+s8+$0x0] =	vst.idx.msk $0xffff, v17  }
0x251: {  	[tilespmem:v14+s8+$0x0] =	vst.idx.msk $0xffff, v13  }
0x252: {  	v19 =	vadd.s32 v2, v12;
	v17 =	vld [tilespmem:s22+$0xE0];
	[tilespmem:v42+s8+$0x0] =	vst.idx.msk $0xffff, v41  }
0x253: {  	v44 =	vadd.s32 v2, v23;
	[tilespmem:v43+s8+$0x0] =	vst.idx.msk $0xffff, v22;
	v25 =	vld [tilespmem:s22+$0x60]  }
0x254: {  	[tilespmem:v21+s8+$0x0] =	vst.idx.msk $0xffff, v18;
	v18 =	vld [tilespmem:s22+$0x20];
	v21 =	vadd.s32 v2, v20  }
0x255: {  	[tilespmem:v16+s8+$0x0] =	vst.idx.msk $0xffff, v15;
	v16 =	vadd.s32 v6, v11;
	v15 =	vld [tilespmem:s31+$0x20E0]  }
0x256: {  	v14 =	vadd.s32 v2, v24;
	v13 =	vld [tilespmem:s22+$0xA0]  }
0x257: {  	v45 =	vadd.s32 v5, v10;
	v22 =	vld [tilespmem:s31+$0x2050];
	[tilespmem:v19+s8+$0x0] =	vst.idx.msk $0xffff, v17  }
0x258: {  	v19 =	vadd.s32 v3, v12;
	v17 =	vld [tilespmem:s22+$0xF0];
	[tilespmem:v44+s8+$0x0] =	vst.idx.msk $0xffff, v25  }
0x259: {  	v46 =	vadd.s32 v3, v23;
	[tilespmem:v21+s8+$0x0] =	vst.idx.msk $0xffff, v18;
	v25 =	vld [tilespmem:s22+$0x70]  }
0x25a: {  	[tilespmem:v16+s8+$0x0] =	vst.idx.msk $0xffff, v15;
	v16 =	vadd.s32 v3, v20;
	v15 =	vld [tilespmem:s22+$0x30]  }
0x25b: {  	v11 =	vadd.s32 v7, v11;
	[tilespmem:v14+s8+$0x0] =	vst.idx.msk $0xffff, v13;
	v18 =	vld [tilespmem:s31+$0x20F0]  }
0x25c: {  	[tilespmem:v45+s8+$0x0] =	vst.idx.msk $0xffff, v22;
	v14 =	vadd.s32 v3, v24;
	v13 =	vld [tilespmem:s22+$0xB0]  }
0x25d: {  	[tilespmem:v19+s8+$0x0] =	vst.idx.msk $0xffff, v17  }
0x25e: {  	v22 =	vadd.s32 v5, v9;
	v21 =	vld [tilespmem:s31+$0x2090];
	[tilespmem:v46+s8+$0x0] =	vst.idx.msk $0xffff, v25  }
0x25f: {  	v19 =	vadd.s32 v4, v12;
	v17 =	vld [tilespmem:s22+$0x20C0];
	[tilespmem:v16+s8+$0x0] =	vst.idx.msk $0xffff, v15  }
0x260: {  	v47 =	vadd.s32 v4, v23;
	[tilespmem:v11+s8+$0x0] =	vst.idx.msk $0xffff, v18;
	v25 =	vld [tilespmem:s22+$0x2040]  }
0x261: {  	v15 =	vadd.s32 v4, v20;
	[tilespmem:v14+s8+$0x0] =	vst.idx.msk $0xffff, v13;
	v11 =	vld [tilespmem:s22+$0x2000]  }
0x262: {  	v14 =	vadd.s32 v4, v24;
	v13 =	vld [tilespmem:s22+$0x2080]  }
0x263: {  	[tilespmem:v22+s8+$0x0] =	vst.idx.msk $0xffff, v21;
	v16 =	vld [tilespmem:s31+$0x2060];
	v18 =	vadd.s32 v6, v10  }
0x264: {  	[tilespmem:v19+s8+$0x0] =	vst.idx.msk $0xffff, v17  }
0x265: {  	v22 =	vadd.s32 v6, v9;
	v21 =	vld [tilespmem:s31+$0x20A0];
	[tilespmem:v47+s8+$0x0] =	vst.idx.msk $0xffff, v25  }
0x266: {  	v19 =	vadd.s32 v5, v12;
	v17 =	vld [tilespmem:s22+$0x20D0];
	[tilespmem:v15+s8+$0x0] =	vst.idx.msk $0xffff, v11  }
0x267: {  	[tilespmem:v14+s8+$0x0] =	vst.idx.msk $0xffff, v13;
	v13 =	vld [tilespmem:s22+$0x2050];
	v14 =	vadd.s32 v5, v23  }
0x268: {  	[tilespmem:v18+s8+$0x0] =	vst.idx.msk $0xffff, v16;
	v18 =	vadd.s32 v5, v20;
	v16 =	vld [tilespmem:s22+$0x2010]  }
0x269: {  	v15 =	vadd.s32 v5, v24;
	v11 =	vld [tilespmem:s22+$0x2090]  }
0x26a: {  	v49 =	vadd.s32 v6, v8;
	v48 =	vld [tilespmem:s31+$0x2020];
	[tilespmem:v22+s8+$0x0] =	vst.idx.msk $0xffff, v21  }
0x26b: {  	v10 =	vadd.s32 v7, v10;
	v21 =	vld [tilespmem:s31+$0x2070];
	[tilespmem:v19+s8+$0x0] =	vst.idx.msk $0xffff, v17  }
0x26c: {  	v19 =	vadd.s32 v6, v12;
	v17 =	vld [tilespmem:s22+$0x20E0];
	[tilespmem:v14+s8+$0x0] =	vst.idx.msk $0xffff, v13  }
0x26d: {  	v14 =	vadd.s32 v6, v23;
	[tilespmem:v18+s8+$0x0] =	vst.idx.msk $0xffff, v16;
	v13 =	vld [tilespmem:s22+$0x2060]  }
0x26e: {  	v18 =	vadd.s32 v6, v20;
	[tilespmem:v15+s8+$0x0] =	vst.idx.msk $0xffff, v11;
	v16 =	vld [tilespmem:s22+$0x2020]  }
0x26f: {  	[tilespmem:v49+s8+$0x0] =	vst.idx.msk $0xffff, v48;
	v15 =	vadd.s32 v6, v24;
	v11 =	vld [tilespmem:s22+$0x20A0]  }
0x270: {  	v9 =	vadd.s32 v7, v9;
	[tilespmem:v10+s8+$0x0] =	vst.idx.msk $0xffff, v21;
	v10 =	vld [tilespmem:s31+$0x20B0]  }
0x271: {  	[tilespmem:v19+s8+$0x0] =	vst.idx.msk $0xffff, v17  }
0x272: {  	v8 =	vadd.s32 v7, v8;
	v21 =	vld [tilespmem:s31+$0x2030];
	[tilespmem:v14+s8+$0x0] =	vst.idx.msk $0xffff, v13  }
0x273: {  	v12 =	vadd.s32 v7, v12;
	v17 =	vld [tilespmem:s22+$0x20F0];
	[tilespmem:v18+s8+$0x0] =	vst.idx.msk $0xffff, v16  }
0x274: {  	v13 =	vadd.s32 v7, v23;
	[tilespmem:v15+s8+$0x0] =	vst.idx.msk $0xffff, v11;
	v11 =	vld [tilespmem:s22+$0x2070]  }
0x275: {  	[tilespmem:v9+s8+$0x0] =	vst.idx.msk $0xffff, v10;
	v10 =	vadd.s32 v7, v20;
	v9 =	vld [tilespmem:s22+$0x2030]  }
0x276: {  	v15 =	vadd.s32 v7, v24;
	v14 =	vld [tilespmem:s22+$0x20B0]  }
0x277: {  	[tilespmem:v8+s8+$0x0] =	vst.idx.msk $0xffff, v21  }
0x278: {  	[tilespmem:v12+s8+$0x0] =	vst.idx.msk $0xffff, v17  }
0x279: {  	s19 =	sor.u32 s18, s29;
	[tilespmem:v13+s8+$0x0] =	vst.idx.msk $0xffff, v11  }
0x27a: {  	s29 =	sshrl.u32 s19, $0x3;
	[tilespmem:v10+s8+$0x0] =	vst.idx.msk $0xffff, v9  }
0x27b: {  	s0 =	sadd.s32 s1, s29;
	[tilespmem:v15+s8+$0x0] =	vst.idx.msk $0xffff, v14  }
0x27c: {  	[hbm4b:s0+s3] =	stream.linear.scatter [tilespmem:s8], [sflag:$0x6], $0x80, $0x38;
	[tilespmem:$0x18C00] =	vst v63  }
0x27d: {  	s30 =	simm.s32 $0x14888;
	s22 =	sadd.s32 $0x10, s0  }
0x27e: {  	[hbm4b:s22+s3] =	stream.linear.scatter [tilespmem:s30], [sflag:$0x6], $0x80, $0x38;
	[tilespmem:$0x18C00] =	vst v63  }
0x27f: {  	s31 =	simm.s32 $0x14910;
	s22 =	sadd.s32 $0x20, s0  }
0x280: {  	[hbm4b:s22+s3] =	stream.linear.scatter [tilespmem:s31], [sflag:$0x6], $0x80, $0x38;
	[tilespmem:$0x18C00] =	vst v63  }
0x281: {  	s19 =	sadd.s32 $0x30, s0;
	s22 =	simm.s32 $0x14998  }
0x282: {  	[hbm4b:s19+s3] =	stream.linear.scatter [tilespmem:s22], [sflag:$0x6], $0x80, $0x38;
	[tilespmem:$0x18C00] =	vst v63  }
0x283: {  	s19 =	sadd.s32 $0x40, s0;
	s22 =	simm.s32 $0x14A20  }
0x284: {  	[hbm4b:s19+s3] =	stream.linear.scatter [tilespmem:s22], [sflag:$0x6], $0x80, $0x38;
	[tilespmem:$0x18C00] =	vst v63  }
0x285: {  	s19 =	sadd.s32 $0x50, s0;
	s22 =	simm.s32 $0x14AA8  }
0x286: {  	[hbm4b:s19+s3] =	stream.linear.scatter [tilespmem:s22], [sflag:$0x6], $0x80, $0x38;
	[tilespmem:$0x18C00] =	vst v63  }
0x287: {  	s19 =	sadd.s32 $0x60, s0;
	s22 =	simm.s32 $0x14B30  }
0x288: {  	[hbm4b:s19+s3] =	stream.linear.scatter [tilespmem:s22], [sflag:$0x6], $0x80, $0x38;
	[tilespmem:$0x18C00] =	vst v63  }
0x289: {  	s19 =	sadd.s32 $0x70, s0;
	s22 =	simm.s32 $0x14BB8  }
0x28a: {  	[hbm4b:s19+s3] =	stream.linear.scatter [tilespmem:s22], [sflag:$0x6], $0x80, $0x38;
	[tilespmem:$0x18C00] =	vst v63  }
0x28b: {  	s19 =	sadd.s32 $0x80, s0;
	s22 =	simm.s32 $0x16A00  }
0x28c: {  	[hbm4b:s19+s3] =	stream.linear.scatter [tilespmem:s22], [sflag:$0x6], $0x80, $0x38;
	[tilespmem:$0x18C00] =	vst v63  }
0x28d: {  	s19 =	sadd.s32 $0x90, s0;
	s22 =	simm.s32 $0x16A88  }
0x28e: {  	[hbm4b:s19+s3] =	stream.linear.scatter [tilespmem:s22], [sflag:$0x6], $0x80, $0x38;
	[tilespmem:$0x18C00] =	vst v63  }
0x28f: {  	s19 =	sadd.s32 $0xA0, s0;
	s22 =	simm.s32 $0x16B10  }
0x290: {  	[hbm4b:s19+s3] =	stream.linear.scatter [tilespmem:s22], [sflag:$0x6], $0x80, $0x38;
	[tilespmem:$0x18C00] =	vst v63  }
0x291: {  	s19 =	sadd.s32 $0xB0, s0;
	s22 =	simm.s32 $0x16B98  }
0x292: {  	[hbm4b:s19+s3] =	stream.linear.scatter [tilespmem:s22], [sflag:$0x6], $0x80, $0x38;
	[tilespmem:$0x18C00] =	vst v63  }
0x293: {  	s19 =	sadd.s32 $0xC0, s0;
	s22 =	simm.s32 $0x16C20  }
0x294: {  	[hbm4b:s19+s3] =	stream.linear.scatter [tilespmem:s22], [sflag:$0x6], $0x80, $0x38;
	[tilespmem:$0x18C00] =	vst v63  }
0x295: {  	s19 =	sadd.s32 $0xD0, s0;
	s22 =	simm.s32 $0x16CA8  }
0x296: {  	[hbm4b:s19+s3] =	stream.linear.scatter [tilespmem:s22], [sflag:$0x6], $0x80, $0x38;
	[tilespmem:$0x18C00] =	vst v63  }
0x297: {  	s19 =	sadd.s32 $0xE0, s0;
	s22 =	simm.s32 $0x16D30  }
0x298: {  	[hbm4b:s19+s3] =	stream.linear.scatter [tilespmem:s22], [sflag:$0x6], $0x80, $0x38;
	[tilespmem:$0x18C00] =	vst v63  }
0x299: {  	s0 =	sadd.s32 $0xF0, s0;
	s22 =	simm.s32 $0x16DB8;
	s19 =	sor.u32 $0x4000, s29  }
0x29a: {  	[hbm4b:s0+s3] =	stream.linear.scatter [tilespmem:s22], [sflag:$0x6], $0x80, $0x38;
	[tilespmem:$0x18C00] =	vst v63  }
0x29b: {  	s0 =	sadd.s32 s1, s19;
	s22 =	simm.s32 $0x14C40  }
0x29c: {  	[hbm4b:s0+s3] =	stream.linear.scatter [tilespmem:s22], [sflag:$0x6], $0x80, $0x38;
	[tilespmem:$0x18C00] =	vst v63  }
0x29d: {  	s19 =	sadd.s32 $0x10, s0;
	s22 =	simm.s32 $0x14CC8  }
0x29e: {  	[hbm4b:s19+s3] =	stream.linear.scatter [tilespmem:s22], [sflag:$0x6], $0x80, $0x38;
	[tilespmem:$0x18C00] =	vst v63  }
0x29f: {  	s19 =	sadd.s32 $0x20, s0;
	s22 =	simm.s32 $0x14D50  }
0x2a0: {  	[hbm4b:s19+s3] =	stream.linear.scatter [tilespmem:s22], [sflag:$0x6], $0x80, $0x38;
	[tilespmem:$0x18C00] =	vst v63  }
0x2a1: {  	s19 =	sadd.s32 $0x30, s0;
	s22 =	simm.s32 $0x14DD8  }
0x2a2: {  	[hbm4b:s19+s3] =	stream.linear.scatter [tilespmem:s22], [sflag:$0x6], $0x80, $0x38;
	[tilespmem:$0x18C00] =	vst v63  }
0x2a3: {  	s19 =	sadd.s32 $0x40, s0;
	s22 =	simm.s32 $0x14E60  }
0x2a4: {  	[hbm4b:s19+s3] =	stream.linear.scatter [tilespmem:s22], [sflag:$0x6], $0x80, $0x38;
	[tilespmem:$0x18C00] =	vst v63  }
0x2a5: {  	s19 =	sadd.s32 $0x50, s0;
	s22 =	simm.s32 $0x14EE8  }
0x2a6: {  	[hbm4b:s19+s3] =	stream.linear.scatter [tilespmem:s22], [sflag:$0x6], $0x80, $0x38;
	[tilespmem:$0x18C00] =	vst v63  }
0x2a7: {  	s19 =	sadd.s32 $0x60, s0;
	s22 =	simm.s32 $0x14F70  }
0x2a8: {  	[hbm4b:s19+s3] =	stream.linear.scatter [tilespmem:s22], [sflag:$0x6], $0x80, $0x38;
	[tilespmem:$0x18C00] =	vst v63  }
0x2a9: {  	s19 =	sadd.s32 $0x70, s0;
	s22 =	simm.s32 $0x14FF8  }
0x2aa: {  	[hbm4b:s19+s3] =	stream.linear.scatter [tilespmem:s22], [sflag:$0x6], $0x80, $0x38;
	[tilespmem:$0x18C00] =	vst v63  }
0x2ab: {  	s19 =	sadd.s32 $0x80, s0;
	s22 =	simm.s32 $0x16E40  }
0x2ac: {  	[hbm4b:s19+s3] =	stream.linear.scatter [tilespmem:s22], [sflag:$0x6], $0x80, $0x38;
	[tilespmem:$0x18C00] =	vst v63  }
0x2ad: {  	s19 =	sadd.s32 $0x90, s0;
	s22 =	simm.s32 $0x16EC8  }
0x2ae: {  	[hbm4b:s19+s3] =	stream.linear.scatter [tilespmem:s22], [sflag:$0x6], $0x80, $0x38;
	[tilespmem:$0x18C00] =	vst v63  }
0x2af: {  	s19 =	sadd.s32 $0xA0, s0;
	s22 =	simm.s32 $0x16F50  }
0x2b0: {  	[hbm4b:s19+s3] =	stream.linear.scatter [tilespmem:s22], [sflag:$0x6], $0x80, $0x38;
	[tilespmem:$0x18C00] =	vst v63  }
0x2b1: {  	s19 =	sadd.s32 $0xB0, s0;
	s22 =	simm.s32 $0x16FD8  }
0x2b2: {  	[hbm4b:s19+s3] =	stream.linear.scatter [tilespmem:s22], [sflag:$0x6], $0x80, $0x38;
	[tilespmem:$0x18C00] =	vst v63  }
0x2b3: {  	s19 =	sadd.s32 $0xC0, s0;
	s22 =	simm.s32 $0x17060  }
0x2b4: {  	[hbm4b:s19+s3] =	stream.linear.scatter [tilespmem:s22], [sflag:$0x6], $0x80, $0x38;
	[tilespmem:$0x18C00] =	vst v63  }
0x2b5: {  	s19 =	sadd.s32 $0xD0, s0;
	s22 =	simm.s32 $0x170E8  }
0x2b6: {  	[hbm4b:s19+s3] =	stream.linear.scatter [tilespmem:s22], [sflag:$0x6], $0x80, $0x38;
	[tilespmem:$0x18C00] =	vst v63  }
0x2b7: {  	s19 =	sadd.s32 $0xE0, s0;
	s22 =	simm.s32 $0x17170  }
0x2b8: {  	[hbm4b:s19+s3] =	stream.linear.scatter [tilespmem:s22], [sflag:$0x6], $0x80, $0x38;
	[tilespmem:$0x18C00] =	vst v63  }
0x2b9: {  	s0 =	sadd.s32 $0xF0, s0;
	s22 =	simm.s32 $0x171F8;
	s19 =	sor.u32 $0x8000, s29  }
0x2ba: {  	[hbm4b:s0+s3] =	stream.linear.scatter [tilespmem:s22], [sflag:$0x6], $0x80, $0x38;
	[tilespmem:$0x18C00] =	vst v63  }
0x2bb: {  	s0 =	sadd.s32 s1, s19;
	s22 =	simm.s32 $0x15080  }
0x2bc: {  	[hbm4b:s0+s3] =	stream.linear.scatter [tilespmem:s22], [sflag:$0x6], $0x80, $0x38;
	[tilespmem:$0x18C00] =	vst v63  }
0x2bd: {  	s19 =	sadd.s32 $0x10, s0;
	s22 =	simm.s32 $0x15108  }
0x2be: {  	[hbm4b:s19+s3] =	stream.linear.scatter [tilespmem:s22], [sflag:$0x6], $0x80, $0x38;
	[tilespmem:$0x18C00] =	vst v63  }
0x2bf: {  	s19 =	sadd.s32 $0x20, s0;
	s22 =	simm.s32 $0x15190  }
0x2c0: {  	[hbm4b:s19+s3] =	stream.linear.scatter [tilespmem:s22], [sflag:$0x6], $0x80, $0x38;
	[tilespmem:$0x18C00] =	vst v63  }
0x2c1: {  	s19 =	sadd.s32 $0x30, s0;
	s22 =	simm.s32 $0x15218  }
0x2c2: {  	[hbm4b:s19+s3] =	stream.linear.scatter [tilespmem:s22], [sflag:$0x6], $0x80, $0x38;
	[tilespmem:$0x18C00] =	vst v63  }
0x2c3: {  	s19 =	sadd.s32 $0x40, s0;
	s22 =	simm.s32 $0x152A0  }
0x2c4: {  	[hbm4b:s19+s3] =	stream.linear.scatter [tilespmem:s22], [sflag:$0x6], $0x80, $0x38;
	[tilespmem:$0x18C00] =	vst v63  }
0x2c5: {  	s19 =	sadd.s32 $0x50, s0;
	s22 =	simm.s32 $0x15328  }
0x2c6: {  	[hbm4b:s19+s3] =	stream.linear.scatter [tilespmem:s22], [sflag:$0x6], $0x80, $0x38;
	[tilespmem:$0x18C00] =	vst v63  }
0x2c7: {  	s19 =	sadd.s32 $0x60, s0;
	s22 =	simm.s32 $0x153B0  }
0x2c8: {  	[hbm4b:s19+s3] =	stream.linear.scatter [tilespmem:s22], [sflag:$0x6], $0x80, $0x38;
	[tilespmem:$0x18C00] =	vst v63  }
0x2c9: {  	s19 =	sadd.s32 $0x70, s0;
	s22 =	simm.s32 $0x15438  }
0x2ca: {  	[hbm4b:s19+s3] =	stream.linear.scatter [tilespmem:s22], [sflag:$0x6], $0x80, $0x38;
	[tilespmem:$0x18C00] =	vst v63  }
0x2cb: {  	s19 =	sadd.s32 $0x80, s0;
	s22 =	simm.s32 $0x17280  }
0x2cc: {  	[hbm4b:s19+s3] =	stream.linear.scatter [tilespmem:s22], [sflag:$0x6], $0x80, $0x38;
	[tilespmem:$0x18C00] =	vst v63  }
0x2cd: {  	s19 =	sadd.s32 $0x90, s0;
	s22 =	simm.s32 $0x17308  }
0x2ce: {  	[hbm4b:s19+s3] =	stream.linear.scatter [tilespmem:s22], [sflag:$0x6], $0x80, $0x38;
	[tilespmem:$0x18C00] =	vst v63  }
0x2cf: {  	s19 =	sadd.s32 $0xA0, s0;
	s22 =	simm.s32 $0x17390  }
0x2d0: {  	[hbm4b:s19+s3] =	stream.linear.scatter [tilespmem:s22], [sflag:$0x6], $0x80, $0x38;
	[tilespmem:$0x18C00] =	vst v63  }
0x2d1: {  	s19 =	sadd.s32 $0xB0, s0;
	s22 =	simm.s32 $0x17418  }
0x2d2: {  	[hbm4b:s19+s3] =	stream.linear.scatter [tilespmem:s22], [sflag:$0x6], $0x80, $0x38;
	[tilespmem:$0x18C00] =	vst v63  }
0x2d3: {  	s19 =	sadd.s32 $0xC0, s0;
	s22 =	simm.s32 $0x174A0  }
0x2d4: {  	[hbm4b:s19+s3] =	stream.linear.scatter [tilespmem:s22], [sflag:$0x6], $0x80, $0x38;
	[tilespmem:$0x18C00] =	vst v63  }
0x2d5: {  	s19 =	sadd.s32 $0xD0, s0;
	s22 =	simm.s32 $0x17528  }
0x2d6: {  	[hbm4b:s19+s3] =	stream.linear.scatter [tilespmem:s22], [sflag:$0x6], $0x80, $0x38;
	[tilespmem:$0x18C00] =	vst v63  }
0x2d7: {  	s19 =	sadd.s32 $0xE0, s0;
	s22 =	simm.s32 $0x175B0  }
0x2d8: {  	[hbm4b:s19+s3] =	stream.linear.scatter [tilespmem:s22], [sflag:$0x6], $0x80, $0x38;
	[tilespmem:$0x18C00] =	vst v63  }
0x2d9: {  	s0 =	sadd.s32 $0xF0, s0;
	s22 =	simm.s32 $0x17638;
	s19 =	sor.u32 $0xC000, s29  }
0x2da: {  	[hbm4b:s0+s3] =	stream.linear.scatter [tilespmem:s22], [sflag:$0x6], $0x80, $0x38;
	[tilespmem:$0x18C00] =	vst v63  }
0x2db: {  	s0 =	sadd.s32 s1, s19;
	s22 =	simm.s32 $0x154C0  }
0x2dc: {  	[hbm4b:s0+s3] =	stream.linear.scatter [tilespmem:s22], [sflag:$0x6], $0x80, $0x38;
	[tilespmem:$0x18C00] =	vst v63  }
0x2dd: {  	s19 =	sadd.s32 $0x10, s0;
	s22 =	simm.s32 $0x15548  }
0x2de: {  	[hbm4b:s19+s3] =	stream.linear.scatter [tilespmem:s22], [sflag:$0x6], $0x80, $0x38;
	[tilespmem:$0x18C00] =	vst v63  }
0x2df: {  	s19 =	sadd.s32 $0x20, s0;
	s22 =	simm.s32 $0x155D0  }
0x2e0: {  	[hbm4b:s19+s3] =	stream.linear.scatter [tilespmem:s22], [sflag:$0x6], $0x80, $0x38;
	[tilespmem:$0x18C00] =	vst v63  }
0x2e1: {  	s19 =	sadd.s32 $0x30, s0;
	s22 =	simm.s32 $0x15658  }
0x2e2: {  	[hbm4b:s19+s3] =	stream.linear.scatter [tilespmem:s22], [sflag:$0x6], $0x80, $0x38;
	[tilespmem:$0x18C00] =	vst v63  }
0x2e3: {  	s19 =	sadd.s32 $0x40, s0;
	s22 =	simm.s32 $0x156E0  }
0x2e4: {  	[hbm4b:s19+s3] =	stream.linear.scatter [tilespmem:s22], [sflag:$0x6], $0x80, $0x38;
	[tilespmem:$0x18C00] =	vst v63  }
0x2e5: {  	s19 =	sadd.s32 $0x50, s0;
	s22 =	simm.s32 $0x15768  }
0x2e6: {  	[hbm4b:s19+s3] =	stream.linear.scatter [tilespmem:s22], [sflag:$0x6], $0x80, $0x38;
	[tilespmem:$0x18C00] =	vst v63  }
0x2e7: {  	s19 =	sadd.s32 $0x60, s0;
	s22 =	simm.s32 $0x157F0  }
0x2e8: {  	[hbm4b:s19+s3] =	stream.linear.scatter [tilespmem:s22], [sflag:$0x6], $0x80, $0x38;
	[tilespmem:$0x18C00] =	vst v63  }
0x2e9: {  	s19 =	sadd.s32 $0x70, s0;
	s22 =	simm.s32 $0x15878  }
0x2ea: {  	[hbm4b:s19+s3] =	stream.linear.scatter [tilespmem:s22], [sflag:$0x6], $0x80, $0x38;
	[tilespmem:$0x18C00] =	vst v63  }
0x2eb: {  	s19 =	sadd.s32 $0x80, s0;
	s22 =	simm.s32 $0x176C0  }
0x2ec: {  	[hbm4b:s19+s3] =	stream.linear.scatter [tilespmem:s22], [sflag:$0x6], $0x80, $0x38;
	[tilespmem:$0x18C00] =	vst v63  }
0x2ed: {  	s19 =	sadd.s32 $0x90, s0;
	s22 =	simm.s32 $0x17748  }
0x2ee: {  	[hbm4b:s19+s3] =	stream.linear.scatter [tilespmem:s22], [sflag:$0x6], $0x80, $0x38;
	[tilespmem:$0x18C00] =	vst v63  }
0x2ef: {  	s19 =	sadd.s32 $0xA0, s0;
	s22 =	simm.s32 $0x177D0  }
0x2f0: {  	[hbm4b:s19+s3] =	stream.linear.scatter [tilespmem:s22], [sflag:$0x6], $0x80, $0x38;
	[tilespmem:$0x18C00] =	vst v63  }
0x2f1: {  	s19 =	sadd.s32 $0xB0, s0;
	s22 =	simm.s32 $0x17858  }
0x2f2: {  	[hbm4b:s19+s3] =	stream.linear.scatter [tilespmem:s22], [sflag:$0x6], $0x80, $0x38;
	[tilespmem:$0x18C00] =	vst v63  }
0x2f3: {  	s19 =	sadd.s32 $0xC0, s0;
	s22 =	simm.s32 $0x178E0  }
0x2f4: {  	[hbm4b:s19+s3] =	stream.linear.scatter [tilespmem:s22], [sflag:$0x6], $0x80, $0x38;
	[tilespmem:$0x18C00] =	vst v63  }
0x2f5: {  	s19 =	sadd.s32 $0xD0, s0;
	s22 =	simm.s32 $0x17968  }
0x2f6: {  	[hbm4b:s19+s3] =	stream.linear.scatter [tilespmem:s22], [sflag:$0x6], $0x80, $0x38;
	[tilespmem:$0x18C00] =	vst v63  }
0x2f7: {  	s19 =	sadd.s32 $0xE0, s0;
	s22 =	simm.s32 $0x179F0  }
0x2f8: {  	[hbm4b:s19+s3] =	stream.linear.scatter [tilespmem:s22], [sflag:$0x6], $0x80, $0x38;
	[tilespmem:$0x18C00] =	vst v63  }
0x2f9: {  	s0 =	sadd.s32 $0xF0, s0;
	s22 =	simm.s32 $0x17A78;
	s19 =	sor.u32 $0x10000, s29  }
0x2fa: {  	[hbm4b:s0+s3] =	stream.linear.scatter [tilespmem:s22], [sflag:$0x6], $0x80, $0x38;
	[tilespmem:$0x18C00] =	vst v63  }
0x2fb: {  	s0 =	sadd.s32 s1, s19;
	s22 =	simm.s32 $0x15900  }
0x2fc: {  	[hbm4b:s0+s3] =	stream.linear.scatter [tilespmem:s22], [sflag:$0x6], $0x80, $0x38;
	[tilespmem:$0x18C00] =	vst v63  }
0x2fd: {  	s19 =	sadd.s32 $0x10, s0;
	s22 =	simm.s32 $0x15988  }
0x2fe: {  	[hbm4b:s19+s3] =	stream.linear.scatter [tilespmem:s22], [sflag:$0x6], $0x80, $0x38;
	[tilespmem:$0x18C00] =	vst v63  }
0x2ff: {  	s19 =	sadd.s32 $0x20, s0;
	s22 =	simm.s32 $0x15A10  }
0x300: {  	[hbm4b:s19+s3] =	stream.linear.scatter [tilespmem:s22], [sflag:$0x6], $0x80, $0x38;
	[tilespmem:$0x18C00] =	vst v63  }
0x301: {  	s19 =	sadd.s32 $0x30, s0;
	s22 =	simm.s32 $0x15A98  }
0x302: {  	[hbm4b:s19+s3] =	stream.linear.scatter [tilespmem:s22], [sflag:$0x6], $0x80, $0x38;
	[tilespmem:$0x18C00] =	vst v63  }
0x303: {  	s19 =	sadd.s32 $0x40, s0;
	s22 =	simm.s32 $0x15B20  }
0x304: {  	[hbm4b:s19+s3] =	stream.linear.scatter [tilespmem:s22], [sflag:$0x6], $0x80, $0x38;
	[tilespmem:$0x18C00] =	vst v63  }
0x305: {  	s19 =	sadd.s32 $0x50, s0;
	s22 =	simm.s32 $0x15BA8  }
0x306: {  	[hbm4b:s19+s3] =	stream.linear.scatter [tilespmem:s22], [sflag:$0x6], $0x80, $0x38;
	[tilespmem:$0x18C00] =	vst v63  }
0x307: {  	s19 =	sadd.s32 $0x60, s0;
	s22 =	simm.s32 $0x15C30  }
0x308: {  	[hbm4b:s19+s3] =	stream.linear.scatter [tilespmem:s22], [sflag:$0x6], $0x80, $0x38;
	[tilespmem:$0x18C00] =	vst v63  }
0x309: {  	s19 =	sadd.s32 $0x70, s0;
	s22 =	simm.s32 $0x15CB8  }
0x30a: {  	[hbm4b:s19+s3] =	stream.linear.scatter [tilespmem:s22], [sflag:$0x6], $0x80, $0x38;
	[tilespmem:$0x18C00] =	vst v63  }
0x30b: {  	s19 =	sadd.s32 $0x80, s0;
	s22 =	simm.s32 $0x17B00  }
0x30c: {  	[hbm4b:s19+s3] =	stream.linear.scatter [tilespmem:s22], [sflag:$0x6], $0x80, $0x38;
	[tilespmem:$0x18C00] =	vst v63  }
0x30d: {  	s19 =	sadd.s32 $0x90, s0;
	s22 =	simm.s32 $0x17B88  }
0x30e: {  	[hbm4b:s19+s3] =	stream.linear.scatter [tilespmem:s22], [sflag:$0x6], $0x80, $0x38;
	[tilespmem:$0x18C00] =	vst v63  }
0x30f: {  	s19 =	sadd.s32 $0xA0, s0;
	s22 =	simm.s32 $0x17C10  }
0x310: {  	[hbm4b:s19+s3] =	stream.linear.scatter [tilespmem:s22], [sflag:$0x6], $0x80, $0x38;
	[tilespmem:$0x18C00] =	vst v63  }
0x311: {  	s19 =	sadd.s32 $0xB0, s0;
	s22 =	simm.s32 $0x17C98  }
0x312: {  	[hbm4b:s19+s3] =	stream.linear.scatter [tilespmem:s22], [sflag:$0x6], $0x80, $0x38;
	[tilespmem:$0x18C00] =	vst v63  }
0x313: {  	s19 =	sadd.s32 $0xC0, s0;
	s22 =	simm.s32 $0x17D20  }
0x314: {  	[hbm4b:s19+s3] =	stream.linear.scatter [tilespmem:s22], [sflag:$0x6], $0x80, $0x38;
	[tilespmem:$0x18C00] =	vst v63  }
0x315: {  	s19 =	sadd.s32 $0xD0, s0;
	s22 =	simm.s32 $0x17DA8  }
0x316: {  	[hbm4b:s19+s3] =	stream.linear.scatter [tilespmem:s22], [sflag:$0x6], $0x80, $0x38;
	[tilespmem:$0x18C00] =	vst v63  }
0x317: {  	s19 =	sadd.s32 $0xE0, s0;
	s22 =	simm.s32 $0x17E30  }
0x318: {  	[hbm4b:s19+s3] =	stream.linear.scatter [tilespmem:s22], [sflag:$0x6], $0x80, $0x38;
	[tilespmem:$0x18C00] =	vst v63  }
0x319: {  	s0 =	sadd.s32 $0xF0, s0;
	s22 =	simm.s32 $0x17EB8;
	s19 =	sor.u32 $0x14000, s29  }
0x31a: {  	[hbm4b:s0+s3] =	stream.linear.scatter [tilespmem:s22], [sflag:$0x6], $0x80, $0x38;
	[tilespmem:$0x18C00] =	vst v63  }
0x31b: {  	s0 =	sadd.s32 s1, s19;
	s22 =	simm.s32 $0x15D40  }
0x31c: {  	[hbm4b:s0+s3] =	stream.linear.scatter [tilespmem:s22], [sflag:$0x6], $0x80, $0x38;
	[tilespmem:$0x18C00] =	vst v63  }
0x31d: {  	s19 =	sadd.s32 $0x10, s0;
	s22 =	simm.s32 $0x15DC8  }
0x31e: {  	[hbm4b:s19+s3] =	stream.linear.scatter [tilespmem:s22], [sflag:$0x6], $0x80, $0x38;
	[tilespmem:$0x18C00] =	vst v63  }
0x31f: {  	s19 =	sadd.s32 $0x20, s0;
	s22 =	simm.s32 $0x15E50  }
0x320: {  	[hbm4b:s19+s3] =	stream.linear.scatter [tilespmem:s22], [sflag:$0x6], $0x80, $0x38;
	[tilespmem:$0x18C00] =	vst v63  }
0x321: {  	s19 =	sadd.s32 $0x30, s0;
	s22 =	simm.s32 $0x15ED8  }
0x322: {  	[hbm4b:s19+s3] =	stream.linear.scatter [tilespmem:s22], [sflag:$0x6], $0x80, $0x38;
	[tilespmem:$0x18C00] =	vst v63  }
0x323: {  	s19 =	sadd.s32 $0x40, s0;
	s22 =	simm.s32 $0x15F60  }
0x324: {  	[hbm4b:s19+s3] =	stream.linear.scatter [tilespmem:s22], [sflag:$0x6], $0x80, $0x38;
	[tilespmem:$0x18C00] =	vst v63  }
0x325: {  	s19 =	sadd.s32 $0x50, s0;
	s22 =	simm.s32 $0x15FE8  }
0x326: {  	[hbm4b:s19+s3] =	stream.linear.scatter [tilespmem:s22], [sflag:$0x6], $0x80, $0x38;
	[tilespmem:$0x18C00] =	vst v63  }
0x327: {  	s19 =	sadd.s32 $0x60, s0;
	s22 =	simm.s32 $0x16070  }
0x328: {  	[hbm4b:s19+s3] =	stream.linear.scatter [tilespmem:s22], [sflag:$0x6], $0x80, $0x38;
	[tilespmem:$0x18C00] =	vst v63  }
0x329: {  	s19 =	sadd.s32 $0x70, s0;
	s22 =	simm.s32 $0x160F8  }
0x32a: {  	[hbm4b:s19+s3] =	stream.linear.scatter [tilespmem:s22], [sflag:$0x6], $0x80, $0x38;
	[tilespmem:$0x18C00] =	vst v63  }
0x32b: {  	s19 =	sadd.s32 $0x80, s0;
	s22 =	simm.s32 $0x17F40  }
0x32c: {  	[hbm4b:s19+s3] =	stream.linear.scatter [tilespmem:s22], [sflag:$0x6], $0x80, $0x38;
	[tilespmem:$0x18C00] =	vst v63  }
0x32d: {  	s19 =	sadd.s32 $0x90, s0;
	s22 =	simm.s32 $0x17FC8  }
0x32e: {  	[hbm4b:s19+s3] =	stream.linear.scatter [tilespmem:s22], [sflag:$0x6], $0x80, $0x38;
	[tilespmem:$0x18C00] =	vst v63  }
0x32f: {  	s19 =	sadd.s32 $0xA0, s0;
	s22 =	simm.s32 $0x18050  }
0x330: {  	[hbm4b:s19+s3] =	stream.linear.scatter [tilespmem:s22], [sflag:$0x6], $0x80, $0x38;
	[tilespmem:$0x18C00] =	vst v63  }
0x331: {  	s19 =	sadd.s32 $0xB0, s0;
	s22 =	simm.s32 $0x180D8  }
0x332: {  	[hbm4b:s19+s3] =	stream.linear.scatter [tilespmem:s22], [sflag:$0x6], $0x80, $0x38;
	[tilespmem:$0x18C00] =	vst v63  }
0x333: {  	s19 =	sadd.s32 $0xC0, s0;
	s22 =	simm.s32 $0x18160  }
0x334: {  	[hbm4b:s19+s3] =	stream.linear.scatter [tilespmem:s22], [sflag:$0x6], $0x80, $0x38;
	[tilespmem:$0x18C00] =	vst v63  }
0x335: {  	s19 =	sadd.s32 $0xD0, s0;
	s22 =	simm.s32 $0x181E8  }
0x336: {  	[hbm4b:s19+s3] =	stream.linear.scatter [tilespmem:s22], [sflag:$0x6], $0x80, $0x38;
	[tilespmem:$0x18C00] =	vst v63  }
0x337: {  	s19 =	sadd.s32 $0xE0, s0;
	s22 =	simm.s32 $0x18270  }
0x338: {  	[hbm4b:s19+s3] =	stream.linear.scatter [tilespmem:s22], [sflag:$0x6], $0x80, $0x38;
	[tilespmem:$0x18C00] =	vst v63  }
0x339: {  	s0 =	sadd.s32 $0xF0, s0;
	s22 =	simm.s32 $0x182F8;
	s19 =	sor.u32 $0x18000, s29  }
0x33a: {  	[hbm4b:s0+s3] =	stream.linear.scatter [tilespmem:s22], [sflag:$0x6], $0x80, $0x38;
	[tilespmem:$0x18C00] =	vst v63  }
0x33b: {  	s0 =	sadd.s32 s1, s19;
	s22 =	simm.s32 $0x16180  }
0x33c: {  	[hbm4b:s0+s3] =	stream.linear.scatter [tilespmem:s22], [sflag:$0x6], $0x80, $0x38;
	[tilespmem:$0x18C00] =	vst v63  }
0x33d: {  	s19 =	sadd.s32 $0x10, s0;
	s22 =	simm.s32 $0x16208  }
0x33e: {  	[hbm4b:s19+s3] =	stream.linear.scatter [tilespmem:s22], [sflag:$0x6], $0x80, $0x38;
	[tilespmem:$0x18C00] =	vst v63  }
0x33f: {  	s19 =	sadd.s32 $0x20, s0;
	s22 =	simm.s32 $0x16290  }
0x340: {  	[hbm4b:s19+s3] =	stream.linear.scatter [tilespmem:s22], [sflag:$0x6], $0x80, $0x38;
	[tilespmem:$0x18C00] =	vst v63  }
0x341: {  	s19 =	sadd.s32 $0x30, s0;
	s22 =	simm.s32 $0x16318  }
0x342: {  	[hbm4b:s19+s3] =	stream.linear.scatter [tilespmem:s22], [sflag:$0x6], $0x80, $0x38;
	[tilespmem:$0x18C00] =	vst v63  }
0x343: {  	s19 =	sadd.s32 $0x40, s0;
	s22 =	simm.s32 $0x163A0  }
0x344: {  	[hbm4b:s19+s3] =	stream.linear.scatter [tilespmem:s22], [sflag:$0x6], $0x80, $0x38;
	[tilespmem:$0x18C00] =	vst v63  }
0x345: {  	s19 =	sadd.s32 $0x50, s0;
	s22 =	simm.s32 $0x16428  }
0x346: {  	[hbm4b:s19+s3] =	stream.linear.scatter [tilespmem:s22], [sflag:$0x6], $0x80, $0x38;
	[tilespmem:$0x18C00] =	vst v63  }
0x347: {  	s19 =	sadd.s32 $0x60, s0;
	s22 =	simm.s32 $0x164B0  }
0x348: {  	[hbm4b:s19+s3] =	stream.linear.scatter [tilespmem:s22], [sflag:$0x6], $0x80, $0x38;
	[tilespmem:$0x18C00] =	vst v63  }
0x349: {  	s19 =	sadd.s32 $0x70, s0;
	s22 =	simm.s32 $0x16538  }
0x34a: {  	[hbm4b:s19+s3] =	stream.linear.scatter [tilespmem:s22], [sflag:$0x6], $0x80, $0x38;
	[tilespmem:$0x18C00] =	vst v63  }
0x34b: {  	s19 =	sadd.s32 $0x80, s0;
	s22 =	simm.s32 $0x18380  }
0x34c: {  	[hbm4b:s19+s3] =	stream.linear.scatter [tilespmem:s22], [sflag:$0x6], $0x80, $0x38;
	[tilespmem:$0x18C00] =	vst v63  }
0x34d: {  	s19 =	sadd.s32 $0x90, s0;
	s22 =	simm.s32 $0x18408  }
0x34e: {  	[hbm4b:s19+s3] =	stream.linear.scatter [tilespmem:s22], [sflag:$0x6], $0x80, $0x38;
	[tilespmem:$0x18C00] =	vst v63  }
0x34f: {  	s19 =	sadd.s32 $0xA0, s0;
	s22 =	simm.s32 $0x18490  }
0x350: {  	[hbm4b:s19+s3] =	stream.linear.scatter [tilespmem:s22], [sflag:$0x6], $0x80, $0x38;
	[tilespmem:$0x18C00] =	vst v63  }
0x351: {  	s19 =	sadd.s32 $0xB0, s0;
	s22 =	simm.s32 $0x18518  }
0x352: {  	[hbm4b:s19+s3] =	stream.linear.scatter [tilespmem:s22], [sflag:$0x6], $0x80, $0x38;
	[tilespmem:$0x18C00] =	vst v63  }
0x353: {  	s19 =	sadd.s32 $0xC0, s0;
	s22 =	simm.s32 $0x185A0  }
0x354: {  	[hbm4b:s19+s3] =	stream.linear.scatter [tilespmem:s22], [sflag:$0x6], $0x80, $0x38;
	[tilespmem:$0x18C00] =	vst v63  }
0x355: {  	s19 =	sadd.s32 $0xD0, s0;
	s22 =	simm.s32 $0x18628  }
0x356: {  	[hbm4b:s19+s3] =	stream.linear.scatter [tilespmem:s22], [sflag:$0x6], $0x80, $0x38;
	[tilespmem:$0x18C00] =	vst v63  }
0x357: {  	s19 =	sadd.s32 $0xE0, s0;
	s22 =	simm.s32 $0x186B0  }
0x358: {  	[hbm4b:s19+s3] =	stream.linear.scatter [tilespmem:s22], [sflag:$0x6], $0x80, $0x38;
	[tilespmem:$0x18C00] =	vst v63  }
0x359: {  	s0 =	sadd.s32 $0xF0, s0;
	s22 =	simm.s32 $0x18738;
	s19 =	sor.u32 $0x1C000, s29  }
0x35a: {  	[hbm4b:s0+s3] =	stream.linear.scatter [tilespmem:s22], [sflag:$0x6], $0x80, $0x38;
	[tilespmem:$0x18C00] =	vst v63  }
0x35b: {  	s0 =	sadd.s32 s1, s19;
	s22 =	simm.s32 $0x165C0  }
0x35c: {  	[hbm4b:s0+s3] =	stream.linear.scatter [tilespmem:s22], [sflag:$0x6], $0x80, $0x38;
	[tilespmem:$0x18C00] =	vst v63  }
0x35d: {  	s19 =	sadd.s32 $0x10, s0;
	s22 =	simm.s32 $0x16648  }
0x35e: {  	[hbm4b:s19+s3] =	stream.linear.scatter [tilespmem:s22], [sflag:$0x6], $0x80, $0x38;
	[tilespmem:$0x18C00] =	vst v63  }
0x35f: {  	s19 =	sadd.s32 $0x20, s0;
	s22 =	simm.s32 $0x166D0  }
0x360: {  	[hbm4b:s19+s3] =	stream.linear.scatter [tilespmem:s22], [sflag:$0x6], $0x80, $0x38;
	[tilespmem:$0x18C00] =	vst v63  }
0x361: {  	s19 =	sadd.s32 $0x30, s0;
	s22 =	simm.s32 $0x16758  }
0x362: {  	[hbm4b:s19+s3] =	stream.linear.scatter [tilespmem:s22], [sflag:$0x6], $0x80, $0x38;
	[tilespmem:$0x18C00] =	vst v63  }
0x363: {  	s19 =	sadd.s32 $0x40, s0;
	s22 =	simm.s32 $0x167E0  }
0x364: {  	[hbm4b:s19+s3] =	stream.linear.scatter [tilespmem:s22], [sflag:$0x6], $0x80, $0x38;
	[tilespmem:$0x18C00] =	vst v63  }
0x365: {  	s19 =	sadd.s32 $0x50, s0;
	s22 =	simm.s32 $0x16868  }
0x366: {  	[hbm4b:s19+s3] =	stream.linear.scatter [tilespmem:s22], [sflag:$0x6], $0x80, $0x38;
	[tilespmem:$0x18C00] =	vst v63  }
0x367: {  	s19 =	sadd.s32 $0x60, s0;
	s22 =	simm.s32 $0x168F0  }
0x368: {  	[hbm4b:s19+s3] =	stream.linear.scatter [tilespmem:s22], [sflag:$0x6], $0x80, $0x38;
	[tilespmem:$0x18C00] =	vst v63  }
0x369: {  	s19 =	sadd.s32 $0x70, s0;
	s22 =	simm.s32 $0x16978  }
0x36a: {  	[hbm4b:s19+s3] =	stream.linear.scatter [tilespmem:s22], [sflag:$0x6], $0x80, $0x38;
	[tilespmem:$0x18C00] =	vst v63  }
0x36b: {  	s19 =	sadd.s32 $0x80, s0;
	s22 =	simm.s32 $0x187C0  }
0x36c: {  	[hbm4b:s19+s3] =	stream.linear.scatter [tilespmem:s22], [sflag:$0x6], $0x80, $0x38;
	[tilespmem:$0x18C00] =	vst v63  }
0x36d: {  	s19 =	sadd.s32 $0x90, s0;
	s22 =	simm.s32 $0x18848  }
0x36e: {  	[hbm4b:s19+s3] =	stream.linear.scatter [tilespmem:s22], [sflag:$0x6], $0x80, $0x38;
	[tilespmem:$0x18C00] =	vst v63  }
0x36f: {  	s22 =	sadd.s32 $0xA0, s0  }
0x370: {  	[hbm4b:s22+s3] =	stream.linear.scatter [tilespmem:s6], [sflag:$0x6], $0x80, $0x38;
	[tilespmem:$0x18C00] =	vst v63  }
0x371: {  	s22 =	sadd.s32 $0xB0, s0  }
0x372: {  	[hbm4b:s22+s3] =	stream.linear.scatter [tilespmem:s20], [sflag:$0x6], $0x80, $0x38;
	[tilespmem:$0x18C00] =	vst v63  }
0x373: {  	s19 =	sadd.s32 $0xC0, s0;
	s22 =	simm.s32 $0x189E0  }
0x374: {  	[hbm4b:s19+s3] =	stream.linear.scatter [tilespmem:s22], [sflag:$0x6], $0x80, $0x38;
	[tilespmem:$0x18C00] =	vst v63  }
0x375: {  	s19 =	sadd.s32 $0xD0, s0;
	s22 =	simm.s32 $0x18A68  }
0x376: {  	[hbm4b:s19+s3] =	stream.linear.scatter [tilespmem:s22], [sflag:$0x6], $0x80, $0x38;
	[tilespmem:$0x18C00] =	vst v63  }
0x377: {  	s19 =	sadd.s32 $0xE0, s0;
	s22 =	simm.s32 $0x18AF0  }
0x378: {  	[hbm4b:s19+s3] =	stream.linear.scatter [tilespmem:s22], [sflag:$0x6], $0x80, $0x38;
	[tilespmem:$0x18C00] =	vst v63  }
0x379: {  	s0 =	sadd.s32 $0xF0, s0;
	s22 =	simm.s32 $0x18B78  }
0x37a: {  	[hbm4b:s0+s3] =	stream.linear.scatter [tilespmem:s22], [sflag:$0x6], $0x80, $0x38;
	[tilespmem:$0x18C00] =	vst v63  }
0x37b: {  	_ =	swait.ge [sflag:s2], $0x8000  }
0x37c: {  	s0 =	rddreg [dreg:$0x6]  }
0x37d: {  	s0 =	sadd.s32 @!p0 s0, s28  }
0x37e: {  	s19 =	simm.s32 @!p0 $0x0;
	[sflag:s2] =	ssyncset.done $0x0;
	s0 =	sshrl.u32 @!p0 s0, $0x3  }
0x37f: {  	s22 =	simm.s32 @!p0 $0x200;
	[sflag:s2] =	ssyncadd.s32 $0xFFFF8000;
	s0 =	sadd.s32 @!p0 s5, s0  }
0x380: {  	[tilespmem:s22], [sflag:$0x2] =	stream.linear.gather @!p0 [hbm4b:s0+s19], $0x200, $0x38;
	[tilespmem:$0x18C00] =	vst v63  }
0x381: {  	s0 =	simm.s32 @!p0 $0x1  }
0x382: {  	_ =	swait.ge @!p0 [sflag:s0], $0x200  }
0x383: {  	[sflag:s0] =	ssyncset.done @!p0 $0x0  }
0x384: {  	[sflag:s0] =	ssyncadd.s32 @!p0 $0xFFFFFE00;
	s0 =	simm.s32 @!p0 $0x400  }
0x385: {  	[tilespmem:s0], [sflag:$0x3] =	stream.indirect.gather @!p0 [hbm4b:s4+s22], $0x40, s19, s22, $0xb8;
	[tilespmem:$0x18C00] =	vst v63  }
0x386: {  	_ =	swait.ge [sflag:s25], $0x800  }
0x387: {  	[sflag:s25] =	ssyncset.done $0x0  }
0x388: {  	[sflag:s25] =	ssyncadd.s32 $0xFFFFF800  }
0x389: {  	_ =	swait.ge [sflag:s25], $0x800  }
0x38a: {  	[sflag:s25] =	ssyncset.done $0x0  }
0x38b: {  	[sflag:s25] =	ssyncadd.s32 $0xFFFFF800  }
0x38c: {  	_ =	swait.ge [sflag:s25], $0x800  }
0x38d: {  	[sflag:s25] =	ssyncset.done $0x0  }
0x38e: {  	[sflag:s25] =	ssyncadd.s32 $0xFFFFF800  }
0x38f: {  	_ =	swait.ge [sflag:s25], $0x800  }
0x390: {  	[sflag:s25] =	ssyncset.done $0x0  }
0x391: {  	[sflag:s25] =	ssyncadd.s32 $0xFFFFF800  }
0x392: {  	_ =	swait.ge [sflag:s25], $0x800  }
0x393: {  	[sflag:s25] =	ssyncset.done $0x0  }
0x394: {  	[sflag:s25] =	ssyncadd.s32 $0xFFFFF800  }
0x395: {  	_ =	swait.ge [sflag:s25], $0x800  }
0x396: {  	[sflag:s25] =	ssyncset.done $0x0  }
0x397: {  	[sflag:s25] =	ssyncadd.s32 $0xFFFFF800  }
0x398: {  	_ =	swait.ge [sflag:s25], $0x800  }
0x399: {  	[sflag:s25] =	ssyncset.done $0x0  }
0x39a: {  	[sflag:s25] =	ssyncadd.s32 $0xFFFFF800  }
0x39b: {  	s19 =	simm.s32 $0x3;
	_ =	swait.ge [sflag:s25], $0x800  }
0x39c: {  	s22 =	simm.s32 $0x0;
	v8 =	vmov s19;
	[sflag:s25] =	ssyncset.done $0x0  }
0x39d: {  	s29 =	simm.s32 $0xA400;
	v9 =	vmov s22;
	v15 =	vand.u32 $0x7F, v8;
	[sflag:s25] =	ssyncadd.s32 $0xFFFFF800  }
0x39e: {  	v12 =	vand.u32 $0x7C, v9;
	v9 =	vadd.s32 v0, v15;
	v8 =	vld [tilespmem:s29+$0xFFFFE0C0]  }
0x39f: {  	s19 =	simm.s32 $0x1;
	v11 =	vadd.s32 v0, v12;
	v10 =	vld [tilespmem:s29+$0xFFFFE000]  }
0x3a0: {  	s22 =	simm.s32 $0x2;
	v13 =	vmov s19  }
0x3a1: {  	v14 =	vand.u32 $0x7D, v13;
	v13 =	vmov s22  }
0x3a2: {  	v17 =	vadd.s32 v0, v14;
	v13 =	vand.u32 $0x7E, v13;
	v16 =	vld [tilespmem:s29+$0xFFFFE040]  }
0x3a3: {  	v19 =	vadd.s32 v0, v13;
	v18 =	vld [tilespmem:s29+$0xFFFFE080];
	[tilespmem:v9+s26+$0x0] =	vst.idx.msk $0xffff, v8  }
0x3a4: {  	[tilespmem:v11+s26+$0x0] =	vst.idx.msk $0xffff, v10;
	v9 =	vadd.s32 v1, v15;
	v8 =	vld [tilespmem:s29+$0xFFFFE0D0]  }
0x3a5: {  	v11 =	vadd.s32 v1, v12;
	v10 =	vld [tilespmem:s29+$0xFFFFE010];
	_ =	sdelay $0x1  }
0x3a6: {  	[tilespmem:v17+s26+$0x0] =	vst.idx.msk $0xffff, v16  }
0x3a7: {  	v17 =	vadd.s32 v1, v14;
	[tilespmem:v19+s26+$0x0] =	vst.idx.msk $0xffff, v18;
	v16 =	vld [tilespmem:s29+$0xFFFFE050]  }
0x3a8: {  	v19 =	vadd.s32 v1, v13;
	v18 =	vld [tilespmem:s29+$0xFFFFE090];
	[tilespmem:v9+s26+$0x0] =	vst.idx.msk $0xffff, v8  }
0x3a9: {  	[tilespmem:v11+s26+$0x0] =	vst.idx.msk $0xffff, v10;
	v9 =	vadd.s32 v2, v15;
	v8 =	vld [tilespmem:s29+$0xFFFFE0E0]  }
0x3aa: {  	v11 =	vadd.s32 v2, v12;
	v10 =	vld [tilespmem:s29+$0xFFFFE020];
	_ =	sdelay $0x1  }
0x3ab: {  	[tilespmem:v17+s26+$0x0] =	vst.idx.msk $0xffff, v16  }
0x3ac: {  	v17 =	vadd.s32 v2, v14;
	[tilespmem:v19+s26+$0x0] =	vst.idx.msk $0xffff, v18;
	v16 =	vld [tilespmem:s29+$0xFFFFE060]  }
0x3ad: {  	v19 =	vadd.s32 v2, v13;
	v18 =	vld [tilespmem:s29+$0xFFFFE0A0];
	[tilespmem:v9+s26+$0x0] =	vst.idx.msk $0xffff, v8  }
0x3ae: {  	[tilespmem:v11+s26+$0x0] =	vst.idx.msk $0xffff, v10;
	v9 =	vadd.s32 v3, v15;
	v8 =	vld [tilespmem:s29+$0xFFFFE0F0]  }
0x3af: {  	v11 =	vadd.s32 v3, v12;
	v10 =	vld [tilespmem:s29+$0xFFFFE030];
	_ =	sdelay $0x1  }
0x3b0: {  	[tilespmem:v17+s26+$0x0] =	vst.idx.msk $0xffff, v16  }
0x3b1: {  	v17 =	vadd.s32 v3, v14;
	[tilespmem:v19+s26+$0x0] =	vst.idx.msk $0xffff, v18;
	v16 =	vld [tilespmem:s29+$0xFFFFE070]  }
0x3b2: {  	v19 =	vadd.s32 v3, v13;
	v18 =	vld [tilespmem:s29+$0xFFFFE0B0];
	[tilespmem:v9+s26+$0x0] =	vst.idx.msk $0xffff, v8  }
0x3b3: {  	[tilespmem:v11+s26+$0x0] =	vst.idx.msk $0xffff, v10;
	v9 =	vadd.s32 v4, v15;
	v8 =	vld [tilespmem:s29+$0xC0]  }
0x3b4: {  	v11 =	vadd.s32 v4, v12;
	v10 =	vld [tilespmem:s29+$0x0];
	_ =	sdelay $0x1  }
0x3b5: {  	[tilespmem:v17+s26+$0x0] =	vst.idx.msk $0xffff, v16  }
0x3b6: {  	v17 =	vadd.s32 v4, v14;
	[tilespmem:v19+s26+$0x0] =	vst.idx.msk $0xffff, v18;
	v16 =	vld [tilespmem:s29+$0x40]  }
0x3b7: {  	s19 =	simm.s32 $0x7;
	v19 =	vadd.s32 v4, v13;
	v18 =	vld [tilespmem:s29+$0x80];
	[tilespmem:v9+s26+$0x0] =	vst.idx.msk $0xffff, v8  }
0x3b8: {  	s22 =	simm.s32 $0x4;
	v21 =	vadd.s32 v5, v15;
	v8 =	vmov s19;
	[tilespmem:v11+s26+$0x0] =	vst.idx.msk $0xffff, v10;
	v20 =	vld [tilespmem:s29+$0xD0]  }
0x3b9: {  	s28 =	simm.s32 $0xA500;
	v23 =	vadd.s32 v5, v12;
	v9 =	vmov s22;
	s19 =	simm.s32 $0x5;
	v11 =	vand.u32 $0x7F, v8;
	v22 =	vld [tilespmem:s29+$0x10]  }
0x3ba: {  	v50 =	vld [tilespmem:s28+$0xFFFFE0C0];
	s22 =	simm.s32 $0x6;
	v8 =	vand.u32 $0x7C, v9;
	v9 =	vmov s19;
	v51 =	vadd.s32 v0, v11  }
0x3bb: {  	[tilespmem:v17+s26+$0x0] =	vst.idx.msk $0xffff, v16;
	v16 =	vld [tilespmem:s28+$0xFFFFE000];
	v17 =	vadd.s32 v0, v8;
	v10 =	vand.u32 $0x7D, v9;
	v9 =	vmov s22  }
0x3bc: {  	[tilespmem:v19+s26+$0x0] =	vst.idx.msk $0xffff, v18;
	v18 =	vld [tilespmem:s28+$0xFFFFE040];
	v19 =	vadd.s32 v0, v10;
	v9 =	vand.u32 $0x7E, v9  }
0x3bd: {  	v52 =	vld [tilespmem:s28+$0xFFFFE080];
	v53 =	vadd.s32 v0, v9;
	[tilespmem:v21+s26+$0x0] =	vst.idx.msk $0xffff, v20  }
0x3be: {  	[tilespmem:v23+s26+$0x0] =	vst.idx.msk $0xffff, v22;
	v21 =	vadd.s32 v6, v15;
	v20 =	vld [tilespmem:s29+$0xE0]  }
0x3bf: {  	v22 =	vld [tilespmem:s29+$0x50];
	v23 =	vadd.s32 v5, v14;
	[tilespmem:v51+s26+$0x0] =	vst.idx.msk $0xffff, v50  }
0x3c0: {  	[tilespmem:v17+s26+$0x0] =	vst.idx.msk $0xffff, v16;
	v17 =	vadd.s32 v1, v11;
	v16 =	vld [tilespmem:s28+$0xFFFFE0D0]  }
0x3c1: {  	v55 =	vadd.s32 v1, v8;
	v54 =	vld [tilespmem:s28+$0xFFFFE010];
	[tilespmem:v19+s26+$0x0] =	vst.idx.msk $0xffff, v18  }
0x3c2: {  	v19 =	vadd.s32 v1, v10;
	v18 =	vld [tilespmem:s28+$0xFFFFE050];
	[tilespmem:v53+s26+$0x0] =	vst.idx.msk $0xffff, v52  }
0x3c3: {  	v56 =	vadd.s32 v1, v9;
	v26 =	vld [tilespmem:s28+$0xFFFFE090];
	[tilespmem:v21+s26+$0x0] =	vst.idx.msk $0xffff, v20  }
0x3c4: {  	v15 =	vadd.s32 v7, v15;
	[tilespmem:v23+s26+$0x0] =	vst.idx.msk $0xffff, v22;
	v20 =	vld [tilespmem:s29+$0xF0]  }
0x3c5: {  	[tilespmem:v17+s26+$0x0] =	vst.idx.msk $0xffff, v16;
	v16 =	vld [tilespmem:s29+$0x90];
	v17 =	vadd.s32 v5, v13  }
0x3c6: {  	v22 =	vadd.s32 v2, v11;
	[tilespmem:v55+s26+$0x0] =	vst.idx.msk $0xffff, v54;
	v21 =	vld [tilespmem:s28+$0xFFFFE0E0]  }
0x3c7: {  	v57 =	vadd.s32 v2, v8;
	v23 =	vld [tilespmem:s28+$0xFFFFE020];
	[tilespmem:v19+s26+$0x0] =	vst.idx.msk $0xffff, v18  }
0x3c8: {  	v19 =	vadd.s32 v2, v10;
	v18 =	vld [tilespmem:s28+$0xFFFFE060];
	[tilespmem:v56+s26+$0x0] =	vst.idx.msk $0xffff, v26  }
0x3c9: {  	v59 =	vadd.s32 v2, v9;
	v58 =	vld [tilespmem:s28+$0xFFFFE0A0];
	[tilespmem:v15+s26+$0x0] =	vst.idx.msk $0xffff, v20  }
0x3ca: {  	v15 =	vld [tilespmem:s29+$0x60];
	v20 =	vadd.s32 v6, v14;
	[tilespmem:v17+s26+$0x0] =	vst.idx.msk $0xffff, v16  }
0x3cb: {  	v17 =	vadd.s32 v6, v13;
	[tilespmem:v22+s26+$0x0] =	vst.idx.msk $0xffff, v21;
	v16 =	vld [tilespmem:s29+$0xA0]  }
0x3cc: {  	[tilespmem:v57+s26+$0x0] =	vst.idx.msk $0xffff, v23;
	v22 =	vadd.s32 v3, v11;
	v21 =	vld [tilespmem:s28+$0xFFFFE0F0]  }
0x3cd: {  	v60 =	vadd.s32 v3, v8;
	v23 =	vld [tilespmem:s28+$0xFFFFE030];
	[tilespmem:v19+s26+$0x0] =	vst.idx.msk $0xffff, v18  }
0x3ce: {  	v19 =	vadd.s32 v3, v10;
	v18 =	vld [tilespmem:s28+$0xFFFFE070];
	[tilespmem:v59+s26+$0x0] =	vst.idx.msk $0xffff, v58  }
0x3cf: {  	v61 =	vadd.s32 v3, v9;
	v25 =	vld [tilespmem:s28+$0xFFFFE0B0];
	[tilespmem:v20+s26+$0x0] =	vst.idx.msk $0xffff, v15  }
0x3d0: {  	v62 =	vadd.s32 v6, v12;
	v15 =	vld [tilespmem:s29+$0x20];
	[tilespmem:v17+s26+$0x0] =	vst.idx.msk $0xffff, v16  }
0x3d1: {  	v14 =	vadd.s32 v7, v14;
	v16 =	vld [tilespmem:s29+$0x70];
	[tilespmem:v22+s26+$0x0] =	vst.idx.msk $0xffff, v21  }
0x3d2: {  	v63 =	vadd.s32 v4, v11;
	[tilespmem:v60+s26+$0x0] =	vst.idx.msk $0xffff, v23;
	v23 =	vld [tilespmem:s28+$0xC0]  }
0x3d3: {  	v22 =	vadd.s32 v4, v8;
	v20 =	vld [tilespmem:s28+$0x0];
	[tilespmem:v19+s26+$0x0] =	vst.idx.msk $0xffff, v18  }
0x3d4: {  	v21 =	vadd.s32 v4, v10;
	v18 =	vld [tilespmem:s28+$0x40];
	[tilespmem:v61+s26+$0x0] =	vst.idx.msk $0xffff, v25  }
0x3d5: {  	v19 =	vadd.s32 v4, v9;
	v17 =	vld [tilespmem:s28+$0x80];
	[tilespmem:v62+s26+$0x0] =	vst.idx.msk $0xffff, v15  }
0x3d6: {  	s0 =	simm.s32 $0x8;
	v13 =	vadd.s32 v7, v13;
	[tilespmem:v14+s26+$0x0] =	vst.idx.msk $0xffff, v16;
	v14 =	vld [tilespmem:s29+$0xB0]  }
0x3d7: {  	s19 =	simm.s32 $0xB;
	s22 =	simm.s32 $0xC;
	v15 =	vld [tilespmem:s29+$0x30];
	v16 =	vadd.s32 v7, v12;
	s29 =	simm.s32 $0xA500;
	[tilespmem:v63+s26+$0x0] =	vst.idx.msk $0xffff, v23  }
.LBB2_7:
0x3d8: {  	p0 =	slt.u32 s22, $0x7C;
	v12 =	vmov s19;
	[tilespmem:v22+s26+$0x0] =	vst.idx.msk $0xffff, v20;
	v20 =	vld [tilespmem:s28+$0xD0];
	v22 =	vadd.s32 v5, v11  }
0x3d9: {  	v23 =	vmov s0;
	s19 =	sadd.s32 $0x1, s0;
	v26 =	vadd.s32 v5, v8;
	s28 =	sadd.s32 $0x100, s28;
	v24 =	vand.u32 $0x7F, v12;
	v25 =	vld [tilespmem:s29+$0x10];
	[tilespmem:v21+s26+$0x0] =	vst.idx.msk $0xffff, v18  }
0x3da: {  	v12 =	vand.u32 $0x7C, v23;
	v18 =	vmov s19;
	s19 =	sadd.s32 $0x2, s0;
	s0 =	smov.u32 s22;
	v21 =	vld [tilespmem:s28+$0xFFFFE0C0];
	v23 =	vadd.s32 v0, v24;
	[tilespmem:v19+s26+$0x0] =	vst.idx.msk $0xffff, v17  }
0x3db: {  	v19 =	vadd.s32 v0, v12;
	v18 =	vand.u32 $0x7D, v18;
	v27 =	vmov s19;
	v17 =	vld [tilespmem:s28+$0xFFFFE000];
	[tilespmem:v13+s26+$0x0] =	vst.idx.msk $0xffff, v14  }
0x3dc: {  	v14 =	vadd.s32 v0, v18;
	v27 =	vand.u32 $0x7E, v27;
	v13 =	vld [tilespmem:s28+$0xFFFFE040];
	[tilespmem:v16+s26+$0x0] =	vst.idx.msk $0xffff, v15  }
0x3dd: {  	v16 =	vadd.s32 v0, v27;
	v15 =	vld [tilespmem:s28+$0xFFFFE080];
	[tilespmem:v22+s26+$0x0] =	vst.idx.msk $0xffff, v20  }
0x3de: {  	v22 =	vadd.s32 v6, v11;
	[tilespmem:v26+s26+$0x0] =	vst.idx.msk $0xffff, v25;
	v20 =	vld [tilespmem:s29+$0xE0]  }
0x3df: {  	[tilespmem:v23+s26+$0x0] =	vst.idx.msk $0xffff, v21;
	v21 =	vld [tilespmem:s29+$0x50];
	v23 =	vadd.s32 v5, v10  }
0x3e0: {  	[tilespmem:v19+s26+$0x0] =	vst.idx.msk $0xffff, v17;
	v17 =	vld [tilespmem:s28+$0xFFFFE0D0];
	v19 =	vadd.s32 v1, v24  }
0x3e1: {  	v26 =	vadd.s32 v1, v12;
	v25 =	vld [tilespmem:s28+$0xFFFFE010];
	[tilespmem:v14+s26+$0x0] =	vst.idx.msk $0xffff, v13  }
0x3e2: {  	v14 =	vadd.s32 v1, v18;
	v13 =	vld [tilespmem:s28+$0xFFFFE050];
	[tilespmem:v16+s26+$0x0] =	vst.idx.msk $0xffff, v15  }
0x3e3: {  	v16 =	vadd.s32 v1, v27;
	v15 =	vld [tilespmem:s28+$0xFFFFE090];
	[tilespmem:v22+s26+$0x0] =	vst.idx.msk $0xffff, v20  }
0x3e4: {  	[tilespmem:v23+s26+$0x0] =	vst.idx.msk $0xffff, v21;
	v20 =	vld [tilespmem:s29+$0xF0];
	v21 =	vadd.s32 v7, v11;
	v11 =	vmov v24  }
0x3e5: {  	[tilespmem:v19+s26+$0x0] =	vst.idx.msk $0xffff, v17;
	v17 =	vld [tilespmem:s29+$0x90];
	v19 =	vadd.s32 v5, v9  }
0x3e6: {  	v23 =	vadd.s32 v2, v11;
	[tilespmem:v26+s26+$0x0] =	vst.idx.msk $0xffff, v25;
	v22 =	vld [tilespmem:s28+$0xFFFFE0E0]  }
0x3e7: {  	v25 =	vadd.s32 v2, v12;
	v24 =	vld [tilespmem:s28+$0xFFFFE020];
	[tilespmem:v14+s26+$0x0] =	vst.idx.msk $0xffff, v13  }
0x3e8: {  	v14 =	vadd.s32 v2, v18;
	v13 =	vld [tilespmem:s28+$0xFFFFE060];
	[tilespmem:v16+s26+$0x0] =	vst.idx.msk $0xffff, v15  }
0x3e9: {  	v16 =	vadd.s32 v2, v27;
	v15 =	vld [tilespmem:s28+$0xFFFFE0A0];
	[tilespmem:v21+s26+$0x0] =	vst.idx.msk $0xffff, v20  }
0x3ea: {  	v21 =	vadd.s32 v6, v10;
	v20 =	vld [tilespmem:s29+$0x60];
	[tilespmem:v19+s26+$0x0] =	vst.idx.msk $0xffff, v17  }
0x3eb: {  	v19 =	vadd.s32 v6, v9;
	[tilespmem:v23+s26+$0x0] =	vst.idx.msk $0xffff, v22;
	v17 =	vld [tilespmem:s29+$0xA0]  }
0x3ec: {  	v23 =	vadd.s32 v3, v11;
	[tilespmem:v25+s26+$0x0] =	vst.idx.msk $0xffff, v24;
	v22 =	vld [tilespmem:s28+$0xFFFFE0F0]  }
0x3ed: {  	v25 =	vadd.s32 v3, v12;
	v24 =	vld [tilespmem:s28+$0xFFFFE030];
	[tilespmem:v14+s26+$0x0] =	vst.idx.msk $0xffff, v13  }
0x3ee: {  	v14 =	vadd.s32 v3, v18;
	v13 =	vld [tilespmem:s28+$0xFFFFE070];
	[tilespmem:v16+s26+$0x0] =	vst.idx.msk $0xffff, v15  }
0x3ef: {  	v16 =	vadd.s32 v3, v27;
	v15 =	vld [tilespmem:s28+$0xFFFFE0B0];
	[tilespmem:v21+s26+$0x0] =	vst.idx.msk $0xffff, v20  }
0x3f0: {  	v28 =	vadd.s32 v6, v8;
	v26 =	vld [tilespmem:s29+$0x20];
	[tilespmem:v19+s26+$0x0] =	vst.idx.msk $0xffff, v17  }
0x3f1: {  	v29 =	vadd.s32 v7, v10;
	v10 =	vmov v18;
	[tilespmem:v23+s26+$0x0] =	vst.idx.msk $0xffff, v22;
	v23 =	vld [tilespmem:s29+$0x70]  }
0x3f2: {  	[tilespmem:v25+s26+$0x0] =	vst.idx.msk $0xffff, v24;
	v24 =	vld [tilespmem:s28+$0xC0];
	v25 =	vadd.s32 v4, v11  }
.Ltmp2:
0x3f3: {  	v22 =	vadd.s32 v4, v12;
	v20 =	vld [tilespmem:s28+$0x0];
	[tilespmem:v14+s26+$0x0] =	vst.idx.msk $0xffff, v13;
	(pc) =	sbr.rel @p0 .LBB2_7-.Ltmp2, $4  }
0x3f4: {  	v21 =	vadd.s32 v4, v10;
	v18 =	vld [tilespmem:s28+$0x40];
	[tilespmem:v16+s26+$0x0] =	vst.idx.msk $0xffff, v15  }
0x3f5: {  	v19 =	vadd.s32 v4, v27;
	v17 =	vld [tilespmem:s28+$0x80];
	[tilespmem:v28+s26+$0x0] =	vst.idx.msk $0xffff, v26  }
0x3f6: {  	v13 =	vadd.s32 v7, v9;
	v9 =	vmov v27;
	[tilespmem:v29+s26+$0x0] =	vst.idx.msk $0xffff, v23;
	v14 =	vld [tilespmem:s29+$0xB0]  }
0x3f7: {  	s22 =	sadd.s32 $0x4, s22;
	s19 =	sadd.s32 $0x3, s0;
	v16 =	vadd.s32 v7, v8;
	v8 =	vmov v12;
	[tilespmem:v25+s26+$0x0] =	vst.idx.msk $0xffff, v24;
	v15 =	vld [tilespmem:s29+$0x30];
	s29 =	smov.u32 s28  }
0x3f8: {  	_ =	sdelay $0x1  }
0x3f9: {  	v12 =	vmov s19  }
0x3fa: {  	s19 =	sadd.s32 $0x1, s0;
	s22 =	sadd.s32 $0x100, s28;
	v27 =	vmov s0;
	v12 =	vand.u32 $0x7F, v12  }
0x3fb: {  	[tilespmem:v22+s26+$0x0] =	vst.idx.msk $0xffff, v20;
	v23 =	vmov s19;
	v24 =	vld [tilespmem:s22+$0xFFFFE0C0];
	v20 =	vand.u32 $0x7C, v27;
	v25 =	vadd.s32 v0, v12  }
0x3fc: {  	s19 =	sadd.s32 $0x2, s0;
	[tilespmem:v21+s26+$0x0] =	vst.idx.msk $0xffff, v18;
	v18 =	vld [tilespmem:s22+$0xFFFFE000];
	v23 =	vand.u32 $0x7D, v23;
	v21 =	vadd.s32 v0, v20  }
0x3fd: {  	v28 =	vld [tilespmem:s22+$0xFFFFE040];
	v26 =	vmov s19;
	v29 =	vadd.s32 v0, v23  }
0x3fe: {  	[tilespmem:v19+s26+$0x0] =	vst.idx.msk $0xffff, v17;
	v26 =	vand.u32 $0x7E, v26  }
0x3ff: {  	v22 =	vld [tilespmem:s22+$0xFFFFE080];
	[tilespmem:v13+s26+$0x0] =	vst.idx.msk $0xffff, v14;
	v40 =	vadd.s32 v0, v26  }
0x400: {  	[tilespmem:v25+s26+$0x0] =	vst.idx.msk $0xffff, v24  }
0x401: {  	v19 =	vadd.s32 v1, v12;
	[tilespmem:v21+s26+$0x0] =	vst.idx.msk $0xffff, v18;
	v17 =	vld [tilespmem:s22+$0xFFFFE0D0]  }
0x402: {  	v14 =	vadd.s32 v1, v20;
	[tilespmem:v29+s26+$0x0] =	vst.idx.msk $0xffff, v28;
	v13 =	vld [tilespmem:s22+$0xFFFFE010]  }
0x403: {  	v42 =	vadd.s32 v1, v23;
	v41 =	vld [tilespmem:s22+$0xFFFFE050]  }
0x404: {  	v43 =	vadd.s32 v5, v11;
	[tilespmem:v40+s26+$0x0] =	vst.idx.msk $0xffff, v22;
	v22 =	vld [tilespmem:s28+$0xD0]  }
0x405: {  	[tilespmem:v16+s26+$0x0] =	vst.idx.msk $0xffff, v15;
	v21 =	vadd.s32 v1, v26;
	v18 =	vld [tilespmem:s22+$0xFFFFE090]  }
0x406: {  	v15 =	vld [tilespmem:s29+$0x10];
	v16 =	vadd.s32 v5, v8;
	[tilespmem:v19+s26+$0x0] =	vst.idx.msk $0xffff, v17  }
0x407: {  	[tilespmem:v14+s26+$0x0] =	vst.idx.msk $0xffff, v13  }
0x408: {  	v19 =	vadd.s32 v2, v12;
	v17 =	vld [tilespmem:s22+$0xFFFFE0E0];
	[tilespmem:v42+s26+$0x0] =	vst.idx.msk $0xffff, v41  }
0x409: {  	v44 =	vadd.s32 v2, v23;
	[tilespmem:v43+s26+$0x0] =	vst.idx.msk $0xffff, v22;
	v24 =	vld [tilespmem:s22+$0xFFFFE060]  }
0x40a: {  	[tilespmem:v21+s26+$0x0] =	vst.idx.msk $0xffff, v18;
	v18 =	vld [tilespmem:s22+$0xFFFFE020];
	v21 =	vadd.s32 v2, v20  }
0x40b: {  	[tilespmem:v16+s26+$0x0] =	vst.idx.msk $0xffff, v15;
	v16 =	vadd.s32 v6, v11;
	v15 =	vld [tilespmem:s29+$0xE0]  }
0x40c: {  	v14 =	vadd.s32 v2, v26;
	v13 =	vld [tilespmem:s22+$0xFFFFE0A0]  }
0x40d: {  	v45 =	vadd.s32 v5, v10;
	v22 =	vld [tilespmem:s29+$0x50];
	[tilespmem:v19+s26+$0x0] =	vst.idx.msk $0xffff, v17  }
0x40e: {  	v19 =	vadd.s32 v3, v12;
	v17 =	vld [tilespmem:s22+$0xFFFFE0F0];
	[tilespmem:v44+s26+$0x0] =	vst.idx.msk $0xffff, v24  }
0x40f: {  	v46 =	vadd.s32 v3, v23;
	[tilespmem:v21+s26+$0x0] =	vst.idx.msk $0xffff, v18;
	v24 =	vld [tilespmem:s22+$0xFFFFE070]  }
0x410: {  	[tilespmem:v16+s26+$0x0] =	vst.idx.msk $0xffff, v15;
	v16 =	vadd.s32 v3, v20;
	v15 =	vld [tilespmem:s22+$0xFFFFE030]  }
0x411: {  	v11 =	vadd.s32 v7, v11;
	[tilespmem:v14+s26+$0x0] =	vst.idx.msk $0xffff, v13;
	v18 =	vld [tilespmem:s29+$0xF0]  }
0x412: {  	[tilespmem:v45+s26+$0x0] =	vst.idx.msk $0xffff, v22;
	v14 =	vadd.s32 v3, v26;
	v13 =	vld [tilespmem:s22+$0xFFFFE0B0]  }
0x413: {  	[tilespmem:v19+s26+$0x0] =	vst.idx.msk $0xffff, v17  }
0x414: {  	v22 =	vadd.s32 v5, v9;
	v21 =	vld [tilespmem:s29+$0x90];
	[tilespmem:v46+s26+$0x0] =	vst.idx.msk $0xffff, v24  }
0x415: {  	v19 =	vadd.s32 v4, v12;
	v17 =	vld [tilespmem:s22+$0xC0];
	[tilespmem:v16+s26+$0x0] =	vst.idx.msk $0xffff, v15  }
0x416: {  	v47 =	vadd.s32 v4, v23;
	[tilespmem:v11+s26+$0x0] =	vst.idx.msk $0xffff, v18;
	v24 =	vld [tilespmem:s22+$0x40]  }
0x417: {  	v15 =	vadd.s32 v4, v20;
	[tilespmem:v14+s26+$0x0] =	vst.idx.msk $0xffff, v13;
	v11 =	vld [tilespmem:s22+$0x0]  }
0x418: {  	v14 =	vadd.s32 v4, v26;
	v13 =	vld [tilespmem:s22+$0x80]  }
0x419: {  	[tilespmem:v22+s26+$0x0] =	vst.idx.msk $0xffff, v21;
	v16 =	vld [tilespmem:s29+$0x60];
	v18 =	vadd.s32 v6, v10  }
0x41a: {  	[tilespmem:v19+s26+$0x0] =	vst.idx.msk $0xffff, v17  }
0x41b: {  	v22 =	vadd.s32 v6, v9;
	v21 =	vld [tilespmem:s29+$0xA0];
	[tilespmem:v47+s26+$0x0] =	vst.idx.msk $0xffff, v24  }
0x41c: {  	v19 =	vadd.s32 v5, v12;
	v17 =	vld [tilespmem:s22+$0xD0];
	[tilespmem:v15+s26+$0x0] =	vst.idx.msk $0xffff, v11  }
0x41d: {  	[tilespmem:v14+s26+$0x0] =	vst.idx.msk $0xffff, v13;
	v13 =	vld [tilespmem:s22+$0x50];
	v14 =	vadd.s32 v5, v23  }
0x41e: {  	[tilespmem:v18+s26+$0x0] =	vst.idx.msk $0xffff, v16;
	v18 =	vadd.s32 v5, v20;
	v16 =	vld [tilespmem:s22+$0x10]  }
0x41f: {  	v15 =	vadd.s32 v5, v26;
	v11 =	vld [tilespmem:s22+$0x90]  }
0x420: {  	v49 =	vadd.s32 v6, v8;
	v48 =	vld [tilespmem:s29+$0x20];
	[tilespmem:v22+s26+$0x0] =	vst.idx.msk $0xffff, v21  }
0x421: {  	v10 =	vadd.s32 v7, v10;
	v21 =	vld [tilespmem:s29+$0x70];
	[tilespmem:v19+s26+$0x0] =	vst.idx.msk $0xffff, v17  }
0x422: {  	v19 =	vadd.s32 v6, v12;
	v17 =	vld [tilespmem:s22+$0xE0];
	[tilespmem:v14+s26+$0x0] =	vst.idx.msk $0xffff, v13  }
0x423: {  	v14 =	vadd.s32 v6, v23;
	[tilespmem:v18+s26+$0x0] =	vst.idx.msk $0xffff, v16;
	v13 =	vld [tilespmem:s22+$0x60]  }
0x424: {  	v18 =	vadd.s32 v6, v20;
	[tilespmem:v15+s26+$0x0] =	vst.idx.msk $0xffff, v11;
	v16 =	vld [tilespmem:s22+$0x20]  }
0x425: {  	[tilespmem:v49+s26+$0x0] =	vst.idx.msk $0xffff, v48;
	v15 =	vadd.s32 v6, v26;
	v11 =	vld [tilespmem:s22+$0xA0]  }
0x426: {  	v9 =	vadd.s32 v7, v9;
	[tilespmem:v10+s26+$0x0] =	vst.idx.msk $0xffff, v21;
	v10 =	vld [tilespmem:s29+$0xB0]  }
0x427: {  	[tilespmem:v19+s26+$0x0] =	vst.idx.msk $0xffff, v17  }
0x428: {  	v8 =	vadd.s32 v7, v8;
	v21 =	vld [tilespmem:s29+$0x30];
	[tilespmem:v14+s26+$0x0] =	vst.idx.msk $0xffff, v13  }
0x429: {  	v12 =	vadd.s32 v7, v12;
	v17 =	vld [tilespmem:s22+$0xF0];
	[tilespmem:v18+s26+$0x0] =	vst.idx.msk $0xffff, v16  }
0x42a: {  	v13 =	vadd.s32 v7, v23;
	[tilespmem:v15+s26+$0x0] =	vst.idx.msk $0xffff, v11;
	v11 =	vld [tilespmem:s22+$0x70]  }
0x42b: {  	[tilespmem:v9+s26+$0x0] =	vst.idx.msk $0xffff, v10;
	v10 =	vadd.s32 v7, v20;
	v9 =	vld [tilespmem:s22+$0x30]  }
0x42c: {  	v15 =	vadd.s32 v7, v26;
	v14 =	vld [tilespmem:s22+$0xB0]  }
0x42d: {  	[tilespmem:v8+s26+$0x0] =	vst.idx.msk $0xffff, v21  }
0x42e: {  	[tilespmem:v12+s26+$0x0] =	vst.idx.msk $0xffff, v17  }
0x42f: {  	s19 =	sor.u32 s7, s10;
	[tilespmem:v13+s26+$0x0] =	vst.idx.msk $0xffff, v11  }
0x430: {  	s29 =	sshrl.u32 s19, $0x3;
	[tilespmem:v10+s26+$0x0] =	vst.idx.msk $0xffff, v9  }
0x431: {  	s28 =	simm.s32 $0x0;
	s0 =	sadd.s32 s1, s29;
	[tilespmem:v15+s26+$0x0] =	vst.idx.msk $0xffff, v14  }
0x432: {  	[hbm4b:s0+s28] =	stream.linear.scatter [tilespmem:s26], [sflag:$0x5], $0x80, $0x38;
	[tilespmem:$0x18C00] =	vst v63  }
0x433: {  	s19 =	sadd.s32 $0x10, s0;
	s22 =	simm.s32 $0x10488  }
0x434: {  	[hbm4b:s19+s28] =	stream.linear.scatter [tilespmem:s22], [sflag:$0x5], $0x80, $0x38;
	[tilespmem:$0x18C00] =	vst v63  }
0x435: {  	s19 =	sadd.s32 $0x20, s0;
	s22 =	simm.s32 $0x10510  }
0x436: {  	[hbm4b:s19+s28] =	stream.linear.scatter [tilespmem:s22], [sflag:$0x5], $0x80, $0x38;
	[tilespmem:$0x18C00] =	vst v63  }
0x437: {  	s19 =	sadd.s32 $0x30, s0;
	s22 =	simm.s32 $0x10598  }
0x438: {  	[hbm4b:s19+s28] =	stream.linear.scatter [tilespmem:s22], [sflag:$0x5], $0x80, $0x38;
	[tilespmem:$0x18C00] =	vst v63  }
0x439: {  	s19 =	sadd.s32 $0x40, s0;
	s22 =	simm.s32 $0x10620  }
0x43a: {  	[hbm4b:s19+s28] =	stream.linear.scatter [tilespmem:s22], [sflag:$0x5], $0x80, $0x38;
	[tilespmem:$0x18C00] =	vst v63  }
0x43b: {  	s19 =	sadd.s32 $0x50, s0;
	s22 =	simm.s32 $0x106A8  }
0x43c: {  	[hbm4b:s19+s28] =	stream.linear.scatter [tilespmem:s22], [sflag:$0x5], $0x80, $0x38;
	[tilespmem:$0x18C00] =	vst v63  }
0x43d: {  	s19 =	sadd.s32 $0x60, s0;
	s22 =	simm.s32 $0x10730  }
0x43e: {  	[hbm4b:s19+s28] =	stream.linear.scatter [tilespmem:s22], [sflag:$0x5], $0x80, $0x38;
	[tilespmem:$0x18C00] =	vst v63  }
0x43f: {  	s19 =	sadd.s32 $0x70, s0;
	s22 =	simm.s32 $0x107B8  }
0x440: {  	[hbm4b:s19+s28] =	stream.linear.scatter [tilespmem:s22], [sflag:$0x5], $0x80, $0x38;
	[tilespmem:$0x18C00] =	vst v63  }
0x441: {  	s19 =	sadd.s32 $0x80, s0;
	s22 =	simm.s32 $0x12600  }
0x442: {  	[hbm4b:s19+s28] =	stream.linear.scatter [tilespmem:s22], [sflag:$0x5], $0x80, $0x38;
	[tilespmem:$0x18C00] =	vst v63  }
0x443: {  	s19 =	sadd.s32 $0x90, s0;
	s22 =	simm.s32 $0x12688  }
0x444: {  	[hbm4b:s19+s28] =	stream.linear.scatter [tilespmem:s22], [sflag:$0x5], $0x80, $0x38;
	[tilespmem:$0x18C00] =	vst v63  }
0x445: {  	s19 =	sadd.s32 $0xA0, s0;
	s22 =	simm.s32 $0x12710  }
0x446: {  	[hbm4b:s19+s28] =	stream.linear.scatter [tilespmem:s22], [sflag:$0x5], $0x80, $0x38;
	[tilespmem:$0x18C00] =	vst v63  }
0x447: {  	s19 =	sadd.s32 $0xB0, s0;
	s22 =	simm.s32 $0x12798  }
0x448: {  	[hbm4b:s19+s28] =	stream.linear.scatter [tilespmem:s22], [sflag:$0x5], $0x80, $0x38;
	[tilespmem:$0x18C00] =	vst v63  }
0x449: {  	s19 =	sadd.s32 $0xC0, s0;
	s22 =	simm.s32 $0x12820  }
0x44a: {  	[hbm4b:s19+s28] =	stream.linear.scatter [tilespmem:s22], [sflag:$0x5], $0x80, $0x38;
	[tilespmem:$0x18C00] =	vst v63  }
0x44b: {  	s19 =	sadd.s32 $0xD0, s0;
	s22 =	simm.s32 $0x128A8  }
0x44c: {  	[hbm4b:s19+s28] =	stream.linear.scatter [tilespmem:s22], [sflag:$0x5], $0x80, $0x38;
	[tilespmem:$0x18C00] =	vst v63  }
0x44d: {  	s19 =	sadd.s32 $0xE0, s0;
	s22 =	simm.s32 $0x12930  }
0x44e: {  	[hbm4b:s19+s28] =	stream.linear.scatter [tilespmem:s22], [sflag:$0x5], $0x80, $0x38;
	[tilespmem:$0x18C00] =	vst v63  }
0x44f: {  	s0 =	sadd.s32 $0xF0, s0;
	s22 =	simm.s32 $0x129B8  }
0x450: {  	[hbm4b:s0+s28] =	stream.linear.scatter [tilespmem:s22], [sflag:$0x5], $0x80, $0x38;
	[tilespmem:$0x18C00] =	vst v63  }
0x451: {  	s0 =	sadd.s32 s29, s11;
	s22 =	simm.s32 $0x10840  }
0x452: {  	[hbm4b:s0+s28] =	stream.linear.scatter [tilespmem:s22], [sflag:$0x5], $0x80, $0x38;
	[tilespmem:$0x18C00] =	vst v63  }
0x453: {  	s19 =	sadd.s32 $0x10, s0;
	s22 =	simm.s32 $0x108C8  }
0x454: {  	[hbm4b:s19+s28] =	stream.linear.scatter [tilespmem:s22], [sflag:$0x5], $0x80, $0x38;
	[tilespmem:$0x18C00] =	vst v63  }
0x455: {  	s19 =	sadd.s32 $0x20, s0;
	s22 =	simm.s32 $0x10950  }
0x456: {  	[hbm4b:s19+s28] =	stream.linear.scatter [tilespmem:s22], [sflag:$0x5], $0x80, $0x38;
	[tilespmem:$0x18C00] =	vst v63  }
0x457: {  	s19 =	sadd.s32 $0x30, s0;
	s22 =	simm.s32 $0x109D8  }
0x458: {  	[hbm4b:s19+s28] =	stream.linear.scatter [tilespmem:s22], [sflag:$0x5], $0x80, $0x38;
	[tilespmem:$0x18C00] =	vst v63  }
0x459: {  	s19 =	sadd.s32 $0x40, s0;
	s22 =	simm.s32 $0x10A60  }
0x45a: {  	[hbm4b:s19+s28] =	stream.linear.scatter [tilespmem:s22], [sflag:$0x5], $0x80, $0x38;
	[tilespmem:$0x18C00] =	vst v63  }
0x45b: {  	s19 =	sadd.s32 $0x50, s0;
	s22 =	simm.s32 $0x10AE8  }
0x45c: {  	[hbm4b:s19+s28] =	stream.linear.scatter [tilespmem:s22], [sflag:$0x5], $0x80, $0x38;
	[tilespmem:$0x18C00] =	vst v63  }
0x45d: {  	s19 =	sadd.s32 $0x60, s0;
	s22 =	simm.s32 $0x10B70  }
0x45e: {  	[hbm4b:s19+s28] =	stream.linear.scatter [tilespmem:s22], [sflag:$0x5], $0x80, $0x38;
	[tilespmem:$0x18C00] =	vst v63  }
0x45f: {  	s19 =	sadd.s32 $0x70, s0;
	s22 =	simm.s32 $0x10BF8  }
0x460: {  	[hbm4b:s19+s28] =	stream.linear.scatter [tilespmem:s22], [sflag:$0x5], $0x80, $0x38;
	[tilespmem:$0x18C00] =	vst v63  }
0x461: {  	s19 =	sadd.s32 $0x80, s0;
	s22 =	simm.s32 $0x12A40  }
0x462: {  	[hbm4b:s19+s28] =	stream.linear.scatter [tilespmem:s22], [sflag:$0x5], $0x80, $0x38;
	[tilespmem:$0x18C00] =	vst v63  }
0x463: {  	s19 =	sadd.s32 $0x90, s0;
	s22 =	simm.s32 $0x12AC8  }
0x464: {  	[hbm4b:s19+s28] =	stream.linear.scatter [tilespmem:s22], [sflag:$0x5], $0x80, $0x38;
	[tilespmem:$0x18C00] =	vst v63  }
0x465: {  	s19 =	sadd.s32 $0xA0, s0;
	s22 =	simm.s32 $0x12B50  }
0x466: {  	[hbm4b:s19+s28] =	stream.linear.scatter [tilespmem:s22], [sflag:$0x5], $0x80, $0x38;
	[tilespmem:$0x18C00] =	vst v63  }
0x467: {  	s19 =	sadd.s32 $0xB0, s0;
	s22 =	simm.s32 $0x12BD8  }
0x468: {  	[hbm4b:s19+s28] =	stream.linear.scatter [tilespmem:s22], [sflag:$0x5], $0x80, $0x38;
	[tilespmem:$0x18C00] =	vst v63  }
0x469: {  	s19 =	sadd.s32 $0xC0, s0;
	s22 =	simm.s32 $0x12C60  }
0x46a: {  	[hbm4b:s19+s28] =	stream.linear.scatter [tilespmem:s22], [sflag:$0x5], $0x80, $0x38;
	[tilespmem:$0x18C00] =	vst v63  }
0x46b: {  	s19 =	sadd.s32 $0xD0, s0;
	s22 =	simm.s32 $0x12CE8  }
0x46c: {  	[hbm4b:s19+s28] =	stream.linear.scatter [tilespmem:s22], [sflag:$0x5], $0x80, $0x38;
	[tilespmem:$0x18C00] =	vst v63  }
0x46d: {  	s19 =	sadd.s32 $0xE0, s0;
	s22 =	simm.s32 $0x12D70  }
0x46e: {  	[hbm4b:s19+s28] =	stream.linear.scatter [tilespmem:s22], [sflag:$0x5], $0x80, $0x38;
	[tilespmem:$0x18C00] =	vst v63  }
0x46f: {  	s0 =	sadd.s32 $0xF0, s0;
	s22 =	simm.s32 $0x12DF8  }
0x470: {  	[hbm4b:s0+s28] =	stream.linear.scatter [tilespmem:s22], [sflag:$0x5], $0x80, $0x38;
	[tilespmem:$0x18C00] =	vst v63  }
0x471: {  	s0 =	sadd.s32 s29, s12;
	s22 =	simm.s32 $0x10C80  }
0x472: {  	[hbm4b:s0+s28] =	stream.linear.scatter [tilespmem:s22], [sflag:$0x5], $0x80, $0x38;
	[tilespmem:$0x18C00] =	vst v63  }
0x473: {  	s19 =	sadd.s32 $0x10, s0;
	s22 =	simm.s32 $0x10D08  }
0x474: {  	[hbm4b:s19+s28] =	stream.linear.scatter [tilespmem:s22], [sflag:$0x5], $0x80, $0x38;
	[tilespmem:$0x18C00] =	vst v63  }
0x475: {  	s19 =	sadd.s32 $0x20, s0;
	s22 =	simm.s32 $0x10D90  }
0x476: {  	[hbm4b:s19+s28] =	stream.linear.scatter [tilespmem:s22], [sflag:$0x5], $0x80, $0x38;
	[tilespmem:$0x18C00] =	vst v63  }
0x477: {  	s19 =	sadd.s32 $0x30, s0;
	s22 =	simm.s32 $0x10E18  }
0x478: {  	[hbm4b:s19+s28] =	stream.linear.scatter [tilespmem:s22], [sflag:$0x5], $0x80, $0x38;
	[tilespmem:$0x18C00] =	vst v63  }
0x479: {  	s19 =	sadd.s32 $0x40, s0;
	s22 =	simm.s32 $0x10EA0  }
0x47a: {  	[hbm4b:s19+s28] =	stream.linear.scatter [tilespmem:s22], [sflag:$0x5], $0x80, $0x38;
	[tilespmem:$0x18C00] =	vst v63  }
0x47b: {  	s19 =	sadd.s32 $0x50, s0;
	s22 =	simm.s32 $0x10F28  }
0x47c: {  	[hbm4b:s19+s28] =	stream.linear.scatter [tilespmem:s22], [sflag:$0x5], $0x80, $0x38;
	[tilespmem:$0x18C00] =	vst v63  }
0x47d: {  	s19 =	sadd.s32 $0x60, s0;
	s22 =	simm.s32 $0x10FB0  }
0x47e: {  	[hbm4b:s19+s28] =	stream.linear.scatter [tilespmem:s22], [sflag:$0x5], $0x80, $0x38;
	[tilespmem:$0x18C00] =	vst v63  }
0x47f: {  	s19 =	sadd.s32 $0x70, s0;
	s22 =	simm.s32 $0x11038  }
0x480: {  	[hbm4b:s19+s28] =	stream.linear.scatter [tilespmem:s22], [sflag:$0x5], $0x80, $0x38;
	[tilespmem:$0x18C00] =	vst v63  }
0x481: {  	s19 =	sadd.s32 $0x80, s0;
	s22 =	simm.s32 $0x12E80  }
0x482: {  	[hbm4b:s19+s28] =	stream.linear.scatter [tilespmem:s22], [sflag:$0x5], $0x80, $0x38;
	[tilespmem:$0x18C00] =	vst v63  }
0x483: {  	s19 =	sadd.s32 $0x90, s0;
	s22 =	simm.s32 $0x12F08  }
0x484: {  	[hbm4b:s19+s28] =	stream.linear.scatter [tilespmem:s22], [sflag:$0x5], $0x80, $0x38;
	[tilespmem:$0x18C00] =	vst v63  }
0x485: {  	s19 =	sadd.s32 $0xA0, s0;
	s22 =	simm.s32 $0x12F90  }
0x486: {  	[hbm4b:s19+s28] =	stream.linear.scatter [tilespmem:s22], [sflag:$0x5], $0x80, $0x38;
	[tilespmem:$0x18C00] =	vst v63  }
0x487: {  	s19 =	sadd.s32 $0xB0, s0;
	s22 =	simm.s32 $0x13018  }
0x488: {  	[hbm4b:s19+s28] =	stream.linear.scatter [tilespmem:s22], [sflag:$0x5], $0x80, $0x38;
	[tilespmem:$0x18C00] =	vst v63  }
0x489: {  	s19 =	sadd.s32 $0xC0, s0;
	s22 =	simm.s32 $0x130A0  }
0x48a: {  	[hbm4b:s19+s28] =	stream.linear.scatter [tilespmem:s22], [sflag:$0x5], $0x80, $0x38;
	[tilespmem:$0x18C00] =	vst v63  }
0x48b: {  	s19 =	sadd.s32 $0xD0, s0;
	s22 =	simm.s32 $0x13128  }
0x48c: {  	[hbm4b:s19+s28] =	stream.linear.scatter [tilespmem:s22], [sflag:$0x5], $0x80, $0x38;
	[tilespmem:$0x18C00] =	vst v63  }
0x48d: {  	s19 =	sadd.s32 $0xE0, s0;
	s22 =	simm.s32 $0x131B0  }
0x48e: {  	[hbm4b:s19+s28] =	stream.linear.scatter [tilespmem:s22], [sflag:$0x5], $0x80, $0x38;
	[tilespmem:$0x18C00] =	vst v63  }
0x48f: {  	s0 =	sadd.s32 $0xF0, s0;
	s22 =	simm.s32 $0x13238  }
0x490: {  	[hbm4b:s0+s28] =	stream.linear.scatter [tilespmem:s22], [sflag:$0x5], $0x80, $0x38;
	[tilespmem:$0x18C00] =	vst v63  }
0x491: {  	s0 =	sadd.s32 s29, s13;
	s22 =	simm.s32 $0x110C0  }
0x492: {  	[hbm4b:s0+s28] =	stream.linear.scatter [tilespmem:s22], [sflag:$0x5], $0x80, $0x38;
	[tilespmem:$0x18C00] =	vst v63  }
0x493: {  	s19 =	sadd.s32 $0x10, s0;
	s22 =	simm.s32 $0x11148  }
0x494: {  	[hbm4b:s19+s28] =	stream.linear.scatter [tilespmem:s22], [sflag:$0x5], $0x80, $0x38;
	[tilespmem:$0x18C00] =	vst v63  }
0x495: {  	s19 =	sadd.s32 $0x20, s0;
	s22 =	simm.s32 $0x111D0  }
0x496: {  	[hbm4b:s19+s28] =	stream.linear.scatter [tilespmem:s22], [sflag:$0x5], $0x80, $0x38;
	[tilespmem:$0x18C00] =	vst v63  }
0x497: {  	s19 =	sadd.s32 $0x30, s0;
	s22 =	simm.s32 $0x11258  }
0x498: {  	[hbm4b:s19+s28] =	stream.linear.scatter [tilespmem:s22], [sflag:$0x5], $0x80, $0x38;
	[tilespmem:$0x18C00] =	vst v63  }
0x499: {  	s19 =	sadd.s32 $0x40, s0;
	s22 =	simm.s32 $0x112E0  }
0x49a: {  	[hbm4b:s19+s28] =	stream.linear.scatter [tilespmem:s22], [sflag:$0x5], $0x80, $0x38;
	[tilespmem:$0x18C00] =	vst v63  }
0x49b: {  	s19 =	sadd.s32 $0x50, s0;
	s22 =	simm.s32 $0x11368  }
0x49c: {  	[hbm4b:s19+s28] =	stream.linear.scatter [tilespmem:s22], [sflag:$0x5], $0x80, $0x38;
	[tilespmem:$0x18C00] =	vst v63  }
0x49d: {  	s19 =	sadd.s32 $0x60, s0;
	s22 =	simm.s32 $0x113F0  }
0x49e: {  	[hbm4b:s19+s28] =	stream.linear.scatter [tilespmem:s22], [sflag:$0x5], $0x80, $0x38;
	[tilespmem:$0x18C00] =	vst v63  }
0x49f: {  	s19 =	sadd.s32 $0x70, s0;
	s22 =	simm.s32 $0x11478  }
0x4a0: {  	[hbm4b:s19+s28] =	stream.linear.scatter [tilespmem:s22], [sflag:$0x5], $0x80, $0x38;
	[tilespmem:$0x18C00] =	vst v63  }
0x4a1: {  	s19 =	sadd.s32 $0x80, s0;
	s22 =	simm.s32 $0x132C0  }
0x4a2: {  	[hbm4b:s19+s28] =	stream.linear.scatter [tilespmem:s22], [sflag:$0x5], $0x80, $0x38;
	[tilespmem:$0x18C00] =	vst v63  }
0x4a3: {  	s19 =	sadd.s32 $0x90, s0;
	s22 =	simm.s32 $0x13348  }
0x4a4: {  	[hbm4b:s19+s28] =	stream.linear.scatter [tilespmem:s22], [sflag:$0x5], $0x80, $0x38;
	[tilespmem:$0x18C00] =	vst v63  }
0x4a5: {  	s19 =	sadd.s32 $0xA0, s0;
	s22 =	simm.s32 $0x133D0  }
0x4a6: {  	[hbm4b:s19+s28] =	stream.linear.scatter [tilespmem:s22], [sflag:$0x5], $0x80, $0x38;
	[tilespmem:$0x18C00] =	vst v63  }
0x4a7: {  	s19 =	sadd.s32 $0xB0, s0;
	s22 =	simm.s32 $0x13458  }
0x4a8: {  	[hbm4b:s19+s28] =	stream.linear.scatter [tilespmem:s22], [sflag:$0x5], $0x80, $0x38;
	[tilespmem:$0x18C00] =	vst v63  }
0x4a9: {  	s19 =	sadd.s32 $0xC0, s0;
	s22 =	simm.s32 $0x134E0  }
0x4aa: {  	[hbm4b:s19+s28] =	stream.linear.scatter [tilespmem:s22], [sflag:$0x5], $0x80, $0x38;
	[tilespmem:$0x18C00] =	vst v63  }
0x4ab: {  	s19 =	sadd.s32 $0xD0, s0;
	s22 =	simm.s32 $0x13568  }
0x4ac: {  	[hbm4b:s19+s28] =	stream.linear.scatter [tilespmem:s22], [sflag:$0x5], $0x80, $0x38;
	[tilespmem:$0x18C00] =	vst v63  }
0x4ad: {  	s19 =	sadd.s32 $0xE0, s0;
	s22 =	simm.s32 $0x135F0  }
0x4ae: {  	[hbm4b:s19+s28] =	stream.linear.scatter [tilespmem:s22], [sflag:$0x5], $0x80, $0x38;
	[tilespmem:$0x18C00] =	vst v63  }
0x4af: {  	s0 =	sadd.s32 $0xF0, s0;
	s22 =	simm.s32 $0x13678  }
0x4b0: {  	[hbm4b:s0+s28] =	stream.linear.scatter [tilespmem:s22], [sflag:$0x5], $0x80, $0x38;
	[tilespmem:$0x18C00] =	vst v63  }
0x4b1: {  	s0 =	sadd.s32 s29, s14;
	s22 =	simm.s32 $0x11500  }
0x4b2: {  	[hbm4b:s0+s28] =	stream.linear.scatter [tilespmem:s22], [sflag:$0x5], $0x80, $0x38;
	[tilespmem:$0x18C00] =	vst v63  }
0x4b3: {  	s19 =	sadd.s32 $0x10, s0;
	s22 =	simm.s32 $0x11588  }
0x4b4: {  	[hbm4b:s19+s28] =	stream.linear.scatter [tilespmem:s22], [sflag:$0x5], $0x80, $0x38;
	[tilespmem:$0x18C00] =	vst v63  }
0x4b5: {  	s19 =	sadd.s32 $0x20, s0;
	s22 =	simm.s32 $0x11610  }
0x4b6: {  	[hbm4b:s19+s28] =	stream.linear.scatter [tilespmem:s22], [sflag:$0x5], $0x80, $0x38;
	[tilespmem:$0x18C00] =	vst v63  }
0x4b7: {  	s19 =	sadd.s32 $0x30, s0;
	s22 =	simm.s32 $0x11698  }
0x4b8: {  	[hbm4b:s19+s28] =	stream.linear.scatter [tilespmem:s22], [sflag:$0x5], $0x80, $0x38;
	[tilespmem:$0x18C00] =	vst v63  }
0x4b9: {  	s19 =	sadd.s32 $0x40, s0;
	s22 =	simm.s32 $0x11720  }
0x4ba: {  	[hbm4b:s19+s28] =	stream.linear.scatter [tilespmem:s22], [sflag:$0x5], $0x80, $0x38;
	[tilespmem:$0x18C00] =	vst v63  }
0x4bb: {  	s19 =	sadd.s32 $0x50, s0;
	s22 =	simm.s32 $0x117A8  }
0x4bc: {  	[hbm4b:s19+s28] =	stream.linear.scatter [tilespmem:s22], [sflag:$0x5], $0x80, $0x38;
	[tilespmem:$0x18C00] =	vst v63  }
0x4bd: {  	s19 =	sadd.s32 $0x60, s0;
	s22 =	simm.s32 $0x11830  }
0x4be: {  	[hbm4b:s19+s28] =	stream.linear.scatter [tilespmem:s22], [sflag:$0x5], $0x80, $0x38;
	[tilespmem:$0x18C00] =	vst v63  }
0x4bf: {  	s19 =	sadd.s32 $0x70, s0;
	s22 =	simm.s32 $0x118B8  }
0x4c0: {  	[hbm4b:s19+s28] =	stream.linear.scatter [tilespmem:s22], [sflag:$0x5], $0x80, $0x38;
	[tilespmem:$0x18C00] =	vst v63  }
0x4c1: {  	s19 =	sadd.s32 $0x80, s0;
	s22 =	simm.s32 $0x13700  }
0x4c2: {  	[hbm4b:s19+s28] =	stream.linear.scatter [tilespmem:s22], [sflag:$0x5], $0x80, $0x38;
	[tilespmem:$0x18C00] =	vst v63  }
0x4c3: {  	s19 =	sadd.s32 $0x90, s0;
	s22 =	simm.s32 $0x13788  }
0x4c4: {  	[hbm4b:s19+s28] =	stream.linear.scatter [tilespmem:s22], [sflag:$0x5], $0x80, $0x38;
	[tilespmem:$0x18C00] =	vst v63  }
0x4c5: {  	s19 =	sadd.s32 $0xA0, s0;
	s22 =	simm.s32 $0x13810  }
0x4c6: {  	[hbm4b:s19+s28] =	stream.linear.scatter [tilespmem:s22], [sflag:$0x5], $0x80, $0x38;
	[tilespmem:$0x18C00] =	vst v63  }
0x4c7: {  	s19 =	sadd.s32 $0xB0, s0;
	s22 =	simm.s32 $0x13898  }
0x4c8: {  	[hbm4b:s19+s28] =	stream.linear.scatter [tilespmem:s22], [sflag:$0x5], $0x80, $0x38;
	[tilespmem:$0x18C00] =	vst v63  }
0x4c9: {  	s19 =	sadd.s32 $0xC0, s0;
	s22 =	simm.s32 $0x13920  }
0x4ca: {  	[hbm4b:s19+s28] =	stream.linear.scatter [tilespmem:s22], [sflag:$0x5], $0x80, $0x38;
	[tilespmem:$0x18C00] =	vst v63  }
0x4cb: {  	s19 =	sadd.s32 $0xD0, s0;
	s22 =	simm.s32 $0x139A8  }
0x4cc: {  	[hbm4b:s19+s28] =	stream.linear.scatter [tilespmem:s22], [sflag:$0x5], $0x80, $0x38;
	[tilespmem:$0x18C00] =	vst v63  }
0x4cd: {  	s19 =	sadd.s32 $0xE0, s0;
	s22 =	simm.s32 $0x13A30  }
0x4ce: {  	[hbm4b:s19+s28] =	stream.linear.scatter [tilespmem:s22], [sflag:$0x5], $0x80, $0x38;
	[tilespmem:$0x18C00] =	vst v63  }
0x4cf: {  	s0 =	sadd.s32 $0xF0, s0;
	s22 =	simm.s32 $0x13AB8  }
0x4d0: {  	[hbm4b:s0+s28] =	stream.linear.scatter [tilespmem:s22], [sflag:$0x5], $0x80, $0x38;
	[tilespmem:$0x18C00] =	vst v63  }
0x4d1: {  	s0 =	sadd.s32 s29, s15;
	s22 =	simm.s32 $0x11940  }
0x4d2: {  	[hbm4b:s0+s28] =	stream.linear.scatter [tilespmem:s22], [sflag:$0x5], $0x80, $0x38;
	[tilespmem:$0x18C00] =	vst v63  }
0x4d3: {  	s19 =	sadd.s32 $0x10, s0;
	s22 =	simm.s32 $0x119C8  }
0x4d4: {  	[hbm4b:s19+s28] =	stream.linear.scatter [tilespmem:s22], [sflag:$0x5], $0x80, $0x38;
	[tilespmem:$0x18C00] =	vst v63  }
0x4d5: {  	s19 =	sadd.s32 $0x20, s0;
	s22 =	simm.s32 $0x11A50  }
0x4d6: {  	[hbm4b:s19+s28] =	stream.linear.scatter [tilespmem:s22], [sflag:$0x5], $0x80, $0x38;
	[tilespmem:$0x18C00] =	vst v63  }
0x4d7: {  	s19 =	sadd.s32 $0x30, s0;
	s22 =	simm.s32 $0x11AD8  }
0x4d8: {  	[hbm4b:s19+s28] =	stream.linear.scatter [tilespmem:s22], [sflag:$0x5], $0x80, $0x38;
	[tilespmem:$0x18C00] =	vst v63  }
0x4d9: {  	s19 =	sadd.s32 $0x40, s0;
	s22 =	simm.s32 $0x11B60  }
0x4da: {  	[hbm4b:s19+s28] =	stream.linear.scatter [tilespmem:s22], [sflag:$0x5], $0x80, $0x38;
	[tilespmem:$0x18C00] =	vst v63  }
0x4db: {  	s19 =	sadd.s32 $0x50, s0;
	s22 =	simm.s32 $0x11BE8  }
0x4dc: {  	[hbm4b:s19+s28] =	stream.linear.scatter [tilespmem:s22], [sflag:$0x5], $0x80, $0x38;
	[tilespmem:$0x18C00] =	vst v63  }
0x4dd: {  	s19 =	sadd.s32 $0x60, s0;
	s22 =	simm.s32 $0x11C70  }
0x4de: {  	[hbm4b:s19+s28] =	stream.linear.scatter [tilespmem:s22], [sflag:$0x5], $0x80, $0x38;
	[tilespmem:$0x18C00] =	vst v63  }
0x4df: {  	s19 =	sadd.s32 $0x70, s0;
	s22 =	simm.s32 $0x11CF8  }
0x4e0: {  	[hbm4b:s19+s28] =	stream.linear.scatter [tilespmem:s22], [sflag:$0x5], $0x80, $0x38;
	[tilespmem:$0x18C00] =	vst v63  }
0x4e1: {  	s19 =	sadd.s32 $0x80, s0;
	s22 =	simm.s32 $0x13B40  }
0x4e2: {  	[hbm4b:s19+s28] =	stream.linear.scatter [tilespmem:s22], [sflag:$0x5], $0x80, $0x38;
	[tilespmem:$0x18C00] =	vst v63  }
0x4e3: {  	s19 =	sadd.s32 $0x90, s0;
	s22 =	simm.s32 $0x13BC8  }
0x4e4: {  	[hbm4b:s19+s28] =	stream.linear.scatter [tilespmem:s22], [sflag:$0x5], $0x80, $0x38;
	[tilespmem:$0x18C00] =	vst v63  }
0x4e5: {  	s19 =	sadd.s32 $0xA0, s0;
	s22 =	simm.s32 $0x13C50  }
0x4e6: {  	[hbm4b:s19+s28] =	stream.linear.scatter [tilespmem:s22], [sflag:$0x5], $0x80, $0x38;
	[tilespmem:$0x18C00] =	vst v63  }
0x4e7: {  	s19 =	sadd.s32 $0xB0, s0;
	s22 =	simm.s32 $0x13CD8  }
0x4e8: {  	[hbm4b:s19+s28] =	stream.linear.scatter [tilespmem:s22], [sflag:$0x5], $0x80, $0x38;
	[tilespmem:$0x18C00] =	vst v63  }
0x4e9: {  	s19 =	sadd.s32 $0xC0, s0;
	s22 =	simm.s32 $0x13D60  }
0x4ea: {  	[hbm4b:s19+s28] =	stream.linear.scatter [tilespmem:s22], [sflag:$0x5], $0x80, $0x38;
	[tilespmem:$0x18C00] =	vst v63  }
0x4eb: {  	s19 =	sadd.s32 $0xD0, s0;
	s22 =	simm.s32 $0x13DE8  }
0x4ec: {  	[hbm4b:s19+s28] =	stream.linear.scatter [tilespmem:s22], [sflag:$0x5], $0x80, $0x38;
	[tilespmem:$0x18C00] =	vst v63  }
0x4ed: {  	s19 =	sadd.s32 $0xE0, s0;
	s22 =	simm.s32 $0x13E70  }
0x4ee: {  	[hbm4b:s19+s28] =	stream.linear.scatter [tilespmem:s22], [sflag:$0x5], $0x80, $0x38;
	[tilespmem:$0x18C00] =	vst v63  }
0x4ef: {  	s0 =	sadd.s32 $0xF0, s0;
	s22 =	simm.s32 $0x13EF8  }
0x4f0: {  	[hbm4b:s0+s28] =	stream.linear.scatter [tilespmem:s22], [sflag:$0x5], $0x80, $0x38;
	[tilespmem:$0x18C00] =	vst v63  }
0x4f1: {  	s0 =	sadd.s32 s29, s16;
	s22 =	simm.s32 $0x11D80  }
0x4f2: {  	[hbm4b:s0+s28] =	stream.linear.scatter [tilespmem:s22], [sflag:$0x5], $0x80, $0x38;
	[tilespmem:$0x18C00] =	vst v63  }
0x4f3: {  	s19 =	sadd.s32 $0x10, s0;
	s22 =	simm.s32 $0x11E08  }
0x4f4: {  	[hbm4b:s19+s28] =	stream.linear.scatter [tilespmem:s22], [sflag:$0x5], $0x80, $0x38;
	[tilespmem:$0x18C00] =	vst v63  }
0x4f5: {  	s19 =	sadd.s32 $0x20, s0;
	s22 =	simm.s32 $0x11E90  }
0x4f6: {  	[hbm4b:s19+s28] =	stream.linear.scatter [tilespmem:s22], [sflag:$0x5], $0x80, $0x38;
	[tilespmem:$0x18C00] =	vst v63  }
0x4f7: {  	s19 =	sadd.s32 $0x30, s0;
	s22 =	simm.s32 $0x11F18  }
0x4f8: {  	[hbm4b:s19+s28] =	stream.linear.scatter [tilespmem:s22], [sflag:$0x5], $0x80, $0x38;
	[tilespmem:$0x18C00] =	vst v63  }
0x4f9: {  	s19 =	sadd.s32 $0x40, s0;
	s22 =	simm.s32 $0x11FA0  }
0x4fa: {  	[hbm4b:s19+s28] =	stream.linear.scatter [tilespmem:s22], [sflag:$0x5], $0x80, $0x38;
	[tilespmem:$0x18C00] =	vst v63  }
0x4fb: {  	s19 =	sadd.s32 $0x50, s0;
	s22 =	simm.s32 $0x12028  }
0x4fc: {  	[hbm4b:s19+s28] =	stream.linear.scatter [tilespmem:s22], [sflag:$0x5], $0x80, $0x38;
	[tilespmem:$0x18C00] =	vst v63  }
0x4fd: {  	s19 =	sadd.s32 $0x60, s0;
	s22 =	simm.s32 $0x120B0  }
0x4fe: {  	[hbm4b:s19+s28] =	stream.linear.scatter [tilespmem:s22], [sflag:$0x5], $0x80, $0x38;
	[tilespmem:$0x18C00] =	vst v63  }
0x4ff: {  	s19 =	sadd.s32 $0x70, s0;
	s22 =	simm.s32 $0x12138  }
0x500: {  	[hbm4b:s19+s28] =	stream.linear.scatter [tilespmem:s22], [sflag:$0x5], $0x80, $0x38;
	[tilespmem:$0x18C00] =	vst v63  }
0x501: {  	s19 =	sadd.s32 $0x80, s0;
	s22 =	simm.s32 $0x13F80  }
0x502: {  	[hbm4b:s19+s28] =	stream.linear.scatter [tilespmem:s22], [sflag:$0x5], $0x80, $0x38;
	[tilespmem:$0x18C00] =	vst v63  }
0x503: {  	s19 =	sadd.s32 $0x90, s0;
	s22 =	simm.s32 $0x14008  }
0x504: {  	[hbm4b:s19+s28] =	stream.linear.scatter [tilespmem:s22], [sflag:$0x5], $0x80, $0x38;
	[tilespmem:$0x18C00] =	vst v63  }
0x505: {  	s19 =	sadd.s32 $0xA0, s0;
	s22 =	simm.s32 $0x14090  }
0x506: {  	[hbm4b:s19+s28] =	stream.linear.scatter [tilespmem:s22], [sflag:$0x5], $0x80, $0x38;
	[tilespmem:$0x18C00] =	vst v63  }
0x507: {  	s19 =	sadd.s32 $0xB0, s0;
	s22 =	simm.s32 $0x14118  }
0x508: {  	[hbm4b:s19+s28] =	stream.linear.scatter [tilespmem:s22], [sflag:$0x5], $0x80, $0x38;
	[tilespmem:$0x18C00] =	vst v63  }
0x509: {  	s19 =	sadd.s32 $0xC0, s0;
	s22 =	simm.s32 $0x141A0  }
0x50a: {  	[hbm4b:s19+s28] =	stream.linear.scatter [tilespmem:s22], [sflag:$0x5], $0x80, $0x38;
	[tilespmem:$0x18C00] =	vst v63  }
0x50b: {  	s19 =	sadd.s32 $0xD0, s0;
	s22 =	simm.s32 $0x14228  }
0x50c: {  	[hbm4b:s19+s28] =	stream.linear.scatter [tilespmem:s22], [sflag:$0x5], $0x80, $0x38;
	[tilespmem:$0x18C00] =	vst v63  }
0x50d: {  	s19 =	sadd.s32 $0xE0, s0;
	s22 =	simm.s32 $0x142B0  }
0x50e: {  	[hbm4b:s19+s28] =	stream.linear.scatter [tilespmem:s22], [sflag:$0x5], $0x80, $0x38;
	[tilespmem:$0x18C00] =	vst v63  }
0x50f: {  	s0 =	sadd.s32 $0xF0, s0;
	s22 =	simm.s32 $0x14338  }
0x510: {  	[hbm4b:s0+s28] =	stream.linear.scatter [tilespmem:s22], [sflag:$0x5], $0x80, $0x38;
	[tilespmem:$0x18C00] =	vst v63  }
0x511: {  	s0 =	sadd.s32 s29, s17;
	s22 =	simm.s32 $0x121C0  }
0x512: {  	[hbm4b:s0+s28] =	stream.linear.scatter [tilespmem:s22], [sflag:$0x5], $0x80, $0x38;
	[tilespmem:$0x18C00] =	vst v63  }
0x513: {  	s19 =	sadd.s32 $0x10, s0;
	s22 =	simm.s32 $0x12248  }
0x514: {  	[hbm4b:s19+s28] =	stream.linear.scatter [tilespmem:s22], [sflag:$0x5], $0x80, $0x38;
	[tilespmem:$0x18C00] =	vst v63  }
0x515: {  	s19 =	sadd.s32 $0x20, s0;
	s22 =	simm.s32 $0x122D0  }
0x516: {  	[hbm4b:s19+s28] =	stream.linear.scatter [tilespmem:s22], [sflag:$0x5], $0x80, $0x38;
	[tilespmem:$0x18C00] =	vst v63  }
0x517: {  	s19 =	sadd.s32 $0x30, s0;
	s22 =	simm.s32 $0x12358  }
0x518: {  	[hbm4b:s19+s28] =	stream.linear.scatter [tilespmem:s22], [sflag:$0x5], $0x80, $0x38;
	[tilespmem:$0x18C00] =	vst v63  }
0x519: {  	s19 =	sadd.s32 $0x40, s0;
	s22 =	simm.s32 $0x123E0  }
0x51a: {  	[hbm4b:s19+s28] =	stream.linear.scatter [tilespmem:s22], [sflag:$0x5], $0x80, $0x38;
	[tilespmem:$0x18C00] =	vst v63  }
0x51b: {  	s19 =	sadd.s32 $0x50, s0;
	s22 =	simm.s32 $0x12468  }
0x51c: {  	[hbm4b:s19+s28] =	stream.linear.scatter [tilespmem:s22], [sflag:$0x5], $0x80, $0x38;
	[tilespmem:$0x18C00] =	vst v63  }
0x51d: {  	s19 =	sadd.s32 $0x60, s0;
	s22 =	simm.s32 $0x124F0  }
0x51e: {  	[hbm4b:s19+s28] =	stream.linear.scatter [tilespmem:s22], [sflag:$0x5], $0x80, $0x38;
	[tilespmem:$0x18C00] =	vst v63  }
0x51f: {  	s19 =	sadd.s32 $0x70, s0;
	s22 =	simm.s32 $0x12578  }
0x520: {  	[hbm4b:s19+s28] =	stream.linear.scatter [tilespmem:s22], [sflag:$0x5], $0x80, $0x38;
	[tilespmem:$0x18C00] =	vst v63  }
0x521: {  	s19 =	sadd.s32 $0x80, s0;
	s22 =	simm.s32 $0x143C0  }
0x522: {  	[hbm4b:s19+s28] =	stream.linear.scatter [tilespmem:s22], [sflag:$0x5], $0x80, $0x38;
	[tilespmem:$0x18C00] =	vst v63  }
0x523: {  	s19 =	sadd.s32 $0x90, s0;
	s22 =	simm.s32 $0x14448  }
0x524: {  	[hbm4b:s19+s28] =	stream.linear.scatter [tilespmem:s22], [sflag:$0x5], $0x80, $0x38;
	[tilespmem:$0x18C00] =	vst v63  }
0x525: {  	s19 =	sadd.s32 $0xA0, s0;
	s22 =	simm.s32 $0x144D0  }
0x526: {  	[hbm4b:s19+s28] =	stream.linear.scatter [tilespmem:s22], [sflag:$0x5], $0x80, $0x38;
	[tilespmem:$0x18C00] =	vst v63  }
0x527: {  	s19 =	sadd.s32 $0xB0, s0;
	s22 =	simm.s32 $0x14558  }
0x528: {  	[hbm4b:s19+s28] =	stream.linear.scatter [tilespmem:s22], [sflag:$0x5], $0x80, $0x38;
	[tilespmem:$0x18C00] =	vst v63  }
0x529: {  	s19 =	sadd.s32 $0xC0, s0;
	s22 =	simm.s32 $0x145E0  }
0x52a: {  	[hbm4b:s19+s28] =	stream.linear.scatter [tilespmem:s22], [sflag:$0x5], $0x80, $0x38;
	[tilespmem:$0x18C00] =	vst v63  }
0x52b: {  	s19 =	sadd.s32 $0xD0, s0;
	s22 =	simm.s32 $0x14668  }
0x52c: {  	[hbm4b:s19+s28] =	stream.linear.scatter [tilespmem:s22], [sflag:$0x5], $0x80, $0x38;
	[tilespmem:$0x18C00] =	vst v63  }
0x52d: {  	s19 =	sadd.s32 $0xE0, s0;
	s22 =	simm.s32 $0x146F0  }
0x52e: {  	[hbm4b:s19+s28] =	stream.linear.scatter [tilespmem:s22], [sflag:$0x5], $0x80, $0x38;
	[tilespmem:$0x18C00] =	vst v63  }
0x52f: {  	s0 =	sadd.s32 $0xF0, s0;
	s22 =	simm.s32 $0x14778  }
0x530: {  	[hbm4b:s0+s28] =	stream.linear.scatter [tilespmem:s22], [sflag:$0x5], $0x80, $0x38;
	[tilespmem:$0x18C00] =	vst v63  }
0x531: {  	_ =	swait.ge [sflag:s21], $0x800  }
0x532: {  	[sflag:s21] =	ssyncset.done $0x0  }
0x533: {  	[sflag:s21] =	ssyncadd.s32 $0xFFFFF800  }
0x534: {  	_ =	swait.ge [sflag:s21], $0x800  }
0x535: {  	[sflag:s21] =	ssyncset.done $0x0  }
0x536: {  	[sflag:s21] =	ssyncadd.s32 $0xFFFFF800  }
0x537: {  	_ =	swait.ge [sflag:s21], $0x800  }
0x538: {  	[sflag:s21] =	ssyncset.done $0x0  }
0x539: {  	[sflag:s21] =	ssyncadd.s32 $0xFFFFF800  }
0x53a: {  	_ =	swait.ge [sflag:s21], $0x800  }
0x53b: {  	[sflag:s21] =	ssyncset.done $0x0  }
0x53c: {  	[sflag:s21] =	ssyncadd.s32 $0xFFFFF800  }
0x53d: {  	_ =	swait.ge [sflag:s21], $0x800  }
0x53e: {  	[sflag:s21] =	ssyncset.done $0x0  }
0x53f: {  	[sflag:s21] =	ssyncadd.s32 $0xFFFFF800  }
0x540: {  	_ =	swait.ge [sflag:s21], $0x800  }
0x541: {  	[sflag:s21] =	ssyncset.done $0x0  }
0x542: {  	[sflag:s21] =	ssyncadd.s32 $0xFFFFF800  }
0x543: {  	_ =	swait.ge [sflag:s21], $0x800  }
0x544: {  	[sflag:s21] =	ssyncset.done $0x0  }
0x545: {  	[sflag:s21] =	ssyncadd.s32 $0xFFFFF800  }
0x546: {  	s22 =	simm.s32 $0x3;
	_ =	swait.ge [sflag:s21], $0x800  }
0x547: {  	v8 =	vmov s22;
	[sflag:s21] =	ssyncset.done $0x0  }
0x548: {  	v9 =	vmov s28;
	s29 =	simm.s32 $0xC400;
	v15 =	vand.u32 $0x7F, v8;
	[sflag:s21] =	ssyncadd.s32 $0xFFFFF800  }
0x549: {  	v12 =	vand.u32 $0x7C, v9;
	v9 =	vadd.s32 v0, v15;
	v8 =	vld [tilespmem:s29+$0xC0]  }
0x54a: {  	v11 =	vadd.s32 v0, v12;
	s19 =	simm.s32 $0x1;
	v10 =	vld [tilespmem:s29+$0x0]  }
0x54b: {  	v13 =	vmov s19;
	s22 =	simm.s32 $0x2  }
0x54c: {  	v14 =	vand.u32 $0x7D, v13;
	v13 =	vmov s22  }
0x54d: {  	v17 =	vadd.s32 v0, v14;
	v13 =	vand.u32 $0x7E, v13;
	v16 =	vld [tilespmem:s29+$0x40]  }
0x54e: {  	v19 =	vadd.s32 v0, v13;
	v18 =	vld [tilespmem:s29+$0x80];
	[tilespmem:v9+s8+$0x0] =	vst.idx.msk $0xffff, v8  }
0x54f: {  	[tilespmem:v11+s8+$0x0] =	vst.idx.msk $0xffff, v10;
	v9 =	vadd.s32 v1, v15;
	v8 =	vld [tilespmem:s29+$0xD0]  }
0x550: {  	v11 =	vadd.s32 v1, v12;
	v10 =	vld [tilespmem:s29+$0x10];
	_ =	sdelay $0x1  }
0x551: {  	[tilespmem:v17+s8+$0x0] =	vst.idx.msk $0xffff, v16  }
0x552: {  	v17 =	vadd.s32 v1, v14;
	[tilespmem:v19+s8+$0x0] =	vst.idx.msk $0xffff, v18;
	v16 =	vld [tilespmem:s29+$0x50]  }
0x553: {  	v19 =	vadd.s32 v1, v13;
	v18 =	vld [tilespmem:s29+$0x90];
	[tilespmem:v9+s8+$0x0] =	vst.idx.msk $0xffff, v8  }
0x554: {  	[tilespmem:v11+s8+$0x0] =	vst.idx.msk $0xffff, v10;
	v9 =	vadd.s32 v2, v15;
	v8 =	vld [tilespmem:s29+$0xE0]  }
0x555: {  	v11 =	vadd.s32 v2, v12;
	v10 =	vld [tilespmem:s29+$0x20];
	_ =	sdelay $0x1  }
0x556: {  	[tilespmem:v17+s8+$0x0] =	vst.idx.msk $0xffff, v16  }
0x557: {  	v17 =	vadd.s32 v2, v14;
	[tilespmem:v19+s8+$0x0] =	vst.idx.msk $0xffff, v18;
	v16 =	vld [tilespmem:s29+$0x60]  }
0x558: {  	v19 =	vadd.s32 v2, v13;
	v18 =	vld [tilespmem:s29+$0xA0];
	[tilespmem:v9+s8+$0x0] =	vst.idx.msk $0xffff, v8  }
0x559: {  	[tilespmem:v11+s8+$0x0] =	vst.idx.msk $0xffff, v10;
	v9 =	vadd.s32 v3, v15;
	v8 =	vld [tilespmem:s29+$0xF0]  }
0x55a: {  	v11 =	vadd.s32 v3, v12;
	v10 =	vld [tilespmem:s29+$0x30];
	_ =	sdelay $0x1  }
0x55b: {  	[tilespmem:v17+s8+$0x0] =	vst.idx.msk $0xffff, v16  }
0x55c: {  	v17 =	vadd.s32 v3, v14;
	[tilespmem:v19+s8+$0x0] =	vst.idx.msk $0xffff, v18;
	v16 =	vld [tilespmem:s29+$0x70]  }
0x55d: {  	v19 =	vadd.s32 v3, v13;
	v18 =	vld [tilespmem:s29+$0xB0];
	[tilespmem:v9+s8+$0x0] =	vst.idx.msk $0xffff, v8  }
0x55e: {  	[tilespmem:v11+s8+$0x0] =	vst.idx.msk $0xffff, v10;
	v9 =	vadd.s32 v4, v15;
	v8 =	vld [tilespmem:s29+$0x20C0]  }
0x55f: {  	v11 =	vadd.s32 v4, v12;
	v10 =	vld [tilespmem:s29+$0x2000];
	_ =	sdelay $0x1  }
0x560: {  	[tilespmem:v17+s8+$0x0] =	vst.idx.msk $0xffff, v16  }
0x561: {  	v17 =	vadd.s32 v4, v14;
	[tilespmem:v19+s8+$0x0] =	vst.idx.msk $0xffff, v18;
	v16 =	vld [tilespmem:s29+$0x2040]  }
0x562: {  	s19 =	simm.s32 $0x7;
	v19 =	vadd.s32 v4, v13;
	v18 =	vld [tilespmem:s29+$0x2080];
	[tilespmem:v9+s8+$0x0] =	vst.idx.msk $0xffff, v8  }
0x563: {  	s22 =	simm.s32 $0x4;
	v21 =	vadd.s32 v5, v15;
	v8 =	vmov s19;
	[tilespmem:v11+s8+$0x0] =	vst.idx.msk $0xffff, v10;
	v20 =	vld [tilespmem:s29+$0x20D0]  }
0x564: {  	v23 =	vadd.s32 v5, v12;
	s28 =	simm.s32 $0xC500;
	v9 =	vmov s22;
	s19 =	simm.s32 $0x5;
	v11 =	vand.u32 $0x7F, v8;
	v22 =	vld [tilespmem:s29+$0x2010]  }
0x565: {  	v50 =	vld [tilespmem:s28+$0xC0];
	s22 =	simm.s32 $0x6;
	v8 =	vand.u32 $0x7C, v9;
	v9 =	vmov s19;
	v51 =	vadd.s32 v0, v11  }
0x566: {  	[tilespmem:v17+s8+$0x0] =	vst.idx.msk $0xffff, v16;
	v16 =	vld [tilespmem:s28+$0x0];
	v17 =	vadd.s32 v0, v8;
	v10 =	vand.u32 $0x7D, v9;
	v9 =	vmov s22  }
0x567: {  	[tilespmem:v19+s8+$0x0] =	vst.idx.msk $0xffff, v18;
	v18 =	vld [tilespmem:s28+$0x40];
	v19 =	vadd.s32 v0, v10;
	v9 =	vand.u32 $0x7E, v9  }
0x568: {  	v52 =	vld [tilespmem:s28+$0x80];
	v53 =	vadd.s32 v0, v9;
	[tilespmem:v21+s8+$0x0] =	vst.idx.msk $0xffff, v20  }
0x569: {  	[tilespmem:v23+s8+$0x0] =	vst.idx.msk $0xffff, v22;
	v21 =	vadd.s32 v6, v15;
	v20 =	vld [tilespmem:s29+$0x20E0]  }
0x56a: {  	v22 =	vld [tilespmem:s29+$0x2050];
	v23 =	vadd.s32 v5, v14;
	[tilespmem:v51+s8+$0x0] =	vst.idx.msk $0xffff, v50  }
0x56b: {  	[tilespmem:v17+s8+$0x0] =	vst.idx.msk $0xffff, v16;
	v17 =	vadd.s32 v1, v11;
	v16 =	vld [tilespmem:s28+$0xD0]  }
0x56c: {  	v55 =	vadd.s32 v1, v8;
	v54 =	vld [tilespmem:s28+$0x10];
	[tilespmem:v19+s8+$0x0] =	vst.idx.msk $0xffff, v18  }
0x56d: {  	v19 =	vadd.s32 v1, v10;
	v18 =	vld [tilespmem:s28+$0x50];
	[tilespmem:v53+s8+$0x0] =	vst.idx.msk $0xffff, v52  }
0x56e: {  	v56 =	vadd.s32 v1, v9;
	v26 =	vld [tilespmem:s28+$0x90];
	[tilespmem:v21+s8+$0x0] =	vst.idx.msk $0xffff, v20  }
0x56f: {  	v15 =	vadd.s32 v7, v15;
	[tilespmem:v23+s8+$0x0] =	vst.idx.msk $0xffff, v22;
	v20 =	vld [tilespmem:s29+$0x20F0]  }
0x570: {  	[tilespmem:v17+s8+$0x0] =	vst.idx.msk $0xffff, v16;
	v16 =	vld [tilespmem:s29+$0x2090];
	v17 =	vadd.s32 v5, v13  }
0x571: {  	v22 =	vadd.s32 v2, v11;
	[tilespmem:v55+s8+$0x0] =	vst.idx.msk $0xffff, v54;
	v21 =	vld [tilespmem:s28+$0xE0]  }
0x572: {  	v57 =	vadd.s32 v2, v8;
	v23 =	vld [tilespmem:s28+$0x20];
	[tilespmem:v19+s8+$0x0] =	vst.idx.msk $0xffff, v18  }
0x573: {  	v19 =	vadd.s32 v2, v10;
	v18 =	vld [tilespmem:s28+$0x60];
	[tilespmem:v56+s8+$0x0] =	vst.idx.msk $0xffff, v26  }
0x574: {  	v59 =	vadd.s32 v2, v9;
	v58 =	vld [tilespmem:s28+$0xA0];
	[tilespmem:v15+s8+$0x0] =	vst.idx.msk $0xffff, v20  }
0x575: {  	v15 =	vld [tilespmem:s29+$0x2060];
	v20 =	vadd.s32 v6, v14;
	[tilespmem:v17+s8+$0x0] =	vst.idx.msk $0xffff, v16  }
0x576: {  	v17 =	vadd.s32 v6, v13;
	[tilespmem:v22+s8+$0x0] =	vst.idx.msk $0xffff, v21;
	v16 =	vld [tilespmem:s29+$0x20A0]  }
0x577: {  	[tilespmem:v57+s8+$0x0] =	vst.idx.msk $0xffff, v23;
	v22 =	vadd.s32 v3, v11;
	v21 =	vld [tilespmem:s28+$0xF0]  }
0x578: {  	v60 =	vadd.s32 v3, v8;
	v23 =	vld [tilespmem:s28+$0x30];
	[tilespmem:v19+s8+$0x0] =	vst.idx.msk $0xffff, v18  }
0x579: {  	v19 =	vadd.s32 v3, v10;
	v18 =	vld [tilespmem:s28+$0x70];
	[tilespmem:v59+s8+$0x0] =	vst.idx.msk $0xffff, v58  }
0x57a: {  	v61 =	vadd.s32 v3, v9;
	v25 =	vld [tilespmem:s28+$0xB0];
	[tilespmem:v20+s8+$0x0] =	vst.idx.msk $0xffff, v15  }
0x57b: {  	v62 =	vadd.s32 v6, v12;
	v15 =	vld [tilespmem:s29+$0x2020];
	[tilespmem:v17+s8+$0x0] =	vst.idx.msk $0xffff, v16  }
0x57c: {  	v14 =	vadd.s32 v7, v14;
	v16 =	vld [tilespmem:s29+$0x2070];
	[tilespmem:v22+s8+$0x0] =	vst.idx.msk $0xffff, v21  }
0x57d: {  	v63 =	vadd.s32 v4, v11;
	[tilespmem:v60+s8+$0x0] =	vst.idx.msk $0xffff, v23;
	v23 =	vld [tilespmem:s28+$0x20C0]  }
0x57e: {  	v22 =	vadd.s32 v4, v8;
	v20 =	vld [tilespmem:s28+$0x2000];
	[tilespmem:v19+s8+$0x0] =	vst.idx.msk $0xffff, v18  }
0x57f: {  	v21 =	vadd.s32 v4, v10;
	v18 =	vld [tilespmem:s28+$0x2040];
	[tilespmem:v61+s8+$0x0] =	vst.idx.msk $0xffff, v25  }
0x580: {  	v19 =	vadd.s32 v4, v9;
	v17 =	vld [tilespmem:s28+$0x2080];
	[tilespmem:v62+s8+$0x0] =	vst.idx.msk $0xffff, v15  }
0x581: {  	s0 =	simm.s32 $0x8;
	v13 =	vadd.s32 v7, v13;
	[tilespmem:v14+s8+$0x0] =	vst.idx.msk $0xffff, v16;
	v14 =	vld [tilespmem:s29+$0x20B0]  }
0x582: {  	s19 =	simm.s32 $0xB;
	s22 =	simm.s32 $0xC;
	v15 =	vld [tilespmem:s29+$0x2030];
	v16 =	vadd.s32 v7, v12;
	s29 =	simm.s32 $0xC500;
	[tilespmem:v63+s8+$0x0] =	vst.idx.msk $0xffff, v23  }
.LBB2_9:
0x583: {  	p0 =	slt.u32 s22, $0x7C;
	v12 =	vmov s19;
	[tilespmem:v22+s8+$0x0] =	vst.idx.msk $0xffff, v20;
	v20 =	vld [tilespmem:s28+$0x20D0];
	v22 =	vadd.s32 v5, v11  }
0x584: {  	v23 =	vmov s0;
	s19 =	sadd.s32 $0x1, s0;
	v26 =	vadd.s32 v5, v8;
	s28 =	sadd.s32 $0x100, s28;
	v24 =	vand.u32 $0x7F, v12;
	v25 =	vld [tilespmem:s29+$0x2010];
	[tilespmem:v21+s8+$0x0] =	vst.idx.msk $0xffff, v18  }
0x585: {  	v12 =	vand.u32 $0x7C, v23;
	v18 =	vmov s19;
	s19 =	sadd.s32 $0x2, s0;
	s0 =	smov.u32 s22;
	v21 =	vld [tilespmem:s28+$0xC0];
	v23 =	vadd.s32 v0, v24;
	[tilespmem:v19+s8+$0x0] =	vst.idx.msk $0xffff, v17  }
0x586: {  	v19 =	vadd.s32 v0, v12;
	v18 =	vand.u32 $0x7D, v18;
	v27 =	vmov s19;
	v17 =	vld [tilespmem:s28+$0x0];
	[tilespmem:v13+s8+$0x0] =	vst.idx.msk $0xffff, v14  }
0x587: {  	v14 =	vadd.s32 v0, v18;
	v27 =	vand.u32 $0x7E, v27;
	v13 =	vld [tilespmem:s28+$0x40];
	[tilespmem:v16+s8+$0x0] =	vst.idx.msk $0xffff, v15  }
0x588: {  	v16 =	vadd.s32 v0, v27;
	v15 =	vld [tilespmem:s28+$0x80];
	[tilespmem:v22+s8+$0x0] =	vst.idx.msk $0xffff, v20  }
0x589: {  	v22 =	vadd.s32 v6, v11;
	[tilespmem:v26+s8+$0x0] =	vst.idx.msk $0xffff, v25;
	v20 =	vld [tilespmem:s29+$0x20E0]  }
0x58a: {  	[tilespmem:v23+s8+$0x0] =	vst.idx.msk $0xffff, v21;
	v21 =	vld [tilespmem:s29+$0x2050];
	v23 =	vadd.s32 v5, v10  }
0x58b: {  	[tilespmem:v19+s8+$0x0] =	vst.idx.msk $0xffff, v17;
	v17 =	vld [tilespmem:s28+$0xD0];
	v19 =	vadd.s32 v1, v24  }
0x58c: {  	v26 =	vadd.s32 v1, v12;
	v25 =	vld [tilespmem:s28+$0x10];
	[tilespmem:v14+s8+$0x0] =	vst.idx.msk $0xffff, v13  }
0x58d: {  	v14 =	vadd.s32 v1, v18;
	v13 =	vld [tilespmem:s28+$0x50];
	[tilespmem:v16+s8+$0x0] =	vst.idx.msk $0xffff, v15  }
0x58e: {  	v16 =	vadd.s32 v1, v27;
	v15 =	vld [tilespmem:s28+$0x90];
	[tilespmem:v22+s8+$0x0] =	vst.idx.msk $0xffff, v20  }
0x58f: {  	[tilespmem:v23+s8+$0x0] =	vst.idx.msk $0xffff, v21;
	v20 =	vld [tilespmem:s29+$0x20F0];
	v21 =	vadd.s32 v7, v11;
	v11 =	vmov v24  }
0x590: {  	[tilespmem:v19+s8+$0x0] =	vst.idx.msk $0xffff, v17;
	v17 =	vld [tilespmem:s29+$0x2090];
	v19 =	vadd.s32 v5, v9  }
0x591: {  	v23 =	vadd.s32 v2, v11;
	[tilespmem:v26+s8+$0x0] =	vst.idx.msk $0xffff, v25;
	v22 =	vld [tilespmem:s28+$0xE0]  }
0x592: {  	v25 =	vadd.s32 v2, v12;
	v24 =	vld [tilespmem:s28+$0x20];
	[tilespmem:v14+s8+$0x0] =	vst.idx.msk $0xffff, v13  }
0x593: {  	v14 =	vadd.s32 v2, v18;
	v13 =	vld [tilespmem:s28+$0x60];
	[tilespmem:v16+s8+$0x0] =	vst.idx.msk $0xffff, v15  }
0x594: {  	v16 =	vadd.s32 v2, v27;
	v15 =	vld [tilespmem:s28+$0xA0];
	[tilespmem:v21+s8+$0x0] =	vst.idx.msk $0xffff, v20  }
0x595: {  	v21 =	vadd.s32 v6, v10;
	v20 =	vld [tilespmem:s29+$0x2060];
	[tilespmem:v19+s8+$0x0] =	vst.idx.msk $0xffff, v17  }
0x596: {  	v19 =	vadd.s32 v6, v9;
	[tilespmem:v23+s8+$0x0] =	vst.idx.msk $0xffff, v22;
	v17 =	vld [tilespmem:s29+$0x20A0]  }
0x597: {  	v23 =	vadd.s32 v3, v11;
	[tilespmem:v25+s8+$0x0] =	vst.idx.msk $0xffff, v24;
	v22 =	vld [tilespmem:s28+$0xF0]  }
0x598: {  	v25 =	vadd.s32 v3, v12;
	v24 =	vld [tilespmem:s28+$0x30];
	[tilespmem:v14+s8+$0x0] =	vst.idx.msk $0xffff, v13  }
0x599: {  	v14 =	vadd.s32 v3, v18;
	v13 =	vld [tilespmem:s28+$0x70];
	[tilespmem:v16+s8+$0x0] =	vst.idx.msk $0xffff, v15  }
0x59a: {  	v16 =	vadd.s32 v3, v27;
	v15 =	vld [tilespmem:s28+$0xB0];
	[tilespmem:v21+s8+$0x0] =	vst.idx.msk $0xffff, v20  }
0x59b: {  	v28 =	vadd.s32 v6, v8;
	v26 =	vld [tilespmem:s29+$0x2020];
	[tilespmem:v19+s8+$0x0] =	vst.idx.msk $0xffff, v17  }
0x59c: {  	v29 =	vadd.s32 v7, v10;
	v10 =	vmov v18;
	[tilespmem:v23+s8+$0x0] =	vst.idx.msk $0xffff, v22;
	v23 =	vld [tilespmem:s29+$0x2070]  }
0x59d: {  	[tilespmem:v25+s8+$0x0] =	vst.idx.msk $0xffff, v24;
	v24 =	vld [tilespmem:s28+$0x20C0];
	v25 =	vadd.s32 v4, v11  }
.Ltmp3:
0x59e: {  	v22 =	vadd.s32 v4, v12;
	v20 =	vld [tilespmem:s28+$0x2000];
	[tilespmem:v14+s8+$0x0] =	vst.idx.msk $0xffff, v13;
	(pc) =	sbr.rel @p0 .LBB2_9-.Ltmp3, $4  }
0x59f: {  	v21 =	vadd.s32 v4, v10;
	v18 =	vld [tilespmem:s28+$0x2040];
	[tilespmem:v16+s8+$0x0] =	vst.idx.msk $0xffff, v15  }
0x5a0: {  	v19 =	vadd.s32 v4, v27;
	v17 =	vld [tilespmem:s28+$0x2080];
	[tilespmem:v28+s8+$0x0] =	vst.idx.msk $0xffff, v26  }
0x5a1: {  	v13 =	vadd.s32 v7, v9;
	v9 =	vmov v27;
	[tilespmem:v29+s8+$0x0] =	vst.idx.msk $0xffff, v23;
	v14 =	vld [tilespmem:s29+$0x20B0]  }
0x5a2: {  	s22 =	sadd.s32 $0x4, s22;
	s19 =	sadd.s32 $0x3, s0;
	v16 =	vadd.s32 v7, v8;
	v8 =	vmov v12;
	[tilespmem:v25+s8+$0x0] =	vst.idx.msk $0xffff, v24;
	v15 =	vld [tilespmem:s29+$0x2030];
	s29 =	smov.u32 s28  }
0x5a3: {  	_ =	sdelay $0x1  }
0x5a4: {  	v12 =	vmov s19  }
0x5a5: {  	s19 =	sadd.s32 $0x1, s0;
	s22 =	sadd.s32 $0x100, s28;
	v27 =	vmov s0;
	v12 =	vand.u32 $0x7F, v12  }
0x5a6: {  	[tilespmem:v22+s8+$0x0] =	vst.idx.msk $0xffff, v20;
	v23 =	vmov s19;
	s19 =	sadd.s32 $0x2, s0;
	v25 =	vld [tilespmem:s22+$0xC0];
	v20 =	vand.u32 $0x7C, v27;
	v26 =	vadd.s32 v0, v12  }
0x5a7: {  	v35 =	vld [tilespmem:s22+$0x0];
	v24 =	vmov s19;
	v23 =	vand.u32 $0x7D, v23;
	v36 =	vadd.s32 v0, v20  }
0x5a8: {  	v28 =	vld [tilespmem:s22+$0x40];
	v29 =	vadd.s32 v0, v23;
	v24 =	vand.u32 $0x7E, v24  }
0x5a9: {  	v33 =	vld [tilespmem:s22+$0x80];
	[tilespmem:v21+s8+$0x0] =	vst.idx.msk $0xffff, v18;
	v34 =	vadd.s32 v0, v24  }
0x5aa: {  	[tilespmem:v19+s8+$0x0] =	vst.idx.msk $0xffff, v17  }
0x5ab: {  	[tilespmem:v26+s8+$0x0] =	vst.idx.msk $0xffff, v25  }
0x5ac: {  	v38 =	vadd.s32 v1, v12;
	[tilespmem:v36+s8+$0x0] =	vst.idx.msk $0xffff, v35;
	v37 =	vld [tilespmem:s22+$0xD0]  }
0x5ad: {  	v44 =	vadd.s32 v1, v20;
	[tilespmem:v29+s8+$0x0] =	vst.idx.msk $0xffff, v28;
	v43 =	vld [tilespmem:s22+$0x10]  }
0x5ae: {  	v40 =	vadd.s32 v1, v23;
	v39 =	vld [tilespmem:s22+$0x50];
	[tilespmem:v34+s8+$0x0] =	vst.idx.msk $0xffff, v33  }
0x5af: {  	[tilespmem:v13+s8+$0x0] =	vst.idx.msk $0xffff, v14;
	v42 =	vadd.s32 v1, v24;
	v41 =	vld [tilespmem:s22+$0x90]  }
0x5b0: {  	v45 =	vld [tilespmem:s28+$0x20D0];
	v46 =	vadd.s32 v5, v11;
	[tilespmem:v16+s8+$0x0] =	vst.idx.msk $0xffff, v15  }
0x5b1: {  	v48 =	vadd.s32 v5, v8;
	v47 =	vld [tilespmem:s29+$0x2010];
	[tilespmem:v38+s8+$0x0] =	vst.idx.msk $0xffff, v37  }
0x5b2: {  	v49 =	vadd.s32 v2, v12;
	[tilespmem:v44+s8+$0x0] =	vst.idx.msk $0xffff, v43;
	v17 =	vld [tilespmem:s22+$0xE0]  }
0x5b3: {  	v54 =	vadd.s32 v2, v20;
	[tilespmem:v40+s8+$0x0] =	vst.idx.msk $0xffff, v39;
	v53 =	vld [tilespmem:s22+$0x20]  }
0x5b4: {  	v50 =	vadd.s32 v2, v23;
	v25 =	vld [tilespmem:s22+$0x60];
	[tilespmem:v42+s8+$0x0] =	vst.idx.msk $0xffff, v41  }
0x5b5: {  	v52 =	vadd.s32 v2, v24;
	[tilespmem:v46+s8+$0x0] =	vst.idx.msk $0xffff, v45;
	v51 =	vld [tilespmem:s22+$0xA0]  }
0x5b6: {  	v58 =	vadd.s32 v5, v10;
	v57 =	vld [tilespmem:s29+$0x2050];
	[tilespmem:v48+s8+$0x0] =	vst.idx.msk $0xffff, v47  }
0x5b7: {  	v31 =	vadd.s32 v5, v9;
	v30 =	vld [tilespmem:s29+$0x2090];
	[tilespmem:v49+s8+$0x0] =	vst.idx.msk $0xffff, v17  }
0x5b8: {  	v59 =	vadd.s32 v3, v12;
	[tilespmem:v54+s8+$0x0] =	vst.idx.msk $0xffff, v53;
	v17 =	vld [tilespmem:s22+$0xF0]  }
0x5b9: {  	v63 =	vadd.s32 v3, v20;
	[tilespmem:v50+s8+$0x0] =	vst.idx.msk $0xffff, v25;
	v62 =	vld [tilespmem:s22+$0x30]  }
0x5ba: {  	v60 =	vadd.s32 v3, v23;
	v25 =	vld [tilespmem:s22+$0x70];
	[tilespmem:v52+s8+$0x0] =	vst.idx.msk $0xffff, v51  }
0x5bb: {  	v61 =	vadd.s32 v3, v24;
	[tilespmem:v58+s8+$0x0] =	vst.idx.msk $0xffff, v57;
	v13 =	vld [tilespmem:s22+$0xB0]  }
0x5bc: {  	v56 =	vadd.s32 v6, v11;
	v55 =	vld [tilespmem:s29+$0x20E0];
	[tilespmem:v31+s8+$0x0] =	vst.idx.msk $0xffff, v30  }
0x5bd: {  	v48 =	vadd.s32 v6, v8;
	v47 =	vld [tilespmem:s29+$0x2020];
	[tilespmem:v59+s8+$0x0] =	vst.idx.msk $0xffff, v17  }
0x5be: {  	v32 =	vadd.s32 v4, v12;
	[tilespmem:v63+s8+$0x0] =	vst.idx.msk $0xffff, v62;
	v17 =	vld [tilespmem:s22+$0x20C0]  }
0x5bf: {  	v36 =	vadd.s32 v4, v20;
	[tilespmem:v60+s8+$0x0] =	vst.idx.msk $0xffff, v25;
	v35 =	vld [tilespmem:s22+$0x2000]  }
0x5c0: {  	v33 =	vadd.s32 v4, v23;
	v25 =	vld [tilespmem:s22+$0x2040];
	[tilespmem:v61+s8+$0x0] =	vst.idx.msk $0xffff, v13  }
0x5c1: {  	v34 =	vadd.s32 v4, v24;
	[tilespmem:v56+s8+$0x0] =	vst.idx.msk $0xffff, v55;
	v13 =	vld [tilespmem:s22+$0x2080]  }
0x5c2: {  	v29 =	vadd.s32 v7, v11;
	v28 =	vld [tilespmem:s29+$0x20F0];
	[tilespmem:v48+s8+$0x0] =	vst.idx.msk $0xffff, v47  }
0x5c3: {  	v37 =	vld [tilespmem:s29+$0x2060];
	v38 =	vadd.s32 v6, v10;
	[tilespmem:v32+s8+$0x0] =	vst.idx.msk $0xffff, v17  }
0x5c4: {  	v40 =	vadd.s32 v5, v12;
	[tilespmem:v36+s8+$0x0] =	vst.idx.msk $0xffff, v35;
	v17 =	vld [tilespmem:s22+$0x20D0]  }
0x5c5: {  	v46 =	vadd.s32 v5, v20;
	[tilespmem:v33+s8+$0x0] =	vst.idx.msk $0xffff, v25;
	v45 =	vld [tilespmem:s22+$0x2010]  }
0x5c6: {  	v42 =	vadd.s32 v5, v23;
	[tilespmem:v34+s8+$0x0] =	vst.idx.msk $0xffff, v13;
	v41 =	vld [tilespmem:s22+$0x2050]  }
0x5c7: {  	v44 =	vadd.s32 v5, v24;
	[tilespmem:v29+s8+$0x0] =	vst.idx.msk $0xffff, v28;
	v43 =	vld [tilespmem:s22+$0x2090]  }
0x5c8: {  	v8 =	vadd.s32 v7, v8;
	v57 =	vld [tilespmem:s29+$0x2030];
	[tilespmem:v38+s8+$0x0] =	vst.idx.msk $0xffff, v37  }
0x5c9: {  	v21 =	vld [tilespmem:s29+$0x20A0];
	v39 =	vadd.s32 v6, v9;
	[tilespmem:v40+s8+$0x0] =	vst.idx.msk $0xffff, v17  }
0x5ca: {  	v51 =	vadd.s32 v6, v12;
	[tilespmem:v46+s8+$0x0] =	vst.idx.msk $0xffff, v45;
	v17 =	vld [tilespmem:s22+$0x20E0]  }
0x5cb: {  	v54 =	vadd.s32 v6, v20;
	[tilespmem:v42+s8+$0x0] =	vst.idx.msk $0xffff, v41;
	v16 =	vld [tilespmem:s22+$0x2020]  }
0x5cc: {  	v52 =	vadd.s32 v6, v23;
	v13 =	vld [tilespmem:s22+$0x2060];
	[tilespmem:v44+s8+$0x0] =	vst.idx.msk $0xffff, v43  }
0x5cd: {  	[tilespmem:v8+s8+$0x0] =	vst.idx.msk $0xffff, v57;
	v53 =	vadd.s32 v6, v24;
	v11 =	vld [tilespmem:s22+$0x20A0]  }
0x5ce: {  	[tilespmem:v39+s8+$0x0] =	vst.idx.msk $0xffff, v21;
	v49 =	vld [tilespmem:s29+$0x2070];
	v50 =	vadd.s32 v7, v10  }
0x5cf: {  	v56 =	vadd.s32 v7, v9;
	v55 =	vld [tilespmem:s29+$0x20B0];
	[tilespmem:v51+s8+$0x0] =	vst.idx.msk $0xffff, v17  }
0x5d0: {  	v12 =	vadd.s32 v7, v12;
	[tilespmem:v54+s8+$0x0] =	vst.idx.msk $0xffff, v16;
	v17 =	vld [tilespmem:s22+$0x20F0]  }
0x5d1: {  	v63 =	vadd.s32 v7, v20;
	[tilespmem:v52+s8+$0x0] =	vst.idx.msk $0xffff, v13;
	v62 =	vld [tilespmem:s22+$0x2030]  }
0x5d2: {  	v59 =	vadd.s32 v7, v23;
	[tilespmem:v53+s8+$0x0] =	vst.idx.msk $0xffff, v11;
	v58 =	vld [tilespmem:s22+$0x2070]  }
0x5d3: {  	[tilespmem:v50+s8+$0x0] =	vst.idx.msk $0xffff, v49;
	v61 =	vadd.s32 v7, v24;
	v60 =	vld [tilespmem:s22+$0x20B0]  }
0x5d4: {  	[tilespmem:v56+s8+$0x0] =	vst.idx.msk $0xffff, v55  }
0x5d5: {  	[tilespmem:v12+s8+$0x0] =	vst.idx.msk $0xffff, v17  }
0x5d6: {  	s28 =	sor.u32 s18, s10;
	[tilespmem:v63+s8+$0x0] =	vst.idx.msk $0xffff, v62  }
0x5d7: {  	s10 =	sshrl.u32 s28, $0x3;
	[tilespmem:v59+s8+$0x0] =	vst.idx.msk $0xffff, v58  }
0x5d8: {  	s0 =	sadd.s32 s1, s10;
	[tilespmem:v61+s8+$0x0] =	vst.idx.msk $0xffff, v60  }
0x5d9: {  	[hbm4b:s0+s3] =	stream.linear.scatter [tilespmem:s8], [sflag:$0x6], $0x80, $0x38;
	[tilespmem:$0x18C00] =	vst v63  }
0x5da: {  	s29 =	sadd.s32 $0x10, s0  }
0x5db: {  	[hbm4b:s29+s3] =	stream.linear.scatter [tilespmem:s30], [sflag:$0x6], $0x80, $0x38;
	[tilespmem:$0x18C00] =	vst v63  }
0x5dc: {  	s22 =	sadd.s32 $0x20, s0  }
0x5dd: {  	[hbm4b:s22+s3] =	stream.linear.scatter [tilespmem:s31], [sflag:$0x6], $0x80, $0x38;
	[tilespmem:$0x18C00] =	vst v63  }
0x5de: {  	s28 =	sadd.s32 $0x30, s0;
	s29 =	simm.s32 $0x14998  }
0x5df: {  	[hbm4b:s28+s3] =	stream.linear.scatter [tilespmem:s29], [sflag:$0x6], $0x80, $0x38;
	[tilespmem:$0x18C00] =	vst v63  }
0x5e0: {  	s30 =	sadd.s32 $0x40, s0;
	s31 =	simm.s32 $0x14A20  }
0x5e1: {  	[hbm4b:s30+s3] =	stream.linear.scatter [tilespmem:s31], [sflag:$0x6], $0x80, $0x38;
	[tilespmem:$0x18C00] =	vst v63  }
0x5e2: {  	s28 =	sadd.s32 $0x50, s0;
	s29 =	simm.s32 $0x14AA8  }
0x5e3: {  	[hbm4b:s28+s3] =	stream.linear.scatter [tilespmem:s29], [sflag:$0x6], $0x80, $0x38;
	[tilespmem:$0x18C00] =	vst v63  }
0x5e4: {  	s30 =	sadd.s32 $0x60, s0;
	s31 =	simm.s32 $0x14B30  }
0x5e5: {  	[hbm4b:s30+s3] =	stream.linear.scatter [tilespmem:s31], [sflag:$0x6], $0x80, $0x38;
	[tilespmem:$0x18C00] =	vst v63  }
0x5e6: {  	s28 =	sadd.s32 $0x70, s0;
	s29 =	simm.s32 $0x14BB8  }
0x5e7: {  	[hbm4b:s28+s3] =	stream.linear.scatter [tilespmem:s29], [sflag:$0x6], $0x80, $0x38;
	[tilespmem:$0x18C00] =	vst v63  }
0x5e8: {  	s30 =	sadd.s32 $0x80, s0;
	s31 =	simm.s32 $0x16A00  }
0x5e9: {  	[hbm4b:s30+s3] =	stream.linear.scatter [tilespmem:s31], [sflag:$0x6], $0x80, $0x38;
	[tilespmem:$0x18C00] =	vst v63  }
0x5ea: {  	s28 =	sadd.s32 $0x90, s0;
	s29 =	simm.s32 $0x16A88  }
0x5eb: {  	[hbm4b:s28+s3] =	stream.linear.scatter [tilespmem:s29], [sflag:$0x6], $0x80, $0x38;
	[tilespmem:$0x18C00] =	vst v63  }
0x5ec: {  	s30 =	sadd.s32 $0xA0, s0;
	s31 =	simm.s32 $0x16B10  }
0x5ed: {  	[hbm4b:s30+s3] =	stream.linear.scatter [tilespmem:s31], [sflag:$0x6], $0x80, $0x38;
	[tilespmem:$0x18C00] =	vst v63  }
0x5ee: {  	s28 =	sadd.s32 $0xB0, s0;
	s29 =	simm.s32 $0x16B98  }
0x5ef: {  	[hbm4b:s28+s3] =	stream.linear.scatter [tilespmem:s29], [sflag:$0x6], $0x80, $0x38;
	[tilespmem:$0x18C00] =	vst v63  }
0x5f0: {  	s30 =	sadd.s32 $0xC0, s0;
	s31 =	simm.s32 $0x16C20  }
0x5f1: {  	[hbm4b:s30+s3] =	stream.linear.scatter [tilespmem:s31], [sflag:$0x6], $0x80, $0x38;
	[tilespmem:$0x18C00] =	vst v63  }
0x5f2: {  	s22 =	sadd.s32 $0xD0, s0;
	s28 =	simm.s32 $0x16CA8  }
0x5f3: {  	[hbm4b:s22+s3] =	stream.linear.scatter [tilespmem:s28], [sflag:$0x6], $0x80, $0x38;
	[tilespmem:$0x18C00] =	vst v63  }
0x5f4: {  	s29 =	sadd.s32 $0xE0, s0;
	s30 =	simm.s32 $0x16D30  }
0x5f5: {  	[hbm4b:s29+s3] =	stream.linear.scatter [tilespmem:s30], [sflag:$0x6], $0x80, $0x38;
	[tilespmem:$0x18C00] =	vst v63  }
0x5f6: {  	s19 =	sor.u32 $0x4000, s10;
	s0 =	sadd.s32 $0xF0, s0;
	s31 =	simm.s32 $0x16DB8  }
0x5f7: {  	[hbm4b:s0+s3] =	stream.linear.scatter [tilespmem:s31], [sflag:$0x6], $0x80, $0x38;
	[tilespmem:$0x18C00] =	vst v63  }
0x5f8: {  	s22 =	simm.s32 $0x14C40;
	s0 =	sadd.s32 s1, s19  }
0x5f9: {  	[hbm4b:s0+s3] =	stream.linear.scatter [tilespmem:s22], [sflag:$0x6], $0x80, $0x38;
	[tilespmem:$0x18C00] =	vst v63  }
0x5fa: {  	s29 =	simm.s32 $0x14CC8;
	s28 =	sadd.s32 $0x10, s0  }
0x5fb: {  	[hbm4b:s28+s3] =	stream.linear.scatter [tilespmem:s29], [sflag:$0x6], $0x80, $0x38;
	[tilespmem:$0x18C00] =	vst v63  }
0x5fc: {  	s31 =	simm.s32 $0x14D50;
	s30 =	sadd.s32 $0x20, s0  }
0x5fd: {  	[hbm4b:s30+s3] =	stream.linear.scatter [tilespmem:s31], [sflag:$0x6], $0x80, $0x38;
	[tilespmem:$0x18C00] =	vst v63  }
0x5fe: {  	s28 =	sadd.s32 $0x30, s0;
	s29 =	simm.s32 $0x14DD8  }
0x5ff: {  	[hbm4b:s28+s3] =	stream.linear.scatter [tilespmem:s29], [sflag:$0x6], $0x80, $0x38;
	[tilespmem:$0x18C00] =	vst v63  }
0x600: {  	s30 =	sadd.s32 $0x40, s0;
	s31 =	simm.s32 $0x14E60  }
0x601: {  	[hbm4b:s30+s3] =	stream.linear.scatter [tilespmem:s31], [sflag:$0x6], $0x80, $0x38;
	[tilespmem:$0x18C00] =	vst v63  }
0x602: {  	s28 =	sadd.s32 $0x50, s0;
	s29 =	simm.s32 $0x14EE8  }
0x603: {  	[hbm4b:s28+s3] =	stream.linear.scatter [tilespmem:s29], [sflag:$0x6], $0x80, $0x38;
	[tilespmem:$0x18C00] =	vst v63  }
0x604: {  	s30 =	sadd.s32 $0x60, s0;
	s31 =	simm.s32 $0x14F70  }
0x605: {  	[hbm4b:s30+s3] =	stream.linear.scatter [tilespmem:s31], [sflag:$0x6], $0x80, $0x38;
	[tilespmem:$0x18C00] =	vst v63  }
0x606: {  	s28 =	sadd.s32 $0x70, s0;
	s29 =	simm.s32 $0x14FF8  }
0x607: {  	[hbm4b:s28+s3] =	stream.linear.scatter [tilespmem:s29], [sflag:$0x6], $0x80, $0x38;
	[tilespmem:$0x18C00] =	vst v63  }
0x608: {  	s30 =	sadd.s32 $0x80, s0;
	s31 =	simm.s32 $0x16E40  }
0x609: {  	[hbm4b:s30+s3] =	stream.linear.scatter [tilespmem:s31], [sflag:$0x6], $0x80, $0x38;
	[tilespmem:$0x18C00] =	vst v63  }
0x60a: {  	s28 =	sadd.s32 $0x90, s0;
	s29 =	simm.s32 $0x16EC8  }
0x60b: {  	[hbm4b:s28+s3] =	stream.linear.scatter [tilespmem:s29], [sflag:$0x6], $0x80, $0x38;
	[tilespmem:$0x18C00] =	vst v63  }
0x60c: {  	s30 =	sadd.s32 $0xA0, s0;
	s31 =	simm.s32 $0x16F50  }
0x60d: {  	[hbm4b:s30+s3] =	stream.linear.scatter [tilespmem:s31], [sflag:$0x6], $0x80, $0x38;
	[tilespmem:$0x18C00] =	vst v63  }
0x60e: {  	s28 =	sadd.s32 $0xB0, s0;
	s29 =	simm.s32 $0x16FD8  }
0x60f: {  	[hbm4b:s28+s3] =	stream.linear.scatter [tilespmem:s29], [sflag:$0x6], $0x80, $0x38;
	[tilespmem:$0x18C00] =	vst v63  }
0x610: {  	s30 =	sadd.s32 $0xC0, s0;
	s31 =	simm.s32 $0x17060  }
0x611: {  	[hbm4b:s30+s3] =	stream.linear.scatter [tilespmem:s31], [sflag:$0x6], $0x80, $0x38;
	[tilespmem:$0x18C00] =	vst v63  }
0x612: {  	s22 =	sadd.s32 $0xD0, s0;
	s28 =	simm.s32 $0x170E8  }
0x613: {  	[hbm4b:s22+s3] =	stream.linear.scatter [tilespmem:s28], [sflag:$0x6], $0x80, $0x38;
	[tilespmem:$0x18C00] =	vst v63  }
0x614: {  	s29 =	sadd.s32 $0xE0, s0;
	s30 =	simm.s32 $0x17170  }
0x615: {  	[hbm4b:s29+s3] =	stream.linear.scatter [tilespmem:s30], [sflag:$0x6], $0x80, $0x38;
	[tilespmem:$0x18C00] =	vst v63  }
0x616: {  	s19 =	sor.u32 $0x8000, s10;
	s0 =	sadd.s32 $0xF0, s0;
	s31 =	simm.s32 $0x171F8  }
0x617: {  	[hbm4b:s0+s3] =	stream.linear.scatter [tilespmem:s31], [sflag:$0x6], $0x80, $0x38;
	[tilespmem:$0x18C00] =	vst v63  }
0x618: {  	s22 =	simm.s32 $0x15080;
	s0 =	sadd.s32 s1, s19  }
0x619: {  	[hbm4b:s0+s3] =	stream.linear.scatter [tilespmem:s22], [sflag:$0x6], $0x80, $0x38;
	[tilespmem:$0x18C00] =	vst v63  }
0x61a: {  	s29 =	simm.s32 $0x15108;
	s28 =	sadd.s32 $0x10, s0  }
0x61b: {  	[hbm4b:s28+s3] =	stream.linear.scatter [tilespmem:s29], [sflag:$0x6], $0x80, $0x38;
	[tilespmem:$0x18C00] =	vst v63  }
0x61c: {  	s31 =	simm.s32 $0x15190;
	s30 =	sadd.s32 $0x20, s0  }
0x61d: {  	[hbm4b:s30+s3] =	stream.linear.scatter [tilespmem:s31], [sflag:$0x6], $0x80, $0x38;
	[tilespmem:$0x18C00] =	vst v63  }
0x61e: {  	s28 =	sadd.s32 $0x30, s0;
	s29 =	simm.s32 $0x15218  }
0x61f: {  	[hbm4b:s28+s3] =	stream.linear.scatter [tilespmem:s29], [sflag:$0x6], $0x80, $0x38;
	[tilespmem:$0x18C00] =	vst v63  }
0x620: {  	s30 =	sadd.s32 $0x40, s0;
	s31 =	simm.s32 $0x152A0  }
0x621: {  	[hbm4b:s30+s3] =	stream.linear.scatter [tilespmem:s31], [sflag:$0x6], $0x80, $0x38;
	[tilespmem:$0x18C00] =	vst v63  }
0x622: {  	s28 =	sadd.s32 $0x50, s0;
	s29 =	simm.s32 $0x15328  }
0x623: {  	[hbm4b:s28+s3] =	stream.linear.scatter [tilespmem:s29], [sflag:$0x6], $0x80, $0x38;
	[tilespmem:$0x18C00] =	vst v63  }
0x624: {  	s30 =	sadd.s32 $0x60, s0;
	s31 =	simm.s32 $0x153B0  }
0x625: {  	[hbm4b:s30+s3] =	stream.linear.scatter [tilespmem:s31], [sflag:$0x6], $0x80, $0x38;
	[tilespmem:$0x18C00] =	vst v63  }
0x626: {  	s28 =	sadd.s32 $0x70, s0;
	s29 =	simm.s32 $0x15438  }
0x627: {  	[hbm4b:s28+s3] =	stream.linear.scatter [tilespmem:s29], [sflag:$0x6], $0x80, $0x38;
	[tilespmem:$0x18C00] =	vst v63  }
0x628: {  	s30 =	sadd.s32 $0x80, s0;
	s31 =	simm.s32 $0x17280  }
0x629: {  	[hbm4b:s30+s3] =	stream.linear.scatter [tilespmem:s31], [sflag:$0x6], $0x80, $0x38;
	[tilespmem:$0x18C00] =	vst v63  }
0x62a: {  	s28 =	sadd.s32 $0x90, s0;
	s29 =	simm.s32 $0x17308  }
0x62b: {  	[hbm4b:s28+s3] =	stream.linear.scatter [tilespmem:s29], [sflag:$0x6], $0x80, $0x38;
	[tilespmem:$0x18C00] =	vst v63  }
0x62c: {  	s30 =	sadd.s32 $0xA0, s0;
	s31 =	simm.s32 $0x17390  }
0x62d: {  	[hbm4b:s30+s3] =	stream.linear.scatter [tilespmem:s31], [sflag:$0x6], $0x80, $0x38;
	[tilespmem:$0x18C00] =	vst v63  }
0x62e: {  	s28 =	sadd.s32 $0xB0, s0;
	s29 =	simm.s32 $0x17418  }
0x62f: {  	[hbm4b:s28+s3] =	stream.linear.scatter [tilespmem:s29], [sflag:$0x6], $0x80, $0x38;
	[tilespmem:$0x18C00] =	vst v63  }
0x630: {  	s30 =	sadd.s32 $0xC0, s0;
	s31 =	simm.s32 $0x174A0  }
0x631: {  	[hbm4b:s30+s3] =	stream.linear.scatter [tilespmem:s31], [sflag:$0x6], $0x80, $0x38;
	[tilespmem:$0x18C00] =	vst v63  }
0x632: {  	s22 =	sadd.s32 $0xD0, s0;
	s28 =	simm.s32 $0x17528  }
0x633: {  	[hbm4b:s22+s3] =	stream.linear.scatter [tilespmem:s28], [sflag:$0x6], $0x80, $0x38;
	[tilespmem:$0x18C00] =	vst v63  }
0x634: {  	s29 =	sadd.s32 $0xE0, s0;
	s30 =	simm.s32 $0x175B0  }
0x635: {  	[hbm4b:s29+s3] =	stream.linear.scatter [tilespmem:s30], [sflag:$0x6], $0x80, $0x38;
	[tilespmem:$0x18C00] =	vst v63  }
0x636: {  	s19 =	sor.u32 $0xC000, s10;
	s0 =	sadd.s32 $0xF0, s0;
	s31 =	simm.s32 $0x17638  }
0x637: {  	[hbm4b:s0+s3] =	stream.linear.scatter [tilespmem:s31], [sflag:$0x6], $0x80, $0x38;
	[tilespmem:$0x18C00] =	vst v63  }
0x638: {  	s22 =	simm.s32 $0x154C0;
	s0 =	sadd.s32 s1, s19  }
0x639: {  	[hbm4b:s0+s3] =	stream.linear.scatter [tilespmem:s22], [sflag:$0x6], $0x80, $0x38;
	[tilespmem:$0x18C00] =	vst v63  }
0x63a: {  	s29 =	simm.s32 $0x15548;
	s28 =	sadd.s32 $0x10, s0  }
0x63b: {  	[hbm4b:s28+s3] =	stream.linear.scatter [tilespmem:s29], [sflag:$0x6], $0x80, $0x38;
	[tilespmem:$0x18C00] =	vst v63  }
0x63c: {  	s31 =	simm.s32 $0x155D0;
	s30 =	sadd.s32 $0x20, s0  }
0x63d: {  	[hbm4b:s30+s3] =	stream.linear.scatter [tilespmem:s31], [sflag:$0x6], $0x80, $0x38;
	[tilespmem:$0x18C00] =	vst v63  }
0x63e: {  	s28 =	sadd.s32 $0x30, s0;
	s29 =	simm.s32 $0x15658  }
0x63f: {  	[hbm4b:s28+s3] =	stream.linear.scatter [tilespmem:s29], [sflag:$0x6], $0x80, $0x38;
	[tilespmem:$0x18C00] =	vst v63  }
0x640: {  	s30 =	sadd.s32 $0x40, s0;
	s31 =	simm.s32 $0x156E0  }
0x641: {  	[hbm4b:s30+s3] =	stream.linear.scatter [tilespmem:s31], [sflag:$0x6], $0x80, $0x38;
	[tilespmem:$0x18C00] =	vst v63  }
0x642: {  	s28 =	sadd.s32 $0x50, s0;
	s29 =	simm.s32 $0x15768  }
0x643: {  	[hbm4b:s28+s3] =	stream.linear.scatter [tilespmem:s29], [sflag:$0x6], $0x80, $0x38;
	[tilespmem:$0x18C00] =	vst v63  }
0x644: {  	s30 =	sadd.s32 $0x60, s0;
	s31 =	simm.s32 $0x157F0  }
0x645: {  	[hbm4b:s30+s3] =	stream.linear.scatter [tilespmem:s31], [sflag:$0x6], $0x80, $0x38;
	[tilespmem:$0x18C00] =	vst v63  }
0x646: {  	s28 =	sadd.s32 $0x70, s0;
	s29 =	simm.s32 $0x15878  }
0x647: {  	[hbm4b:s28+s3] =	stream.linear.scatter [tilespmem:s29], [sflag:$0x6], $0x80, $0x38;
	[tilespmem:$0x18C00] =	vst v63  }
0x648: {  	s30 =	sadd.s32 $0x80, s0;
	s31 =	simm.s32 $0x176C0  }
0x649: {  	[hbm4b:s30+s3] =	stream.linear.scatter [tilespmem:s31], [sflag:$0x6], $0x80, $0x38;
	[tilespmem:$0x18C00] =	vst v63  }
0x64a: {  	s28 =	sadd.s32 $0x90, s0;
	s29 =	simm.s32 $0x17748  }
0x64b: {  	[hbm4b:s28+s3] =	stream.linear.scatter [tilespmem:s29], [sflag:$0x6], $0x80, $0x38;
	[tilespmem:$0x18C00] =	vst v63  }
0x64c: {  	s30 =	sadd.s32 $0xA0, s0;
	s31 =	simm.s32 $0x177D0  }
0x64d: {  	[hbm4b:s30+s3] =	stream.linear.scatter [tilespmem:s31], [sflag:$0x6], $0x80, $0x38;
	[tilespmem:$0x18C00] =	vst v63  }
0x64e: {  	s28 =	sadd.s32 $0xB0, s0;
	s29 =	simm.s32 $0x17858  }
0x64f: {  	[hbm4b:s28+s3] =	stream.linear.scatter [tilespmem:s29], [sflag:$0x6], $0x80, $0x38;
	[tilespmem:$0x18C00] =	vst v63  }
0x650: {  	s30 =	sadd.s32 $0xC0, s0;
	s31 =	simm.s32 $0x178E0  }
0x651: {  	[hbm4b:s30+s3] =	stream.linear.scatter [tilespmem:s31], [sflag:$0x6], $0x80, $0x38;
	[tilespmem:$0x18C00] =	vst v63  }
0x652: {  	s22 =	sadd.s32 $0xD0, s0;
	s28 =	simm.s32 $0x17968  }
0x653: {  	[hbm4b:s22+s3] =	stream.linear.scatter [tilespmem:s28], [sflag:$0x6], $0x80, $0x38;
	[tilespmem:$0x18C00] =	vst v63  }
0x654: {  	s29 =	sadd.s32 $0xE0, s0;
	s30 =	simm.s32 $0x179F0  }
0x655: {  	[hbm4b:s29+s3] =	stream.linear.scatter [tilespmem:s30], [sflag:$0x6], $0x80, $0x38;
	[tilespmem:$0x18C00] =	vst v63  }
0x656: {  	s19 =	sor.u32 $0x10000, s10;
	s0 =	sadd.s32 $0xF0, s0;
	s31 =	simm.s32 $0x17A78  }
0x657: {  	[hbm4b:s0+s3] =	stream.linear.scatter [tilespmem:s31], [sflag:$0x6], $0x80, $0x38;
	[tilespmem:$0x18C00] =	vst v63  }
0x658: {  	s22 =	simm.s32 $0x15900;
	s0 =	sadd.s32 s1, s19  }
0x659: {  	[hbm4b:s0+s3] =	stream.linear.scatter [tilespmem:s22], [sflag:$0x6], $0x80, $0x38;
	[tilespmem:$0x18C00] =	vst v63  }
0x65a: {  	s29 =	simm.s32 $0x15988;
	s28 =	sadd.s32 $0x10, s0  }
0x65b: {  	[hbm4b:s28+s3] =	stream.linear.scatter [tilespmem:s29], [sflag:$0x6], $0x80, $0x38;
	[tilespmem:$0x18C00] =	vst v63  }
0x65c: {  	s31 =	simm.s32 $0x15A10;
	s30 =	sadd.s32 $0x20, s0  }
0x65d: {  	[hbm4b:s30+s3] =	stream.linear.scatter [tilespmem:s31], [sflag:$0x6], $0x80, $0x38;
	[tilespmem:$0x18C00] =	vst v63  }
0x65e: {  	s28 =	sadd.s32 $0x30, s0;
	s29 =	simm.s32 $0x15A98  }
0x65f: {  	[hbm4b:s28+s3] =	stream.linear.scatter [tilespmem:s29], [sflag:$0x6], $0x80, $0x38;
	[tilespmem:$0x18C00] =	vst v63  }
0x660: {  	s30 =	sadd.s32 $0x40, s0;
	s31 =	simm.s32 $0x15B20  }
0x661: {  	[hbm4b:s30+s3] =	stream.linear.scatter [tilespmem:s31], [sflag:$0x6], $0x80, $0x38;
	[tilespmem:$0x18C00] =	vst v63  }
0x662: {  	s28 =	sadd.s32 $0x50, s0;
	s29 =	simm.s32 $0x15BA8  }
0x663: {  	[hbm4b:s28+s3] =	stream.linear.scatter [tilespmem:s29], [sflag:$0x6], $0x80, $0x38;
	[tilespmem:$0x18C00] =	vst v63  }
0x664: {  	s30 =	sadd.s32 $0x60, s0;
	s31 =	simm.s32 $0x15C30  }
0x665: {  	[hbm4b:s30+s3] =	stream.linear.scatter [tilespmem:s31], [sflag:$0x6], $0x80, $0x38;
	[tilespmem:$0x18C00] =	vst v63  }
0x666: {  	s28 =	sadd.s32 $0x70, s0;
	s29 =	simm.s32 $0x15CB8  }
0x667: {  	[hbm4b:s28+s3] =	stream.linear.scatter [tilespmem:s29], [sflag:$0x6], $0x80, $0x38;
	[tilespmem:$0x18C00] =	vst v63  }
0x668: {  	s30 =	sadd.s32 $0x80, s0;
	s31 =	simm.s32 $0x17B00  }
0x669: {  	[hbm4b:s30+s3] =	stream.linear.scatter [tilespmem:s31], [sflag:$0x6], $0x80, $0x38;
	[tilespmem:$0x18C00] =	vst v63  }
0x66a: {  	s28 =	sadd.s32 $0x90, s0;
	s29 =	simm.s32 $0x17B88  }
0x66b: {  	[hbm4b:s28+s3] =	stream.linear.scatter [tilespmem:s29], [sflag:$0x6], $0x80, $0x38;
	[tilespmem:$0x18C00] =	vst v63  }
0x66c: {  	s30 =	sadd.s32 $0xA0, s0;
	s31 =	simm.s32 $0x17C10  }
0x66d: {  	[hbm4b:s30+s3] =	stream.linear.scatter [tilespmem:s31], [sflag:$0x6], $0x80, $0x38;
	[tilespmem:$0x18C00] =	vst v63  }
0x66e: {  	s28 =	sadd.s32 $0xB0, s0;
	s29 =	simm.s32 $0x17C98  }
0x66f: {  	[hbm4b:s28+s3] =	stream.linear.scatter [tilespmem:s29], [sflag:$0x6], $0x80, $0x38;
	[tilespmem:$0x18C00] =	vst v63  }
0x670: {  	s30 =	sadd.s32 $0xC0, s0;
	s31 =	simm.s32 $0x17D20  }
0x671: {  	[hbm4b:s30+s3] =	stream.linear.scatter [tilespmem:s31], [sflag:$0x6], $0x80, $0x38;
	[tilespmem:$0x18C00] =	vst v63  }
0x672: {  	s22 =	sadd.s32 $0xD0, s0;
	s28 =	simm.s32 $0x17DA8  }
0x673: {  	[hbm4b:s22+s3] =	stream.linear.scatter [tilespmem:s28], [sflag:$0x6], $0x80, $0x38;
	[tilespmem:$0x18C00] =	vst v63  }
0x674: {  	s29 =	sadd.s32 $0xE0, s0;
	s30 =	simm.s32 $0x17E30  }
0x675: {  	[hbm4b:s29+s3] =	stream.linear.scatter [tilespmem:s30], [sflag:$0x6], $0x80, $0x38;
	[tilespmem:$0x18C00] =	vst v63  }
0x676: {  	s19 =	sor.u32 $0x14000, s10;
	s0 =	sadd.s32 $0xF0, s0;
	s31 =	simm.s32 $0x17EB8  }
0x677: {  	[hbm4b:s0+s3] =	stream.linear.scatter [tilespmem:s31], [sflag:$0x6], $0x80, $0x38;
	[tilespmem:$0x18C00] =	vst v63  }
0x678: {  	s22 =	simm.s32 $0x15D40;
	s0 =	sadd.s32 s1, s19  }
0x679: {  	[hbm4b:s0+s3] =	stream.linear.scatter [tilespmem:s22], [sflag:$0x6], $0x80, $0x38;
	[tilespmem:$0x18C00] =	vst v63  }
0x67a: {  	s29 =	simm.s32 $0x15DC8;
	s28 =	sadd.s32 $0x10, s0  }
0x67b: {  	[hbm4b:s28+s3] =	stream.linear.scatter [tilespmem:s29], [sflag:$0x6], $0x80, $0x38;
	[tilespmem:$0x18C00] =	vst v63  }
0x67c: {  	s31 =	simm.s32 $0x15E50;
	s30 =	sadd.s32 $0x20, s0  }
0x67d: {  	[hbm4b:s30+s3] =	stream.linear.scatter [tilespmem:s31], [sflag:$0x6], $0x80, $0x38;
	[tilespmem:$0x18C00] =	vst v63  }
0x67e: {  	s28 =	sadd.s32 $0x30, s0;
	s29 =	simm.s32 $0x15ED8  }
0x67f: {  	[hbm4b:s28+s3] =	stream.linear.scatter [tilespmem:s29], [sflag:$0x6], $0x80, $0x38;
	[tilespmem:$0x18C00] =	vst v63  }
0x680: {  	s30 =	sadd.s32 $0x40, s0;
	s31 =	simm.s32 $0x15F60  }
0x681: {  	[hbm4b:s30+s3] =	stream.linear.scatter [tilespmem:s31], [sflag:$0x6], $0x80, $0x38;
	[tilespmem:$0x18C00] =	vst v63  }
0x682: {  	s28 =	sadd.s32 $0x50, s0;
	s29 =	simm.s32 $0x15FE8  }
0x683: {  	[hbm4b:s28+s3] =	stream.linear.scatter [tilespmem:s29], [sflag:$0x6], $0x80, $0x38;
	[tilespmem:$0x18C00] =	vst v63  }
0x684: {  	s30 =	sadd.s32 $0x60, s0;
	s31 =	simm.s32 $0x16070  }
0x685: {  	[hbm4b:s30+s3] =	stream.linear.scatter [tilespmem:s31], [sflag:$0x6], $0x80, $0x38;
	[tilespmem:$0x18C00] =	vst v63  }
0x686: {  	s28 =	sadd.s32 $0x70, s0;
	s29 =	simm.s32 $0x160F8  }
0x687: {  	[hbm4b:s28+s3] =	stream.linear.scatter [tilespmem:s29], [sflag:$0x6], $0x80, $0x38;
	[tilespmem:$0x18C00] =	vst v63  }
0x688: {  	s30 =	sadd.s32 $0x80, s0;
	s31 =	simm.s32 $0x17F40  }
0x689: {  	[hbm4b:s30+s3] =	stream.linear.scatter [tilespmem:s31], [sflag:$0x6], $0x80, $0x38;
	[tilespmem:$0x18C00] =	vst v63  }
0x68a: {  	s28 =	sadd.s32 $0x90, s0;
	s29 =	simm.s32 $0x17FC8  }
0x68b: {  	[hbm4b:s28+s3] =	stream.linear.scatter [tilespmem:s29], [sflag:$0x6], $0x80, $0x38;
	[tilespmem:$0x18C00] =	vst v63  }
0x68c: {  	s30 =	sadd.s32 $0xA0, s0;
	s31 =	simm.s32 $0x18050  }
0x68d: {  	[hbm4b:s30+s3] =	stream.linear.scatter [tilespmem:s31], [sflag:$0x6], $0x80, $0x38;
	[tilespmem:$0x18C00] =	vst v63  }
0x68e: {  	s28 =	sadd.s32 $0xB0, s0;
	s29 =	simm.s32 $0x180D8  }
0x68f: {  	[hbm4b:s28+s3] =	stream.linear.scatter [tilespmem:s29], [sflag:$0x6], $0x80, $0x38;
	[tilespmem:$0x18C00] =	vst v63  }
0x690: {  	s30 =	sadd.s32 $0xC0, s0;
	s31 =	simm.s32 $0x18160  }
0x691: {  	[hbm4b:s30+s3] =	stream.linear.scatter [tilespmem:s31], [sflag:$0x6], $0x80, $0x38;
	[tilespmem:$0x18C00] =	vst v63  }
0x692: {  	s22 =	sadd.s32 $0xD0, s0;
	s28 =	simm.s32 $0x181E8  }
0x693: {  	[hbm4b:s22+s3] =	stream.linear.scatter [tilespmem:s28], [sflag:$0x6], $0x80, $0x38;
	[tilespmem:$0x18C00] =	vst v63  }
0x694: {  	s29 =	sadd.s32 $0xE0, s0;
	s30 =	simm.s32 $0x18270  }
0x695: {  	[hbm4b:s29+s3] =	stream.linear.scatter [tilespmem:s30], [sflag:$0x6], $0x80, $0x38;
	[tilespmem:$0x18C00] =	vst v63  }
0x696: {  	s19 =	sor.u32 $0x18000, s10;
	s0 =	sadd.s32 $0xF0, s0;
	s31 =	simm.s32 $0x182F8  }
0x697: {  	[hbm4b:s0+s3] =	stream.linear.scatter [tilespmem:s31], [sflag:$0x6], $0x80, $0x38;
	[tilespmem:$0x18C00] =	vst v63  }
0x698: {  	s22 =	simm.s32 $0x16180;
	s0 =	sadd.s32 s1, s19  }
0x699: {  	[hbm4b:s0+s3] =	stream.linear.scatter [tilespmem:s22], [sflag:$0x6], $0x80, $0x38;
	[tilespmem:$0x18C00] =	vst v63  }
0x69a: {  	s29 =	simm.s32 $0x16208;
	s28 =	sadd.s32 $0x10, s0  }
0x69b: {  	[hbm4b:s28+s3] =	stream.linear.scatter [tilespmem:s29], [sflag:$0x6], $0x80, $0x38;
	[tilespmem:$0x18C00] =	vst v63  }
0x69c: {  	s31 =	simm.s32 $0x16290;
	s30 =	sadd.s32 $0x20, s0  }
0x69d: {  	[hbm4b:s30+s3] =	stream.linear.scatter [tilespmem:s31], [sflag:$0x6], $0x80, $0x38;
	[tilespmem:$0x18C00] =	vst v63  }
0x69e: {  	s28 =	sadd.s32 $0x30, s0;
	s29 =	simm.s32 $0x16318  }
0x69f: {  	[hbm4b:s28+s3] =	stream.linear.scatter [tilespmem:s29], [sflag:$0x6], $0x80, $0x38;
	[tilespmem:$0x18C00] =	vst v63  }
0x6a0: {  	s30 =	sadd.s32 $0x40, s0;
	s31 =	simm.s32 $0x163A0  }
0x6a1: {  	[hbm4b:s30+s3] =	stream.linear.scatter [tilespmem:s31], [sflag:$0x6], $0x80, $0x38;
	[tilespmem:$0x18C00] =	vst v63  }
0x6a2: {  	s28 =	sadd.s32 $0x50, s0;
	s29 =	simm.s32 $0x16428  }
0x6a3: {  	[hbm4b:s28+s3] =	stream.linear.scatter [tilespmem:s29], [sflag:$0x6], $0x80, $0x38;
	[tilespmem:$0x18C00] =	vst v63  }
0x6a4: {  	s30 =	sadd.s32 $0x60, s0;
	s31 =	simm.s32 $0x164B0  }
0x6a5: {  	[hbm4b:s30+s3] =	stream.linear.scatter [tilespmem:s31], [sflag:$0x6], $0x80, $0x38;
	[tilespmem:$0x18C00] =	vst v63  }
0x6a6: {  	s28 =	sadd.s32 $0x70, s0;
	s29 =	simm.s32 $0x16538  }
0x6a7: {  	[hbm4b:s28+s3] =	stream.linear.scatter [tilespmem:s29], [sflag:$0x6], $0x80, $0x38;
	[tilespmem:$0x18C00] =	vst v63  }
0x6a8: {  	s30 =	sadd.s32 $0x80, s0;
	s31 =	simm.s32 $0x18380  }
0x6a9: {  	[hbm4b:s30+s3] =	stream.linear.scatter [tilespmem:s31], [sflag:$0x6], $0x80, $0x38;
	[tilespmem:$0x18C00] =	vst v63  }
0x6aa: {  	s28 =	sadd.s32 $0x90, s0;
	s29 =	simm.s32 $0x18408  }
0x6ab: {  	[hbm4b:s28+s3] =	stream.linear.scatter [tilespmem:s29], [sflag:$0x6], $0x80, $0x38;
	[tilespmem:$0x18C00] =	vst v63  }
0x6ac: {  	s30 =	sadd.s32 $0xA0, s0;
	s31 =	simm.s32 $0x18490  }
0x6ad: {  	[hbm4b:s30+s3] =	stream.linear.scatter [tilespmem:s31], [sflag:$0x6], $0x80, $0x38;
	[tilespmem:$0x18C00] =	vst v63  }
0x6ae: {  	s28 =	sadd.s32 $0xB0, s0;
	s29 =	simm.s32 $0x18518  }
0x6af: {  	[hbm4b:s28+s3] =	stream.linear.scatter [tilespmem:s29], [sflag:$0x6], $0x80, $0x38;
	[tilespmem:$0x18C00] =	vst v63  }
0x6b0: {  	s30 =	sadd.s32 $0xC0, s0;
	s31 =	simm.s32 $0x185A0  }
0x6b1: {  	[hbm4b:s30+s3] =	stream.linear.scatter [tilespmem:s31], [sflag:$0x6], $0x80, $0x38;
	[tilespmem:$0x18C00] =	vst v63  }
0x6b2: {  	s22 =	sadd.s32 $0xD0, s0;
	s28 =	simm.s32 $0x18628  }
0x6b3: {  	[hbm4b:s22+s3] =	stream.linear.scatter [tilespmem:s28], [sflag:$0x6], $0x80, $0x38;
	[tilespmem:$0x18C00] =	vst v63  }
0x6b4: {  	s29 =	sadd.s32 $0xE0, s0;
	s30 =	simm.s32 $0x186B0  }
0x6b5: {  	[hbm4b:s29+s3] =	stream.linear.scatter [tilespmem:s30], [sflag:$0x6], $0x80, $0x38;
	[tilespmem:$0x18C00] =	vst v63  }
0x6b6: {  	s19 =	sor.u32 $0x1C000, s10;
	s0 =	sadd.s32 $0xF0, s0;
	s31 =	simm.s32 $0x18738  }
0x6b7: {  	[hbm4b:s0+s3] =	stream.linear.scatter [tilespmem:s31], [sflag:$0x6], $0x80, $0x38;
	[tilespmem:$0x18C00] =	vst v63  }
0x6b8: {  	s22 =	simm.s32 $0x165C0;
	s0 =	sadd.s32 s1, s19  }
0x6b9: {  	[hbm4b:s0+s3] =	stream.linear.scatter [tilespmem:s22], [sflag:$0x6], $0x80, $0x38;
	[tilespmem:$0x18C00] =	vst v63  }
0x6ba: {  	s29 =	simm.s32 $0x16648;
	s28 =	sadd.s32 $0x10, s0  }
0x6bb: {  	[hbm4b:s28+s3] =	stream.linear.scatter [tilespmem:s29], [sflag:$0x6], $0x80, $0x38;
	[tilespmem:$0x18C00] =	vst v63  }
0x6bc: {  	s31 =	simm.s32 $0x166D0;
	s30 =	sadd.s32 $0x20, s0  }
0x6bd: {  	[hbm4b:s30+s3] =	stream.linear.scatter [tilespmem:s31], [sflag:$0x6], $0x80, $0x38;
	[tilespmem:$0x18C00] =	vst v63  }
0x6be: {  	s19 =	sadd.s32 $0x30, s0;
	s22 =	simm.s32 $0x16758  }
0x6bf: {  	[hbm4b:s19+s3] =	stream.linear.scatter [tilespmem:s22], [sflag:$0x6], $0x80, $0x38;
	[tilespmem:$0x18C00] =	vst v63  }
0x6c0: {  	s28 =	sadd.s32 $0x40, s0;
	s29 =	simm.s32 $0x167E0  }
0x6c1: {  	[hbm4b:s28+s3] =	stream.linear.scatter [tilespmem:s29], [sflag:$0x6], $0x80, $0x38;
	[tilespmem:$0x18C00] =	vst v63  }
0x6c2: {  	s30 =	sadd.s32 $0x50, s0;
	s31 =	simm.s32 $0x16868  }
0x6c3: {  	[hbm4b:s30+s3] =	stream.linear.scatter [tilespmem:s31], [sflag:$0x6], $0x80, $0x38;
	[tilespmem:$0x18C00] =	vst v63  }
0x6c4: {  	s19 =	sadd.s32 $0x60, s0;
	s22 =	simm.s32 $0x168F0  }
0x6c5: {  	[hbm4b:s19+s3] =	stream.linear.scatter [tilespmem:s22], [sflag:$0x6], $0x80, $0x38;
	[tilespmem:$0x18C00] =	vst v63  }
0x6c6: {  	s28 =	sadd.s32 $0x70, s0;
	s29 =	simm.s32 $0x16978  }
0x6c7: {  	[hbm4b:s28+s3] =	stream.linear.scatter [tilespmem:s29], [sflag:$0x6], $0x80, $0x38;
	[tilespmem:$0x18C00] =	vst v63  }
0x6c8: {  	s30 =	sadd.s32 $0x80, s0;
	s31 =	simm.s32 $0x187C0  }
0x6c9: {  	[hbm4b:s30+s3] =	stream.linear.scatter [tilespmem:s31], [sflag:$0x6], $0x80, $0x38;
	[tilespmem:$0x18C00] =	vst v63  }
0x6ca: {  	s19 =	sadd.s32 $0x90, s0;
	s22 =	simm.s32 $0x18848  }
0x6cb: {  	[hbm4b:s19+s3] =	stream.linear.scatter [tilespmem:s22], [sflag:$0x6], $0x80, $0x38;
	[tilespmem:$0x18C00] =	vst v63  }
0x6cc: {  	s28 =	sadd.s32 $0xA0, s0  }
0x6cd: {  	[hbm4b:s28+s3] =	stream.linear.scatter [tilespmem:s6], [sflag:$0x6], $0x80, $0x38;
	[tilespmem:$0x18C00] =	vst v63  }
0x6ce: {  	s29 =	sadd.s32 $0xB0, s0  }
0x6cf: {  	[hbm4b:s29+s3] =	stream.linear.scatter [tilespmem:s20], [sflag:$0x6], $0x80, $0x38;
	[tilespmem:$0x18C00] =	vst v63  }
0x6d0: {  	s9 =	sadd.s32 $0x1, s9;
	s30 =	sadd.s32 $0xC0, s0;
	s31 =	simm.s32 $0x189E0  }
0x6d1: {  	[hbm4b:s30+s3] =	stream.linear.scatter [tilespmem:s31], [sflag:$0x6], $0x80, $0x38;
	[tilespmem:$0x18C00] =	vst v63  }
0x6d2: {  	p0 =	sne.s32 s9, $0x19;
	s22 =	sadd.s32 $0xD0, s0;
	s28 =	simm.s32 $0x18A68  }
0x6d3: {  	[hbm4b:s22+s3] =	stream.linear.scatter [tilespmem:s28], [sflag:$0x6], $0x80, $0x38;
	[tilespmem:$0x18C00] =	vst v63  }
.Ltmp4:
0x6d4: {  	_ = 	snop;
	(pc) =	sbr.rel @p0 .LBB2_2-.Ltmp4, $4  }
0x6d5: {  	s29 =	sadd.s32 $0xE0, s0;
	s30 =	simm.s32 $0x18AF0  }
0x6d6: {  	[hbm4b:s29+s3] =	stream.linear.scatter [tilespmem:s30], [sflag:$0x6], $0x80, $0x38;
	[tilespmem:$0x18C00] =	vst v63  }
0x6d7: {  	s0 =	sadd.s32 $0xF0, s0;
	s31 =	simm.s32 $0x18B78  }
0x6d8: {  	[hbm4b:s0+s3] =	stream.linear.scatter [tilespmem:s31], [sflag:$0x6], $0x80, $0x38;
	[tilespmem:$0x18C00] =	vst v63  }
0x6d9: {  	_ =	swait.ge [sflag:s25], $0x800  }
0x6da: {  	[sflag:s25] =	ssyncset.done $0x0  }
0x6db: {  	[sflag:s25] =	ssyncadd.s32 $0xFFFFF800  }
0x6dc: {  	_ =	swait.ge [sflag:s25], $0x800  }
0x6dd: {  	[sflag:s25] =	ssyncset.done $0x0  }
0x6de: {  	[sflag:s25] =	ssyncadd.s32 $0xFFFFF800  }
0x6df: {  	_ =	swait.ge [sflag:s25], $0x800  }
0x6e0: {  	[sflag:s25] =	ssyncset.done $0x0  }
0x6e1: {  	[sflag:s25] =	ssyncadd.s32 $0xFFFFF800  }
0x6e2: {  	_ =	swait.ge [sflag:s25], $0x800  }
0x6e3: {  	[sflag:s25] =	ssyncset.done $0x0  }
0x6e4: {  	[sflag:s25] =	ssyncadd.s32 $0xFFFFF800  }
0x6e5: {  	_ =	swait.ge [sflag:s25], $0x800  }
0x6e6: {  	[sflag:s25] =	ssyncset.done $0x0  }
0x6e7: {  	[sflag:s25] =	ssyncadd.s32 $0xFFFFF800  }
0x6e8: {  	_ =	swait.ge [sflag:s25], $0x800  }
0x6e9: {  	[sflag:s25] =	ssyncset.done $0x0  }
0x6ea: {  	[sflag:s25] =	ssyncadd.s32 $0xFFFFF800  }
0x6eb: {  	_ =	swait.ge [sflag:s25], $0x800  }
0x6ec: {  	[sflag:s25] =	ssyncset.done $0x0  }
0x6ed: {  	[sflag:s25] =	ssyncadd.s32 $0xFFFFF800  }
0x6ee: {  	_ =	swait.ge [sflag:s25], $0x800  }
0x6ef: {  	[sflag:s25] =	ssyncset.done $0x0  }
0x6f0: {  	[sflag:s25] =	ssyncadd.s32 $0xFFFFF800  }
0x6f1: {  	_ =	swait.ge [sflag:s21], $0x800  }
0x6f2: {  	[sflag:s21] =	ssyncset.done $0x0  }
0x6f3: {  	[sflag:s21] =	ssyncadd.s32 $0xFFFFF800  }
0x6f4: {  	_ =	swait.ge [sflag:s21], $0x800  }
0x6f5: {  	[sflag:s21] =	ssyncset.done $0x0  }
0x6f6: {  	[sflag:s21] =	ssyncadd.s32 $0xFFFFF800  }
0x6f7: {  	_ =	swait.ge [sflag:s21], $0x800  }
0x6f8: {  	[sflag:s21] =	ssyncset.done $0x0  }
0x6f9: {  	[sflag:s21] =	ssyncadd.s32 $0xFFFFF800  }
0x6fa: {  	_ =	swait.ge [sflag:s21], $0x800  }
0x6fb: {  	[sflag:s21] =	ssyncset.done $0x0  }
0x6fc: {  	[sflag:s21] =	ssyncadd.s32 $0xFFFFF800  }
0x6fd: {  	_ =	swait.ge [sflag:s21], $0x800  }
0x6fe: {  	[sflag:s21] =	ssyncset.done $0x0  }
0x6ff: {  	[sflag:s21] =	ssyncadd.s32 $0xFFFFF800  }
0x700: {  	_ =	swait.ge [sflag:s21], $0x800  }
0x701: {  	[sflag:s21] =	ssyncset.done $0x0  }
0x702: {  	[sflag:s21] =	ssyncadd.s32 $0xFFFFF800  }
0x703: {  	_ =	swait.ge [sflag:s21], $0x800  }
0x704: {  	[sflag:s21] =	ssyncset.done $0x0  }
0x705: {  	[sflag:s21] =	ssyncadd.s32 $0xFFFFF800  }
0x706: {  	_ =	swait.ge [sflag:s21], $0x800  }
0x707: {  	s9 =	rddreg [dreg:$0x8]  }
0x708: {  	s0 =	rddreg [dreg:$0x7];
	s9 =	sadd.s32 $0x1, s9  }
0x709: {  	p0 =	sne.s32 s9, s0  }
.Ltmp5:
0x70a: {  	_ = 	snop;
	(pc) =	sbr.rel @p0 .LBB2_1-.Ltmp5, $3  }
0x70b: {  	_ =	sdelay $0x1  }
0x70c: {  	[sflag:s21] =	ssyncset.done $0x0  }
0x70d: {  	[sflag:s21] =	ssyncadd.s32 $0xFFFFF800  }
0x70e: {  	_ =	sfence.sel $0x180000  }
0x70f: {  	[bflag:$0x0] =	sbarrier.arrive $0xFFFF  }
0x710: {  	_ =	strace $0x90000047  }
0x711: {  	s0 =	stileid.u32;
	[bflag:$0x2] =	sbarrier.arrive $0xFFFF  }
0x712: {  	p0 =	sne.s32 s0, $0x0;
	s0 =	rddreg [dreg:$0x2]  }
0x713: {  	s0 =	sadd.s32 @!p0 $0x100000, s0  }
0x714: {  	[sflag:s0] =	ssyncadd.tile.s32 @!p0 $0x1;
	_ =	shalt  }
.Lfunc_end2:
_tile_overlayer_lowered:
.L_overlay_start_2:
0x715: {  	(tag) =	ssettag $0x2  }
0x716: {  	s0 =	rddreg [dreg:$0x0];
	s2 =	stileid.u32  }
0x717: {  	s1 =	rddreg [dreg:$0x1];
	p0 =	sne.s32 s2, $0x0  }
0x718: {  	s3 =	rddreg [dreg:$0x2];
	[bflag:$0x3] =	sbarrier.arrive $0xFFFF;
	s2 =	simm.s32 @!p0 $0x1C07  }
0x719: {  	[timem:s3], [sflag:s2] =	dma.local @!p0 [hbm:s0], s1  }
0x71a: {  	s0 =	simm.s32 @!p0 $0x7  }
0x71b: {  	_ =	swait.ge @!p0 [sflag:s0], s1  }
0x71c: {  	s1 =	ssub.s32 @!p0 $0x0, s1;
	[sflag:s0] =	ssyncset.done @!p0 $0x0  }
0x71d: {  	[sflag:s0] =	ssyncadd.s32 @!p0 s1  }
0x71e: {  	[bflag:$0x3] =	sbarrier.arrive $0xFFFF  }
0x71f: {  	_ =	shalt  }

</sc_bundles>
